<compile_context>
chip_gen: v7x
topology: tpu7x:2x2x1
jax: 0.10.2.dev20260603
libtpu: 0.0.44.dev20260713+nightly
codegen_flags: <defaults>
</compile_context>

<pallas_src>
import functools

import jax
import jax.numpy as jnp
from jax import lax
from jax.experimental import pallas as pl
from jax.experimental.pallas import tpu as pltpu
from jax.experimental.pallas import tpu_sc as plsc

N = 10000
E = 160000
H = 256
C = 8
G = 64

NS = 16
NP = 10240
CH = NP // NS
EPT = 10240
EPT_L = E - 15 * EPT
NV_E = EPT // 16
NV_E_L = EPT_L // 16
NV_C = CH // 16
GP = 128
NV_G = GP // 16

_f32 = jnp.float32


def _rsqrt16(x):
    i = plsc.bitcast(x, jnp.int32)
    i = jnp.full((16,), 0x5F3759DF, jnp.int32) - lax.shift_right_logical(
        i, jnp.full((16,), 1, jnp.int32))
    y = plsc.bitcast(i, _f32)
    for _ in range(3):
        y = y * (1.5 - 0.5 * x * y * y)
    return y


def _sc_graph():
    mesh = plsc.VectorSubcoreMesh(
        core_axis_name="c", subcore_axis_name="s", num_cores=2, num_subcores=NS)

    @functools.partial(
        pl.kernel,
        out_type=(jax.ShapeDtypeStruct((G,), _f32),
                  jax.ShapeDtypeStruct((G,), _f32)),
        mesh=mesh,
        compiler_params=pltpu.CompilerParams(needs_layout_passes=False),
        scratch_types=[
            pltpu.VMEM((2, EPT), jnp.int32),
            pltpu.VMEM((CH,), jnp.int32),
            pltpu.VMEM((NP,), _f32),
            pltpu.VMEM((NP,), _f32),
            pltpu.VMEM((NP,), _f32),
            pltpu.VMEM((NS, CH), _f32),
            pltpu.VMEM((NS, CH), _f32),
            pltpu.VMEM((CH,), _f32),
            pltpu.VMEM((CH,), _f32),
            pltpu.VMEM((CH,), _f32),
            pltpu.VMEM((GP,), _f32),
            pltpu.VMEM((GP,), _f32),
            pltpu.VMEM((NS, GP), _f32),
            pltpu.SemaphoreType.DMA,
            pltpu.SemaphoreType.DMA,
            pltpu.SemaphoreType.DMA,
            pltpu.VMEM_SHARED((NS, NP), _f32),
            pltpu.VMEM_SHARED((NS, NP), _f32),
            pltpu.VMEM_SHARED((NP,), _f32),
            pltpu.VMEM_SHARED((NS, GP), _f32),
            pltpu.VMEM_SHARED((NS, GP), _f32),
        ],
    )
    def run(ei_h, gid_h, u_out, c_out,
            ei_v, gid_v, acc_a, acc_b, node_v, slab, slab2, ns_c, nd_c, u_c,
            accG, cntG, slabG, sem_e, sem_g, sem_n,
            mat_a, mat_b, vec_sh, matG, matC):
        s = lax.axis_index("s")
        c = lax.axis_index("c")
        ones16 = jnp.ones((16,), _f32)
        zeros16 = jnp.zeros((16,), _f32)

        def off16(i):
            return pl.ds(pl.multiple_of(i * 16, 16), 16)

        def zero_ref(ref, nv):
            @plsc.parallel_loop(0, nv, 1, unroll=8)
            def _(i):
                ref[off16(i)] = zeros16

        def reduce_rows(mat, nv, out_fn):
            pltpu.sync_copy(mat, slab)

            @plsc.parallel_loop(0, nv, 1, unroll=2)
            def _(i):
                acc = slab[0, off16(i)]
                for r in range(1, NS):
                    acc = acc + slab[r, off16(i)]
                out_fn(i, acc)

        my_nodes = pl.ds(pl.multiple_of(s * CH, 8), CH)

        @pl.when(s < NS - 1)
        def _():
            pltpu.async_copy(
                ei_h.at[:, pl.ds(pl.multiple_of(s * EPT, 512), EPT)], ei_v,
                sem_e)
            pltpu.async_copy(gid_h.at[my_nodes], gid_v, sem_g)

        @pl.when(s == NS - 1)
        def _():
            tail = N - (NS - 1) * CH
            pltpu.async_copy(ei_h.at[:, pl.ds((NS - 1) * EPT, EPT_L)],
                             ei_v.at[:, pl.ds(0, EPT_L)], sem_e)
            pltpu.async_copy(gid_h.at[pl.ds((NS - 1) * CH, tail)],
                             gid_v.at[pl.ds(0, tail)], sem_g)
            for i in range(tail // 16, NV_C):
                gid_v[off16(i)] = jnp.full((16,), G, jnp.int32)

        zero_ref(acc_a, NP // 16)
        zero_ref(acc_b, NP // 16)

        @pl.when(s < NS - 1)
        def _():
            pltpu.make_async_copy(
                ei_h.at[:, pl.ds(pl.multiple_of(s * EPT, 512), EPT)], ei_v,
                sem_e).wait()
            pltpu.make_async_copy(gid_h.at[my_nodes], gid_v, sem_g).wait()

        @pl.when(s == NS - 1)
        def _():
            tail = N - (NS - 1) * CH
            pltpu.make_async_copy(ei_h.at[:, pl.ds((NS - 1) * EPT, EPT_L)],
                                  ei_v.at[:, pl.ds(0, EPT_L)], sem_e).wait()
            pltpu.make_async_copy(gid_h.at[pl.ds((NS - 1) * CH, tail)],
                                  gid_v.at[pl.ds(0, tail)], sem_g).wait()

        def deg_body(i):
            plsc.addupdate_scatter(acc_a, [ei_v[0, off16(i)]], ones16)
            plsc.addupdate_scatter(acc_b, [ei_v[1, off16(i)]], ones16)

        plsc.parallel_loop(0, NV_E_L, 1, unroll=16)(deg_body)

        @pl.when(s < NS - 1)
        def _():
            plsc.parallel_loop(NV_E_L, NV_E, 1, unroll=16)(deg_body)

        pltpu.sync_copy(acc_a, mat_a.at[s])
        pltpu.sync_copy(acc_b, mat_b.at[s])
        plsc.subcore_barrier()

        h_a = pltpu.async_copy(mat_a.at[:, my_nodes], slab, sem_n)
        h_b = pltpu.async_copy(mat_b.at[:, my_nodes], slab2, sem_g)
        h_a.wait()
        h_b.wait()

        @plsc.parallel_loop(0, NV_C, 1, unroll=2)
        def _(i):
            va = slab[0, off16(i)]
            vb = slab2[0, off16(i)]
            for r in range(1, NS):
                va = va + slab[r, off16(i)]
                vb = vb + slab2[r, off16(i)]
            ns = _rsqrt16(jnp.maximum(va, 1.0))
            nd = _rsqrt16(jnp.maximum(vb, 1.0))
            ns_c[off16(i)] = ns
            nd_c[off16(i)] = nd
            u_c[off16(i)] = vb * ns

        pltpu.sync_copy(u_c, vec_sh.at[my_nodes])
        plsc.subcore_barrier()

        h_n = pltpu.async_copy(vec_sh, node_v, sem_n)
        zero_ref(acc_a, NP // 16)
        h_n.wait()

        def edge_pass():
            def body(i):
                v = plsc.load_gather(node_v, [ei_v[0, off16(i)]])
                plsc.addupdate_scatter(acc_a, [ei_v[1, off16(i)]], v)

            plsc.parallel_loop(0, NV_E_L, 1, unroll=16)(body)

            @pl.when(s < NS - 1)
            def _():
                plsc.parallel_loop(NV_E_L, NV_E, 1, unroll=16)(body)

        edge_pass()
        pltpu.sync_copy(acc_a, mat_a.at[s])
        plsc.subcore_barrier()

        def p_fn(i, v):
            u_c[off16(i)] = v * nd_c[off16(i)] * ns_c[off16(i)]
        reduce_rows(mat_a.at[:, my_nodes], NV_C, p_fn)

        pltpu.sync_copy(u_c, vec_sh.at[my_nodes])
        plsc.subcore_barrier()

        h_n2 = pltpu.async_copy(vec_sh, node_v, sem_n)
        zero_ref(acc_a, NP // 16)
        h_n2.wait()
        edge_pass()

        pltpu.sync_copy(acc_a, mat_a.at[s])
        plsc.subcore_barrier()

        def u_fn(i, v):
            u_c[off16(i)] = v * nd_c[off16(i)]
        reduce_rows(mat_a.at[:, my_nodes], NV_C, u_fn)

        zero_ref(accG, NV_G)
        zero_ref(cntG, NV_G)

        @plsc.parallel_loop(0, NV_C, 1, unroll=4)
        def _(i):
            g = gid_v[off16(i)]
            plsc.addupdate_scatter(accG, [g], u_c[off16(i)])
            plsc.addupdate_scatter(cntG, [g], ones16)

        pltpu.sync_copy(accG, matG.at[s])
        pltpu.sync_copy(cntG, matC.at[s])
        plsc.subcore_barrier()

        @pl.when(jnp.logical_and(s == 0, c == 0))
        def _():
            def redG(mat, out_ref):
                pltpu.sync_copy(mat, slabG)

                @plsc.parallel_loop(0, NV_G, 1, unroll=2)
                def _(i):
                    acc = slabG[0, off16(i)]
                    for r in range(1, NS):
                        acc = acc + slabG[r, off16(i)]
                    out_ref[off16(i)] = acc
            redG(matG, accG)
            redG(matC, cntG)
            pltpu.sync_copy(accG.at[pl.ds(0, G)], u_out)
            pltpu.sync_copy(cntG.at[pl.ds(0, G)], c_out)

    return run


def _tc_bvec(W1, W2, Wfc):
    def body(w1_ref, w2_ref, wfc_ref, o_ref):
        r1 = jnp.maximum(w1_ref[...], 0.0)
        q = jnp.maximum(
            jnp.dot(r1, w2_ref[...], preferred_element_type=_f32), 0.0)
        b = jnp.dot(q, wfc_ref[...], preferred_element_type=_f32)
        o_ref[...] = jnp.concatenate([b, jnp.zeros((1, 16 - C), _f32)], axis=1)

    return pl.pallas_call(
        body, out_shape=jax.ShapeDtypeStruct((1, 16), _f32),
    )(W1, W2, Wfc).reshape(16)


def kernel(edge_index, node_graph_ids, W1, W2, Wfc):
    b = _tc_bvec(W1, W2, Wfc)
    u_sum, cnt = _sc_graph()(edge_index, node_graph_ids.astype(jnp.int32))
    a = u_sum / jnp.maximum(cnt, 1.0)
    return a[:, None] * b[None, :C]

# --- scband reference (transcript-rebuilt; emitter-appended) ---
"""Pipeline reference for scband-gcn-52261162058429 (READ-ONLY COPY).

The authoritative reference and input builder live on the scoring server;
editing this copy changes nothing except your own understanding.
"""

import jax, jax.numpy as jnp
import numpy as np

N = 10000   # nodes in batched graph
E = 160000  # edges
H = 256     # hidden_dim
C = 8       # n_classes
G = 64      # number of graphs in the batch


def setup_inputs(seed: int = 0) -> dict:
    key = jax.random.key(seed)
    k1, k2, k3, k4, k5 = jax.random.split(key, 5)
    edge_index = jax.random.randint(k1, (2, E), 0, N, dtype=jnp.int32)
    node_graph_ids = jnp.sort(jax.random.randint(k2, (N,), 0, G, dtype=jnp.int32))
    # learned params (all bias=False in the torch module)
    W1 = jax.random.normal(k3, (1, H), dtype=jnp.float32) * 0.1
    W2 = jax.random.normal(k4, (H, H), dtype=jnp.float32) * (1.0 / np.sqrt(H))
    Wfc = jax.random.normal(k5, (H, C), dtype=jnp.float32) * (1.0 / np.sqrt(H))
    return {"edge_index": edge_index, "node_graph_ids": node_graph_ids,
            "W1": W1, "W2": W2, "Wfc": Wfc}


def reference(edge_index, node_graph_ids, W1, W2, Wfc):
    src = edge_index[0]
    dst = edge_index[1]
    ones_e = jnp.ones((E,), dtype=jnp.float32)
    in_deg = jax.ops.segment_sum(ones_e, dst, num_segments=N)   # g.in_degrees()
    out_deg = jax.ops.segment_sum(ones_e, src, num_segments=N)  # g.out_degrees()
    norm_s = jax.lax.rsqrt(jnp.clip(out_deg, 1.0, None))  # DGL norm='both', clamp(min=1)
    norm_d = jax.lax.rsqrt(jnp.clip(in_deg, 1.0, None))

    def gconv(h, W):
        # in_feats <= out_feats for both layers -> aggregate first, then matmul
        m = (h * norm_s[:, None])[src]                       # gather src messages
        agg = jax.ops.segment_sum(m, dst, num_segments=N)    # scatter-add to dst
        return (agg * norm_d[:, None]) @ W

    h = in_deg.reshape(-1, 1)                    # node feature = in-degree
    h = jax.nn.relu(gconv(h, W1))
    h = jax.nn.relu(gconv(h, W2))
    # dgl.mean_nodes: per-graph mean readout
    sums = jax.ops.segment_sum(h, node_graph_ids, num_segments=G)
    cnt = jax.ops.segment_sum(jnp.ones((N, 1), dtype=jnp.float32), node_graph_ids, num_segments=G)
    hg = sums / jnp.clip(cnt, 1.0, None)
    return hg @ Wfc

if __name__ == "__main__":
    import jax
    _d = setup_inputs()
    print(jax.jit(kernel)(*tuple(_d.values())))

</pallas_src>

<mosaic_0001>
#map = affine_map<(d0, d1) -> (0, 0)>
#map1 = affine_map<(d0, d1) -> (0)>
module attributes {stable_mosaic.version = 14 : i64} {
  func.func @run(%arg0: i32, %arg1: i32, %arg2: memref<2x160000xi32, #tpu.memory_space<hbm>>, %arg3: memref<10000xi32, #tpu.memory_space<hbm>>, %arg4: memref<64xf32, #tpu.memory_space<hbm>>, %arg5: memref<64xf32, #tpu.memory_space<hbm>>, %arg6: memref<2x10240xi32, #tpu.memory_space<vmem>>, %arg7: memref<640xi32, #tpu.memory_space<vmem>>, %arg8: memref<10240xf32, #tpu.memory_space<vmem>>, %arg9: memref<10240xf32, #tpu.memory_space<vmem>>, %arg10: memref<10240xf32, #tpu.memory_space<vmem>>, %arg11: memref<16x640xf32, #tpu.memory_space<vmem>>, %arg12: memref<16x640xf32, #tpu.memory_space<vmem>>, %arg13: memref<640xf32, #tpu.memory_space<vmem>>, %arg14: memref<640xf32, #tpu.memory_space<vmem>>, %arg15: memref<640xf32, #tpu.memory_space<vmem>>, %arg16: memref<128xf32, #tpu.memory_space<vmem>>, %arg17: memref<128xf32, #tpu.memory_space<vmem>>, %arg18: memref<16x128xf32, #tpu.memory_space<vmem>>, %arg19: memref<!tpu.dma_semaphore, #tpu.memory_space<semaphore_mem>>, %arg20: memref<!tpu.dma_semaphore, #tpu.memory_space<semaphore_mem>>, %arg21: memref<!tpu.dma_semaphore, #tpu.memory_space<semaphore_mem>>, %arg22: memref<16x10240xf32, #tpu.memory_space<vmem_shared>>, %arg23: memref<16x10240xf32, #tpu.memory_space<vmem_shared>>, %arg24: memref<10240xf32, #tpu.memory_space<vmem_shared>>, %arg25: memref<16x128xf32, #tpu.memory_space<vmem_shared>>, %arg26: memref<16x128xf32, #tpu.memory_space<vmem_shared>>) attributes {dimension_semantics = [#tpu.dimension_semantics<core_parallel>, #tpu.dimension_semantics<subcore_parallel>], iteration_bounds = array<i64: 2, 16>, scalar_prefetch = 0 : i64, scratch_operands = 21 : i64, tpu.core_type = #tpu.core_type<sc_vector_subcore>, window_params = [{transform_indices = #map}, {transform_indices = #map1}, {transform_indices = #map1}, {transform_indices = #map1}]} {
    %broadcast_in_dim3A = arith.constant 1.000000e+00 : f32
    %broadcast_in_dim3A_0 = vector.broadcast %broadcast_in_dim3A : f32 to vector<16xf32>
    %broadcast_in_dim3A_1 = arith.constant 0.000000e+00 : f32
    %broadcast_in_dim3A_2 = vector.broadcast %broadcast_in_dim3A_1 : f32 to vector<16xf32>
    %mul3A = arith.constant 640 : i32
    %mul3A_3 = arith.muli %arg1, %mul3A : i32
    %multiple_of3A = tpu.assume_multiple %mul3A_3, 8 : i32
    %lt3A = arith.constant 15 : i32
    %lt3A_4 = arith.cmpi slt, %arg1, %lt3A : i32
    %convert_element_type3A = arith.extui %lt3A_4 : i1 to i32
    %cond3A = arith.constant 0 : i32
    %cond3A_5 = arith.cmpi ne, %convert_element_type3A, %cond3A : i32
    scf.if %cond3A_5 {
      %mul3A_99 = arith.constant 10240 : i32
      %mul3A_100 = arith.muli %arg1, %mul3A_99 : i32
      %multiple_of3A_101 = tpu.assume_multiple %mul3A_100, 512 : i32
      %dma_start3A_102 = arith.constant 0 : i32
      %dma_start3A_103 = tpu.memref_slice %arg2[%dma_start3A_102, %multiple_of3A_101] : memref<2x160000xi32, #tpu.memory_space<hbm>> -> memref<2x10240xi32, #tpu.memory_space<hbm>>
      %dma_start3A_104 = arith.constant 0 : i32
      %dma_start3A_105 = tpu.memref_slice %arg2[%dma_start3A_104, %multiple_of3A_101] : memref<2x160000xi32, #tpu.memory_space<hbm>> -> memref<2x10240xi32, #tpu.memory_space<hbm>>
      tpu.enqueue_dma source(%dma_start3A_105 : memref<2x10240xi32, #tpu.memory_space<hbm>>) target(%arg6 : memref<2x10240xi32, #tpu.memory_space<vmem>>) target_semaphore(%arg19 : memref<!tpu.dma_semaphore, #tpu.memory_space<semaphore_mem>>)
      %dma_start3A_106 = tpu.memref_slice %arg3[%multiple_of3A] : memref<10000xi32, #tpu.memory_space<hbm>> -> memref<640xi32, #tpu.memory_space<hbm>>
      %dma_start3A_107 = tpu.memref_slice %arg3[%multiple_of3A] : memref<10000xi32, #tpu.memory_space<hbm>> -> memref<640xi32, #tpu.memory_space<hbm>>
      tpu.enqueue_dma source(%dma_start3A_107 : memref<640xi32, #tpu.memory_space<hbm>>) target(%arg7 : memref<640xi32, #tpu.memory_space<vmem>>) target_semaphore(%arg20 : memref<!tpu.dma_semaphore, #tpu.memory_space<semaphore_mem>>)
    } else {
    }
    %eq3A = arith.constant 15 : i32
    %eq3A_6 = arith.cmpi eq, %arg1, %eq3A : i32
    %convert_element_type3A_7 = arith.extui %eq3A_6 : i1 to i32
    %cond3A_8 = arith.constant 0 : i32
    %cond3A_9 = arith.cmpi ne, %convert_element_type3A_7, %cond3A_8 : i32
    scf.if %cond3A_9 {
      %dma_start3A_99 = arith.constant 0 : i32
      %dma_start3A_100 = arith.constant 0 : i32
      %dma_start3A_101 = tpu.memref_slice %arg6[%dma_start3A_99, %dma_start3A_100] : memref<2x10240xi32, #tpu.memory_space<vmem>> -> memref<2x6400xi32, #tpu.memory_space<vmem>>
      %dma_start3A_102 = arith.constant 0 : i32
      %dma_start3A_103 = arith.constant 153600 : i32
      %dma_start3A_104 = tpu.memref_slice %arg2[%dma_start3A_102, %dma_start3A_103] : memref<2x160000xi32, #tpu.memory_space<hbm>> -> memref<2x6400xi32, #tpu.memory_space<hbm>>
      %dma_start3A_105 = arith.constant 0 : i32
      %dma_start3A_106 = arith.constant 0 : i32
      %dma_start3A_107 = tpu.memref_slice %arg6[%dma_start3A_105, %dma_start3A_106] : memref<2x10240xi32, #tpu.memory_space<vmem>> -> memref<2x6400xi32, #tpu.memory_space<vmem>>
      %dma_start3A_108 = arith.constant 0 : i32
      %dma_start3A_109 = arith.constant 153600 : i32
      %dma_start3A_110 = tpu.memref_slice %arg2[%dma_start3A_108, %dma_start3A_109] : memref<2x160000xi32, #tpu.memory_space<hbm>> -> memref<2x6400xi32, #tpu.memory_space<hbm>>
      tpu.enqueue_dma source(%dma_start3A_110 : memref<2x6400xi32, #tpu.memory_space<hbm>>) target(%dma_start3A_107 : memref<2x6400xi32, #tpu.memory_space<vmem>>) target_semaphore(%arg19 : memref<!tpu.dma_semaphore, #tpu.memory_space<semaphore_mem>>)
      %dma_start3A_111 = arith.constant 0 : i32
      %dma_start3A_112 = tpu.memref_slice %arg7[%dma_start3A_111] : memref<640xi32, #tpu.memory_space<vmem>> -> memref<400xi32, #tpu.memory_space<vmem>>
      %dma_start3A_113 = arith.constant 9600 : i32
      %dma_start3A_114 = tpu.memref_slice %arg3[%dma_start3A_113] : memref<10000xi32, #tpu.memory_space<hbm>> -> memref<400xi32, #tpu.memory_space<hbm>>
      %dma_start3A_115 = arith.constant 0 : i32
      %dma_start3A_116 = tpu.memref_slice %arg7[%dma_start3A_115] : memref<640xi32, #tpu.memory_space<vmem>> -> memref<400xi32, #tpu.memory_space<vmem>>
      %dma_start3A_117 = arith.constant 9600 : i32
      %dma_start3A_118 = tpu.memref_slice %arg3[%dma_start3A_117] : memref<10000xi32, #tpu.memory_space<hbm>> -> memref<400xi32, #tpu.memory_space<hbm>>
      tpu.enqueue_dma source(%dma_start3A_118 : memref<400xi32, #tpu.memory_space<hbm>>) target(%dma_start3A_116 : memref<400xi32, #tpu.memory_space<vmem>>) target_semaphore(%arg20 : memref<!tpu.dma_semaphore, #tpu.memory_space<semaphore_mem>>)
      %broadcast_in_dim3A_119 = arith.constant 64 : i32
      %broadcast_in_dim3A_120 = vector.broadcast %broadcast_in_dim3A_119 : i32 to vector<16xi32>
      %multiple_of3A_121 = arith.constant 400 : i32
      %multiple_of3A_122 = tpu.assume_multiple %multiple_of3A_121, 16 : i32
      %swap3A = arith.index_cast %multiple_of3A_122 : i32 to index
      %swap3A_123 = tpu.vector_load %arg7[%swap3A] {strides = array<i32>} : memref<640xi32, #tpu.memory_space<vmem>>, vector<16xi32>,
      tpu.vector_store %arg7[%swap3A], %broadcast_in_dim3A_120 {strides = array<i32>} : memref<640xi32, #tpu.memory_space<vmem>>, vector<16xi32>,
      %broadcast_in_dim3A_124 = arith.constant 64 : i32
      %broadcast_in_dim3A_125 = vector.broadcast %broadcast_in_dim3A_124 : i32 to vector<16xi32>
      %multiple_of3A_126 = arith.constant 416 : i32
      %multiple_of3A_127 = tpu.assume_multiple %multiple_of3A_126, 16 : i32
      %swap3A_128 = arith.index_cast %multiple_of3A_127 : i32 to index
      %swap3A_129 = tpu.vector_load %arg7[%swap3A_128] {strides = array<i32>} : memref<640xi32, #tpu.memory_space<vmem>>, vector<16xi32>,
      tpu.vector_store %arg7[%swap3A_128], %broadcast_in_dim3A_125 {strides = array<i32>} : memref<640xi32, #tpu.memory_space<vmem>>, vector<16xi32>,
      %broadcast_in_dim3A_130 = arith.constant 64 : i32
      %broadcast_in_dim3A_131 = vector.broadcast %broadcast_in_dim3A_130 : i32 to vector<16xi32>
      %multiple_of3A_132 = arith.constant 432 : i32
      %multiple_of3A_133 = tpu.assume_multiple %multiple_of3A_132, 16 : i32
      %swap3A_134 = arith.index_cast %multiple_of3A_133 : i32 to index
      %swap3A_135 = tpu.vector_load %arg7[%swap3A_134] {strides = array<i32>} : memref<640xi32, #tpu.memory_space<vmem>>, vector<16xi32>,
      tpu.vector_store %arg7[%swap3A_134], %broadcast_in_dim3A_131 {strides = array<i32>} : memref<640xi32, #tpu.memory_space<vmem>>, vector<16xi32>,
      %broadcast_in_dim3A_136 = arith.constant 64 : i32
      %broadcast_in_dim3A_137 = vector.broadcast %broadcast_in_dim3A_136 : i32 to vector<16xi32>
      %multiple_of3A_138 = arith.constant 448 : i32
      %multiple_of3A_139 = tpu.assume_multiple %multiple_of3A_138, 16 : i32
      %swap3A_140 = arith.index_cast %multiple_of3A_139 : i32 to index
      %swap3A_141 = tpu.vector_load %arg7[%swap3A_140] {strides = array<i32>} : memref<640xi32, #tpu.memory_space<vmem>>, vector<16xi32>,
      tpu.vector_store %arg7[%swap3A_140], %broadcast_in_dim3A_137 {strides = array<i32>} : memref<640xi32, #tpu.memory_space<vmem>>, vector<16xi32>,
      %broadcast_in_dim3A_142 = arith.constant 64 : i32
      %broadcast_in_dim3A_143 = vector.broadcast %broadcast_in_dim3A_142 : i32 to vector<16xi32>
      %multiple_of3A_144 = arith.constant 464 : i32
      %multiple_of3A_145 = tpu.assume_multiple %multiple_of3A_144, 16 : i32
      %swap3A_146 = arith.index_cast %multiple_of3A_145 : i32 to index
      %swap3A_147 = tpu.vector_load %arg7[%swap3A_146] {strides = array<i32>} : memref<640xi32, #tpu.memory_space<vmem>>, vector<16xi32>,
      tpu.vector_store %arg7[%swap3A_146], %broadcast_in_dim3A_143 {strides = array<i32>} : memref<640xi32, #tpu.memory_space<vmem>>, vector<16xi32>,
      %broadcast_in_dim3A_148 = arith.constant 64 : i32
      %broadcast_in_dim3A_149 = vector.broadcast %broadcast_in_dim3A_148 : i32 to vector<16xi32>
      %multiple_of3A_150 = arith.constant 480 : i32
      %multiple_of3A_151 = tpu.assume_multiple %multiple_of3A_150, 16 : i32
      %swap3A_152 = arith.index_cast %multiple_of3A_151 : i32 to index
      %swap3A_153 = tpu.vector_load %arg7[%swap3A_152] {strides = array<i32>} : memref<640xi32, #tpu.memory_space<vmem>>, vector<16xi32>,
      tpu.vector_store %arg7[%swap3A_152], %broadcast_in_dim3A_149 {strides = array<i32>} : memref<640xi32, #tpu.memory_space<vmem>>, vector<16xi32>,
      %broadcast_in_dim3A_154 = arith.constant 64 : i32
      %broadcast_in_dim3A_155 = vector.broadcast %broadcast_in_dim3A_154 : i32 to vector<16xi32>
      %multiple_of3A_156 = arith.constant 496 : i32
      %multiple_of3A_157 = tpu.assume_multiple %multiple_of3A_156, 16 : i32
      %swap3A_158 = arith.index_cast %multiple_of3A_157 : i32 to index
      %swap3A_159 = tpu.vector_load %arg7[%swap3A_158] {strides = array<i32>} : memref<640xi32, #tpu.memory_space<vmem>>, vector<16xi32>,
      tpu.vector_store %arg7[%swap3A_158], %broadcast_in_dim3A_155 {strides = array<i32>} : memref<640xi32, #tpu.memory_space<vmem>>, vector<16xi32>,
      %broadcast_in_dim3A_160 = arith.constant 64 : i32
      %broadcast_in_dim3A_161 = vector.broadcast %broadcast_in_dim3A_160 : i32 to vector<16xi32>
      %multiple_of3A_162 = arith.constant 512 : i32
      %multiple_of3A_163 = tpu.assume_multiple %multiple_of3A_162, 16 : i32
      %swap3A_164 = arith.index_cast %multiple_of3A_163 : i32 to index
      %swap3A_165 = tpu.vector_load %arg7[%swap3A_164] {strides = array<i32>} : memref<640xi32, #tpu.memory_space<vmem>>, vector<16xi32>,
      tpu.vector_store %arg7[%swap3A_164], %broadcast_in_dim3A_161 {strides = array<i32>} : memref<640xi32, #tpu.memory_space<vmem>>, vector<16xi32>,
      %broadcast_in_dim3A_166 = arith.constant 64 : i32
      %broadcast_in_dim3A_167 = vector.broadcast %broadcast_in_dim3A_166 : i32 to vector<16xi32>
      %multiple_of3A_168 = arith.constant 528 : i32
      %multiple_of3A_169 = tpu.assume_multiple %multiple_of3A_168, 16 : i32
      %swap3A_170 = arith.index_cast %multiple_of3A_169 : i32 to index
      %swap3A_171 = tpu.vector_load %arg7[%swap3A_170] {strides = array<i32>} : memref<640xi32, #tpu.memory_space<vmem>>, vector<16xi32>,
      tpu.vector_store %arg7[%swap3A_170], %broadcast_in_dim3A_167 {strides = array<i32>} : memref<640xi32, #tpu.memory_space<vmem>>, vector<16xi32>,
      %broadcast_in_dim3A_172 = arith.constant 64 : i32
      %broadcast_in_dim3A_173 = vector.broadcast %broadcast_in_dim3A_172 : i32 to vector<16xi32>
      %multiple_of3A_174 = arith.constant 544 : i32
      %multiple_of3A_175 = tpu.assume_multiple %multiple_of3A_174, 16 : i32
      %swap3A_176 = arith.index_cast %multiple_of3A_175 : i32 to index
      %swap3A_177 = tpu.vector_load %arg7[%swap3A_176] {strides = array<i32>} : memref<640xi32, #tpu.memory_space<vmem>>, vector<16xi32>,
      tpu.vector_store %arg7[%swap3A_176], %broadcast_in_dim3A_173 {strides = array<i32>} : memref<640xi32, #tpu.memory_space<vmem>>, vector<16xi32>,
      %broadcast_in_dim3A_178 = arith.constant 64 : i32
      %broadcast_in_dim3A_179 = vector.broadcast %broadcast_in_dim3A_178 : i32 to vector<16xi32>
      %multiple_of3A_180 = arith.constant 560 : i32
      %multiple_of3A_181 = tpu.assume_multiple %multiple_of3A_180, 16 : i32
      %swap3A_182 = arith.index_cast %multiple_of3A_181 : i32 to index
      %swap3A_183 = tpu.vector_load %arg7[%swap3A_182] {strides = array<i32>} : memref<640xi32, #tpu.memory_space<vmem>>, vector<16xi32>,
      tpu.vector_store %arg7[%swap3A_182], %broadcast_in_dim3A_179 {strides = array<i32>} : memref<640xi32, #tpu.memory_space<vmem>>, vector<16xi32>,
      %broadcast_in_dim3A_184 = arith.constant 64 : i32
      %broadcast_in_dim3A_185 = vector.broadcast %broadcast_in_dim3A_184 : i32 to vector<16xi32>
      %multiple_of3A_186 = arith.constant 576 : i32
      %multiple_of3A_187 = tpu.assume_multiple %multiple_of3A_186, 16 : i32
      %swap3A_188 = arith.index_cast %multiple_of3A_187 : i32 to index
      %swap3A_189 = tpu.vector_load %arg7[%swap3A_188] {strides = array<i32>} : memref<640xi32, #tpu.memory_space<vmem>>, vector<16xi32>,
      tpu.vector_store %arg7[%swap3A_188], %broadcast_in_dim3A_185 {strides = array<i32>} : memref<640xi32, #tpu.memory_space<vmem>>, vector<16xi32>,
      %broadcast_in_dim3A_190 = arith.constant 64 : i32
      %broadcast_in_dim3A_191 = vector.broadcast %broadcast_in_dim3A_190 : i32 to vector<16xi32>
      %multiple_of3A_192 = arith.constant 592 : i32
      %multiple_of3A_193 = tpu.assume_multiple %multiple_of3A_192, 16 : i32
      %swap3A_194 = arith.index_cast %multiple_of3A_193 : i32 to index
      %swap3A_195 = tpu.vector_load %arg7[%swap3A_194] {strides = array<i32>} : memref<640xi32, #tpu.memory_space<vmem>>, vector<16xi32>,
      tpu.vector_store %arg7[%swap3A_194], %broadcast_in_dim3A_191 {strides = array<i32>} : memref<640xi32, #tpu.memory_space<vmem>>, vector<16xi32>,
      %broadcast_in_dim3A_196 = arith.constant 64 : i32
      %broadcast_in_dim3A_197 = vector.broadcast %broadcast_in_dim3A_196 : i32 to vector<16xi32>
      %multiple_of3A_198 = arith.constant 608 : i32
      %multiple_of3A_199 = tpu.assume_multiple %multiple_of3A_198, 16 : i32
      %swap3A_200 = arith.index_cast %multiple_of3A_199 : i32 to index
      %swap3A_201 = tpu.vector_load %arg7[%swap3A_200] {strides = array<i32>} : memref<640xi32, #tpu.memory_space<vmem>>, vector<16xi32>,
      tpu.vector_store %arg7[%swap3A_200], %broadcast_in_dim3A_197 {strides = array<i32>} : memref<640xi32, #tpu.memory_space<vmem>>, vector<16xi32>,
      %broadcast_in_dim3A_202 = arith.constant 64 : i32
      %broadcast_in_dim3A_203 = vector.broadcast %broadcast_in_dim3A_202 : i32 to vector<16xi32>
      %multiple_of3A_204 = arith.constant 624 : i32
      %multiple_of3A_205 = tpu.assume_multiple %multiple_of3A_204, 16 : i32
      %swap3A_206 = arith.index_cast %multiple_of3A_205 : i32 to index
      %swap3A_207 = tpu.vector_load %arg7[%swap3A_206] {strides = array<i32>} : memref<640xi32, #tpu.memory_space<vmem>>, vector<16xi32>,
      tpu.vector_store %arg7[%swap3A_206], %broadcast_in_dim3A_203 {strides = array<i32>} : memref<640xi32, #tpu.memory_space<vmem>>, vector<16xi32>,
    } else {
    }
    %parallel_loop3A = arith.constant 0 : i32
    %parallel_loop3A_10 = arith.constant 640 : i32
    %parallel_loop3A_11 = arith.constant 1 : i32
    scf.for %parallel_loop3A_99 = %parallel_loop3A to %parallel_loop3A_10 step %parallel_loop3A_11  : i32 {
      %parallel_loop3A_100 = arith.constant 16 : i32
      %parallel_loop3A_101 = arith.muli %parallel_loop3A_99, %parallel_loop3A_100 : i32
      %parallel_loop3A_102 = tpu.assume_multiple %parallel_loop3A_101, 16 : i32
      %parallel_loop3A_103 = arith.index_cast %parallel_loop3A_102 : i32 to index
      %parallel_loop3A_104 = tpu.vector_load %arg8[%parallel_loop3A_103] {strides = array<i32>} : memref<10240xf32, #tpu.memory_space<vmem>>, vector<16xf32>,
      tpu.vector_store %arg8[%parallel_loop3A_103], %broadcast_in_dim3A_2 {strides = array<i32>} : memref<10240xf32, #tpu.memory_space<vmem>>, vector<16xf32>,
    } {sc.loop_unroll_factor = 8 : i64, sc.parallel_access}
    %parallel_loop3A_12 = arith.constant 0 : i32
    %parallel_loop3A_13 = arith.constant 640 : i32
    %parallel_loop3A_14 = arith.constant 1 : i32
    scf.for %parallel_loop3A_99 = %parallel_loop3A_12 to %parallel_loop3A_13 step %parallel_loop3A_14  : i32 {
      %parallel_loop3A_100 = arith.constant 16 : i32
      %parallel_loop3A_101 = arith.muli %parallel_loop3A_99, %parallel_loop3A_100 : i32
      %parallel_loop3A_102 = tpu.assume_multiple %parallel_loop3A_101, 16 : i32
      %parallel_loop3A_103 = arith.index_cast %parallel_loop3A_102 : i32 to index
      %parallel_loop3A_104 = tpu.vector_load %arg9[%parallel_loop3A_103] {strides = array<i32>} : memref<10240xf32, #tpu.memory_space<vmem>>, vector<16xf32>,
      tpu.vector_store %arg9[%parallel_loop3A_103], %broadcast_in_dim3A_2 {strides = array<i32>} : memref<10240xf32, #tpu.memory_space<vmem>>, vector<16xf32>,
    } {sc.loop_unroll_factor = 8 : i64, sc.parallel_access}
    %lt3A_15 = arith.constant 15 : i32
    %lt3A_16 = arith.cmpi slt, %arg1, %lt3A_15 : i32
    %convert_element_type3A_17 = arith.extui %lt3A_16 : i1 to i32
    %cond3A_18 = arith.constant 0 : i32
    %cond3A_19 = arith.cmpi ne, %convert_element_type3A_17, %cond3A_18 : i32
    scf.if %cond3A_19 {
      %mul3A_99 = arith.constant 10240 : i32
      %mul3A_100 = arith.muli %arg1, %mul3A_99 : i32
      %multiple_of3A_101 = tpu.assume_multiple %mul3A_100, 512 : i32
      %dma_wait3A_102 = arith.constant 0 : i32
      %dma_wait3A_103 = tpu.memref_slice %arg2[%dma_wait3A_102, %multiple_of3A_101] : memref<2x160000xi32, #tpu.memory_space<hbm>> -> memref<2x10240xi32, #tpu.memory_space<hbm>>
      %dma_wait3A_104 = arith.constant 0 : i32
      %dma_wait3A_105 = tpu.memref_slice %arg2[%dma_wait3A_104, %multiple_of3A_101] : memref<2x160000xi32, #tpu.memory_space<hbm>> -> memref<2x10240xi32, #tpu.memory_space<hbm>>
      tpu.wait_dma2 semaphore(%arg19 : memref<!tpu.dma_semaphore, #tpu.memory_space<semaphore_mem>>) src(%dma_wait3A_105 : memref<2x10240xi32, #tpu.memory_space<hbm>>) dst(%arg6 : memref<2x10240xi32, #tpu.memory_space<vmem>>)
      %dma_wait3A_106 = tpu.memref_slice %arg3[%multiple_of3A] : memref<10000xi32, #tpu.memory_space<hbm>> -> memref<640xi32, #tpu.memory_space<hbm>>
      %dma_wait3A_107 = tpu.memref_slice %arg3[%multiple_of3A] : memref<10000xi32, #tpu.memory_space<hbm>> -> memref<640xi32, #tpu.memory_space<hbm>>
      tpu.wait_dma2 semaphore(%arg20 : memref<!tpu.dma_semaphore, #tpu.memory_space<semaphore_mem>>) src(%dma_wait3A_107 : memref<640xi32, #tpu.memory_space<hbm>>) dst(%arg7 : memref<640xi32, #tpu.memory_space<vmem>>)
    } else {
    }
    %eq3A_20 = arith.constant 15 : i32
    %eq3A_21 = arith.cmpi eq, %arg1, %eq3A_20 : i32
    %convert_element_type3A_22 = arith.extui %eq3A_21 : i1 to i32
    %cond3A_23 = arith.constant 0 : i32
    %cond3A_24 = arith.cmpi ne, %convert_element_type3A_22, %cond3A_23 : i32
    scf.if %cond3A_24 {
      %dma_wait3A_99 = arith.constant 0 : i32
      %dma_wait3A_100 = arith.constant 0 : i32
      %dma_wait3A_101 = tpu.memref_slice %arg6[%dma_wait3A_99, %dma_wait3A_100] : memref<2x10240xi32, #tpu.memory_space<vmem>> -> memref<2x6400xi32, #tpu.memory_space<vmem>>
      %dma_wait3A_102 = arith.constant 0 : i32
      %dma_wait3A_103 = arith.constant 153600 : i32
      %dma_wait3A_104 = tpu.memref_slice %arg2[%dma_wait3A_102, %dma_wait3A_103] : memref<2x160000xi32, #tpu.memory_space<hbm>> -> memref<2x6400xi32, #tpu.memory_space<hbm>>
      %dma_wait3A_105 = arith.constant 0 : i32
      %dma_wait3A_106 = arith.constant 0 : i32
      %dma_wait3A_107 = tpu.memref_slice %arg6[%dma_wait3A_105, %dma_wait3A_106] : memref<2x10240xi32, #tpu.memory_space<vmem>> -> memref<2x6400xi32, #tpu.memory_space<vmem>>
      %dma_wait3A_108 = arith.constant 0 : i32
      %dma_wait3A_109 = arith.constant 153600 : i32
      %dma_wait3A_110 = tpu.memref_slice %arg2[%dma_wait3A_108, %dma_wait3A_109] : memref<2x160000xi32, #tpu.memory_space<hbm>> -> memref<2x6400xi32, #tpu.memory_space<hbm>>
      tpu.wait_dma2 semaphore(%arg19 : memref<!tpu.dma_semaphore, #tpu.memory_space<semaphore_mem>>) src(%dma_wait3A_110 : memref<2x6400xi32, #tpu.memory_space<hbm>>) dst(%dma_wait3A_107 : memref<2x6400xi32, #tpu.memory_space<vmem>>)
      %dma_wait3A_111 = arith.constant 0 : i32
      %dma_wait3A_112 = tpu.memref_slice %arg7[%dma_wait3A_111] : memref<640xi32, #tpu.memory_space<vmem>> -> memref<400xi32, #tpu.memory_space<vmem>>
      %dma_wait3A_113 = arith.constant 9600 : i32
      %dma_wait3A_114 = tpu.memref_slice %arg3[%dma_wait3A_113] : memref<10000xi32, #tpu.memory_space<hbm>> -> memref<400xi32, #tpu.memory_space<hbm>>
      %dma_wait3A_115 = arith.constant 0 : i32
      %dma_wait3A_116 = tpu.memref_slice %arg7[%dma_wait3A_115] : memref<640xi32, #tpu.memory_space<vmem>> -> memref<400xi32, #tpu.memory_space<vmem>>
      %dma_wait3A_117 = arith.constant 9600 : i32
      %dma_wait3A_118 = tpu.memref_slice %arg3[%dma_wait3A_117] : memref<10000xi32, #tpu.memory_space<hbm>> -> memref<400xi32, #tpu.memory_space<hbm>>
      tpu.wait_dma2 semaphore(%arg20 : memref<!tpu.dma_semaphore, #tpu.memory_space<semaphore_mem>>) src(%dma_wait3A_118 : memref<400xi32, #tpu.memory_space<hbm>>) dst(%dma_wait3A_116 : memref<400xi32, #tpu.memory_space<vmem>>)
    } else {
    }
    %parallel_loop3A_25 = arith.constant 0 : i32
    %parallel_loop3A_26 = arith.constant 400 : i32
    %parallel_loop3A_27 = arith.constant 1 : i32
    scf.for %parallel_loop3A_99 = %parallel_loop3A_25 to %parallel_loop3A_26 step %parallel_loop3A_27  : i32 {
      %parallel_loop3A_100 = arith.constant 16 : i32
      %parallel_loop3A_101 = arith.muli %parallel_loop3A_99, %parallel_loop3A_100 : i32
      %parallel_loop3A_102 = tpu.assume_multiple %parallel_loop3A_101, 16 : i32
      %parallel_loop3A_103 = arith.constant 0 : i32
      %parallel_loop3A_104 = arith.index_cast %parallel_loop3A_103 : i32 to index
      %parallel_loop3A_105 = arith.index_cast %parallel_loop3A_102 : i32 to index
      %parallel_loop3A_106 = tpu.vector_load %arg6[%parallel_loop3A_104, %parallel_loop3A_105] {strides = array<i32>} : memref<2x10240xi32, #tpu.memory_space<vmem>>, vector<16xi32>,
      tpu.vector_store_idx %arg8[%parallel_loop3A_106], %broadcast_in_dim3A_0 {add = true} : memref<10240xf32, #tpu.memory_space<vmem>>[vector<16xi32>], vector<16xf32>,
      %parallel_loop3A_107 = arith.constant 16 : i32
      %parallel_loop3A_108 = arith.muli %parallel_loop3A_99, %parallel_loop3A_107 : i32
      %parallel_loop3A_109 = tpu.assume_multiple %parallel_loop3A_108, 16 : i32
      %parallel_loop3A_110 = arith.constant 1 : i32
      %parallel_loop3A_111 = arith.index_cast %parallel_loop3A_110 : i32 to index
      %parallel_loop3A_112 = arith.index_cast %parallel_loop3A_109 : i32 to index
      %parallel_loop3A_113 = tpu.vector_load %arg6[%parallel_loop3A_111, %parallel_loop3A_112] {strides = array<i32>} : memref<2x10240xi32, #tpu.memory_space<vmem>>, vector<16xi32>,
      tpu.vector_store_idx %arg9[%parallel_loop3A_113], %broadcast_in_dim3A_0 {add = true} : memref<10240xf32, #tpu.memory_space<vmem>>[vector<16xi32>], vector<16xf32>,
    } {sc.loop_unroll_factor = 16 : i64, sc.parallel_access}
    %lt3A_28 = arith.constant 15 : i32
    %lt3A_29 = arith.cmpi slt, %arg1, %lt3A_28 : i32
    %convert_element_type3A_30 = arith.extui %lt3A_29 : i1 to i32
    %cond3A_31 = arith.constant 0 : i32
    %cond3A_32 = arith.cmpi ne, %convert_element_type3A_30, %cond3A_31 : i32
    scf.if %cond3A_32 {
      %parallel_loop3A_99 = arith.constant 400 : i32
      %parallel_loop3A_100 = arith.constant 640 : i32
      %parallel_loop3A_101 = arith.constant 1 : i32
      scf.for %parallel_loop3A_102 = %parallel_loop3A_99 to %parallel_loop3A_100 step %parallel_loop3A_101  : i32 {
        %parallel_loop3A_103 = arith.constant 16 : i32
        %parallel_loop3A_104 = arith.muli %parallel_loop3A_102, %parallel_loop3A_103 : i32
        %parallel_loop3A_105 = tpu.assume_multiple %parallel_loop3A_104, 16 : i32
        %parallel_loop3A_106 = arith.constant 0 : i32
        %parallel_loop3A_107 = arith.index_cast %parallel_loop3A_106 : i32 to index
        %parallel_loop3A_108 = arith.index_cast %parallel_loop3A_105 : i32 to index
        %parallel_loop3A_109 = tpu.vector_load %arg6[%parallel_loop3A_107, %parallel_loop3A_108] {strides = array<i32>} : memref<2x10240xi32, #tpu.memory_space<vmem>>, vector<16xi32>,
        tpu.vector_store_idx %arg8[%parallel_loop3A_109], %broadcast_in_dim3A_0 {add = true} : memref<10240xf32, #tpu.memory_space<vmem>>[vector<16xi32>], vector<16xf32>,
        %parallel_loop3A_110 = arith.constant 16 : i32
        %parallel_loop3A_111 = arith.muli %parallel_loop3A_102, %parallel_loop3A_110 : i32
        %parallel_loop3A_112 = tpu.assume_multiple %parallel_loop3A_111, 16 : i32
        %parallel_loop3A_113 = arith.constant 1 : i32
        %parallel_loop3A_114 = arith.index_cast %parallel_loop3A_113 : i32 to index
        %parallel_loop3A_115 = arith.index_cast %parallel_loop3A_112 : i32 to index
        %parallel_loop3A_116 = tpu.vector_load %arg6[%parallel_loop3A_114, %parallel_loop3A_115] {strides = array<i32>} : memref<2x10240xi32, #tpu.memory_space<vmem>>, vector<16xi32>,
        tpu.vector_store_idx %arg9[%parallel_loop3A_116], %broadcast_in_dim3A_0 {add = true} : memref<10240xf32, #tpu.memory_space<vmem>>[vector<16xi32>], vector<16xf32>,
      } {sc.loop_unroll_factor = 16 : i64, sc.parallel_access}
    } else {
    }
    "tpu.region"() ({
      %run_scoped3A = tpu.sem_alloc : memref<!tpu.dma_semaphore, #tpu.memory_space<semaphore_mem>>
      %dma_start3A_99 = arith.constant 0 : i32
      %dma_start3A_100 = tpu.memref_slice %arg22[%arg1, %dma_start3A_99] : memref<16x10240xf32, #tpu.memory_space<vmem_shared>> -> memref<1x10240xf32, #tpu.memory_space<vmem_shared>>
      %dma_start3A_101 = tpu.memref_squeeze %dma_start3A_100 : memref<1x10240xf32, #tpu.memory_space<vmem_shared>> -> memref<10240xf32, #tpu.memory_space<vmem_shared>>
      %dma_start3A_102 = arith.constant 0 : i32
      %dma_start3A_103 = tpu.memref_slice %arg22[%arg1, %dma_start3A_102] : memref<16x10240xf32, #tpu.memory_space<vmem_shared>> -> memref<1x10240xf32, #tpu.memory_space<vmem_shared>>
      %dma_start3A_104 = tpu.memref_squeeze %dma_start3A_103 : memref<1x10240xf32, #tpu.memory_space<vmem_shared>> -> memref<10240xf32, #tpu.memory_space<vmem_shared>>
      tpu.enqueue_dma source(%arg8 : memref<10240xf32, #tpu.memory_space<vmem>>) target(%dma_start3A_104 : memref<10240xf32, #tpu.memory_space<vmem_shared>>) target_semaphore(%run_scoped3A : memref<!tpu.dma_semaphore, #tpu.memory_space<semaphore_mem>>)
      %dma_wait3A_105 = arith.constant 0 : i32
      %dma_wait3A_106 = tpu.memref_slice %arg22[%arg1, %dma_wait3A_105] : memref<16x10240xf32, #tpu.memory_space<vmem_shared>> -> memref<1x10240xf32, #tpu.memory_space<vmem_shared>>
      %dma_wait3A_107 = tpu.memref_squeeze %dma_wait3A_106 : memref<1x10240xf32, #tpu.memory_space<vmem_shared>> -> memref<10240xf32, #tpu.memory_space<vmem_shared>>
      %dma_wait3A_108 = arith.constant 0 : i32
      %dma_wait3A_109 = tpu.memref_slice %arg22[%arg1, %dma_wait3A_108] : memref<16x10240xf32, #tpu.memory_space<vmem_shared>> -> memref<1x10240xf32, #tpu.memory_space<vmem_shared>>
      %dma_wait3A_110 = tpu.memref_squeeze %dma_wait3A_109 : memref<1x10240xf32, #tpu.memory_space<vmem_shared>> -> memref<10240xf32, #tpu.memory_space<vmem_shared>>
      tpu.wait_dma2 semaphore(%run_scoped3A : memref<!tpu.dma_semaphore, #tpu.memory_space<semaphore_mem>>) src(%arg8 : memref<10240xf32, #tpu.memory_space<vmem>>) dst(%dma_wait3A_110 : memref<10240xf32, #tpu.memory_space<vmem_shared>>)
      tpu.yield
    }) : () -> ()
    "tpu.region"() ({
      %run_scoped3A = tpu.sem_alloc : memref<!tpu.dma_semaphore, #tpu.memory_space<semaphore_mem>>
      %dma_start3A_99 = arith.constant 0 : i32
      %dma_start3A_100 = tpu.memref_slice %arg23[%arg1, %dma_start3A_99] : memref<16x10240xf32, #tpu.memory_space<vmem_shared>> -> memref<1x10240xf32, #tpu.memory_space<vmem_shared>>
      %dma_start3A_101 = tpu.memref_squeeze %dma_start3A_100 : memref<1x10240xf32, #tpu.memory_space<vmem_shared>> -> memref<10240xf32, #tpu.memory_space<vmem_shared>>
      %dma_start3A_102 = arith.constant 0 : i32
      %dma_start3A_103 = tpu.memref_slice %arg23[%arg1, %dma_start3A_102] : memref<16x10240xf32, #tpu.memory_space<vmem_shared>> -> memref<1x10240xf32, #tpu.memory_space<vmem_shared>>
      %dma_start3A_104 = tpu.memref_squeeze %dma_start3A_103 : memref<1x10240xf32, #tpu.memory_space<vmem_shared>> -> memref<10240xf32, #tpu.memory_space<vmem_shared>>
      tpu.enqueue_dma source(%arg9 : memref<10240xf32, #tpu.memory_space<vmem>>) target(%dma_start3A_104 : memref<10240xf32, #tpu.memory_space<vmem_shared>>) target_semaphore(%run_scoped3A : memref<!tpu.dma_semaphore, #tpu.memory_space<semaphore_mem>>)
      %dma_wait3A_105 = arith.constant 0 : i32
      %dma_wait3A_106 = tpu.memref_slice %arg23[%arg1, %dma_wait3A_105] : memref<16x10240xf32, #tpu.memory_space<vmem_shared>> -> memref<1x10240xf32, #tpu.memory_space<vmem_shared>>
      %dma_wait3A_107 = tpu.memref_squeeze %dma_wait3A_106 : memref<1x10240xf32, #tpu.memory_space<vmem_shared>> -> memref<10240xf32, #tpu.memory_space<vmem_shared>>
      %dma_wait3A_108 = arith.constant 0 : i32
      %dma_wait3A_109 = tpu.memref_slice %arg23[%arg1, %dma_wait3A_108] : memref<16x10240xf32, #tpu.memory_space<vmem_shared>> -> memref<1x10240xf32, #tpu.memory_space<vmem_shared>>
      %dma_wait3A_110 = tpu.memref_squeeze %dma_wait3A_109 : memref<1x10240xf32, #tpu.memory_space<vmem_shared>> -> memref<10240xf32, #tpu.memory_space<vmem_shared>>
      tpu.wait_dma2 semaphore(%run_scoped3A : memref<!tpu.dma_semaphore, #tpu.memory_space<semaphore_mem>>) src(%arg9 : memref<10240xf32, #tpu.memory_space<vmem>>) dst(%dma_wait3A_110 : memref<10240xf32, #tpu.memory_space<vmem_shared>>)
      tpu.yield
    }) : () -> ()
    %barrier3A = arith.constant 0 : index
    tpu.barrier barrier_id(%barrier3A)
    %dma_start3A = arith.constant 0 : i32
    %dma_start3A_33 = tpu.memref_slice %arg22[%dma_start3A, %multiple_of3A] : memref<16x10240xf32, #tpu.memory_space<vmem_shared>> -> memref<16x640xf32, #tpu.memory_space<vmem_shared>>
    %dma_start3A_34 = arith.constant 0 : i32
    %dma_start3A_35 = tpu.memref_slice %arg22[%dma_start3A_34, %multiple_of3A] : memref<16x10240xf32, #tpu.memory_space<vmem_shared>> -> memref<16x640xf32, #tpu.memory_space<vmem_shared>>
    tpu.enqueue_dma source(%dma_start3A_35 : memref<16x640xf32, #tpu.memory_space<vmem_shared>>) target(%arg11 : memref<16x640xf32, #tpu.memory_space<vmem>>) target_semaphore(%arg21 : memref<!tpu.dma_semaphore, #tpu.memory_space<semaphore_mem>>)
    %dma_start3A_36 = arith.constant 0 : i32
    %dma_start3A_37 = tpu.memref_slice %arg23[%dma_start3A_36, %multiple_of3A] : memref<16x10240xf32, #tpu.memory_space<vmem_shared>> -> memref<16x640xf32, #tpu.memory_space<vmem_shared>>
    %dma_start3A_38 = arith.constant 0 : i32
    %dma_start3A_39 = tpu.memref_slice %arg23[%dma_start3A_38, %multiple_of3A] : memref<16x10240xf32, #tpu.memory_space<vmem_shared>> -> memref<16x640xf32, #tpu.memory_space<vmem_shared>>
    tpu.enqueue_dma source(%dma_start3A_39 : memref<16x640xf32, #tpu.memory_space<vmem_shared>>) target(%arg12 : memref<16x640xf32, #tpu.memory_space<vmem>>) target_semaphore(%arg20 : memref<!tpu.dma_semaphore, #tpu.memory_space<semaphore_mem>>)
    %dma_wait3A = arith.constant 0 : i32
    %dma_wait3A_40 = tpu.memref_slice %arg22[%dma_wait3A, %multiple_of3A] : memref<16x10240xf32, #tpu.memory_space<vmem_shared>> -> memref<16x640xf32, #tpu.memory_space<vmem_shared>>
    %dma_wait3A_41 = arith.constant 0 : i32
    %dma_wait3A_42 = tpu.memref_slice %arg22[%dma_wait3A_41, %multiple_of3A] : memref<16x10240xf32, #tpu.memory_space<vmem_shared>> -> memref<16x640xf32, #tpu.memory_space<vmem_shared>>
    tpu.wait_dma2 semaphore(%arg21 : memref<!tpu.dma_semaphore, #tpu.memory_space<semaphore_mem>>) src(%dma_wait3A_42 : memref<16x640xf32, #tpu.memory_space<vmem_shared>>) dst(%arg11 : memref<16x640xf32, #tpu.memory_space<vmem>>)
    %dma_wait3A_43 = arith.constant 0 : i32
    %dma_wait3A_44 = tpu.memref_slice %arg23[%dma_wait3A_43, %multiple_of3A] : memref<16x10240xf32, #tpu.memory_space<vmem_shared>> -> memref<16x640xf32, #tpu.memory_space<vmem_shared>>
    %dma_wait3A_45 = arith.constant 0 : i32
    %dma_wait3A_46 = tpu.memref_slice %arg23[%dma_wait3A_45, %multiple_of3A] : memref<16x10240xf32, #tpu.memory_space<vmem_shared>> -> memref<16x640xf32, #tpu.memory_space<vmem_shared>>
    tpu.wait_dma2 semaphore(%arg20 : memref<!tpu.dma_semaphore, #tpu.memory_space<semaphore_mem>>) src(%dma_wait3A_46 : memref<16x640xf32, #tpu.memory_space<vmem_shared>>) dst(%arg12 : memref<16x640xf32, #tpu.memory_space<vmem>>)
    %parallel_loop3A_47 = arith.constant 0 : i32
    %parallel_loop3A_48 = arith.constant 40 : i32
    %parallel_loop3A_49 = arith.constant 1 : i32
    scf.for %parallel_loop3A_99 = %parallel_loop3A_47 to %parallel_loop3A_48 step %parallel_loop3A_49  : i32 {
      %parallel_loop3A_100 = arith.constant 16 : i32
      %parallel_loop3A_101 = arith.muli %parallel_loop3A_99, %parallel_loop3A_100 : i32
      %parallel_loop3A_102 = tpu.assume_multiple %parallel_loop3A_101, 16 : i32
      %parallel_loop3A_103 = arith.constant 0 : i32
      %parallel_loop3A_104 = arith.index_cast %parallel_loop3A_103 : i32 to index
      %parallel_loop3A_105 = arith.index_cast %parallel_loop3A_102 : i32 to index
      %parallel_loop3A_106 = tpu.vector_load %arg11[%parallel_loop3A_104, %parallel_loop3A_105] {strides = array<i32>} : memref<16x640xf32, #tpu.memory_space<vmem>>, vector<16xf32>,
      %parallel_loop3A_107 = arith.constant 16 : i32
      %parallel_loop3A_108 = arith.muli %parallel_loop3A_99, %parallel_loop3A_107 : i32
      %parallel_loop3A_109 = tpu.assume_multiple %parallel_loop3A_108, 16 : i32
      %parallel_loop3A_110 = arith.constant 0 : i32
      %parallel_loop3A_111 = arith.index_cast %parallel_loop3A_110 : i32 to index
      %parallel_loop3A_112 = arith.index_cast %parallel_loop3A_109 : i32 to index
      %parallel_loop3A_113 = tpu.vector_load %arg12[%parallel_loop3A_111, %parallel_loop3A_112] {strides = array<i32>} : memref<16x640xf32, #tpu.memory_space<vmem>>, vector<16xf32>,
      %parallel_loop3A_114 = arith.constant 16 : i32
      %parallel_loop3A_115 = arith.muli %parallel_loop3A_99, %parallel_loop3A_114 : i32
      %parallel_loop3A_116 = tpu.assume_multiple %parallel_loop3A_115, 16 : i32
      %parallel_loop3A_117 = arith.constant 1 : i32
      %parallel_loop3A_118 = arith.index_cast %parallel_loop3A_117 : i32 to index
      %parallel_loop3A_119 = arith.index_cast %parallel_loop3A_116 : i32 to index
      %parallel_loop3A_120 = tpu.vector_load %arg11[%parallel_loop3A_118, %parallel_loop3A_119] {strides = array<i32>} : memref<16x640xf32, #tpu.memory_space<vmem>>, vector<16xf32>,
      %parallel_loop3A_121 = arith.addf %parallel_loop3A_106, %parallel_loop3A_120 : vector<16xf32>
      %parallel_loop3A_122 = arith.constant 16 : i32
      %parallel_loop3A_123 = arith.muli %parallel_loop3A_99, %parallel_loop3A_122 : i32
      %parallel_loop3A_124 = tpu.assume_multiple %parallel_loop3A_123, 16 : i32
      %parallel_loop3A_125 = arith.constant 1 : i32
      %parallel_loop3A_126 = arith.index_cast %parallel_loop3A_125 : i32 to index
      %parallel_loop3A_127 = arith.index_cast %parallel_loop3A_124 : i32 to index
      %parallel_loop3A_128 = tpu.vector_load %arg12[%parallel_loop3A_126, %parallel_loop3A_127] {strides = array<i32>} : memref<16x640xf32, #tpu.memory_space<vmem>>, vector<16xf32>,
      %parallel_loop3A_129 = arith.addf %parallel_loop3A_113, %parallel_loop3A_128 : vector<16xf32>
      %parallel_loop3A_130 = arith.constant 16 : i32
      %parallel_loop3A_131 = arith.muli %parallel_loop3A_99, %parallel_loop3A_130 : i32
      %parallel_loop3A_132 = tpu.assume_multiple %parallel_loop3A_131, 16 : i32
      %parallel_loop3A_133 = arith.constant 2 : i32
      %parallel_loop3A_134 = arith.index_cast %parallel_loop3A_133 : i32 to index
      %parallel_loop3A_135 = arith.index_cast %parallel_loop3A_132 : i32 to index
      %parallel_loop3A_136 = tpu.vector_load %arg11[%parallel_loop3A_134, %parallel_loop3A_135] {strides = array<i32>} : memref<16x640xf32, #tpu.memory_space<vmem>>, vector<16xf32>,
      %parallel_loop3A_137 = arith.addf %parallel_loop3A_121, %parallel_loop3A_136 : vector<16xf32>
      %parallel_loop3A_138 = arith.constant 16 : i32
      %parallel_loop3A_139 = arith.muli %parallel_loop3A_99, %parallel_loop3A_138 : i32
      %parallel_loop3A_140 = tpu.assume_multiple %parallel_loop3A_139, 16 : i32
      %parallel_loop3A_141 = arith.constant 2 : i32
      %parallel_loop3A_142 = arith.index_cast %parallel_loop3A_141 : i32 to index
      %parallel_loop3A_143 = arith.index_cast %parallel_loop3A_140 : i32 to index
      %parallel_loop3A_144 = tpu.vector_load %arg12[%parallel_loop3A_142, %parallel_loop3A_143] {strides = array<i32>} : memref<16x640xf32, #tpu.memory_space<vmem>>, vector<16xf32>,
      %parallel_loop3A_145 = arith.addf %parallel_loop3A_129, %parallel_loop3A_144 : vector<16xf32>
      %parallel_loop3A_146 = arith.constant 16 : i32
      %parallel_loop3A_147 = arith.muli %parallel_loop3A_99, %parallel_loop3A_146 : i32
      %parallel_loop3A_148 = tpu.assume_multiple %parallel_loop3A_147, 16 : i32
      %parallel_loop3A_149 = arith.constant 3 : i32
      %parallel_loop3A_150 = arith.index_cast %parallel_loop3A_149 : i32 to index
      %parallel_loop3A_151 = arith.index_cast %parallel_loop3A_148 : i32 to index
      %parallel_loop3A_152 = tpu.vector_load %arg11[%parallel_loop3A_150, %parallel_loop3A_151] {strides = array<i32>} : memref<16x640xf32, #tpu.memory_space<vmem>>, vector<16xf32>,
      %parallel_loop3A_153 = arith.addf %parallel_loop3A_137, %parallel_loop3A_152 : vector<16xf32>
      %parallel_loop3A_154 = arith.constant 16 : i32
      %parallel_loop3A_155 = arith.muli %parallel_loop3A_99, %parallel_loop3A_154 : i32
      %parallel_loop3A_156 = tpu.assume_multiple %parallel_loop3A_155, 16 : i32
      %parallel_loop3A_157 = arith.constant 3 : i32
      %parallel_loop3A_158 = arith.index_cast %parallel_loop3A_157 : i32 to index
      %parallel_loop3A_159 = arith.index_cast %parallel_loop3A_156 : i32 to index
      %parallel_loop3A_160 = tpu.vector_load %arg12[%parallel_loop3A_158, %parallel_loop3A_159] {strides = array<i32>} : memref<16x640xf32, #tpu.memory_space<vmem>>, vector<16xf32>,
      %parallel_loop3A_161 = arith.addf %parallel_loop3A_145, %parallel_loop3A_160 : vector<16xf32>
      %parallel_loop3A_162 = arith.constant 16 : i32
      %parallel_loop3A_163 = arith.muli %parallel_loop3A_99, %parallel_loop3A_162 : i32
      %parallel_loop3A_164 = tpu.assume_multiple %parallel_loop3A_163, 16 : i32
      %parallel_loop3A_165 = arith.constant 4 : i32
      %parallel_loop3A_166 = arith.index_cast %parallel_loop3A_165 : i32 to index
      %parallel_loop3A_167 = arith.index_cast %parallel_loop3A_164 : i32 to index
      %parallel_loop3A_168 = tpu.vector_load %arg11[%parallel_loop3A_166, %parallel_loop3A_167] {strides = array<i32>} : memref<16x640xf32, #tpu.memory_space<vmem>>, vector<16xf32>,
      %parallel_loop3A_169 = arith.addf %parallel_loop3A_153, %parallel_loop3A_168 : vector<16xf32>
      %parallel_loop3A_170 = arith.constant 16 : i32
      %parallel_loop3A_171 = arith.muli %parallel_loop3A_99, %parallel_loop3A_170 : i32
      %parallel_loop3A_172 = tpu.assume_multiple %parallel_loop3A_171, 16 : i32
      %parallel_loop3A_173 = arith.constant 4 : i32
      %parallel_loop3A_174 = arith.index_cast %parallel_loop3A_173 : i32 to index
      %parallel_loop3A_175 = arith.index_cast %parallel_loop3A_172 : i32 to index
      %parallel_loop3A_176 = tpu.vector_load %arg12[%parallel_loop3A_174, %parallel_loop3A_175] {strides = array<i32>} : memref<16x640xf32, #tpu.memory_space<vmem>>, vector<16xf32>,
      %parallel_loop3A_177 = arith.addf %parallel_loop3A_161, %parallel_loop3A_176 : vector<16xf32>
      %parallel_loop3A_178 = arith.constant 16 : i32
      %parallel_loop3A_179 = arith.muli %parallel_loop3A_99, %parallel_loop3A_178 : i32
      %parallel_loop3A_180 = tpu.assume_multiple %parallel_loop3A_179, 16 : i32
      %parallel_loop3A_181 = arith.constant 5 : i32
      %parallel_loop3A_182 = arith.index_cast %parallel_loop3A_181 : i32 to index
      %parallel_loop3A_183 = arith.index_cast %parallel_loop3A_180 : i32 to index
      %parallel_loop3A_184 = tpu.vector_load %arg11[%parallel_loop3A_182, %parallel_loop3A_183] {strides = array<i32>} : memref<16x640xf32, #tpu.memory_space<vmem>>, vector<16xf32>,
      %parallel_loop3A_185 = arith.addf %parallel_loop3A_169, %parallel_loop3A_184 : vector<16xf32>
      %parallel_loop3A_186 = arith.constant 16 : i32
      %parallel_loop3A_187 = arith.muli %parallel_loop3A_99, %parallel_loop3A_186 : i32
      %parallel_loop3A_188 = tpu.assume_multiple %parallel_loop3A_187, 16 : i32
      %parallel_loop3A_189 = arith.constant 5 : i32
      %parallel_loop3A_190 = arith.index_cast %parallel_loop3A_189 : i32 to index
      %parallel_loop3A_191 = arith.index_cast %parallel_loop3A_188 : i32 to index
      %parallel_loop3A_192 = tpu.vector_load %arg12[%parallel_loop3A_190, %parallel_loop3A_191] {strides = array<i32>} : memref<16x640xf32, #tpu.memory_space<vmem>>, vector<16xf32>,
      %parallel_loop3A_193 = arith.addf %parallel_loop3A_177, %parallel_loop3A_192 : vector<16xf32>
      %parallel_loop3A_194 = arith.constant 16 : i32
      %parallel_loop3A_195 = arith.muli %parallel_loop3A_99, %parallel_loop3A_194 : i32
      %parallel_loop3A_196 = tpu.assume_multiple %parallel_loop3A_195, 16 : i32
      %parallel_loop3A_197 = arith.constant 6 : i32
      %parallel_loop3A_198 = arith.index_cast %parallel_loop3A_197 : i32 to index
      %parallel_loop3A_199 = arith.index_cast %parallel_loop3A_196 : i32 to index
      %parallel_loop3A_200 = tpu.vector_load %arg11[%parallel_loop3A_198, %parallel_loop3A_199] {strides = array<i32>} : memref<16x640xf32, #tpu.memory_space<vmem>>, vector<16xf32>,
      %parallel_loop3A_201 = arith.addf %parallel_loop3A_185, %parallel_loop3A_200 : vector<16xf32>
      %parallel_loop3A_202 = arith.constant 16 : i32
      %parallel_loop3A_203 = arith.muli %parallel_loop3A_99, %parallel_loop3A_202 : i32
      %parallel_loop3A_204 = tpu.assume_multiple %parallel_loop3A_203, 16 : i32
      %parallel_loop3A_205 = arith.constant 6 : i32
      %parallel_loop3A_206 = arith.index_cast %parallel_loop3A_205 : i32 to index
      %parallel_loop3A_207 = arith.index_cast %parallel_loop3A_204 : i32 to index
      %parallel_loop3A_208 = tpu.vector_load %arg12[%parallel_loop3A_206, %parallel_loop3A_207] {strides = array<i32>} : memref<16x640xf32, #tpu.memory_space<vmem>>, vector<16xf32>,
      %parallel_loop3A_209 = arith.addf %parallel_loop3A_193, %parallel_loop3A_208 : vector<16xf32>
      %parallel_loop3A_210 = arith.constant 16 : i32
      %parallel_loop3A_211 = arith.muli %parallel_loop3A_99, %parallel_loop3A_210 : i32
      %parallel_loop3A_212 = tpu.assume_multiple %parallel_loop3A_211, 16 : i32
      %parallel_loop3A_213 = arith.constant 7 : i32
      %parallel_loop3A_214 = arith.index_cast %parallel_loop3A_213 : i32 to index
      %parallel_loop3A_215 = arith.index_cast %parallel_loop3A_212 : i32 to index
      %parallel_loop3A_216 = tpu.vector_load %arg11[%parallel_loop3A_214, %parallel_loop3A_215] {strides = array<i32>} : memref<16x640xf32, #tpu.memory_space<vmem>>, vector<16xf32>,
      %parallel_loop3A_217 = arith.addf %parallel_loop3A_201, %parallel_loop3A_216 : vector<16xf32>
      %parallel_loop3A_218 = arith.constant 16 : i32
      %parallel_loop3A_219 = arith.muli %parallel_loop3A_99, %parallel_loop3A_218 : i32
      %parallel_loop3A_220 = tpu.assume_multiple %parallel_loop3A_219, 16 : i32
      %parallel_loop3A_221 = arith.constant 7 : i32
      %parallel_loop3A_222 = arith.index_cast %parallel_loop3A_221 : i32 to index
      %parallel_loop3A_223 = arith.index_cast %parallel_loop3A_220 : i32 to index
      %parallel_loop3A_224 = tpu.vector_load %arg12[%parallel_loop3A_222, %parallel_loop3A_223] {strides = array<i32>} : memref<16x640xf32, #tpu.memory_space<vmem>>, vector<16xf32>,
      %parallel_loop3A_225 = arith.addf %parallel_loop3A_209, %parallel_loop3A_224 : vector<16xf32>
      %parallel_loop3A_226 = arith.constant 16 : i32
      %parallel_loop3A_227 = arith.muli %parallel_loop3A_99, %parallel_loop3A_226 : i32
      %parallel_loop3A_228 = tpu.assume_multiple %parallel_loop3A_227, 16 : i32
      %parallel_loop3A_229 = arith.constant 8 : i32
      %parallel_loop3A_230 = arith.index_cast %parallel_loop3A_229 : i32 to index
      %parallel_loop3A_231 = arith.index_cast %parallel_loop3A_228 : i32 to index
      %parallel_loop3A_232 = tpu.vector_load %arg11[%parallel_loop3A_230, %parallel_loop3A_231] {strides = array<i32>} : memref<16x640xf32, #tpu.memory_space<vmem>>, vector<16xf32>,
      %parallel_loop3A_233 = arith.addf %parallel_loop3A_217, %parallel_loop3A_232 : vector<16xf32>
      %parallel_loop3A_234 = arith.constant 16 : i32
      %parallel_loop3A_235 = arith.muli %parallel_loop3A_99, %parallel_loop3A_234 : i32
      %parallel_loop3A_236 = tpu.assume_multiple %parallel_loop3A_235, 16 : i32
      %parallel_loop3A_237 = arith.constant 8 : i32
      %parallel_loop3A_238 = arith.index_cast %parallel_loop3A_237 : i32 to index
      %parallel_loop3A_239 = arith.index_cast %parallel_loop3A_236 : i32 to index
      %parallel_loop3A_240 = tpu.vector_load %arg12[%parallel_loop3A_238, %parallel_loop3A_239] {strides = array<i32>} : memref<16x640xf32, #tpu.memory_space<vmem>>, vector<16xf32>,
      %parallel_loop3A_241 = arith.addf %parallel_loop3A_225, %parallel_loop3A_240 : vector<16xf32>
      %parallel_loop3A_242 = arith.constant 16 : i32
      %parallel_loop3A_243 = arith.muli %parallel_loop3A_99, %parallel_loop3A_242 : i32
      %parallel_loop3A_244 = tpu.assume_multiple %parallel_loop3A_243, 16 : i32
      %parallel_loop3A_245 = arith.constant 9 : i32
      %parallel_loop3A_246 = arith.index_cast %parallel_loop3A_245 : i32 to index
      %parallel_loop3A_247 = arith.index_cast %parallel_loop3A_244 : i32 to index
      %parallel_loop3A_248 = tpu.vector_load %arg11[%parallel_loop3A_246, %parallel_loop3A_247] {strides = array<i32>} : memref<16x640xf32, #tpu.memory_space<vmem>>, vector<16xf32>,
      %parallel_loop3A_249 = arith.addf %parallel_loop3A_233, %parallel_loop3A_248 : vector<16xf32>
      %parallel_loop3A_250 = arith.constant 16 : i32
      %parallel_loop3A_251 = arith.muli %parallel_loop3A_99, %parallel_loop3A_250 : i32
      %parallel_loop3A_252 = tpu.assume_multiple %parallel_loop3A_251, 16 : i32
      %parallel_loop3A_253 = arith.constant 9 : i32
      %parallel_loop3A_254 = arith.index_cast %parallel_loop3A_253 : i32 to index
      %parallel_loop3A_255 = arith.index_cast %parallel_loop3A_252 : i32 to index
      %parallel_loop3A_256 = tpu.vector_load %arg12[%parallel_loop3A_254, %parallel_loop3A_255] {strides = array<i32>} : memref<16x640xf32, #tpu.memory_space<vmem>>, vector<16xf32>,
      %parallel_loop3A_257 = arith.addf %parallel_loop3A_241, %parallel_loop3A_256 : vector<16xf32>
      %parallel_loop3A_258 = arith.constant 16 : i32
      %parallel_loop3A_259 = arith.muli %parallel_loop3A_99, %parallel_loop3A_258 : i32
      %parallel_loop3A_260 = tpu.assume_multiple %parallel_loop3A_259, 16 : i32
      %parallel_loop3A_261 = arith.constant 10 : i32
      %parallel_loop3A_262 = arith.index_cast %parallel_loop3A_261 : i32 to index
      %parallel_loop3A_263 = arith.index_cast %parallel_loop3A_260 : i32 to index
      %parallel_loop3A_264 = tpu.vector_load %arg11[%parallel_loop3A_262, %parallel_loop3A_263] {strides = array<i32>} : memref<16x640xf32, #tpu.memory_space<vmem>>, vector<16xf32>,
      %parallel_loop3A_265 = arith.addf %parallel_loop3A_249, %parallel_loop3A_264 : vector<16xf32>
      %parallel_loop3A_266 = arith.constant 16 : i32
      %parallel_loop3A_267 = arith.muli %parallel_loop3A_99, %parallel_loop3A_266 : i32
      %parallel_loop3A_268 = tpu.assume_multiple %parallel_loop3A_267, 16 : i32
      %parallel_loop3A_269 = arith.constant 10 : i32
      %parallel_loop3A_270 = arith.index_cast %parallel_loop3A_269 : i32 to index
      %parallel_loop3A_271 = arith.index_cast %parallel_loop3A_268 : i32 to index
      %parallel_loop3A_272 = tpu.vector_load %arg12[%parallel_loop3A_270, %parallel_loop3A_271] {strides = array<i32>} : memref<16x640xf32, #tpu.memory_space<vmem>>, vector<16xf32>,
      %parallel_loop3A_273 = arith.addf %parallel_loop3A_257, %parallel_loop3A_272 : vector<16xf32>
      %parallel_loop3A_274 = arith.constant 16 : i32
      %parallel_loop3A_275 = arith.muli %parallel_loop3A_99, %parallel_loop3A_274 : i32
      %parallel_loop3A_276 = tpu.assume_multiple %parallel_loop3A_275, 16 : i32
      %parallel_loop3A_277 = arith.constant 11 : i32
      %parallel_loop3A_278 = arith.index_cast %parallel_loop3A_277 : i32 to index
      %parallel_loop3A_279 = arith.index_cast %parallel_loop3A_276 : i32 to index
      %parallel_loop3A_280 = tpu.vector_load %arg11[%parallel_loop3A_278, %parallel_loop3A_279] {strides = array<i32>} : memref<16x640xf32, #tpu.memory_space<vmem>>, vector<16xf32>,
      %parallel_loop3A_281 = arith.addf %parallel_loop3A_265, %parallel_loop3A_280 : vector<16xf32>
      %parallel_loop3A_282 = arith.constant 16 : i32
      %parallel_loop3A_283 = arith.muli %parallel_loop3A_99, %parallel_loop3A_282 : i32
      %parallel_loop3A_284 = tpu.assume_multiple %parallel_loop3A_283, 16 : i32
      %parallel_loop3A_285 = arith.constant 11 : i32
      %parallel_loop3A_286 = arith.index_cast %parallel_loop3A_285 : i32 to index
      %parallel_loop3A_287 = arith.index_cast %parallel_loop3A_284 : i32 to index
      %parallel_loop3A_288 = tpu.vector_load %arg12[%parallel_loop3A_286, %parallel_loop3A_287] {strides = array<i32>} : memref<16x640xf32, #tpu.memory_space<vmem>>, vector<16xf32>,
      %parallel_loop3A_289 = arith.addf %parallel_loop3A_273, %parallel_loop3A_288 : vector<16xf32>
      %parallel_loop3A_290 = arith.constant 16 : i32
      %parallel_loop3A_291 = arith.muli %parallel_loop3A_99, %parallel_loop3A_290 : i32
      %parallel_loop3A_292 = tpu.assume_multiple %parallel_loop3A_291, 16 : i32
      %parallel_loop3A_293 = arith.constant 12 : i32
      %parallel_loop3A_294 = arith.index_cast %parallel_loop3A_293 : i32 to index
      %parallel_loop3A_295 = arith.index_cast %parallel_loop3A_292 : i32 to index
      %parallel_loop3A_296 = tpu.vector_load %arg11[%parallel_loop3A_294, %parallel_loop3A_295] {strides = array<i32>} : memref<16x640xf32, #tpu.memory_space<vmem>>, vector<16xf32>,
      %parallel_loop3A_297 = arith.addf %parallel_loop3A_281, %parallel_loop3A_296 : vector<16xf32>
      %parallel_loop3A_298 = arith.constant 16 : i32
      %parallel_loop3A_299 = arith.muli %parallel_loop3A_99, %parallel_loop3A_298 : i32
      %parallel_loop3A_300 = tpu.assume_multiple %parallel_loop3A_299, 16 : i32
      %parallel_loop3A_301 = arith.constant 12 : i32
      %parallel_loop3A_302 = arith.index_cast %parallel_loop3A_301 : i32 to index
      %parallel_loop3A_303 = arith.index_cast %parallel_loop3A_300 : i32 to index
      %parallel_loop3A_304 = tpu.vector_load %arg12[%parallel_loop3A_302, %parallel_loop3A_303] {strides = array<i32>} : memref<16x640xf32, #tpu.memory_space<vmem>>, vector<16xf32>,
      %parallel_loop3A_305 = arith.addf %parallel_loop3A_289, %parallel_loop3A_304 : vector<16xf32>
      %parallel_loop3A_306 = arith.constant 16 : i32
      %parallel_loop3A_307 = arith.muli %parallel_loop3A_99, %parallel_loop3A_306 : i32
      %parallel_loop3A_308 = tpu.assume_multiple %parallel_loop3A_307, 16 : i32
      %parallel_loop3A_309 = arith.constant 13 : i32
      %parallel_loop3A_310 = arith.index_cast %parallel_loop3A_309 : i32 to index
      %parallel_loop3A_311 = arith.index_cast %parallel_loop3A_308 : i32 to index
      %parallel_loop3A_312 = tpu.vector_load %arg11[%parallel_loop3A_310, %parallel_loop3A_311] {strides = array<i32>} : memref<16x640xf32, #tpu.memory_space<vmem>>, vector<16xf32>,
      %parallel_loop3A_313 = arith.addf %parallel_loop3A_297, %parallel_loop3A_312 : vector<16xf32>
      %parallel_loop3A_314 = arith.constant 16 : i32
      %parallel_loop3A_315 = arith.muli %parallel_loop3A_99, %parallel_loop3A_314 : i32
      %parallel_loop3A_316 = tpu.assume_multiple %parallel_loop3A_315, 16 : i32
      %parallel_loop3A_317 = arith.constant 13 : i32
      %parallel_loop3A_318 = arith.index_cast %parallel_loop3A_317 : i32 to index
      %parallel_loop3A_319 = arith.index_cast %parallel_loop3A_316 : i32 to index
      %parallel_loop3A_320 = tpu.vector_load %arg12[%parallel_loop3A_318, %parallel_loop3A_319] {strides = array<i32>} : memref<16x640xf32, #tpu.memory_space<vmem>>, vector<16xf32>,
      %parallel_loop3A_321 = arith.addf %parallel_loop3A_305, %parallel_loop3A_320 : vector<16xf32>
      %parallel_loop3A_322 = arith.constant 16 : i32
      %parallel_loop3A_323 = arith.muli %parallel_loop3A_99, %parallel_loop3A_322 : i32
      %parallel_loop3A_324 = tpu.assume_multiple %parallel_loop3A_323, 16 : i32
      %parallel_loop3A_325 = arith.constant 14 : i32
      %parallel_loop3A_326 = arith.index_cast %parallel_loop3A_325 : i32 to index
      %parallel_loop3A_327 = arith.index_cast %parallel_loop3A_324 : i32 to index
      %parallel_loop3A_328 = tpu.vector_load %arg11[%parallel_loop3A_326, %parallel_loop3A_327] {strides = array<i32>} : memref<16x640xf32, #tpu.memory_space<vmem>>, vector<16xf32>,
      %parallel_loop3A_329 = arith.addf %parallel_loop3A_313, %parallel_loop3A_328 : vector<16xf32>
      %parallel_loop3A_330 = arith.constant 16 : i32
      %parallel_loop3A_331 = arith.muli %parallel_loop3A_99, %parallel_loop3A_330 : i32
      %parallel_loop3A_332 = tpu.assume_multiple %parallel_loop3A_331, 16 : i32
      %parallel_loop3A_333 = arith.constant 14 : i32
      %parallel_loop3A_334 = arith.index_cast %parallel_loop3A_333 : i32 to index
      %parallel_loop3A_335 = arith.index_cast %parallel_loop3A_332 : i32 to index
      %parallel_loop3A_336 = tpu.vector_load %arg12[%parallel_loop3A_334, %parallel_loop3A_335] {strides = array<i32>} : memref<16x640xf32, #tpu.memory_space<vmem>>, vector<16xf32>,
      %parallel_loop3A_337 = arith.addf %parallel_loop3A_321, %parallel_loop3A_336 : vector<16xf32>
      %parallel_loop3A_338 = arith.constant 16 : i32
      %parallel_loop3A_339 = arith.muli %parallel_loop3A_99, %parallel_loop3A_338 : i32
      %parallel_loop3A_340 = tpu.assume_multiple %parallel_loop3A_339, 16 : i32
      %parallel_loop3A_341 = arith.constant 15 : i32
      %parallel_loop3A_342 = arith.index_cast %parallel_loop3A_341 : i32 to index
      %parallel_loop3A_343 = arith.index_cast %parallel_loop3A_340 : i32 to index
      %parallel_loop3A_344 = tpu.vector_load %arg11[%parallel_loop3A_342, %parallel_loop3A_343] {strides = array<i32>} : memref<16x640xf32, #tpu.memory_space<vmem>>, vector<16xf32>,
      %parallel_loop3A_345 = arith.addf %parallel_loop3A_329, %parallel_loop3A_344 : vector<16xf32>
      %parallel_loop3A_346 = arith.constant 16 : i32
      %parallel_loop3A_347 = arith.muli %parallel_loop3A_99, %parallel_loop3A_346 : i32
      %parallel_loop3A_348 = tpu.assume_multiple %parallel_loop3A_347, 16 : i32
      %parallel_loop3A_349 = arith.constant 15 : i32
      %parallel_loop3A_350 = arith.index_cast %parallel_loop3A_349 : i32 to index
      %parallel_loop3A_351 = arith.index_cast %parallel_loop3A_348 : i32 to index
      %parallel_loop3A_352 = tpu.vector_load %arg12[%parallel_loop3A_350, %parallel_loop3A_351] {strides = array<i32>} : memref<16x640xf32, #tpu.memory_space<vmem>>, vector<16xf32>,
      %parallel_loop3A_353 = arith.addf %parallel_loop3A_337, %parallel_loop3A_352 : vector<16xf32>
      %parallel_loop3A_354 = arith.constant 1.000000e+00 : f32
      %parallel_loop3A_355 = vector.broadcast %parallel_loop3A_354 : f32 to vector<16xf32>
      %parallel_loop3A_356 = arith.maximumf %parallel_loop3A_345, %parallel_loop3A_355 : vector<16xf32>
      %parallel_loop3A_357 = vector.bitcast %parallel_loop3A_356 : vector<16xf32> to vector<16xi32>
      %parallel_loop3A_358 = arith.constant 1597463007 : i32
      %parallel_loop3A_359 = vector.broadcast %parallel_loop3A_358 : i32 to vector<16xi32>
      %parallel_loop3A_360 = arith.constant 1 : i32
      %parallel_loop3A_361 = vector.broadcast %parallel_loop3A_360 : i32 to vector<16xi32>
      %parallel_loop3A_362 = arith.shrui %parallel_loop3A_357, %parallel_loop3A_361 : vector<16xi32>
      %parallel_loop3A_363 = arith.subi %parallel_loop3A_359, %parallel_loop3A_362 : vector<16xi32>
      %parallel_loop3A_364 = vector.bitcast %parallel_loop3A_363 : vector<16xi32> to vector<16xf32>
      %parallel_loop3A_365 = arith.constant 5.000000e-01 : f32
      %parallel_loop3A_366 = vector.broadcast %parallel_loop3A_365 : f32 to vector<16xf32>
      %parallel_loop3A_367 = arith.mulf %parallel_loop3A_366, %parallel_loop3A_356 : vector<16xf32>
      %parallel_loop3A_368 = arith.mulf %parallel_loop3A_367, %parallel_loop3A_364 : vector<16xf32>
      %parallel_loop3A_369 = arith.mulf %parallel_loop3A_368, %parallel_loop3A_364 : vector<16xf32>
      %parallel_loop3A_370 = arith.constant 1.500000e+00 : f32
      %parallel_loop3A_371 = vector.broadcast %parallel_loop3A_370 : f32 to vector<16xf32>
      %parallel_loop3A_372 = arith.subf %parallel_loop3A_371, %parallel_loop3A_369 : vector<16xf32>
      %parallel_loop3A_373 = arith.mulf %parallel_loop3A_364, %parallel_loop3A_372 : vector<16xf32>
      %parallel_loop3A_374 = arith.constant 5.000000e-01 : f32
      %parallel_loop3A_375 = vector.broadcast %parallel_loop3A_374 : f32 to vector<16xf32>
      %parallel_loop3A_376 = arith.mulf %parallel_loop3A_375, %parallel_loop3A_356 : vector<16xf32>
      %parallel_loop3A_377 = arith.mulf %parallel_loop3A_376, %parallel_loop3A_373 : vector<16xf32>
      %parallel_loop3A_378 = arith.mulf %parallel_loop3A_377, %parallel_loop3A_373 : vector<16xf32>
      %parallel_loop3A_379 = arith.constant 1.500000e+00 : f32
      %parallel_loop3A_380 = vector.broadcast %parallel_loop3A_379 : f32 to vector<16xf32>
      %parallel_loop3A_381 = arith.subf %parallel_loop3A_380, %parallel_loop3A_378 : vector<16xf32>
      %parallel_loop3A_382 = arith.mulf %parallel_loop3A_373, %parallel_loop3A_381 : vector<16xf32>
      %parallel_loop3A_383 = arith.constant 5.000000e-01 : f32
      %parallel_loop3A_384 = vector.broadcast %parallel_loop3A_383 : f32 to vector<16xf32>
      %parallel_loop3A_385 = arith.mulf %parallel_loop3A_384, %parallel_loop3A_356 : vector<16xf32>
      %parallel_loop3A_386 = arith.mulf %parallel_loop3A_385, %parallel_loop3A_382 : vector<16xf32>
      %parallel_loop3A_387 = arith.mulf %parallel_loop3A_386, %parallel_loop3A_382 : vector<16xf32>
      %parallel_loop3A_388 = arith.constant 1.500000e+00 : f32
      %parallel_loop3A_389 = vector.broadcast %parallel_loop3A_388 : f32 to vector<16xf32>
      %parallel_loop3A_390 = arith.subf %parallel_loop3A_389, %parallel_loop3A_387 : vector<16xf32>
      %parallel_loop3A_391 = arith.mulf %parallel_loop3A_382, %parallel_loop3A_390 : vector<16xf32>
      %parallel_loop3A_392 = arith.constant 1.000000e+00 : f32
      %parallel_loop3A_393 = vector.broadcast %parallel_loop3A_392 : f32 to vector<16xf32>
      %parallel_loop3A_394 = arith.maximumf %parallel_loop3A_353, %parallel_loop3A_393 : vector<16xf32>
      %parallel_loop3A_395 = vector.bitcast %parallel_loop3A_394 : vector<16xf32> to vector<16xi32>
      %parallel_loop3A_396 = arith.constant 1597463007 : i32
      %parallel_loop3A_397 = vector.broadcast %parallel_loop3A_396 : i32 to vector<16xi32>
      %parallel_loop3A_398 = arith.constant 1 : i32
      %parallel_loop3A_399 = vector.broadcast %parallel_loop3A_398 : i32 to vector<16xi32>
      %parallel_loop3A_400 = arith.shrui %parallel_loop3A_395, %parallel_loop3A_399 : vector<16xi32>
      %parallel_loop3A_401 = arith.subi %parallel_loop3A_397, %parallel_loop3A_400 : vector<16xi32>
      %parallel_loop3A_402 = vector.bitcast %parallel_loop3A_401 : vector<16xi32> to vector<16xf32>
      %parallel_loop3A_403 = arith.constant 5.000000e-01 : f32
      %parallel_loop3A_404 = vector.broadcast %parallel_loop3A_403 : f32 to vector<16xf32>
      %parallel_loop3A_405 = arith.mulf %parallel_loop3A_404, %parallel_loop3A_394 : vector<16xf32>
      %parallel_loop3A_406 = arith.mulf %parallel_loop3A_405, %parallel_loop3A_402 : vector<16xf32>
      %parallel_loop3A_407 = arith.mulf %parallel_loop3A_406, %parallel_loop3A_402 : vector<16xf32>
      %parallel_loop3A_408 = arith.constant 1.500000e+00 : f32
      %parallel_loop3A_409 = vector.broadcast %parallel_loop3A_408 : f32 to vector<16xf32>
      %parallel_loop3A_410 = arith.subf %parallel_loop3A_409, %parallel_loop3A_407 : vector<16xf32>
      %parallel_loop3A_411 = arith.mulf %parallel_loop3A_402, %parallel_loop3A_410 : vector<16xf32>
      %parallel_loop3A_412 = arith.constant 5.000000e-01 : f32
      %parallel_loop3A_413 = vector.broadcast %parallel_loop3A_412 : f32 to vector<16xf32>
      %parallel_loop3A_414 = arith.mulf %parallel_loop3A_413, %parallel_loop3A_394 : vector<16xf32>
      %parallel_loop3A_415 = arith.mulf %parallel_loop3A_414, %parallel_loop3A_411 : vector<16xf32>
      %parallel_loop3A_416 = arith.mulf %parallel_loop3A_415, %parallel_loop3A_411 : vector<16xf32>
      %parallel_loop3A_417 = arith.constant 1.500000e+00 : f32
      %parallel_loop3A_418 = vector.broadcast %parallel_loop3A_417 : f32 to vector<16xf32>
      %parallel_loop3A_419 = arith.subf %parallel_loop3A_418, %parallel_loop3A_416 : vector<16xf32>
      %parallel_loop3A_420 = arith.mulf %parallel_loop3A_411, %parallel_loop3A_419 : vector<16xf32>
      %parallel_loop3A_421 = arith.constant 5.000000e-01 : f32
      %parallel_loop3A_422 = vector.broadcast %parallel_loop3A_421 : f32 to vector<16xf32>
      %parallel_loop3A_423 = arith.mulf %parallel_loop3A_422, %parallel_loop3A_394 : vector<16xf32>
      %parallel_loop3A_424 = arith.mulf %parallel_loop3A_423, %parallel_loop3A_420 : vector<16xf32>
      %parallel_loop3A_425 = arith.mulf %parallel_loop3A_424, %parallel_loop3A_420 : vector<16xf32>
      %parallel_loop3A_426 = arith.constant 1.500000e+00 : f32
      %parallel_loop3A_427 = vector.broadcast %parallel_loop3A_426 : f32 to vector<16xf32>
      %parallel_loop3A_428 = arith.subf %parallel_loop3A_427, %parallel_loop3A_425 : vector<16xf32>
      %parallel_loop3A_429 = arith.mulf %parallel_loop3A_420, %parallel_loop3A_428 : vector<16xf32>
      %parallel_loop3A_430 = arith.constant 16 : i32
      %parallel_loop3A_431 = arith.muli %parallel_loop3A_99, %parallel_loop3A_430 : i32
      %parallel_loop3A_432 = tpu.assume_multiple %parallel_loop3A_431, 16 : i32
      %parallel_loop3A_433 = arith.index_cast %parallel_loop3A_432 : i32 to index
      %parallel_loop3A_434 = tpu.vector_load %arg13[%parallel_loop3A_433] {strides = array<i32>} : memref<640xf32, #tpu.memory_space<vmem>>, vector<16xf32>,
      tpu.vector_store %arg13[%parallel_loop3A_433], %parallel_loop3A_391 {strides = array<i32>} : memref<640xf32, #tpu.memory_space<vmem>>, vector<16xf32>,
      %parallel_loop3A_435 = arith.constant 16 : i32
      %parallel_loop3A_436 = arith.muli %parallel_loop3A_99, %parallel_loop3A_435 : i32
      %parallel_loop3A_437 = tpu.assume_multiple %parallel_loop3A_436, 16 : i32
      %parallel_loop3A_438 = arith.index_cast %parallel_loop3A_437 : i32 to index
      %parallel_loop3A_439 = tpu.vector_load %arg14[%parallel_loop3A_438] {strides = array<i32>} : memref<640xf32, #tpu.memory_space<vmem>>, vector<16xf32>,
      tpu.vector_store %arg14[%parallel_loop3A_438], %parallel_loop3A_429 {strides = array<i32>} : memref<640xf32, #tpu.memory_space<vmem>>, vector<16xf32>,
      %parallel_loop3A_440 = arith.mulf %parallel_loop3A_353, %parallel_loop3A_391 : vector<16xf32>
      %parallel_loop3A_441 = arith.constant 16 : i32
      %parallel_loop3A_442 = arith.muli %parallel_loop3A_99, %parallel_loop3A_441 : i32
      %parallel_loop3A_443 = tpu.assume_multiple %parallel_loop3A_442, 16 : i32
      %parallel_loop3A_444 = arith.index_cast %parallel_loop3A_443 : i32 to index
      %parallel_loop3A_445 = tpu.vector_load %arg15[%parallel_loop3A_444] {strides = array<i32>} : memref<640xf32, #tpu.memory_space<vmem>>, vector<16xf32>,
      tpu.vector_store %arg15[%parallel_loop3A_444], %parallel_loop3A_440 {strides = array<i32>} : memref<640xf32, #tpu.memory_space<vmem>>, vector<16xf32>,
    } {sc.loop_unroll_factor = 2 : i64, sc.parallel_access}
    "tpu.region"() ({
      %run_scoped3A = tpu.sem_alloc : memref<!tpu.dma_semaphore, #tpu.memory_space<semaphore_mem>>
      %dma_start3A_99 = tpu.memref_slice %arg24[%multiple_of3A] : memref<10240xf32, #tpu.memory_space<vmem_shared>> -> memref<640xf32, #tpu.memory_space<vmem_shared>>
      %dma_start3A_100 = tpu.memref_slice %arg24[%multiple_of3A] : memref<10240xf32, #tpu.memory_space<vmem_shared>> -> memref<640xf32, #tpu.memory_space<vmem_shared>>
      tpu.enqueue_dma source(%arg15 : memref<640xf32, #tpu.memory_space<vmem>>) target(%dma_start3A_100 : memref<640xf32, #tpu.memory_space<vmem_shared>>) target_semaphore(%run_scoped3A : memref<!tpu.dma_semaphore, #tpu.memory_space<semaphore_mem>>)
      %dma_wait3A_101 = tpu.memref_slice %arg24[%multiple_of3A] : memref<10240xf32, #tpu.memory_space<vmem_shared>> -> memref<640xf32, #tpu.memory_space<vmem_shared>>
      %dma_wait3A_102 = tpu.memref_slice %arg24[%multiple_of3A] : memref<10240xf32, #tpu.memory_space<vmem_shared>> -> memref<640xf32, #tpu.memory_space<vmem_shared>>
      tpu.wait_dma2 semaphore(%run_scoped3A : memref<!tpu.dma_semaphore, #tpu.memory_space<semaphore_mem>>) src(%arg15 : memref<640xf32, #tpu.memory_space<vmem>>) dst(%dma_wait3A_102 : memref<640xf32, #tpu.memory_space<vmem_shared>>)
      tpu.yield
    }) : () -> ()
    %barrier3A_50 = arith.constant 0 : index
    tpu.barrier barrier_id(%barrier3A_50)
    tpu.enqueue_dma source(%arg24 : memref<10240xf32, #tpu.memory_space<vmem_shared>>) target(%arg10 : memref<10240xf32, #tpu.memory_space<vmem>>) target_semaphore(%arg21 : memref<!tpu.dma_semaphore, #tpu.memory_space<semaphore_mem>>)
    %parallel_loop3A_51 = arith.constant 0 : i32
    %parallel_loop3A_52 = arith.constant 640 : i32
    %parallel_loop3A_53 = arith.constant 1 : i32
    scf.for %parallel_loop3A_99 = %parallel_loop3A_51 to %parallel_loop3A_52 step %parallel_loop3A_53  : i32 {
      %parallel_loop3A_100 = arith.constant 16 : i32
      %parallel_loop3A_101 = arith.muli %parallel_loop3A_99, %parallel_loop3A_100 : i32
      %parallel_loop3A_102 = tpu.assume_multiple %parallel_loop3A_101, 16 : i32
      %parallel_loop3A_103 = arith.index_cast %parallel_loop3A_102 : i32 to index
      %parallel_loop3A_104 = tpu.vector_load %arg8[%parallel_loop3A_103] {strides = array<i32>} : memref<10240xf32, #tpu.memory_space<vmem>>, vector<16xf32>,
      tpu.vector_store %arg8[%parallel_loop3A_103], %broadcast_in_dim3A_2 {strides = array<i32>} : memref<10240xf32, #tpu.memory_space<vmem>>, vector<16xf32>,
    } {sc.loop_unroll_factor = 8 : i64, sc.parallel_access}
    tpu.wait_dma2 semaphore(%arg21 : memref<!tpu.dma_semaphore, #tpu.memory_space<semaphore_mem>>) src(%arg24 : memref<10240xf32, #tpu.memory_space<vmem_shared>>) dst(%arg10 : memref<10240xf32, #tpu.memory_space<vmem>>)
    %parallel_loop3A_54 = arith.constant 0 : i32
    %parallel_loop3A_55 = arith.constant 400 : i32
    %parallel_loop3A_56 = arith.constant 1 : i32
    scf.for %parallel_loop3A_99 = %parallel_loop3A_54 to %parallel_loop3A_55 step %parallel_loop3A_56  : i32 {
      %parallel_loop3A_100 = arith.constant 16 : i32
      %parallel_loop3A_101 = arith.muli %parallel_loop3A_99, %parallel_loop3A_100 : i32
      %parallel_loop3A_102 = tpu.assume_multiple %parallel_loop3A_101, 16 : i32
      %parallel_loop3A_103 = arith.constant 0 : i32
      %parallel_loop3A_104 = arith.index_cast %parallel_loop3A_103 : i32 to index
      %parallel_loop3A_105 = arith.index_cast %parallel_loop3A_102 : i32 to index
      %parallel_loop3A_106 = tpu.vector_load %arg6[%parallel_loop3A_104, %parallel_loop3A_105] {strides = array<i32>} : memref<2x10240xi32, #tpu.memory_space<vmem>>, vector<16xi32>,
      %parallel_loop3A_107 = tpu.vector_load_idx %arg10[%parallel_loop3A_106] : memref<10240xf32, #tpu.memory_space<vmem>>[vector<16xi32>], vector<16xf32>,
      %parallel_loop3A_108 = arith.constant 16 : i32
      %parallel_loop3A_109 = arith.muli %parallel_loop3A_99, %parallel_loop3A_108 : i32
      %parallel_loop3A_110 = tpu.assume_multiple %parallel_loop3A_109, 16 : i32
      %parallel_loop3A_111 = arith.constant 1 : i32
      %parallel_loop3A_112 = arith.index_cast %parallel_loop3A_111 : i32 to index
      %parallel_loop3A_113 = arith.index_cast %parallel_loop3A_110 : i32 to index
      %parallel_loop3A_114 = tpu.vector_load %arg6[%parallel_loop3A_112, %parallel_loop3A_113] {strides = array<i32>} : memref<2x10240xi32, #tpu.memory_space<vmem>>, vector<16xi32>,
      tpu.vector_store_idx %arg8[%parallel_loop3A_114], %parallel_loop3A_107 {add = true} : memref<10240xf32, #tpu.memory_space<vmem>>[vector<16xi32>], vector<16xf32>,
    } {sc.loop_unroll_factor = 16 : i64, sc.parallel_access}
    %lt3A_57 = arith.constant 15 : i32
    %lt3A_58 = arith.cmpi slt, %arg1, %lt3A_57 : i32
    %convert_element_type3A_59 = arith.extui %lt3A_58 : i1 to i32
    %cond3A_60 = arith.constant 0 : i32
    %cond3A_61 = arith.cmpi ne, %convert_element_type3A_59, %cond3A_60 : i32
    scf.if %cond3A_61 {
      %parallel_loop3A_99 = arith.constant 400 : i32
      %parallel_loop3A_100 = arith.constant 640 : i32
      %parallel_loop3A_101 = arith.constant 1 : i32
      scf.for %parallel_loop3A_102 = %parallel_loop3A_99 to %parallel_loop3A_100 step %parallel_loop3A_101  : i32 {
        %parallel_loop3A_103 = arith.constant 16 : i32
        %parallel_loop3A_104 = arith.muli %parallel_loop3A_102, %parallel_loop3A_103 : i32
        %parallel_loop3A_105 = tpu.assume_multiple %parallel_loop3A_104, 16 : i32
        %parallel_loop3A_106 = arith.constant 0 : i32
        %parallel_loop3A_107 = arith.index_cast %parallel_loop3A_106 : i32 to index
        %parallel_loop3A_108 = arith.index_cast %parallel_loop3A_105 : i32 to index
        %parallel_loop3A_109 = tpu.vector_load %arg6[%parallel_loop3A_107, %parallel_loop3A_108] {strides = array<i32>} : memref<2x10240xi32, #tpu.memory_space<vmem>>, vector<16xi32>,
        %parallel_loop3A_110 = tpu.vector_load_idx %arg10[%parallel_loop3A_109] : memref<10240xf32, #tpu.memory_space<vmem>>[vector<16xi32>], vector<16xf32>,
        %parallel_loop3A_111 = arith.constant 16 : i32
        %parallel_loop3A_112 = arith.muli %parallel_loop3A_102, %parallel_loop3A_111 : i32
        %parallel_loop3A_113 = tpu.assume_multiple %parallel_loop3A_112, 16 : i32
        %parallel_loop3A_114 = arith.constant 1 : i32
        %parallel_loop3A_115 = arith.index_cast %parallel_loop3A_114 : i32 to index
        %parallel_loop3A_116 = arith.index_cast %parallel_loop3A_113 : i32 to index
        %parallel_loop3A_117 = tpu.vector_load %arg6[%parallel_loop3A_115, %parallel_loop3A_116] {strides = array<i32>} : memref<2x10240xi32, #tpu.memory_space<vmem>>, vector<16xi32>,
        tpu.vector_store_idx %arg8[%parallel_loop3A_117], %parallel_loop3A_110 {add = true} : memref<10240xf32, #tpu.memory_space<vmem>>[vector<16xi32>], vector<16xf32>,
      } {sc.loop_unroll_factor = 16 : i64, sc.parallel_access}
    } else {
    }
    "tpu.region"() ({
      %run_scoped3A = tpu.sem_alloc : memref<!tpu.dma_semaphore, #tpu.memory_space<semaphore_mem>>
      %dma_start3A_99 = arith.constant 0 : i32
      %dma_start3A_100 = tpu.memref_slice %arg22[%arg1, %dma_start3A_99] : memref<16x10240xf32, #tpu.memory_space<vmem_shared>> -> memref<1x10240xf32, #tpu.memory_space<vmem_shared>>
      %dma_start3A_101 = tpu.memref_squeeze %dma_start3A_100 : memref<1x10240xf32, #tpu.memory_space<vmem_shared>> -> memref<10240xf32, #tpu.memory_space<vmem_shared>>
      %dma_start3A_102 = arith.constant 0 : i32
      %dma_start3A_103 = tpu.memref_slice %arg22[%arg1, %dma_start3A_102] : memref<16x10240xf32, #tpu.memory_space<vmem_shared>> -> memref<1x10240xf32, #tpu.memory_space<vmem_shared>>
      %dma_start3A_104 = tpu.memref_squeeze %dma_start3A_103 : memref<1x10240xf32, #tpu.memory_space<vmem_shared>> -> memref<10240xf32, #tpu.memory_space<vmem_shared>>
      tpu.enqueue_dma source(%arg8 : memref<10240xf32, #tpu.memory_space<vmem>>) target(%dma_start3A_104 : memref<10240xf32, #tpu.memory_space<vmem_shared>>) target_semaphore(%run_scoped3A : memref<!tpu.dma_semaphore, #tpu.memory_space<semaphore_mem>>)
      %dma_wait3A_105 = arith.constant 0 : i32
      %dma_wait3A_106 = tpu.memref_slice %arg22[%arg1, %dma_wait3A_105] : memref<16x10240xf32, #tpu.memory_space<vmem_shared>> -> memref<1x10240xf32, #tpu.memory_space<vmem_shared>>
      %dma_wait3A_107 = tpu.memref_squeeze %dma_wait3A_106 : memref<1x10240xf32, #tpu.memory_space<vmem_shared>> -> memref<10240xf32, #tpu.memory_space<vmem_shared>>
      %dma_wait3A_108 = arith.constant 0 : i32
      %dma_wait3A_109 = tpu.memref_slice %arg22[%arg1, %dma_wait3A_108] : memref<16x10240xf32, #tpu.memory_space<vmem_shared>> -> memref<1x10240xf32, #tpu.memory_space<vmem_shared>>
      %dma_wait3A_110 = tpu.memref_squeeze %dma_wait3A_109 : memref<1x10240xf32, #tpu.memory_space<vmem_shared>> -> memref<10240xf32, #tpu.memory_space<vmem_shared>>
      tpu.wait_dma2 semaphore(%run_scoped3A : memref<!tpu.dma_semaphore, #tpu.memory_space<semaphore_mem>>) src(%arg8 : memref<10240xf32, #tpu.memory_space<vmem>>) dst(%dma_wait3A_110 : memref<10240xf32, #tpu.memory_space<vmem_shared>>)
      tpu.yield
    }) : () -> ()
    %barrier3A_62 = arith.constant 0 : index
    tpu.barrier barrier_id(%barrier3A_62)
    "tpu.region"() ({
      %run_scoped3A = tpu.sem_alloc : memref<!tpu.dma_semaphore, #tpu.memory_space<semaphore_mem>>
      %dma_start3A_99 = arith.constant 0 : i32
      %dma_start3A_100 = tpu.memref_slice %arg22[%dma_start3A_99, %multiple_of3A] : memref<16x10240xf32, #tpu.memory_space<vmem_shared>> -> memref<16x640xf32, #tpu.memory_space<vmem_shared>>
      %dma_start3A_101 = arith.constant 0 : i32
      %dma_start3A_102 = tpu.memref_slice %arg22[%dma_start3A_101, %multiple_of3A] : memref<16x10240xf32, #tpu.memory_space<vmem_shared>> -> memref<16x640xf32, #tpu.memory_space<vmem_shared>>
      tpu.enqueue_dma source(%dma_start3A_102 : memref<16x640xf32, #tpu.memory_space<vmem_shared>>) target(%arg11 : memref<16x640xf32, #tpu.memory_space<vmem>>) target_semaphore(%run_scoped3A : memref<!tpu.dma_semaphore, #tpu.memory_space<semaphore_mem>>)
      %dma_wait3A_103 = arith.constant 0 : i32
      %dma_wait3A_104 = tpu.memref_slice %arg22[%dma_wait3A_103, %multiple_of3A] : memref<16x10240xf32, #tpu.memory_space<vmem_shared>> -> memref<16x640xf32, #tpu.memory_space<vmem_shared>>
      %dma_wait3A_105 = arith.constant 0 : i32
      %dma_wait3A_106 = tpu.memref_slice %arg22[%dma_wait3A_105, %multiple_of3A] : memref<16x10240xf32, #tpu.memory_space<vmem_shared>> -> memref<16x640xf32, #tpu.memory_space<vmem_shared>>
      tpu.wait_dma2 semaphore(%run_scoped3A : memref<!tpu.dma_semaphore, #tpu.memory_space<semaphore_mem>>) src(%dma_wait3A_106 : memref<16x640xf32, #tpu.memory_space<vmem_shared>>) dst(%arg11 : memref<16x640xf32, #tpu.memory_space<vmem>>)
      tpu.yield
    }) : () -> ()
    %parallel_loop3A_63 = arith.constant 0 : i32
    %parallel_loop3A_64 = arith.constant 40 : i32
    %parallel_loop3A_65 = arith.constant 1 : i32
    scf.for %parallel_loop3A_99 = %parallel_loop3A_63 to %parallel_loop3A_64 step %parallel_loop3A_65  : i32 {
      %parallel_loop3A_100 = arith.constant 16 : i32
      %parallel_loop3A_101 = arith.muli %parallel_loop3A_99, %parallel_loop3A_100 : i32
      %parallel_loop3A_102 = tpu.assume_multiple %parallel_loop3A_101, 16 : i32
      %parallel_loop3A_103 = arith.constant 0 : i32
      %parallel_loop3A_104 = arith.index_cast %parallel_loop3A_103 : i32 to index
      %parallel_loop3A_105 = arith.index_cast %parallel_loop3A_102 : i32 to index
      %parallel_loop3A_106 = tpu.vector_load %arg11[%parallel_loop3A_104, %parallel_loop3A_105] {strides = array<i32>} : memref<16x640xf32, #tpu.memory_space<vmem>>, vector<16xf32>,
      %parallel_loop3A_107 = arith.constant 16 : i32
      %parallel_loop3A_108 = arith.muli %parallel_loop3A_99, %parallel_loop3A_107 : i32
      %parallel_loop3A_109 = tpu.assume_multiple %parallel_loop3A_108, 16 : i32
      %parallel_loop3A_110 = arith.constant 1 : i32
      %parallel_loop3A_111 = arith.index_cast %parallel_loop3A_110 : i32 to index
      %parallel_loop3A_112 = arith.index_cast %parallel_loop3A_109 : i32 to index
      %parallel_loop3A_113 = tpu.vector_load %arg11[%parallel_loop3A_111, %parallel_loop3A_112] {strides = array<i32>} : memref<16x640xf32, #tpu.memory_space<vmem>>, vector<16xf32>,
      %parallel_loop3A_114 = arith.addf %parallel_loop3A_106, %parallel_loop3A_113 : vector<16xf32>
      %parallel_loop3A_115 = arith.constant 16 : i32
      %parallel_loop3A_116 = arith.muli %parallel_loop3A_99, %parallel_loop3A_115 : i32
      %parallel_loop3A_117 = tpu.assume_multiple %parallel_loop3A_116, 16 : i32
      %parallel_loop3A_118 = arith.constant 2 : i32
      %parallel_loop3A_119 = arith.index_cast %parallel_loop3A_118 : i32 to index
      %parallel_loop3A_120 = arith.index_cast %parallel_loop3A_117 : i32 to index
      %parallel_loop3A_121 = tpu.vector_load %arg11[%parallel_loop3A_119, %parallel_loop3A_120] {strides = array<i32>} : memref<16x640xf32, #tpu.memory_space<vmem>>, vector<16xf32>,
      %parallel_loop3A_122 = arith.addf %parallel_loop3A_114, %parallel_loop3A_121 : vector<16xf32>
      %parallel_loop3A_123 = arith.constant 16 : i32
      %parallel_loop3A_124 = arith.muli %parallel_loop3A_99, %parallel_loop3A_123 : i32
      %parallel_loop3A_125 = tpu.assume_multiple %parallel_loop3A_124, 16 : i32
      %parallel_loop3A_126 = arith.constant 3 : i32
      %parallel_loop3A_127 = arith.index_cast %parallel_loop3A_126 : i32 to index
      %parallel_loop3A_128 = arith.index_cast %parallel_loop3A_125 : i32 to index
      %parallel_loop3A_129 = tpu.vector_load %arg11[%parallel_loop3A_127, %parallel_loop3A_128] {strides = array<i32>} : memref<16x640xf32, #tpu.memory_space<vmem>>, vector<16xf32>,
      %parallel_loop3A_130 = arith.addf %parallel_loop3A_122, %parallel_loop3A_129 : vector<16xf32>
      %parallel_loop3A_131 = arith.constant 16 : i32
      %parallel_loop3A_132 = arith.muli %parallel_loop3A_99, %parallel_loop3A_131 : i32
      %parallel_loop3A_133 = tpu.assume_multiple %parallel_loop3A_132, 16 : i32
      %parallel_loop3A_134 = arith.constant 4 : i32
      %parallel_loop3A_135 = arith.index_cast %parallel_loop3A_134 : i32 to index
      %parallel_loop3A_136 = arith.index_cast %parallel_loop3A_133 : i32 to index
      %parallel_loop3A_137 = tpu.vector_load %arg11[%parallel_loop3A_135, %parallel_loop3A_136] {strides = array<i32>} : memref<16x640xf32, #tpu.memory_space<vmem>>, vector<16xf32>,
      %parallel_loop3A_138 = arith.addf %parallel_loop3A_130, %parallel_loop3A_137 : vector<16xf32>
      %parallel_loop3A_139 = arith.constant 16 : i32
      %parallel_loop3A_140 = arith.muli %parallel_loop3A_99, %parallel_loop3A_139 : i32
      %parallel_loop3A_141 = tpu.assume_multiple %parallel_loop3A_140, 16 : i32
      %parallel_loop3A_142 = arith.constant 5 : i32
      %parallel_loop3A_143 = arith.index_cast %parallel_loop3A_142 : i32 to index
      %parallel_loop3A_144 = arith.index_cast %parallel_loop3A_141 : i32 to index
      %parallel_loop3A_145 = tpu.vector_load %arg11[%parallel_loop3A_143, %parallel_loop3A_144] {strides = array<i32>} : memref<16x640xf32, #tpu.memory_space<vmem>>, vector<16xf32>,
      %parallel_loop3A_146 = arith.addf %parallel_loop3A_138, %parallel_loop3A_145 : vector<16xf32>
      %parallel_loop3A_147 = arith.constant 16 : i32
      %parallel_loop3A_148 = arith.muli %parallel_loop3A_99, %parallel_loop3A_147 : i32
      %parallel_loop3A_149 = tpu.assume_multiple %parallel_loop3A_148, 16 : i32
      %parallel_loop3A_150 = arith.constant 6 : i32
      %parallel_loop3A_151 = arith.index_cast %parallel_loop3A_150 : i32 to index
      %parallel_loop3A_152 = arith.index_cast %parallel_loop3A_149 : i32 to index
      %parallel_loop3A_153 = tpu.vector_load %arg11[%parallel_loop3A_151, %parallel_loop3A_152] {strides = array<i32>} : memref<16x640xf32, #tpu.memory_space<vmem>>, vector<16xf32>,
      %parallel_loop3A_154 = arith.addf %parallel_loop3A_146, %parallel_loop3A_153 : vector<16xf32>
      %parallel_loop3A_155 = arith.constant 16 : i32
      %parallel_loop3A_156 = arith.muli %parallel_loop3A_99, %parallel_loop3A_155 : i32
      %parallel_loop3A_157 = tpu.assume_multiple %parallel_loop3A_156, 16 : i32
      %parallel_loop3A_158 = arith.constant 7 : i32
      %parallel_loop3A_159 = arith.index_cast %parallel_loop3A_158 : i32 to index
      %parallel_loop3A_160 = arith.index_cast %parallel_loop3A_157 : i32 to index
      %parallel_loop3A_161 = tpu.vector_load %arg11[%parallel_loop3A_159, %parallel_loop3A_160] {strides = array<i32>} : memref<16x640xf32, #tpu.memory_space<vmem>>, vector<16xf32>,
      %parallel_loop3A_162 = arith.addf %parallel_loop3A_154, %parallel_loop3A_161 : vector<16xf32>
      %parallel_loop3A_163 = arith.constant 16 : i32
      %parallel_loop3A_164 = arith.muli %parallel_loop3A_99, %parallel_loop3A_163 : i32
      %parallel_loop3A_165 = tpu.assume_multiple %parallel_loop3A_164, 16 : i32
      %parallel_loop3A_166 = arith.constant 8 : i32
      %parallel_loop3A_167 = arith.index_cast %parallel_loop3A_166 : i32 to index
      %parallel_loop3A_168 = arith.index_cast %parallel_loop3A_165 : i32 to index
      %parallel_loop3A_169 = tpu.vector_load %arg11[%parallel_loop3A_167, %parallel_loop3A_168] {strides = array<i32>} : memref<16x640xf32, #tpu.memory_space<vmem>>, vector<16xf32>,
      %parallel_loop3A_170 = arith.addf %parallel_loop3A_162, %parallel_loop3A_169 : vector<16xf32>
      %parallel_loop3A_171 = arith.constant 16 : i32
      %parallel_loop3A_172 = arith.muli %parallel_loop3A_99, %parallel_loop3A_171 : i32
      %parallel_loop3A_173 = tpu.assume_multiple %parallel_loop3A_172, 16 : i32
      %parallel_loop3A_174 = arith.constant 9 : i32
      %parallel_loop3A_175 = arith.index_cast %parallel_loop3A_174 : i32 to index
      %parallel_loop3A_176 = arith.index_cast %parallel_loop3A_173 : i32 to index
      %parallel_loop3A_177 = tpu.vector_load %arg11[%parallel_loop3A_175, %parallel_loop3A_176] {strides = array<i32>} : memref<16x640xf32, #tpu.memory_space<vmem>>, vector<16xf32>,
      %parallel_loop3A_178 = arith.addf %parallel_loop3A_170, %parallel_loop3A_177 : vector<16xf32>
      %parallel_loop3A_179 = arith.constant 16 : i32
      %parallel_loop3A_180 = arith.muli %parallel_loop3A_99, %parallel_loop3A_179 : i32
      %parallel_loop3A_181 = tpu.assume_multiple %parallel_loop3A_180, 16 : i32
      %parallel_loop3A_182 = arith.constant 10 : i32
      %parallel_loop3A_183 = arith.index_cast %parallel_loop3A_182 : i32 to index
      %parallel_loop3A_184 = arith.index_cast %parallel_loop3A_181 : i32 to index
      %parallel_loop3A_185 = tpu.vector_load %arg11[%parallel_loop3A_183, %parallel_loop3A_184] {strides = array<i32>} : memref<16x640xf32, #tpu.memory_space<vmem>>, vector<16xf32>,
      %parallel_loop3A_186 = arith.addf %parallel_loop3A_178, %parallel_loop3A_185 : vector<16xf32>
      %parallel_loop3A_187 = arith.constant 16 : i32
      %parallel_loop3A_188 = arith.muli %parallel_loop3A_99, %parallel_loop3A_187 : i32
      %parallel_loop3A_189 = tpu.assume_multiple %parallel_loop3A_188, 16 : i32
      %parallel_loop3A_190 = arith.constant 11 : i32
      %parallel_loop3A_191 = arith.index_cast %parallel_loop3A_190 : i32 to index
      %parallel_loop3A_192 = arith.index_cast %parallel_loop3A_189 : i32 to index
      %parallel_loop3A_193 = tpu.vector_load %arg11[%parallel_loop3A_191, %parallel_loop3A_192] {strides = array<i32>} : memref<16x640xf32, #tpu.memory_space<vmem>>, vector<16xf32>,
      %parallel_loop3A_194 = arith.addf %parallel_loop3A_186, %parallel_loop3A_193 : vector<16xf32>
      %parallel_loop3A_195 = arith.constant 16 : i32
      %parallel_loop3A_196 = arith.muli %parallel_loop3A_99, %parallel_loop3A_195 : i32
      %parallel_loop3A_197 = tpu.assume_multiple %parallel_loop3A_196, 16 : i32
      %parallel_loop3A_198 = arith.constant 12 : i32
      %parallel_loop3A_199 = arith.index_cast %parallel_loop3A_198 : i32 to index
      %parallel_loop3A_200 = arith.index_cast %parallel_loop3A_197 : i32 to index
      %parallel_loop3A_201 = tpu.vector_load %arg11[%parallel_loop3A_199, %parallel_loop3A_200] {strides = array<i32>} : memref<16x640xf32, #tpu.memory_space<vmem>>, vector<16xf32>,
      %parallel_loop3A_202 = arith.addf %parallel_loop3A_194, %parallel_loop3A_201 : vector<16xf32>
      %parallel_loop3A_203 = arith.constant 16 : i32
      %parallel_loop3A_204 = arith.muli %parallel_loop3A_99, %parallel_loop3A_203 : i32
      %parallel_loop3A_205 = tpu.assume_multiple %parallel_loop3A_204, 16 : i32
      %parallel_loop3A_206 = arith.constant 13 : i32
      %parallel_loop3A_207 = arith.index_cast %parallel_loop3A_206 : i32 to index
      %parallel_loop3A_208 = arith.index_cast %parallel_loop3A_205 : i32 to index
      %parallel_loop3A_209 = tpu.vector_load %arg11[%parallel_loop3A_207, %parallel_loop3A_208] {strides = array<i32>} : memref<16x640xf32, #tpu.memory_space<vmem>>, vector<16xf32>,
      %parallel_loop3A_210 = arith.addf %parallel_loop3A_202, %parallel_loop3A_209 : vector<16xf32>
      %parallel_loop3A_211 = arith.constant 16 : i32
      %parallel_loop3A_212 = arith.muli %parallel_loop3A_99, %parallel_loop3A_211 : i32
      %parallel_loop3A_213 = tpu.assume_multiple %parallel_loop3A_212, 16 : i32
      %parallel_loop3A_214 = arith.constant 14 : i32
      %parallel_loop3A_215 = arith.index_cast %parallel_loop3A_214 : i32 to index
      %parallel_loop3A_216 = arith.index_cast %parallel_loop3A_213 : i32 to index
      %parallel_loop3A_217 = tpu.vector_load %arg11[%parallel_loop3A_215, %parallel_loop3A_216] {strides = array<i32>} : memref<16x640xf32, #tpu.memory_space<vmem>>, vector<16xf32>,
      %parallel_loop3A_218 = arith.addf %parallel_loop3A_210, %parallel_loop3A_217 : vector<16xf32>
      %parallel_loop3A_219 = arith.constant 16 : i32
      %parallel_loop3A_220 = arith.muli %parallel_loop3A_99, %parallel_loop3A_219 : i32
      %parallel_loop3A_221 = tpu.assume_multiple %parallel_loop3A_220, 16 : i32
      %parallel_loop3A_222 = arith.constant 15 : i32
      %parallel_loop3A_223 = arith.index_cast %parallel_loop3A_222 : i32 to index
      %parallel_loop3A_224 = arith.index_cast %parallel_loop3A_221 : i32 to index
      %parallel_loop3A_225 = tpu.vector_load %arg11[%parallel_loop3A_223, %parallel_loop3A_224] {strides = array<i32>} : memref<16x640xf32, #tpu.memory_space<vmem>>, vector<16xf32>,
      %parallel_loop3A_226 = arith.addf %parallel_loop3A_218, %parallel_loop3A_225 : vector<16xf32>
      %parallel_loop3A_227 = arith.constant 16 : i32
      %parallel_loop3A_228 = arith.muli %parallel_loop3A_99, %parallel_loop3A_227 : i32
      %parallel_loop3A_229 = tpu.assume_multiple %parallel_loop3A_228, 16 : i32
      %parallel_loop3A_230 = arith.index_cast %parallel_loop3A_229 : i32 to index
      %parallel_loop3A_231 = tpu.vector_load %arg14[%parallel_loop3A_230] {strides = array<i32>} : memref<640xf32, #tpu.memory_space<vmem>>, vector<16xf32>,
      %parallel_loop3A_232 = arith.mulf %parallel_loop3A_226, %parallel_loop3A_231 : vector<16xf32>
      %parallel_loop3A_233 = arith.constant 16 : i32
      %parallel_loop3A_234 = arith.muli %parallel_loop3A_99, %parallel_loop3A_233 : i32
      %parallel_loop3A_235 = tpu.assume_multiple %parallel_loop3A_234, 16 : i32
      %parallel_loop3A_236 = arith.index_cast %parallel_loop3A_235 : i32 to index
      %parallel_loop3A_237 = tpu.vector_load %arg13[%parallel_loop3A_236] {strides = array<i32>} : memref<640xf32, #tpu.memory_space<vmem>>, vector<16xf32>,
      %parallel_loop3A_238 = arith.mulf %parallel_loop3A_232, %parallel_loop3A_237 : vector<16xf32>
      %parallel_loop3A_239 = arith.constant 16 : i32
      %parallel_loop3A_240 = arith.muli %parallel_loop3A_99, %parallel_loop3A_239 : i32
      %parallel_loop3A_241 = tpu.assume_multiple %parallel_loop3A_240, 16 : i32
      %parallel_loop3A_242 = arith.index_cast %parallel_loop3A_241 : i32 to index
      %parallel_loop3A_243 = tpu.vector_load %arg15[%parallel_loop3A_242] {strides = array<i32>} : memref<640xf32, #tpu.memory_space<vmem>>, vector<16xf32>,
      tpu.vector_store %arg15[%parallel_loop3A_242], %parallel_loop3A_238 {strides = array<i32>} : memref<640xf32, #tpu.memory_space<vmem>>, vector<16xf32>,
    } {sc.loop_unroll_factor = 2 : i64, sc.parallel_access}
    "tpu.region"() ({
      %run_scoped3A = tpu.sem_alloc : memref<!tpu.dma_semaphore, #tpu.memory_space<semaphore_mem>>
      %dma_start3A_99 = tpu.memref_slice %arg24[%multiple_of3A] : memref<10240xf32, #tpu.memory_space<vmem_shared>> -> memref<640xf32, #tpu.memory_space<vmem_shared>>
      %dma_start3A_100 = tpu.memref_slice %arg24[%multiple_of3A] : memref<10240xf32, #tpu.memory_space<vmem_shared>> -> memref<640xf32, #tpu.memory_space<vmem_shared>>
      tpu.enqueue_dma source(%arg15 : memref<640xf32, #tpu.memory_space<vmem>>) target(%dma_start3A_100 : memref<640xf32, #tpu.memory_space<vmem_shared>>) target_semaphore(%run_scoped3A : memref<!tpu.dma_semaphore, #tpu.memory_space<semaphore_mem>>)
      %dma_wait3A_101 = tpu.memref_slice %arg24[%multiple_of3A] : memref<10240xf32, #tpu.memory_space<vmem_shared>> -> memref<640xf32, #tpu.memory_space<vmem_shared>>
      %dma_wait3A_102 = tpu.memref_slice %arg24[%multiple_of3A] : memref<10240xf32, #tpu.memory_space<vmem_shared>> -> memref<640xf32, #tpu.memory_space<vmem_shared>>
      tpu.wait_dma2 semaphore(%run_scoped3A : memref<!tpu.dma_semaphore, #tpu.memory_space<semaphore_mem>>) src(%arg15 : memref<640xf32, #tpu.memory_space<vmem>>) dst(%dma_wait3A_102 : memref<640xf32, #tpu.memory_space<vmem_shared>>)
      tpu.yield
    }) : () -> ()
    %barrier3A_66 = arith.constant 0 : index
    tpu.barrier barrier_id(%barrier3A_66)
    tpu.enqueue_dma source(%arg24 : memref<10240xf32, #tpu.memory_space<vmem_shared>>) target(%arg10 : memref<10240xf32, #tpu.memory_space<vmem>>) target_semaphore(%arg21 : memref<!tpu.dma_semaphore, #tpu.memory_space<semaphore_mem>>)
    %parallel_loop3A_67 = arith.constant 0 : i32
    %parallel_loop3A_68 = arith.constant 640 : i32
    %parallel_loop3A_69 = arith.constant 1 : i32
    scf.for %parallel_loop3A_99 = %parallel_loop3A_67 to %parallel_loop3A_68 step %parallel_loop3A_69  : i32 {
      %parallel_loop3A_100 = arith.constant 16 : i32
      %parallel_loop3A_101 = arith.muli %parallel_loop3A_99, %parallel_loop3A_100 : i32
      %parallel_loop3A_102 = tpu.assume_multiple %parallel_loop3A_101, 16 : i32
      %parallel_loop3A_103 = arith.index_cast %parallel_loop3A_102 : i32 to index
      %parallel_loop3A_104 = tpu.vector_load %arg8[%parallel_loop3A_103] {strides = array<i32>} : memref<10240xf32, #tpu.memory_space<vmem>>, vector<16xf32>,
      tpu.vector_store %arg8[%parallel_loop3A_103], %broadcast_in_dim3A_2 {strides = array<i32>} : memref<10240xf32, #tpu.memory_space<vmem>>, vector<16xf32>,
    } {sc.loop_unroll_factor = 8 : i64, sc.parallel_access}
    tpu.wait_dma2 semaphore(%arg21 : memref<!tpu.dma_semaphore, #tpu.memory_space<semaphore_mem>>) src(%arg24 : memref<10240xf32, #tpu.memory_space<vmem_shared>>) dst(%arg10 : memref<10240xf32, #tpu.memory_space<vmem>>)
    %parallel_loop3A_70 = arith.constant 0 : i32
    %parallel_loop3A_71 = arith.constant 400 : i32
    %parallel_loop3A_72 = arith.constant 1 : i32
    scf.for %parallel_loop3A_99 = %parallel_loop3A_70 to %parallel_loop3A_71 step %parallel_loop3A_72  : i32 {
      %parallel_loop3A_100 = arith.constant 16 : i32
      %parallel_loop3A_101 = arith.muli %parallel_loop3A_99, %parallel_loop3A_100 : i32
      %parallel_loop3A_102 = tpu.assume_multiple %parallel_loop3A_101, 16 : i32
      %parallel_loop3A_103 = arith.constant 0 : i32
      %parallel_loop3A_104 = arith.index_cast %parallel_loop3A_103 : i32 to index
      %parallel_loop3A_105 = arith.index_cast %parallel_loop3A_102 : i32 to index
      %parallel_loop3A_106 = tpu.vector_load %arg6[%parallel_loop3A_104, %parallel_loop3A_105] {strides = array<i32>} : memref<2x10240xi32, #tpu.memory_space<vmem>>, vector<16xi32>,
      %parallel_loop3A_107 = tpu.vector_load_idx %arg10[%parallel_loop3A_106] : memref<10240xf32, #tpu.memory_space<vmem>>[vector<16xi32>], vector<16xf32>,
      %parallel_loop3A_108 = arith.constant 16 : i32
      %parallel_loop3A_109 = arith.muli %parallel_loop3A_99, %parallel_loop3A_108 : i32
      %parallel_loop3A_110 = tpu.assume_multiple %parallel_loop3A_109, 16 : i32
      %parallel_loop3A_111 = arith.constant 1 : i32
      %parallel_loop3A_112 = arith.index_cast %parallel_loop3A_111 : i32 to index
      %parallel_loop3A_113 = arith.index_cast %parallel_loop3A_110 : i32 to index
      %parallel_loop3A_114 = tpu.vector_load %arg6[%parallel_loop3A_112, %parallel_loop3A_113] {strides = array<i32>} : memref<2x10240xi32, #tpu.memory_space<vmem>>, vector<16xi32>,
      tpu.vector_store_idx %arg8[%parallel_loop3A_114], %parallel_loop3A_107 {add = true} : memref<10240xf32, #tpu.memory_space<vmem>>[vector<16xi32>], vector<16xf32>,
    } {sc.loop_unroll_factor = 16 : i64, sc.parallel_access}
    %lt3A_73 = arith.constant 15 : i32
    %lt3A_74 = arith.cmpi slt, %arg1, %lt3A_73 : i32
    %convert_element_type3A_75 = arith.extui %lt3A_74 : i1 to i32
    %cond3A_76 = arith.constant 0 : i32
    %cond3A_77 = arith.cmpi ne, %convert_element_type3A_75, %cond3A_76 : i32
    scf.if %cond3A_77 {
      %parallel_loop3A_99 = arith.constant 400 : i32
      %parallel_loop3A_100 = arith.constant 640 : i32
      %parallel_loop3A_101 = arith.constant 1 : i32
      scf.for %parallel_loop3A_102 = %parallel_loop3A_99 to %parallel_loop3A_100 step %parallel_loop3A_101  : i32 {
        %parallel_loop3A_103 = arith.constant 16 : i32
        %parallel_loop3A_104 = arith.muli %parallel_loop3A_102, %parallel_loop3A_103 : i32
        %parallel_loop3A_105 = tpu.assume_multiple %parallel_loop3A_104, 16 : i32
        %parallel_loop3A_106 = arith.constant 0 : i32
        %parallel_loop3A_107 = arith.index_cast %parallel_loop3A_106 : i32 to index
        %parallel_loop3A_108 = arith.index_cast %parallel_loop3A_105 : i32 to index
        %parallel_loop3A_109 = tpu.vector_load %arg6[%parallel_loop3A_107, %parallel_loop3A_108] {strides = array<i32>} : memref<2x10240xi32, #tpu.memory_space<vmem>>, vector<16xi32>,
        %parallel_loop3A_110 = tpu.vector_load_idx %arg10[%parallel_loop3A_109] : memref<10240xf32, #tpu.memory_space<vmem>>[vector<16xi32>], vector<16xf32>,
        %parallel_loop3A_111 = arith.constant 16 : i32
        %parallel_loop3A_112 = arith.muli %parallel_loop3A_102, %parallel_loop3A_111 : i32
        %parallel_loop3A_113 = tpu.assume_multiple %parallel_loop3A_112, 16 : i32
        %parallel_loop3A_114 = arith.constant 1 : i32
        %parallel_loop3A_115 = arith.index_cast %parallel_loop3A_114 : i32 to index
        %parallel_loop3A_116 = arith.index_cast %parallel_loop3A_113 : i32 to index
        %parallel_loop3A_117 = tpu.vector_load %arg6[%parallel_loop3A_115, %parallel_loop3A_116] {strides = array<i32>} : memref<2x10240xi32, #tpu.memory_space<vmem>>, vector<16xi32>,
        tpu.vector_store_idx %arg8[%parallel_loop3A_117], %parallel_loop3A_110 {add = true} : memref<10240xf32, #tpu.memory_space<vmem>>[vector<16xi32>], vector<16xf32>,
      } {sc.loop_unroll_factor = 16 : i64, sc.parallel_access}
    } else {
    }
    "tpu.region"() ({
      %run_scoped3A = tpu.sem_alloc : memref<!tpu.dma_semaphore, #tpu.memory_space<semaphore_mem>>
      %dma_start3A_99 = arith.constant 0 : i32
      %dma_start3A_100 = tpu.memref_slice %arg22[%arg1, %dma_start3A_99] : memref<16x10240xf32, #tpu.memory_space<vmem_shared>> -> memref<1x10240xf32, #tpu.memory_space<vmem_shared>>
      %dma_start3A_101 = tpu.memref_squeeze %dma_start3A_100 : memref<1x10240xf32, #tpu.memory_space<vmem_shared>> -> memref<10240xf32, #tpu.memory_space<vmem_shared>>
      %dma_start3A_102 = arith.constant 0 : i32
      %dma_start3A_103 = tpu.memref_slice %arg22[%arg1, %dma_start3A_102] : memref<16x10240xf32, #tpu.memory_space<vmem_shared>> -> memref<1x10240xf32, #tpu.memory_space<vmem_shared>>
      %dma_start3A_104 = tpu.memref_squeeze %dma_start3A_103 : memref<1x10240xf32, #tpu.memory_space<vmem_shared>> -> memref<10240xf32, #tpu.memory_space<vmem_shared>>
      tpu.enqueue_dma source(%arg8 : memref<10240xf32, #tpu.memory_space<vmem>>) target(%dma_start3A_104 : memref<10240xf32, #tpu.memory_space<vmem_shared>>) target_semaphore(%run_scoped3A : memref<!tpu.dma_semaphore, #tpu.memory_space<semaphore_mem>>)
      %dma_wait3A_105 = arith.constant 0 : i32
      %dma_wait3A_106 = tpu.memref_slice %arg22[%arg1, %dma_wait3A_105] : memref<16x10240xf32, #tpu.memory_space<vmem_shared>> -> memref<1x10240xf32, #tpu.memory_space<vmem_shared>>
      %dma_wait3A_107 = tpu.memref_squeeze %dma_wait3A_106 : memref<1x10240xf32, #tpu.memory_space<vmem_shared>> -> memref<10240xf32, #tpu.memory_space<vmem_shared>>
      %dma_wait3A_108 = arith.constant 0 : i32
      %dma_wait3A_109 = tpu.memref_slice %arg22[%arg1, %dma_wait3A_108] : memref<16x10240xf32, #tpu.memory_space<vmem_shared>> -> memref<1x10240xf32, #tpu.memory_space<vmem_shared>>
      %dma_wait3A_110 = tpu.memref_squeeze %dma_wait3A_109 : memref<1x10240xf32, #tpu.memory_space<vmem_shared>> -> memref<10240xf32, #tpu.memory_space<vmem_shared>>
      tpu.wait_dma2 semaphore(%run_scoped3A : memref<!tpu.dma_semaphore, #tpu.memory_space<semaphore_mem>>) src(%arg8 : memref<10240xf32, #tpu.memory_space<vmem>>) dst(%dma_wait3A_110 : memref<10240xf32, #tpu.memory_space<vmem_shared>>)
      tpu.yield
    }) : () -> ()
    %barrier3A_78 = arith.constant 0 : index
    tpu.barrier barrier_id(%barrier3A_78)
    "tpu.region"() ({
      %run_scoped3A = tpu.sem_alloc : memref<!tpu.dma_semaphore, #tpu.memory_space<semaphore_mem>>
      %dma_start3A_99 = arith.constant 0 : i32
      %dma_start3A_100 = tpu.memref_slice %arg22[%dma_start3A_99, %multiple_of3A] : memref<16x10240xf32, #tpu.memory_space<vmem_shared>> -> memref<16x640xf32, #tpu.memory_space<vmem_shared>>
      %dma_start3A_101 = arith.constant 0 : i32
      %dma_start3A_102 = tpu.memref_slice %arg22[%dma_start3A_101, %multiple_of3A] : memref<16x10240xf32, #tpu.memory_space<vmem_shared>> -> memref<16x640xf32, #tpu.memory_space<vmem_shared>>
      tpu.enqueue_dma source(%dma_start3A_102 : memref<16x640xf32, #tpu.memory_space<vmem_shared>>) target(%arg11 : memref<16x640xf32, #tpu.memory_space<vmem>>) target_semaphore(%run_scoped3A : memref<!tpu.dma_semaphore, #tpu.memory_space<semaphore_mem>>)
      %dma_wait3A_103 = arith.constant 0 : i32
      %dma_wait3A_104 = tpu.memref_slice %arg22[%dma_wait3A_103, %multiple_of3A] : memref<16x10240xf32, #tpu.memory_space<vmem_shared>> -> memref<16x640xf32, #tpu.memory_space<vmem_shared>>
      %dma_wait3A_105 = arith.constant 0 : i32
      %dma_wait3A_106 = tpu.memref_slice %arg22[%dma_wait3A_105, %multiple_of3A] : memref<16x10240xf32, #tpu.memory_space<vmem_shared>> -> memref<16x640xf32, #tpu.memory_space<vmem_shared>>
      tpu.wait_dma2 semaphore(%run_scoped3A : memref<!tpu.dma_semaphore, #tpu.memory_space<semaphore_mem>>) src(%dma_wait3A_106 : memref<16x640xf32, #tpu.memory_space<vmem_shared>>) dst(%arg11 : memref<16x640xf32, #tpu.memory_space<vmem>>)
      tpu.yield
    }) : () -> ()
    %parallel_loop3A_79 = arith.constant 0 : i32
    %parallel_loop3A_80 = arith.constant 40 : i32
    %parallel_loop3A_81 = arith.constant 1 : i32
    scf.for %parallel_loop3A_99 = %parallel_loop3A_79 to %parallel_loop3A_80 step %parallel_loop3A_81  : i32 {
      %parallel_loop3A_100 = arith.constant 16 : i32
      %parallel_loop3A_101 = arith.muli %parallel_loop3A_99, %parallel_loop3A_100 : i32
      %parallel_loop3A_102 = tpu.assume_multiple %parallel_loop3A_101, 16 : i32
      %parallel_loop3A_103 = arith.constant 0 : i32
      %parallel_loop3A_104 = arith.index_cast %parallel_loop3A_103 : i32 to index
      %parallel_loop3A_105 = arith.index_cast %parallel_loop3A_102 : i32 to index
      %parallel_loop3A_106 = tpu.vector_load %arg11[%parallel_loop3A_104, %parallel_loop3A_105] {strides = array<i32>} : memref<16x640xf32, #tpu.memory_space<vmem>>, vector<16xf32>,
      %parallel_loop3A_107 = arith.constant 16 : i32
      %parallel_loop3A_108 = arith.muli %parallel_loop3A_99, %parallel_loop3A_107 : i32
      %parallel_loop3A_109 = tpu.assume_multiple %parallel_loop3A_108, 16 : i32
      %parallel_loop3A_110 = arith.constant 1 : i32
      %parallel_loop3A_111 = arith.index_cast %parallel_loop3A_110 : i32 to index
      %parallel_loop3A_112 = arith.index_cast %parallel_loop3A_109 : i32 to index
      %parallel_loop3A_113 = tpu.vector_load %arg11[%parallel_loop3A_111, %parallel_loop3A_112] {strides = array<i32>} : memref<16x640xf32, #tpu.memory_space<vmem>>, vector<16xf32>,
      %parallel_loop3A_114 = arith.addf %parallel_loop3A_106, %parallel_loop3A_113 : vector<16xf32>
      %parallel_loop3A_115 = arith.constant 16 : i32
      %parallel_loop3A_116 = arith.muli %parallel_loop3A_99, %parallel_loop3A_115 : i32
      %parallel_loop3A_117 = tpu.assume_multiple %parallel_loop3A_116, 16 : i32
      %parallel_loop3A_118 = arith.constant 2 : i32
      %parallel_loop3A_119 = arith.index_cast %parallel_loop3A_118 : i32 to index
      %parallel_loop3A_120 = arith.index_cast %parallel_loop3A_117 : i32 to index
      %parallel_loop3A_121 = tpu.vector_load %arg11[%parallel_loop3A_119, %parallel_loop3A_120] {strides = array<i32>} : memref<16x640xf32, #tpu.memory_space<vmem>>, vector<16xf32>,
      %parallel_loop3A_122 = arith.addf %parallel_loop3A_114, %parallel_loop3A_121 : vector<16xf32>
      %parallel_loop3A_123 = arith.constant 16 : i32
      %parallel_loop3A_124 = arith.muli %parallel_loop3A_99, %parallel_loop3A_123 : i32
      %parallel_loop3A_125 = tpu.assume_multiple %parallel_loop3A_124, 16 : i32
      %parallel_loop3A_126 = arith.constant 3 : i32
      %parallel_loop3A_127 = arith.index_cast %parallel_loop3A_126 : i32 to index
      %parallel_loop3A_128 = arith.index_cast %parallel_loop3A_125 : i32 to index
      %parallel_loop3A_129 = tpu.vector_load %arg11[%parallel_loop3A_127, %parallel_loop3A_128] {strides = array<i32>} : memref<16x640xf32, #tpu.memory_space<vmem>>, vector<16xf32>,
      %parallel_loop3A_130 = arith.addf %parallel_loop3A_122, %parallel_loop3A_129 : vector<16xf32>
      %parallel_loop3A_131 = arith.constant 16 : i32
      %parallel_loop3A_132 = arith.muli %parallel_loop3A_99, %parallel_loop3A_131 : i32
      %parallel_loop3A_133 = tpu.assume_multiple %parallel_loop3A_132, 16 : i32
      %parallel_loop3A_134 = arith.constant 4 : i32
      %parallel_loop3A_135 = arith.index_cast %parallel_loop3A_134 : i32 to index
      %parallel_loop3A_136 = arith.index_cast %parallel_loop3A_133 : i32 to index
      %parallel_loop3A_137 = tpu.vector_load %arg11[%parallel_loop3A_135, %parallel_loop3A_136] {strides = array<i32>} : memref<16x640xf32, #tpu.memory_space<vmem>>, vector<16xf32>,
      %parallel_loop3A_138 = arith.addf %parallel_loop3A_130, %parallel_loop3A_137 : vector<16xf32>
      %parallel_loop3A_139 = arith.constant 16 : i32
      %parallel_loop3A_140 = arith.muli %parallel_loop3A_99, %parallel_loop3A_139 : i32
      %parallel_loop3A_141 = tpu.assume_multiple %parallel_loop3A_140, 16 : i32
      %parallel_loop3A_142 = arith.constant 5 : i32
      %parallel_loop3A_143 = arith.index_cast %parallel_loop3A_142 : i32 to index
      %parallel_loop3A_144 = arith.index_cast %parallel_loop3A_141 : i32 to index
      %parallel_loop3A_145 = tpu.vector_load %arg11[%parallel_loop3A_143, %parallel_loop3A_144] {strides = array<i32>} : memref<16x640xf32, #tpu.memory_space<vmem>>, vector<16xf32>,
      %parallel_loop3A_146 = arith.addf %parallel_loop3A_138, %parallel_loop3A_145 : vector<16xf32>
      %parallel_loop3A_147 = arith.constant 16 : i32
      %parallel_loop3A_148 = arith.muli %parallel_loop3A_99, %parallel_loop3A_147 : i32
      %parallel_loop3A_149 = tpu.assume_multiple %parallel_loop3A_148, 16 : i32
      %parallel_loop3A_150 = arith.constant 6 : i32
      %parallel_loop3A_151 = arith.index_cast %parallel_loop3A_150 : i32 to index
      %parallel_loop3A_152 = arith.index_cast %parallel_loop3A_149 : i32 to index
      %parallel_loop3A_153 = tpu.vector_load %arg11[%parallel_loop3A_151, %parallel_loop3A_152] {strides = array<i32>} : memref<16x640xf32, #tpu.memory_space<vmem>>, vector<16xf32>,
      %parallel_loop3A_154 = arith.addf %parallel_loop3A_146, %parallel_loop3A_153 : vector<16xf32>
      %parallel_loop3A_155 = arith.constant 16 : i32
      %parallel_loop3A_156 = arith.muli %parallel_loop3A_99, %parallel_loop3A_155 : i32
      %parallel_loop3A_157 = tpu.assume_multiple %parallel_loop3A_156, 16 : i32
      %parallel_loop3A_158 = arith.constant 7 : i32
      %parallel_loop3A_159 = arith.index_cast %parallel_loop3A_158 : i32 to index
      %parallel_loop3A_160 = arith.index_cast %parallel_loop3A_157 : i32 to index
      %parallel_loop3A_161 = tpu.vector_load %arg11[%parallel_loop3A_159, %parallel_loop3A_160] {strides = array<i32>} : memref<16x640xf32, #tpu.memory_space<vmem>>, vector<16xf32>,
      %parallel_loop3A_162 = arith.addf %parallel_loop3A_154, %parallel_loop3A_161 : vector<16xf32>
      %parallel_loop3A_163 = arith.constant 16 : i32
      %parallel_loop3A_164 = arith.muli %parallel_loop3A_99, %parallel_loop3A_163 : i32
      %parallel_loop3A_165 = tpu.assume_multiple %parallel_loop3A_164, 16 : i32
      %parallel_loop3A_166 = arith.constant 8 : i32
      %parallel_loop3A_167 = arith.index_cast %parallel_loop3A_166 : i32 to index
      %parallel_loop3A_168 = arith.index_cast %parallel_loop3A_165 : i32 to index
      %parallel_loop3A_169 = tpu.vector_load %arg11[%parallel_loop3A_167, %parallel_loop3A_168] {strides = array<i32>} : memref<16x640xf32, #tpu.memory_space<vmem>>, vector<16xf32>,
      %parallel_loop3A_170 = arith.addf %parallel_loop3A_162, %parallel_loop3A_169 : vector<16xf32>
      %parallel_loop3A_171 = arith.constant 16 : i32
      %parallel_loop3A_172 = arith.muli %parallel_loop3A_99, %parallel_loop3A_171 : i32
      %parallel_loop3A_173 = tpu.assume_multiple %parallel_loop3A_172, 16 : i32
      %parallel_loop3A_174 = arith.constant 9 : i32
      %parallel_loop3A_175 = arith.index_cast %parallel_loop3A_174 : i32 to index
      %parallel_loop3A_176 = arith.index_cast %parallel_loop3A_173 : i32 to index
      %parallel_loop3A_177 = tpu.vector_load %arg11[%parallel_loop3A_175, %parallel_loop3A_176] {strides = array<i32>} : memref<16x640xf32, #tpu.memory_space<vmem>>, vector<16xf32>,
      %parallel_loop3A_178 = arith.addf %parallel_loop3A_170, %parallel_loop3A_177 : vector<16xf32>
      %parallel_loop3A_179 = arith.constant 16 : i32
      %parallel_loop3A_180 = arith.muli %parallel_loop3A_99, %parallel_loop3A_179 : i32
      %parallel_loop3A_181 = tpu.assume_multiple %parallel_loop3A_180, 16 : i32
      %parallel_loop3A_182 = arith.constant 10 : i32
      %parallel_loop3A_183 = arith.index_cast %parallel_loop3A_182 : i32 to index
      %parallel_loop3A_184 = arith.index_cast %parallel_loop3A_181 : i32 to index
      %parallel_loop3A_185 = tpu.vector_load %arg11[%parallel_loop3A_183, %parallel_loop3A_184] {strides = array<i32>} : memref<16x640xf32, #tpu.memory_space<vmem>>, vector<16xf32>,
      %parallel_loop3A_186 = arith.addf %parallel_loop3A_178, %parallel_loop3A_185 : vector<16xf32>
      %parallel_loop3A_187 = arith.constant 16 : i32
      %parallel_loop3A_188 = arith.muli %parallel_loop3A_99, %parallel_loop3A_187 : i32
      %parallel_loop3A_189 = tpu.assume_multiple %parallel_loop3A_188, 16 : i32
      %parallel_loop3A_190 = arith.constant 11 : i32
      %parallel_loop3A_191 = arith.index_cast %parallel_loop3A_190 : i32 to index
      %parallel_loop3A_192 = arith.index_cast %parallel_loop3A_189 : i32 to index
      %parallel_loop3A_193 = tpu.vector_load %arg11[%parallel_loop3A_191, %parallel_loop3A_192] {strides = array<i32>} : memref<16x640xf32, #tpu.memory_space<vmem>>, vector<16xf32>,
      %parallel_loop3A_194 = arith.addf %parallel_loop3A_186, %parallel_loop3A_193 : vector<16xf32>
      %parallel_loop3A_195 = arith.constant 16 : i32
      %parallel_loop3A_196 = arith.muli %parallel_loop3A_99, %parallel_loop3A_195 : i32
      %parallel_loop3A_197 = tpu.assume_multiple %parallel_loop3A_196, 16 : i32
      %parallel_loop3A_198 = arith.constant 12 : i32
      %parallel_loop3A_199 = arith.index_cast %parallel_loop3A_198 : i32 to index
      %parallel_loop3A_200 = arith.index_cast %parallel_loop3A_197 : i32 to index
      %parallel_loop3A_201 = tpu.vector_load %arg11[%parallel_loop3A_199, %parallel_loop3A_200] {strides = array<i32>} : memref<16x640xf32, #tpu.memory_space<vmem>>, vector<16xf32>,
      %parallel_loop3A_202 = arith.addf %parallel_loop3A_194, %parallel_loop3A_201 : vector<16xf32>
      %parallel_loop3A_203 = arith.constant 16 : i32
      %parallel_loop3A_204 = arith.muli %parallel_loop3A_99, %parallel_loop3A_203 : i32
      %parallel_loop3A_205 = tpu.assume_multiple %parallel_loop3A_204, 16 : i32
      %parallel_loop3A_206 = arith.constant 13 : i32
      %parallel_loop3A_207 = arith.index_cast %parallel_loop3A_206 : i32 to index
      %parallel_loop3A_208 = arith.index_cast %parallel_loop3A_205 : i32 to index
      %parallel_loop3A_209 = tpu.vector_load %arg11[%parallel_loop3A_207, %parallel_loop3A_208] {strides = array<i32>} : memref<16x640xf32, #tpu.memory_space<vmem>>, vector<16xf32>,
      %parallel_loop3A_210 = arith.addf %parallel_loop3A_202, %parallel_loop3A_209 : vector<16xf32>
      %parallel_loop3A_211 = arith.constant 16 : i32
      %parallel_loop3A_212 = arith.muli %parallel_loop3A_99, %parallel_loop3A_211 : i32
      %parallel_loop3A_213 = tpu.assume_multiple %parallel_loop3A_212, 16 : i32
      %parallel_loop3A_214 = arith.constant 14 : i32
      %parallel_loop3A_215 = arith.index_cast %parallel_loop3A_214 : i32 to index
      %parallel_loop3A_216 = arith.index_cast %parallel_loop3A_213 : i32 to index
      %parallel_loop3A_217 = tpu.vector_load %arg11[%parallel_loop3A_215, %parallel_loop3A_216] {strides = array<i32>} : memref<16x640xf32, #tpu.memory_space<vmem>>, vector<16xf32>,
      %parallel_loop3A_218 = arith.addf %parallel_loop3A_210, %parallel_loop3A_217 : vector<16xf32>
      %parallel_loop3A_219 = arith.constant 16 : i32
      %parallel_loop3A_220 = arith.muli %parallel_loop3A_99, %parallel_loop3A_219 : i32
      %parallel_loop3A_221 = tpu.assume_multiple %parallel_loop3A_220, 16 : i32
      %parallel_loop3A_222 = arith.constant 15 : i32
      %parallel_loop3A_223 = arith.index_cast %parallel_loop3A_222 : i32 to index
      %parallel_loop3A_224 = arith.index_cast %parallel_loop3A_221 : i32 to index
      %parallel_loop3A_225 = tpu.vector_load %arg11[%parallel_loop3A_223, %parallel_loop3A_224] {strides = array<i32>} : memref<16x640xf32, #tpu.memory_space<vmem>>, vector<16xf32>,
      %parallel_loop3A_226 = arith.addf %parallel_loop3A_218, %parallel_loop3A_225 : vector<16xf32>
      %parallel_loop3A_227 = arith.constant 16 : i32
      %parallel_loop3A_228 = arith.muli %parallel_loop3A_99, %parallel_loop3A_227 : i32
      %parallel_loop3A_229 = tpu.assume_multiple %parallel_loop3A_228, 16 : i32
      %parallel_loop3A_230 = arith.index_cast %parallel_loop3A_229 : i32 to index
      %parallel_loop3A_231 = tpu.vector_load %arg14[%parallel_loop3A_230] {strides = array<i32>} : memref<640xf32, #tpu.memory_space<vmem>>, vector<16xf32>,
      %parallel_loop3A_232 = arith.mulf %parallel_loop3A_226, %parallel_loop3A_231 : vector<16xf32>
      %parallel_loop3A_233 = arith.constant 16 : i32
      %parallel_loop3A_234 = arith.muli %parallel_loop3A_99, %parallel_loop3A_233 : i32
      %parallel_loop3A_235 = tpu.assume_multiple %parallel_loop3A_234, 16 : i32
      %parallel_loop3A_236 = arith.index_cast %parallel_loop3A_235 : i32 to index
      %parallel_loop3A_237 = tpu.vector_load %arg15[%parallel_loop3A_236] {strides = array<i32>} : memref<640xf32, #tpu.memory_space<vmem>>, vector<16xf32>,
      tpu.vector_store %arg15[%parallel_loop3A_236], %parallel_loop3A_232 {strides = array<i32>} : memref<640xf32, #tpu.memory_space<vmem>>, vector<16xf32>,
    } {sc.loop_unroll_factor = 2 : i64, sc.parallel_access}
    %parallel_loop3A_82 = arith.constant 0 : i32
    %parallel_loop3A_83 = arith.constant 8 : i32
    %parallel_loop3A_84 = arith.constant 1 : i32
    scf.for %parallel_loop3A_99 = %parallel_loop3A_82 to %parallel_loop3A_83 step %parallel_loop3A_84  : i32 {
      %parallel_loop3A_100 = arith.constant 16 : i32
      %parallel_loop3A_101 = arith.muli %parallel_loop3A_99, %parallel_loop3A_100 : i32
      %parallel_loop3A_102 = tpu.assume_multiple %parallel_loop3A_101, 16 : i32
      %parallel_loop3A_103 = arith.index_cast %parallel_loop3A_102 : i32 to index
      %parallel_loop3A_104 = tpu.vector_load %arg16[%parallel_loop3A_103] {strides = array<i32>} : memref<128xf32, #tpu.memory_space<vmem>>, vector<16xf32>,
      tpu.vector_store %arg16[%parallel_loop3A_103], %broadcast_in_dim3A_2 {strides = array<i32>} : memref<128xf32, #tpu.memory_space<vmem>>, vector<16xf32>,
    } {sc.loop_unroll_factor = 8 : i64, sc.parallel_access}
    %parallel_loop3A_85 = arith.constant 0 : i32
    %parallel_loop3A_86 = arith.constant 8 : i32
    %parallel_loop3A_87 = arith.constant 1 : i32
    scf.for %parallel_loop3A_99 = %parallel_loop3A_85 to %parallel_loop3A_86 step %parallel_loop3A_87  : i32 {
      %parallel_loop3A_100 = arith.constant 16 : i32
      %parallel_loop3A_101 = arith.muli %parallel_loop3A_99, %parallel_loop3A_100 : i32
      %parallel_loop3A_102 = tpu.assume_multiple %parallel_loop3A_101, 16 : i32
      %parallel_loop3A_103 = arith.index_cast %parallel_loop3A_102 : i32 to index
      %parallel_loop3A_104 = tpu.vector_load %arg17[%parallel_loop3A_103] {strides = array<i32>} : memref<128xf32, #tpu.memory_space<vmem>>, vector<16xf32>,
      tpu.vector_store %arg17[%parallel_loop3A_103], %broadcast_in_dim3A_2 {strides = array<i32>} : memref<128xf32, #tpu.memory_space<vmem>>, vector<16xf32>,
    } {sc.loop_unroll_factor = 8 : i64, sc.parallel_access}
    %parallel_loop3A_88 = arith.constant 0 : i32
    %parallel_loop3A_89 = arith.constant 40 : i32
    %parallel_loop3A_90 = arith.constant 1 : i32
    scf.for %parallel_loop3A_99 = %parallel_loop3A_88 to %parallel_loop3A_89 step %parallel_loop3A_90  : i32 {
      %parallel_loop3A_100 = arith.constant 16 : i32
      %parallel_loop3A_101 = arith.muli %parallel_loop3A_99, %parallel_loop3A_100 : i32
      %parallel_loop3A_102 = tpu.assume_multiple %parallel_loop3A_101, 16 : i32
      %parallel_loop3A_103 = arith.index_cast %parallel_loop3A_102 : i32 to index
      %parallel_loop3A_104 = tpu.vector_load %arg7[%parallel_loop3A_103] {strides = array<i32>} : memref<640xi32, #tpu.memory_space<vmem>>, vector<16xi32>,
      %parallel_loop3A_105 = arith.constant 16 : i32
      %parallel_loop3A_106 = arith.muli %parallel_loop3A_99, %parallel_loop3A_105 : i32
      %parallel_loop3A_107 = tpu.assume_multiple %parallel_loop3A_106, 16 : i32
      %parallel_loop3A_108 = arith.index_cast %parallel_loop3A_107 : i32 to index
      %parallel_loop3A_109 = tpu.vector_load %arg15[%parallel_loop3A_108] {strides = array<i32>} : memref<640xf32, #tpu.memory_space<vmem>>, vector<16xf32>,
      tpu.vector_store_idx %arg16[%parallel_loop3A_104], %parallel_loop3A_109 {add = true} : memref<128xf32, #tpu.memory_space<vmem>>[vector<16xi32>], vector<16xf32>,
      tpu.vector_store_idx %arg17[%parallel_loop3A_104], %broadcast_in_dim3A_0 {add = true} : memref<128xf32, #tpu.memory_space<vmem>>[vector<16xi32>], vector<16xf32>,
    } {sc.loop_unroll_factor = 4 : i64, sc.parallel_access}
    "tpu.region"() ({
      %run_scoped3A = tpu.sem_alloc : memref<!tpu.dma_semaphore, #tpu.memory_space<semaphore_mem>>
      %dma_start3A_99 = arith.constant 0 : i32
      %dma_start3A_100 = tpu.memref_slice %arg25[%arg1, %dma_start3A_99] : memref<16x128xf32, #tpu.memory_space<vmem_shared>> -> memref<1x128xf32, #tpu.memory_space<vmem_shared>>
      %dma_start3A_101 = tpu.memref_squeeze %dma_start3A_100 : memref<1x128xf32, #tpu.memory_space<vmem_shared>> -> memref<128xf32, #tpu.memory_space<vmem_shared>>
      %dma_start3A_102 = arith.constant 0 : i32
      %dma_start3A_103 = tpu.memref_slice %arg25[%arg1, %dma_start3A_102] : memref<16x128xf32, #tpu.memory_space<vmem_shared>> -> memref<1x128xf32, #tpu.memory_space<vmem_shared>>
      %dma_start3A_104 = tpu.memref_squeeze %dma_start3A_103 : memref<1x128xf32, #tpu.memory_space<vmem_shared>> -> memref<128xf32, #tpu.memory_space<vmem_shared>>
      tpu.enqueue_dma source(%arg16 : memref<128xf32, #tpu.memory_space<vmem>>) target(%dma_start3A_104 : memref<128xf32, #tpu.memory_space<vmem_shared>>) target_semaphore(%run_scoped3A : memref<!tpu.dma_semaphore, #tpu.memory_space<semaphore_mem>>)
      %dma_wait3A_105 = arith.constant 0 : i32
      %dma_wait3A_106 = tpu.memref_slice %arg25[%arg1, %dma_wait3A_105] : memref<16x128xf32, #tpu.memory_space<vmem_shared>> -> memref<1x128xf32, #tpu.memory_space<vmem_shared>>
      %dma_wait3A_107 = tpu.memref_squeeze %dma_wait3A_106 : memref<1x128xf32, #tpu.memory_space<vmem_shared>> -> memref<128xf32, #tpu.memory_space<vmem_shared>>
      %dma_wait3A_108 = arith.constant 0 : i32
      %dma_wait3A_109 = tpu.memref_slice %arg25[%arg1, %dma_wait3A_108] : memref<16x128xf32, #tpu.memory_space<vmem_shared>> -> memref<1x128xf32, #tpu.memory_space<vmem_shared>>
      %dma_wait3A_110 = tpu.memref_squeeze %dma_wait3A_109 : memref<1x128xf32, #tpu.memory_space<vmem_shared>> -> memref<128xf32, #tpu.memory_space<vmem_shared>>
      tpu.wait_dma2 semaphore(%run_scoped3A : memref<!tpu.dma_semaphore, #tpu.memory_space<semaphore_mem>>) src(%arg16 : memref<128xf32, #tpu.memory_space<vmem>>) dst(%dma_wait3A_110 : memref<128xf32, #tpu.memory_space<vmem_shared>>)
      tpu.yield
    }) : () -> ()
    "tpu.region"() ({
      %run_scoped3A = tpu.sem_alloc : memref<!tpu.dma_semaphore, #tpu.memory_space<semaphore_mem>>
      %dma_start3A_99 = arith.constant 0 : i32
      %dma_start3A_100 = tpu.memref_slice %arg26[%arg1, %dma_start3A_99] : memref<16x128xf32, #tpu.memory_space<vmem_shared>> -> memref<1x128xf32, #tpu.memory_space<vmem_shared>>
      %dma_start3A_101 = tpu.memref_squeeze %dma_start3A_100 : memref<1x128xf32, #tpu.memory_space<vmem_shared>> -> memref<128xf32, #tpu.memory_space<vmem_shared>>
      %dma_start3A_102 = arith.constant 0 : i32
      %dma_start3A_103 = tpu.memref_slice %arg26[%arg1, %dma_start3A_102] : memref<16x128xf32, #tpu.memory_space<vmem_shared>> -> memref<1x128xf32, #tpu.memory_space<vmem_shared>>
      %dma_start3A_104 = tpu.memref_squeeze %dma_start3A_103 : memref<1x128xf32, #tpu.memory_space<vmem_shared>> -> memref<128xf32, #tpu.memory_space<vmem_shared>>
      tpu.enqueue_dma source(%arg17 : memref<128xf32, #tpu.memory_space<vmem>>) target(%dma_start3A_104 : memref<128xf32, #tpu.memory_space<vmem_shared>>) target_semaphore(%run_scoped3A : memref<!tpu.dma_semaphore, #tpu.memory_space<semaphore_mem>>)
      %dma_wait3A_105 = arith.constant 0 : i32
      %dma_wait3A_106 = tpu.memref_slice %arg26[%arg1, %dma_wait3A_105] : memref<16x128xf32, #tpu.memory_space<vmem_shared>> -> memref<1x128xf32, #tpu.memory_space<vmem_shared>>
      %dma_wait3A_107 = tpu.memref_squeeze %dma_wait3A_106 : memref<1x128xf32, #tpu.memory_space<vmem_shared>> -> memref<128xf32, #tpu.memory_space<vmem_shared>>
      %dma_wait3A_108 = arith.constant 0 : i32
      %dma_wait3A_109 = tpu.memref_slice %arg26[%arg1, %dma_wait3A_108] : memref<16x128xf32, #tpu.memory_space<vmem_shared>> -> memref<1x128xf32, #tpu.memory_space<vmem_shared>>
      %dma_wait3A_110 = tpu.memref_squeeze %dma_wait3A_109 : memref<1x128xf32, #tpu.memory_space<vmem_shared>> -> memref<128xf32, #tpu.memory_space<vmem_shared>>
      tpu.wait_dma2 semaphore(%run_scoped3A : memref<!tpu.dma_semaphore, #tpu.memory_space<semaphore_mem>>) src(%arg17 : memref<128xf32, #tpu.memory_space<vmem>>) dst(%dma_wait3A_110 : memref<128xf32, #tpu.memory_space<vmem_shared>>)
      tpu.yield
    }) : () -> ()
    %barrier3A_91 = arith.constant 0 : index
    tpu.barrier barrier_id(%barrier3A_91)
    %eq3A_92 = arith.constant 0 : i32
    %eq3A_93 = arith.cmpi eq, %arg1, %eq3A_92 : i32
    %eq3A_94 = arith.constant 0 : i32
    %eq3A_95 = arith.cmpi eq, %arg0, %eq3A_94 : i32
    %and3A = arith.andi %eq3A_93, %eq3A_95 : i1
    %convert_element_type3A_96 = arith.extui %and3A : i1 to i32
    %cond3A_97 = arith.constant 0 : i32
    %cond3A_98 = arith.cmpi ne, %convert_element_type3A_96, %cond3A_97 : i32
    scf.if %cond3A_98 {
      "tpu.region"() ({
        %run_scoped3A = tpu.sem_alloc : memref<!tpu.dma_semaphore, #tpu.memory_space<semaphore_mem>>
        tpu.enqueue_dma source(%arg25 : memref<16x128xf32, #tpu.memory_space<vmem_shared>>) target(%arg18 : memref<16x128xf32, #tpu.memory_space<vmem>>) target_semaphore(%run_scoped3A : memref<!tpu.dma_semaphore, #tpu.memory_space<semaphore_mem>>)
        tpu.wait_dma2 semaphore(%run_scoped3A : memref<!tpu.dma_semaphore, #tpu.memory_space<semaphore_mem>>) src(%arg25 : memref<16x128xf32, #tpu.memory_space<vmem_shared>>) dst(%arg18 : memref<16x128xf32, #tpu.memory_space<vmem>>)
        tpu.yield
      }) : () -> ()
      %parallel_loop3A_99 = arith.constant 0 : i32
      %parallel_loop3A_100 = arith.constant 8 : i32
      %parallel_loop3A_101 = arith.constant 1 : i32
      scf.for %parallel_loop3A_105 = %parallel_loop3A_99 to %parallel_loop3A_100 step %parallel_loop3A_101  : i32 {
        %parallel_loop3A_106 = arith.constant 16 : i32
        %parallel_loop3A_107 = arith.muli %parallel_loop3A_105, %parallel_loop3A_106 : i32
        %parallel_loop3A_108 = tpu.assume_multiple %parallel_loop3A_107, 16 : i32
        %parallel_loop3A_109 = arith.constant 0 : i32
        %parallel_loop3A_110 = arith.index_cast %parallel_loop3A_109 : i32 to index
        %parallel_loop3A_111 = arith.index_cast %parallel_loop3A_108 : i32 to index
        %parallel_loop3A_112 = tpu.vector_load %arg18[%parallel_loop3A_110, %parallel_loop3A_111] {strides = array<i32>} : memref<16x128xf32, #tpu.memory_space<vmem>>, vector<16xf32>,
        %parallel_loop3A_113 = arith.constant 16 : i32
        %parallel_loop3A_114 = arith.muli %parallel_loop3A_105, %parallel_loop3A_113 : i32
        %parallel_loop3A_115 = tpu.assume_multiple %parallel_loop3A_114, 16 : i32
        %parallel_loop3A_116 = arith.constant 1 : i32
        %parallel_loop3A_117 = arith.index_cast %parallel_loop3A_116 : i32 to index
        %parallel_loop3A_118 = arith.index_cast %parallel_loop3A_115 : i32 to index
        %parallel_loop3A_119 = tpu.vector_load %arg18[%parallel_loop3A_117, %parallel_loop3A_118] {strides = array<i32>} : memref<16x128xf32, #tpu.memory_space<vmem>>, vector<16xf32>,
        %parallel_loop3A_120 = arith.addf %parallel_loop3A_112, %parallel_loop3A_119 : vector<16xf32>
        %parallel_loop3A_121 = arith.constant 16 : i32
        %parallel_loop3A_122 = arith.muli %parallel_loop3A_105, %parallel_loop3A_121 : i32
        %parallel_loop3A_123 = tpu.assume_multiple %parallel_loop3A_122, 16 : i32
        %parallel_loop3A_124 = arith.constant 2 : i32
        %parallel_loop3A_125 = arith.index_cast %parallel_loop3A_124 : i32 to index
        %parallel_loop3A_126 = arith.index_cast %parallel_loop3A_123 : i32 to index
        %parallel_loop3A_127 = tpu.vector_load %arg18[%parallel_loop3A_125, %parallel_loop3A_126] {strides = array<i32>} : memref<16x128xf32, #tpu.memory_space<vmem>>, vector<16xf32>,
        %parallel_loop3A_128 = arith.addf %parallel_loop3A_120, %parallel_loop3A_127 : vector<16xf32>
        %parallel_loop3A_129 = arith.constant 16 : i32
        %parallel_loop3A_130 = arith.muli %parallel_loop3A_105, %parallel_loop3A_129 : i32
        %parallel_loop3A_131 = tpu.assume_multiple %parallel_loop3A_130, 16 : i32
        %parallel_loop3A_132 = arith.constant 3 : i32
        %parallel_loop3A_133 = arith.index_cast %parallel_loop3A_132 : i32 to index
        %parallel_loop3A_134 = arith.index_cast %parallel_loop3A_131 : i32 to index
        %parallel_loop3A_135 = tpu.vector_load %arg18[%parallel_loop3A_133, %parallel_loop3A_134] {strides = array<i32>} : memref<16x128xf32, #tpu.memory_space<vmem>>, vector<16xf32>,
        %parallel_loop3A_136 = arith.addf %parallel_loop3A_128, %parallel_loop3A_135 : vector<16xf32>
        %parallel_loop3A_137 = arith.constant 16 : i32
        %parallel_loop3A_138 = arith.muli %parallel_loop3A_105, %parallel_loop3A_137 : i32
        %parallel_loop3A_139 = tpu.assume_multiple %parallel_loop3A_138, 16 : i32
        %parallel_loop3A_140 = arith.constant 4 : i32
        %parallel_loop3A_141 = arith.index_cast %parallel_loop3A_140 : i32 to index
        %parallel_loop3A_142 = arith.index_cast %parallel_loop3A_139 : i32 to index
        %parallel_loop3A_143 = tpu.vector_load %arg18[%parallel_loop3A_141, %parallel_loop3A_142] {strides = array<i32>} : memref<16x128xf32, #tpu.memory_space<vmem>>, vector<16xf32>,
        %parallel_loop3A_144 = arith.addf %parallel_loop3A_136, %parallel_loop3A_143 : vector<16xf32>
        %parallel_loop3A_145 = arith.constant 16 : i32
        %parallel_loop3A_146 = arith.muli %parallel_loop3A_105, %parallel_loop3A_145 : i32
        %parallel_loop3A_147 = tpu.assume_multiple %parallel_loop3A_146, 16 : i32
        %parallel_loop3A_148 = arith.constant 5 : i32
        %parallel_loop3A_149 = arith.index_cast %parallel_loop3A_148 : i32 to index
        %parallel_loop3A_150 = arith.index_cast %parallel_loop3A_147 : i32 to index
        %parallel_loop3A_151 = tpu.vector_load %arg18[%parallel_loop3A_149, %parallel_loop3A_150] {strides = array<i32>} : memref<16x128xf32, #tpu.memory_space<vmem>>, vector<16xf32>,
        %parallel_loop3A_152 = arith.addf %parallel_loop3A_144, %parallel_loop3A_151 : vector<16xf32>
        %parallel_loop3A_153 = arith.constant 16 : i32
        %parallel_loop3A_154 = arith.muli %parallel_loop3A_105, %parallel_loop3A_153 : i32
        %parallel_loop3A_155 = tpu.assume_multiple %parallel_loop3A_154, 16 : i32
        %parallel_loop3A_156 = arith.constant 6 : i32
        %parallel_loop3A_157 = arith.index_cast %parallel_loop3A_156 : i32 to index
        %parallel_loop3A_158 = arith.index_cast %parallel_loop3A_155 : i32 to index
        %parallel_loop3A_159 = tpu.vector_load %arg18[%parallel_loop3A_157, %parallel_loop3A_158] {strides = array<i32>} : memref<16x128xf32, #tpu.memory_space<vmem>>, vector<16xf32>,
        %parallel_loop3A_160 = arith.addf %parallel_loop3A_152, %parallel_loop3A_159 : vector<16xf32>
        %parallel_loop3A_161 = arith.constant 16 : i32
        %parallel_loop3A_162 = arith.muli %parallel_loop3A_105, %parallel_loop3A_161 : i32
        %parallel_loop3A_163 = tpu.assume_multiple %parallel_loop3A_162, 16 : i32
        %parallel_loop3A_164 = arith.constant 7 : i32
        %parallel_loop3A_165 = arith.index_cast %parallel_loop3A_164 : i32 to index
        %parallel_loop3A_166 = arith.index_cast %parallel_loop3A_163 : i32 to index
        %parallel_loop3A_167 = tpu.vector_load %arg18[%parallel_loop3A_165, %parallel_loop3A_166] {strides = array<i32>} : memref<16x128xf32, #tpu.memory_space<vmem>>, vector<16xf32>,
        %parallel_loop3A_168 = arith.addf %parallel_loop3A_160, %parallel_loop3A_167 : vector<16xf32>
        %parallel_loop3A_169 = arith.constant 16 : i32
        %parallel_loop3A_170 = arith.muli %parallel_loop3A_105, %parallel_loop3A_169 : i32
        %parallel_loop3A_171 = tpu.assume_multiple %parallel_loop3A_170, 16 : i32
        %parallel_loop3A_172 = arith.constant 8 : i32
        %parallel_loop3A_173 = arith.index_cast %parallel_loop3A_172 : i32 to index
        %parallel_loop3A_174 = arith.index_cast %parallel_loop3A_171 : i32 to index
        %parallel_loop3A_175 = tpu.vector_load %arg18[%parallel_loop3A_173, %parallel_loop3A_174] {strides = array<i32>} : memref<16x128xf32, #tpu.memory_space<vmem>>, vector<16xf32>,
        %parallel_loop3A_176 = arith.addf %parallel_loop3A_168, %parallel_loop3A_175 : vector<16xf32>
        %parallel_loop3A_177 = arith.constant 16 : i32
        %parallel_loop3A_178 = arith.muli %parallel_loop3A_105, %parallel_loop3A_177 : i32
        %parallel_loop3A_179 = tpu.assume_multiple %parallel_loop3A_178, 16 : i32
        %parallel_loop3A_180 = arith.constant 9 : i32
        %parallel_loop3A_181 = arith.index_cast %parallel_loop3A_180 : i32 to index
        %parallel_loop3A_182 = arith.index_cast %parallel_loop3A_179 : i32 to index
        %parallel_loop3A_183 = tpu.vector_load %arg18[%parallel_loop3A_181, %parallel_loop3A_182] {strides = array<i32>} : memref<16x128xf32, #tpu.memory_space<vmem>>, vector<16xf32>,
        %parallel_loop3A_184 = arith.addf %parallel_loop3A_176, %parallel_loop3A_183 : vector<16xf32>
        %parallel_loop3A_185 = arith.constant 16 : i32
        %parallel_loop3A_186 = arith.muli %parallel_loop3A_105, %parallel_loop3A_185 : i32
        %parallel_loop3A_187 = tpu.assume_multiple %parallel_loop3A_186, 16 : i32
        %parallel_loop3A_188 = arith.constant 10 : i32
        %parallel_loop3A_189 = arith.index_cast %parallel_loop3A_188 : i32 to index
        %parallel_loop3A_190 = arith.index_cast %parallel_loop3A_187 : i32 to index
        %parallel_loop3A_191 = tpu.vector_load %arg18[%parallel_loop3A_189, %parallel_loop3A_190] {strides = array<i32>} : memref<16x128xf32, #tpu.memory_space<vmem>>, vector<16xf32>,
        %parallel_loop3A_192 = arith.addf %parallel_loop3A_184, %parallel_loop3A_191 : vector<16xf32>
        %parallel_loop3A_193 = arith.constant 16 : i32
        %parallel_loop3A_194 = arith.muli %parallel_loop3A_105, %parallel_loop3A_193 : i32
        %parallel_loop3A_195 = tpu.assume_multiple %parallel_loop3A_194, 16 : i32
        %parallel_loop3A_196 = arith.constant 11 : i32
        %parallel_loop3A_197 = arith.index_cast %parallel_loop3A_196 : i32 to index
        %parallel_loop3A_198 = arith.index_cast %parallel_loop3A_195 : i32 to index
        %parallel_loop3A_199 = tpu.vector_load %arg18[%parallel_loop3A_197, %parallel_loop3A_198] {strides = array<i32>} : memref<16x128xf32, #tpu.memory_space<vmem>>, vector<16xf32>,
        %parallel_loop3A_200 = arith.addf %parallel_loop3A_192, %parallel_loop3A_199 : vector<16xf32>
        %parallel_loop3A_201 = arith.constant 16 : i32
        %parallel_loop3A_202 = arith.muli %parallel_loop3A_105, %parallel_loop3A_201 : i32
        %parallel_loop3A_203 = tpu.assume_multiple %parallel_loop3A_202, 16 : i32
        %parallel_loop3A_204 = arith.constant 12 : i32
        %parallel_loop3A_205 = arith.index_cast %parallel_loop3A_204 : i32 to index
        %parallel_loop3A_206 = arith.index_cast %parallel_loop3A_203 : i32 to index
        %parallel_loop3A_207 = tpu.vector_load %arg18[%parallel_loop3A_205, %parallel_loop3A_206] {strides = array<i32>} : memref<16x128xf32, #tpu.memory_space<vmem>>, vector<16xf32>,
        %parallel_loop3A_208 = arith.addf %parallel_loop3A_200, %parallel_loop3A_207 : vector<16xf32>
        %parallel_loop3A_209 = arith.constant 16 : i32
        %parallel_loop3A_210 = arith.muli %parallel_loop3A_105, %parallel_loop3A_209 : i32
        %parallel_loop3A_211 = tpu.assume_multiple %parallel_loop3A_210, 16 : i32
        %parallel_loop3A_212 = arith.constant 13 : i32
        %parallel_loop3A_213 = arith.index_cast %parallel_loop3A_212 : i32 to index
        %parallel_loop3A_214 = arith.index_cast %parallel_loop3A_211 : i32 to index
        %parallel_loop3A_215 = tpu.vector_load %arg18[%parallel_loop3A_213, %parallel_loop3A_214] {strides = array<i32>} : memref<16x128xf32, #tpu.memory_space<vmem>>, vector<16xf32>,
        %parallel_loop3A_216 = arith.addf %parallel_loop3A_208, %parallel_loop3A_215 : vector<16xf32>
        %parallel_loop3A_217 = arith.constant 16 : i32
        %parallel_loop3A_218 = arith.muli %parallel_loop3A_105, %parallel_loop3A_217 : i32
        %parallel_loop3A_219 = tpu.assume_multiple %parallel_loop3A_218, 16 : i32
        %parallel_loop3A_220 = arith.constant 14 : i32
        %parallel_loop3A_221 = arith.index_cast %parallel_loop3A_220 : i32 to index
        %parallel_loop3A_222 = arith.index_cast %parallel_loop3A_219 : i32 to index
        %parallel_loop3A_223 = tpu.vector_load %arg18[%parallel_loop3A_221, %parallel_loop3A_222] {strides = array<i32>} : memref<16x128xf32, #tpu.memory_space<vmem>>, vector<16xf32>,
        %parallel_loop3A_224 = arith.addf %parallel_loop3A_216, %parallel_loop3A_223 : vector<16xf32>
        %parallel_loop3A_225 = arith.constant 16 : i32
        %parallel_loop3A_226 = arith.muli %parallel_loop3A_105, %parallel_loop3A_225 : i32
        %parallel_loop3A_227 = tpu.assume_multiple %parallel_loop3A_226, 16 : i32
        %parallel_loop3A_228 = arith.constant 15 : i32
        %parallel_loop3A_229 = arith.index_cast %parallel_loop3A_228 : i32 to index
        %parallel_loop3A_230 = arith.index_cast %parallel_loop3A_227 : i32 to index
        %parallel_loop3A_231 = tpu.vector_load %arg18[%parallel_loop3A_229, %parallel_loop3A_230] {strides = array<i32>} : memref<16x128xf32, #tpu.memory_space<vmem>>, vector<16xf32>,
        %parallel_loop3A_232 = arith.addf %parallel_loop3A_224, %parallel_loop3A_231 : vector<16xf32>
        %parallel_loop3A_233 = arith.constant 16 : i32
        %parallel_loop3A_234 = arith.muli %parallel_loop3A_105, %parallel_loop3A_233 : i32
        %parallel_loop3A_235 = tpu.assume_multiple %parallel_loop3A_234, 16 : i32
        %parallel_loop3A_236 = arith.index_cast %parallel_loop3A_235 : i32 to index
        %parallel_loop3A_237 = tpu.vector_load %arg16[%parallel_loop3A_236] {strides = array<i32>} : memref<128xf32, #tpu.memory_space<vmem>>, vector<16xf32>,
        tpu.vector_store %arg16[%parallel_loop3A_236], %parallel_loop3A_232 {strides = array<i32>} : memref<128xf32, #tpu.memory_space<vmem>>, vector<16xf32>,
      } {sc.loop_unroll_factor = 2 : i64, sc.parallel_access}
      "tpu.region"() ({
        %run_scoped3A = tpu.sem_alloc : memref<!tpu.dma_semaphore, #tpu.memory_space<semaphore_mem>>
        tpu.enqueue_dma source(%arg26 : memref<16x128xf32, #tpu.memory_space<vmem_shared>>) target(%arg18 : memref<16x128xf32, #tpu.memory_space<vmem>>) target_semaphore(%run_scoped3A : memref<!tpu.dma_semaphore, #tpu.memory_space<semaphore_mem>>)
        tpu.wait_dma2 semaphore(%run_scoped3A : memref<!tpu.dma_semaphore, #tpu.memory_space<semaphore_mem>>) src(%arg26 : memref<16x128xf32, #tpu.memory_space<vmem_shared>>) dst(%arg18 : memref<16x128xf32, #tpu.memory_space<vmem>>)
        tpu.yield
      }) : () -> ()
      %parallel_loop3A_102 = arith.constant 0 : i32
      %parallel_loop3A_103 = arith.constant 8 : i32
      %parallel_loop3A_104 = arith.constant 1 : i32
      scf.for %parallel_loop3A_105 = %parallel_loop3A_102 to %parallel_loop3A_103 step %parallel_loop3A_104  : i32 {
        %parallel_loop3A_106 = arith.constant 16 : i32
        %parallel_loop3A_107 = arith.muli %parallel_loop3A_105, %parallel_loop3A_106 : i32
        %parallel_loop3A_108 = tpu.assume_multiple %parallel_loop3A_107, 16 : i32
        %parallel_loop3A_109 = arith.constant 0 : i32
        %parallel_loop3A_110 = arith.index_cast %parallel_loop3A_109 : i32 to index
        %parallel_loop3A_111 = arith.index_cast %parallel_loop3A_108 : i32 to index
        %parallel_loop3A_112 = tpu.vector_load %arg18[%parallel_loop3A_110, %parallel_loop3A_111] {strides = array<i32>} : memref<16x128xf32, #tpu.memory_space<vmem>>, vector<16xf32>,
        %parallel_loop3A_113 = arith.constant 16 : i32
        %parallel_loop3A_114 = arith.muli %parallel_loop3A_105, %parallel_loop3A_113 : i32
        %parallel_loop3A_115 = tpu.assume_multiple %parallel_loop3A_114, 16 : i32
        %parallel_loop3A_116 = arith.constant 1 : i32
        %parallel_loop3A_117 = arith.index_cast %parallel_loop3A_116 : i32 to index
        %parallel_loop3A_118 = arith.index_cast %parallel_loop3A_115 : i32 to index
        %parallel_loop3A_119 = tpu.vector_load %arg18[%parallel_loop3A_117, %parallel_loop3A_118] {strides = array<i32>} : memref<16x128xf32, #tpu.memory_space<vmem>>, vector<16xf32>,
        %parallel_loop3A_120 = arith.addf %parallel_loop3A_112, %parallel_loop3A_119 : vector<16xf32>
        %parallel_loop3A_121 = arith.constant 16 : i32
        %parallel_loop3A_122 = arith.muli %parallel_loop3A_105, %parallel_loop3A_121 : i32
        %parallel_loop3A_123 = tpu.assume_multiple %parallel_loop3A_122, 16 : i32
        %parallel_loop3A_124 = arith.constant 2 : i32
        %parallel_loop3A_125 = arith.index_cast %parallel_loop3A_124 : i32 to index
        %parallel_loop3A_126 = arith.index_cast %parallel_loop3A_123 : i32 to index
        %parallel_loop3A_127 = tpu.vector_load %arg18[%parallel_loop3A_125, %parallel_loop3A_126] {strides = array<i32>} : memref<16x128xf32, #tpu.memory_space<vmem>>, vector<16xf32>,
        %parallel_loop3A_128 = arith.addf %parallel_loop3A_120, %parallel_loop3A_127 : vector<16xf32>
        %parallel_loop3A_129 = arith.constant 16 : i32
        %parallel_loop3A_130 = arith.muli %parallel_loop3A_105, %parallel_loop3A_129 : i32
        %parallel_loop3A_131 = tpu.assume_multiple %parallel_loop3A_130, 16 : i32
        %parallel_loop3A_132 = arith.constant 3 : i32
        %parallel_loop3A_133 = arith.index_cast %parallel_loop3A_132 : i32 to index
        %parallel_loop3A_134 = arith.index_cast %parallel_loop3A_131 : i32 to index
        %parallel_loop3A_135 = tpu.vector_load %arg18[%parallel_loop3A_133, %parallel_loop3A_134] {strides = array<i32>} : memref<16x128xf32, #tpu.memory_space<vmem>>, vector<16xf32>,
        %parallel_loop3A_136 = arith.addf %parallel_loop3A_128, %parallel_loop3A_135 : vector<16xf32>
        %parallel_loop3A_137 = arith.constant 16 : i32
        %parallel_loop3A_138 = arith.muli %parallel_loop3A_105, %parallel_loop3A_137 : i32
        %parallel_loop3A_139 = tpu.assume_multiple %parallel_loop3A_138, 16 : i32
        %parallel_loop3A_140 = arith.constant 4 : i32
        %parallel_loop3A_141 = arith.index_cast %parallel_loop3A_140 : i32 to index
        %parallel_loop3A_142 = arith.index_cast %parallel_loop3A_139 : i32 to index
        %parallel_loop3A_143 = tpu.vector_load %arg18[%parallel_loop3A_141, %parallel_loop3A_142] {strides = array<i32>} : memref<16x128xf32, #tpu.memory_space<vmem>>, vector<16xf32>,
        %parallel_loop3A_144 = arith.addf %parallel_loop3A_136, %parallel_loop3A_143 : vector<16xf32>
        %parallel_loop3A_145 = arith.constant 16 : i32
        %parallel_loop3A_146 = arith.muli %parallel_loop3A_105, %parallel_loop3A_145 : i32
        %parallel_loop3A_147 = tpu.assume_multiple %parallel_loop3A_146, 16 : i32
        %parallel_loop3A_148 = arith.constant 5 : i32
        %parallel_loop3A_149 = arith.index_cast %parallel_loop3A_148 : i32 to index
        %parallel_loop3A_150 = arith.index_cast %parallel_loop3A_147 : i32 to index
        %parallel_loop3A_151 = tpu.vector_load %arg18[%parallel_loop3A_149, %parallel_loop3A_150] {strides = array<i32>} : memref<16x128xf32, #tpu.memory_space<vmem>>, vector<16xf32>,
        %parallel_loop3A_152 = arith.addf %parallel_loop3A_144, %parallel_loop3A_151 : vector<16xf32>
        %parallel_loop3A_153 = arith.constant 16 : i32
        %parallel_loop3A_154 = arith.muli %parallel_loop3A_105, %parallel_loop3A_153 : i32
        %parallel_loop3A_155 = tpu.assume_multiple %parallel_loop3A_154, 16 : i32
        %parallel_loop3A_156 = arith.constant 6 : i32
        %parallel_loop3A_157 = arith.index_cast %parallel_loop3A_156 : i32 to index
        %parallel_loop3A_158 = arith.index_cast %parallel_loop3A_155 : i32 to index
        %parallel_loop3A_159 = tpu.vector_load %arg18[%parallel_loop3A_157, %parallel_loop3A_158] {strides = array<i32>} : memref<16x128xf32, #tpu.memory_space<vmem>>, vector<16xf32>,
        %parallel_loop3A_160 = arith.addf %parallel_loop3A_152, %parallel_loop3A_159 : vector<16xf32>
        %parallel_loop3A_161 = arith.constant 16 : i32
        %parallel_loop3A_162 = arith.muli %parallel_loop3A_105, %parallel_loop3A_161 : i32
        %parallel_loop3A_163 = tpu.assume_multiple %parallel_loop3A_162, 16 : i32
        %parallel_loop3A_164 = arith.constant 7 : i32
        %parallel_loop3A_165 = arith.index_cast %parallel_loop3A_164 : i32 to index
        %parallel_loop3A_166 = arith.index_cast %parallel_loop3A_163 : i32 to index
        %parallel_loop3A_167 = tpu.vector_load %arg18[%parallel_loop3A_165, %parallel_loop3A_166] {strides = array<i32>} : memref<16x128xf32, #tpu.memory_space<vmem>>, vector<16xf32>,
        %parallel_loop3A_168 = arith.addf %parallel_loop3A_160, %parallel_loop3A_167 : vector<16xf32>
        %parallel_loop3A_169 = arith.constant 16 : i32
        %parallel_loop3A_170 = arith.muli %parallel_loop3A_105, %parallel_loop3A_169 : i32
        %parallel_loop3A_171 = tpu.assume_multiple %parallel_loop3A_170, 16 : i32
        %parallel_loop3A_172 = arith.constant 8 : i32
        %parallel_loop3A_173 = arith.index_cast %parallel_loop3A_172 : i32 to index
        %parallel_loop3A_174 = arith.index_cast %parallel_loop3A_171 : i32 to index
        %parallel_loop3A_175 = tpu.vector_load %arg18[%parallel_loop3A_173, %parallel_loop3A_174] {strides = array<i32>} : memref<16x128xf32, #tpu.memory_space<vmem>>, vector<16xf32>,
        %parallel_loop3A_176 = arith.addf %parallel_loop3A_168, %parallel_loop3A_175 : vector<16xf32>
        %parallel_loop3A_177 = arith.constant 16 : i32
        %parallel_loop3A_178 = arith.muli %parallel_loop3A_105, %parallel_loop3A_177 : i32
        %parallel_loop3A_179 = tpu.assume_multiple %parallel_loop3A_178, 16 : i32
        %parallel_loop3A_180 = arith.constant 9 : i32
        %parallel_loop3A_181 = arith.index_cast %parallel_loop3A_180 : i32 to index
        %parallel_loop3A_182 = arith.index_cast %parallel_loop3A_179 : i32 to index
        %parallel_loop3A_183 = tpu.vector_load %arg18[%parallel_loop3A_181, %parallel_loop3A_182] {strides = array<i32>} : memref<16x128xf32, #tpu.memory_space<vmem>>, vector<16xf32>,
        %parallel_loop3A_184 = arith.addf %parallel_loop3A_176, %parallel_loop3A_183 : vector<16xf32>
        %parallel_loop3A_185 = arith.constant 16 : i32
        %parallel_loop3A_186 = arith.muli %parallel_loop3A_105, %parallel_loop3A_185 : i32
        %parallel_loop3A_187 = tpu.assume_multiple %parallel_loop3A_186, 16 : i32
        %parallel_loop3A_188 = arith.constant 10 : i32
        %parallel_loop3A_189 = arith.index_cast %parallel_loop3A_188 : i32 to index
        %parallel_loop3A_190 = arith.index_cast %parallel_loop3A_187 : i32 to index
        %parallel_loop3A_191 = tpu.vector_load %arg18[%parallel_loop3A_189, %parallel_loop3A_190] {strides = array<i32>} : memref<16x128xf32, #tpu.memory_space<vmem>>, vector<16xf32>,
        %parallel_loop3A_192 = arith.addf %parallel_loop3A_184, %parallel_loop3A_191 : vector<16xf32>
        %parallel_loop3A_193 = arith.constant 16 : i32
        %parallel_loop3A_194 = arith.muli %parallel_loop3A_105, %parallel_loop3A_193 : i32
        %parallel_loop3A_195 = tpu.assume_multiple %parallel_loop3A_194, 16 : i32
        %parallel_loop3A_196 = arith.constant 11 : i32
        %parallel_loop3A_197 = arith.index_cast %parallel_loop3A_196 : i32 to index
        %parallel_loop3A_198 = arith.index_cast %parallel_loop3A_195 : i32 to index
        %parallel_loop3A_199 = tpu.vector_load %arg18[%parallel_loop3A_197, %parallel_loop3A_198] {strides = array<i32>} : memref<16x128xf32, #tpu.memory_space<vmem>>, vector<16xf32>,
        %parallel_loop3A_200 = arith.addf %parallel_loop3A_192, %parallel_loop3A_199 : vector<16xf32>
        %parallel_loop3A_201 = arith.constant 16 : i32
        %parallel_loop3A_202 = arith.muli %parallel_loop3A_105, %parallel_loop3A_201 : i32
        %parallel_loop3A_203 = tpu.assume_multiple %parallel_loop3A_202, 16 : i32
        %parallel_loop3A_204 = arith.constant 12 : i32
        %parallel_loop3A_205 = arith.index_cast %parallel_loop3A_204 : i32 to index
        %parallel_loop3A_206 = arith.index_cast %parallel_loop3A_203 : i32 to index
        %parallel_loop3A_207 = tpu.vector_load %arg18[%parallel_loop3A_205, %parallel_loop3A_206] {strides = array<i32>} : memref<16x128xf32, #tpu.memory_space<vmem>>, vector<16xf32>,
        %parallel_loop3A_208 = arith.addf %parallel_loop3A_200, %parallel_loop3A_207 : vector<16xf32>
        %parallel_loop3A_209 = arith.constant 16 : i32
        %parallel_loop3A_210 = arith.muli %parallel_loop3A_105, %parallel_loop3A_209 : i32
        %parallel_loop3A_211 = tpu.assume_multiple %parallel_loop3A_210, 16 : i32
        %parallel_loop3A_212 = arith.constant 13 : i32
        %parallel_loop3A_213 = arith.index_cast %parallel_loop3A_212 : i32 to index
        %parallel_loop3A_214 = arith.index_cast %parallel_loop3A_211 : i32 to index
        %parallel_loop3A_215 = tpu.vector_load %arg18[%parallel_loop3A_213, %parallel_loop3A_214] {strides = array<i32>} : memref<16x128xf32, #tpu.memory_space<vmem>>, vector<16xf32>,
        %parallel_loop3A_216 = arith.addf %parallel_loop3A_208, %parallel_loop3A_215 : vector<16xf32>
        %parallel_loop3A_217 = arith.constant 16 : i32
        %parallel_loop3A_218 = arith.muli %parallel_loop3A_105, %parallel_loop3A_217 : i32
        %parallel_loop3A_219 = tpu.assume_multiple %parallel_loop3A_218, 16 : i32
        %parallel_loop3A_220 = arith.constant 14 : i32
        %parallel_loop3A_221 = arith.index_cast %parallel_loop3A_220 : i32 to index
        %parallel_loop3A_222 = arith.index_cast %parallel_loop3A_219 : i32 to index
        %parallel_loop3A_223 = tpu.vector_load %arg18[%parallel_loop3A_221, %parallel_loop3A_222] {strides = array<i32>} : memref<16x128xf32, #tpu.memory_space<vmem>>, vector<16xf32>,
        %parallel_loop3A_224 = arith.addf %parallel_loop3A_216, %parallel_loop3A_223 : vector<16xf32>
        %parallel_loop3A_225 = arith.constant 16 : i32
        %parallel_loop3A_226 = arith.muli %parallel_loop3A_105, %parallel_loop3A_225 : i32
        %parallel_loop3A_227 = tpu.assume_multiple %parallel_loop3A_226, 16 : i32
        %parallel_loop3A_228 = arith.constant 15 : i32
        %parallel_loop3A_229 = arith.index_cast %parallel_loop3A_228 : i32 to index
        %parallel_loop3A_230 = arith.index_cast %parallel_loop3A_227 : i32 to index
        %parallel_loop3A_231 = tpu.vector_load %arg18[%parallel_loop3A_229, %parallel_loop3A_230] {strides = array<i32>} : memref<16x128xf32, #tpu.memory_space<vmem>>, vector<16xf32>,
        %parallel_loop3A_232 = arith.addf %parallel_loop3A_224, %parallel_loop3A_231 : vector<16xf32>
        %parallel_loop3A_233 = arith.constant 16 : i32
        %parallel_loop3A_234 = arith.muli %parallel_loop3A_105, %parallel_loop3A_233 : i32
        %parallel_loop3A_235 = tpu.assume_multiple %parallel_loop3A_234, 16 : i32
        %parallel_loop3A_236 = arith.index_cast %parallel_loop3A_235 : i32 to index
        %parallel_loop3A_237 = tpu.vector_load %arg17[%parallel_loop3A_236] {strides = array<i32>} : memref<128xf32, #tpu.memory_space<vmem>>, vector<16xf32>,
        tpu.vector_store %arg17[%parallel_loop3A_236], %parallel_loop3A_232 {strides = array<i32>} : memref<128xf32, #tpu.memory_space<vmem>>, vector<16xf32>,
      } {sc.loop_unroll_factor = 2 : i64, sc.parallel_access}
      "tpu.region"() ({
        %run_scoped3A = tpu.sem_alloc : memref<!tpu.dma_semaphore, #tpu.memory_space<semaphore_mem>>
        %dma_start3A_105 = arith.constant 0 : i32
        %dma_start3A_106 = tpu.memref_slice %arg16[%dma_start3A_105] : memref<128xf32, #tpu.memory_space<vmem>> -> memref<64xf32, #tpu.memory_space<vmem>>
        %dma_start3A_107 = arith.constant 0 : i32
        %dma_start3A_108 = tpu.memref_slice %arg16[%dma_start3A_107] : memref<128xf32, #tpu.memory_space<vmem>> -> memref<64xf32, #tpu.memory_space<vmem>>
        tpu.enqueue_dma source(%dma_start3A_108 : memref<64xf32, #tpu.memory_space<vmem>>) target(%arg4 : memref<64xf32, #tpu.memory_space<hbm>>) target_semaphore(%run_scoped3A : memref<!tpu.dma_semaphore, #tpu.memory_space<semaphore_mem>>)
        %dma_wait3A_109 = arith.constant 0 : i32
        %dma_wait3A_110 = tpu.memref_slice %arg16[%dma_wait3A_109] : memref<128xf32, #tpu.memory_space<vmem>> -> memref<64xf32, #tpu.memory_space<vmem>>
        %dma_wait3A_111 = arith.constant 0 : i32
        %dma_wait3A_112 = tpu.memref_slice %arg16[%dma_wait3A_111] : memref<128xf32, #tpu.memory_space<vmem>> -> memref<64xf32, #tpu.memory_space<vmem>>
        tpu.wait_dma2 semaphore(%run_scoped3A : memref<!tpu.dma_semaphore, #tpu.memory_space<semaphore_mem>>) src(%dma_wait3A_112 : memref<64xf32, #tpu.memory_space<vmem>>) dst(%arg4 : memref<64xf32, #tpu.memory_space<hbm>>)
        tpu.yield
      }) : () -> ()
      "tpu.region"() ({
        %run_scoped3A = tpu.sem_alloc : memref<!tpu.dma_semaphore, #tpu.memory_space<semaphore_mem>>
        %dma_start3A_105 = arith.constant 0 : i32
        %dma_start3A_106 = tpu.memref_slice %arg17[%dma_start3A_105] : memref<128xf32, #tpu.memory_space<vmem>> -> memref<64xf32, #tpu.memory_space<vmem>>
        %dma_start3A_107 = arith.constant 0 : i32
        %dma_start3A_108 = tpu.memref_slice %arg17[%dma_start3A_107] : memref<128xf32, #tpu.memory_space<vmem>> -> memref<64xf32, #tpu.memory_space<vmem>>
        tpu.enqueue_dma source(%dma_start3A_108 : memref<64xf32, #tpu.memory_space<vmem>>) target(%arg5 : memref<64xf32, #tpu.memory_space<hbm>>) target_semaphore(%run_scoped3A : memref<!tpu.dma_semaphore, #tpu.memory_space<semaphore_mem>>)
        %dma_wait3A_109 = arith.constant 0 : i32
        %dma_wait3A_110 = tpu.memref_slice %arg17[%dma_wait3A_109] : memref<128xf32, #tpu.memory_space<vmem>> -> memref<64xf32, #tpu.memory_space<vmem>>
        %dma_wait3A_111 = arith.constant 0 : i32
        %dma_wait3A_112 = tpu.memref_slice %arg17[%dma_wait3A_111] : memref<128xf32, #tpu.memory_space<vmem>> -> memref<64xf32, #tpu.memory_space<vmem>>
        tpu.wait_dma2 semaphore(%run_scoped3A : memref<!tpu.dma_semaphore, #tpu.memory_space<semaphore_mem>>) src(%dma_wait3A_112 : memref<64xf32, #tpu.memory_space<vmem>>) dst(%arg5 : memref<64xf32, #tpu.memory_space<hbm>>)
        tpu.yield
      }) : () -> ()
    } else {
    }
    return
  }
}

module attributes {stable_mosaic.version = 14 : i64} {
  func.func @body(%arg0: memref<1x256xf32, #tpu.memory_space<vmem>>, %arg1: memref<256x256xf32, #tpu.memory_space<vmem>>, %arg2: memref<256x8xf32, #tpu.memory_space<vmem>>, %arg3: memref<1x16xf32, #tpu.memory_space<vmem>>) attributes {dimension_semantics = [], scalar_prefetch = 0 : i64, scratch_operands = 0 : i64, tpu.core_type = #tpu.core_type<tc>} {
    %get3A = arith.constant 0 : index
    %get3A_0 = arith.constant 0 : index
    %get3A_1 = vector.load %arg0[%get3A, %get3A_0] : memref<1x256xf32, #tpu.memory_space<vmem>>, vector<1x256xf32>
    %max3A = arith.constant 0.000000e+00 : f32
    %max3A_2 = vector.broadcast %max3A : f32 to vector<1x256xf32>
    %max3A_3 = arith.maximumf %get3A_1, %max3A_2 : vector<1x256xf32>
    %get3A_4 = arith.constant 0 : index
    %get3A_5 = arith.constant 0 : index
    %get3A_6 = vector.load %arg1[%get3A_4, %get3A_5] : memref<256x256xf32, #tpu.memory_space<vmem>>, vector<256x256xf32>
    %dot_general3A = arith.constant dense<0.000000e+00> : vector<1x256xf32>
    %dot_general3A_7 = tpu.matmul %max3A_3, %get3A_6, %dot_general3A {dimension_numbers = #tpu.dot_dimension_numbers<[1], [0], [0], [1], [0, 0, 1, 1], [], []>, transpose_lhs_hint = false} : vector<1x256xf32>, vector<256x256xf32>, vector<1x256xf32> -> vector<1x256xf32>
    %max3A_8 = arith.constant 0.000000e+00 : f32
    %max3A_9 = vector.broadcast %max3A_8 : f32 to vector<1x256xf32>
    %max3A_10 = arith.maximumf %dot_general3A_7, %max3A_9 : vector<1x256xf32>
    %get3A_11 = arith.constant 0 : index
    %get3A_12 = arith.constant 0 : index
    %get3A_13 = vector.load %arg2[%get3A_11, %get3A_12] : memref<256x8xf32, #tpu.memory_space<vmem>>, vector<256x8xf32>
    %dot_general3A_14 = arith.constant dense<0.000000e+00> : vector<1x8xf32>
    %dot_general3A_15 = tpu.matmul %max3A_10, %get3A_13, %dot_general3A_14 {dimension_numbers = #tpu.dot_dimension_numbers<[1], [0], [0], [1], [0, 0, 1, 1], [], []>, transpose_lhs_hint = false} : vector<1x256xf32>, vector<256x8xf32>, vector<1x8xf32> -> vector<1x8xf32>
    %broadcast_in_dim3A = arith.constant 0.000000e+00 : f32
    %broadcast_in_dim3A_16 = vector.broadcast %broadcast_in_dim3A : f32 to vector<1x8xf32>
    %concatenate3A = tpu.concatenate %dot_general3A_15, %broadcast_in_dim3A_16 in 1 : vector<1x8xf32>, vector<1x8xf32> -> vector<1x16xf32>
    %swap3A = arith.constant 0 : index
    %swap3A_17 = arith.constant 0 : index
    %swap3A_18 = vector.load %arg3[%swap3A, %swap3A_17] : memref<1x16xf32, #tpu.memory_space<vmem>>, vector<1x16xf32>
    tpu.vector_store %arg3[%swap3A, %swap3A_17], %concatenate3A {strides = array<i32>} : memref<1x16xf32, #tpu.memory_space<vmem>>, vector<1x16xf32>,
    return
  }
}

</mosaic_0001>

<sc_bundles>
// kernel: kernel.4.cloned.1.call-start
scs
__scs_entry_jumppad:
0x0: {  	(pc) =	sbr.rel $0x88, $3  }
0x1: {  	(tag) =	ssettag $0x0;
	lr =	simm.s32 $0x1  }
0x2: {  	[smem:$0x3F9C] =	sst lr;
	_ =	strace $0xD0000000  }
0x3: {  	_ = 	snop  }
0x4: {  	_ = 	snop  }
0x5: {  	_ = 	snop  }
0x6: {  	_ = 	snop  }
0x7: {  	_ = 	snop  }
__scs_overlays_trampoline_lowered:
0x8: {  	[smem:$0x3FAB] =	sst s0  }
0x9: {  	[smem:$0x3FAC] =	sst s1  }
0xa: {  	[smem:$0x3FAD] =	sst s2  }
0xb: {  	[smem:$0x3FAE] =	sst s3  }
0xc: {  	[smem:$0x3FAF] =	sst s4  }
0xd: {  	[smem:$0x3FB0] =	sst s5  }
0xe: {  	[smem:$0x3FB1] =	sst s6  }
0xf: {  	[smem:$0x3FB2] =	sst s7  }
0x10: {  	[smem:$0x3FB3] =	sst s8  }
0x11: {  	[smem:$0x3FB4] =	sst s9;
	s0 =	simm.s32 @!p0 $0x0  }
0x12: {  	s1 =	sld [smem:$0x3F9A];
	s0 =	simm.s32 @p0 $0x1  }
0x13: {  	[smem:$0x3FB5] =	sst s0;
	s0 =	simm.s32 @!p1 $0x0  }
0x14: {  	s2 =	sld [smem:$0x3F99];
	s0 =	simm.s32 @p1 $0x1  }
0x15: {  	[smem:$0x3FB6] =	sst s0;
	s0 =	simm.s32 @!p2 $0x0  }
0x16: {  	s3 =	sld [smem:$0x3FDB];
	s0 =	simm.s32 @p2 $0x1  }
0x17: {  	s4 =	simm.s32 $0x1BF5;
	[smem:$0x3FB8] =	sst s0  }
0x18: {  	s0 =	sld [smem:$0x3F9B];
	_ =	swait.ge [sflag:s4], $0x0  }
0x19: {  	s7 =	sld [smem:$0x3F9C]  }
0x1a: {  	s8 =	sadd.s32 $0xFFFFE003, lr  }
0x1b: {  	s9 =	sadd.s32 $0xFFFFFEF7, lr;
	s5 =	simm.s32 $0xFFFFFFFF;
	p2 =	slt.u32 s8, $0xFFFFF086  }
0x1c: {  	p1 =	slt.u32 s9, $0xF7A;
	s5 =	simm.s32 @!p2 $0x0  }
0x1d: {  	s5 =	simm.s32 @p1 $0x1;
	p0 =	seq.s32 s7, s2  }
0x1e: {  	s7 =	smul.u32 @!p0 $0xF7A, s2;
	p2 =	seq.s32 @!p0 s5, $0x0  }
0x1f: {  	s9 =	smul.u32 $0xF7A, s1;
	s8 =	simm.s32 @!p0 $0x1BF5;
	p2 =	por !p2, p0  }
0x20: {  	[sflag:s8] =	ssyncset.s32 @!p0 $0xFFFFF086;
	s6 =	sadd.s32 @!p0 s3, s7;
	s7 =	simm.s32 @!p0 $0x108  }
0x21: {  	s3 =	sadd.s32 s3, s9;
	s6 =	sadd.s32 @!p0 $0x88, s6;
	s7 =	simm.s32 @p2 $0x1082  }
0x22: {  	[simem:s7], [sflag:s8] =	dma.local @!p0 [hbm:s6], $0xF7A  }
0x23: {  	s9 =	sor.u32 $0xD0000000, s2;
	s6 =	simm.s32 $0x108;
	_ =	swait.ge @!p0 [sflag:s8], $0x0  }
0x24: {  	s3 =	sadd.s32 $0x88, s3;
	s6 =	simm.s32 @!p1 $0x1082;
	[sflag:s4] =	ssyncset.s32 $0xFFFFF086  }
0x25: {  	[simem:s6], [sflag:s4] =	dma.local [hbm:s3], $0xF7A  }
0x26: {  	[smem:$0x3F9C] =	sst s1;
	(tag) =	ssettag s2;
	_ =	strace s9  }
0x27: {  	s1 =	sld [smem:$0x3FAC]  }
0x28: {  	s2 =	sld [smem:$0x3FAD]  }
0x29: {  	s4 =	sld [smem:$0x3FAF]  }
0x2a: {  	p0 =	seq.s32 s5, $0x0;
	s5 =	sld [smem:$0x3FB0]  }
0x2b: {  	s6 =	sld [smem:$0x3FB1]  }
0x2c: {  	s7 =	sld [smem:$0x3FB2]  }
0x2d: {  	s3 =	simm.s32 $0x108;
	s8 =	sld [smem:$0x3FB3]  }
0x2e: {  	s3 =	simm.s32 @!p0 $0x1082;
	s9 =	sld [smem:$0x3FB4]  }
0x2f: {  	lr =	sadd.s32 s0, s3;
	s0 =	sld [smem:$0x3FAB]  }
0x30: {  	s3 =	sld [smem:$0x3FAE]  }
0x31: {  	[smem:$0x3FB7] =	sst s10  }
0x32: {  	s10 =	sld [smem:$0x3FB5];
	_ =	sdelay $0x3  }
0x33: {  	p0 =	seq.s32 s10, $0x1;
	s10 =	sld [smem:$0x3FB7];
	_ =	sdelay $0x3  }
0x34: {  	[smem:$0x3FB7] =	sst s10  }
0x35: {  	s10 =	sld [smem:$0x3FB6];
	_ =	sdelay $0x3  }
0x36: {  	p1 =	seq.s32 s10, $0x1;
	s10 =	sld [smem:$0x3FB7];
	_ =	sdelay $0x3  }
0x37: {  	[smem:$0x3FB7] =	sst s10  }
0x38: {  	s10 =	sld [smem:$0x3FB8]  }
0x39: {  	_ = 	snop;
	(pc) =	sbr.ind lr, $3  }
0x3a: {  	_ = 	snop  }
0x3b: {  	_ = 	snop  }
0x3c: {  	p2 =	seq.s32 s10, $0x1;
	s10 =	sld [smem:$0x3FB7]  }
0x3d: {  	_ =	shalt  }
0x3e: {  	_ =	shalt  }
0x3f: {  	_ =	shalt  }
0x40: {  	_ =	shalt  }
0x41: {  	_ =	shalt  }
0x42: {  	_ =	shalt  }
0x43: {  	_ =	shalt  }
0x44: {  	_ =	shalt  }
0x45: {  	_ =	shalt  }
0x46: {  	_ =	shalt  }
0x47: {  	_ =	shalt  }
0x48: {  	_ =	shalt  }
0x49: {  	_ =	shalt  }
0x4a: {  	_ =	shalt  }
0x4b: {  	_ =	shalt  }
0x4c: {  	_ =	shalt  }
0x4d: {  	_ =	shalt  }
0x4e: {  	_ =	shalt  }
0x4f: {  	_ =	shalt  }
0x50: {  	_ =	shalt  }
0x51: {  	_ =	shalt  }
0x52: {  	_ =	shalt  }
0x53: {  	_ =	shalt  }
0x54: {  	_ =	shalt  }
0x55: {  	_ =	shalt  }
0x56: {  	_ =	shalt  }
0x57: {  	_ =	shalt  }
0x58: {  	_ =	shalt  }
0x59: {  	_ =	shalt  }
0x5a: {  	_ =	shalt  }
0x5b: {  	_ =	shalt  }
0x5c: {  	_ =	shalt  }
0x5d: {  	_ =	shalt  }
0x5e: {  	_ =	shalt  }
0x5f: {  	_ =	shalt  }
0x60: {  	_ =	shalt  }
0x61: {  	_ =	shalt  }
0x62: {  	_ =	shalt  }
0x63: {  	_ =	shalt  }
0x64: {  	_ =	shalt  }
0x65: {  	_ =	shalt  }
0x66: {  	_ =	shalt  }
0x67: {  	_ =	shalt  }
0x68: {  	_ =	shalt  }
0x69: {  	_ =	shalt  }
0x6a: {  	_ =	shalt  }
0x6b: {  	_ =	shalt  }
0x6c: {  	_ =	shalt  }
0x6d: {  	_ =	shalt  }
0x6e: {  	_ =	shalt  }
0x6f: {  	_ =	shalt  }
0x70: {  	_ =	shalt  }
0x71: {  	_ =	shalt  }
0x72: {  	_ =	shalt  }
0x73: {  	_ =	shalt  }
0x74: {  	_ =	shalt  }
0x75: {  	_ =	shalt  }
0x76: {  	_ =	shalt  }
0x77: {  	_ =	shalt  }
0x78: {  	_ =	shalt  }
0x79: {  	_ =	shalt  }
0x7a: {  	_ =	shalt  }
0x7b: {  	_ =	shalt  }
0x7c: {  	_ =	shalt  }
0x7d: {  	_ =	shalt  }
0x7e: {  	_ =	shalt  }
0x7f: {  	_ =	shalt  }
0x80: {  	_ =	shalt  }
0x81: {  	_ =	shalt  }
0x82: {  	_ =	shalt  }
0x83: {  	_ =	shalt  }
0x84: {  	_ =	shalt  }
0x85: {  	_ =	shalt  }
0x86: {  	_ =	shalt  }
0x87: {  	_ =	shalt  }
.Lfunc_end0:
.L_simem_size_0:
called_computation_lowered:
.L_overlay_start_0:
0x88: {  	s2 =	sld [smem:$0x3FD9]  }
0x89: {  	s3 =	sld [smem:$0x3FFE];
	_ =	sdelay $0x1  }
0x8a: {  	s1 =	srdreg.scid  }
0x8b: {  	s0 =	sand.u32 $0x1, s1  }
0x8c: {  	s17 =	sshll.u32 s0, $0xA;
	s2 =	sadd.s32 s3, s2  }
0x8d: {  	s2 =	sadd.s32 s2, s17  }
0x8e: {  	[smem:$0x3FC3] =	sst s2  }
0x8f: {  	_ = 	snop  }
0x90: {  	s2 =	sld [smem:$0x3FC9]  }
0x91: {  	s18 =	sld [smem:$0x3FC8]  }
0x92: {  	s4 =	sld [smem:$0x3FD0];
	(tm) =	ssettm $0x1  }
0x93: {  	s5 =	sld [smem:$0x3FFB];
	_ =	sdelay $0x3  }
0x94: {  	_ =	strace s5  }
0x95: {  	s5 =	sld [smem:$0x3FFC];
	_ =	sdelay $0x3  }
0x96: {  	_ =	strace s5  }
0x97: {  	s5 =	sld [smem:$0x3FFD];
	_ =	sdelay $0x3  }
0x98: {  	_ =	strace s5  }
0x99: {  	_ =	strace $0x8FFFFFFF  }
0x9a: {  	s19 =	sld [smem:$0x3FDB];
	_ =	sdelay $0x1  }
0x9b: {  	s6 =	simm.s32 $_scs_section_size  }
0x9c: {  	s7 =	simm.s32 $_size__tile_overlayer_lowered;
	s8 =	simm.s32 $_tile_overlayer_lowered  }
0x9d: {  	s22 =	simm.s32 $0x1BFF;
	s21 =	sshll.u32 s8, $0x1;
	s5 =	sadd.s32 s6, s19  }
0x9e: {  	s9 =	simm.s32 $0x0;
	s20 =	sshll.u32 s7, $0x1;
	s7 =	sadd.s32 s21, s5  }
0x9f: {  	[timem:s9], [sflag:s22] =	dma.local [hbm:s7], s20  }
0xa0: {  	_ =	swait.ge [sflag:s22], s20  }
0xa1: {  	s6 =	ssub.s32 $0x0, s20;
	[sflag:s22] =	ssyncset.done $0x0  }
0xa2: {  	[sflag:s22] =	ssyncadd.s32 s6;
	_ =	sdelay $0x1  }
0xa3: {  	s23 =	simm.s32 $0x1B8B  }
0xa4: {  	_ =	swait.ge [sflag:s23], $0x1  }
0xa5: {  	[sflag:s23] =	ssyncset.done $0x0  }
0xa6: {  	s25 =	simm.s32 $0x1B8E;
	s24 =	sld [smem:$0x3FFE];
	[sflag:s23] =	ssyncadd.s32 $0xFFFFFFFF  }
0xa7: {  	s26 =	simm.s32 $execute0_lowered;
	[smem:$0x3FD2] =	sst s25  }
0xa8: {  	s7 =	sshll.u32 s26, $0x1;
	_ =	strace $0x80000046;
	[dreg:$0x1] =	wrdreg $0xFFFFFFFF  }
0xa9: {  	s28 =	simm.s32 $_size_execute0_lowered;
	s5 =	sadd.s32 s5, s7;
	[dreg:$0x0] =	wrdreg $0x0  }
0xaa: {  	s7 =	sshll.u32 s28, $0x1;
	[dreg:$0x2] =	wrdreg s5  }
0xab: {  	[dreg:$0x3] =	wrdreg s7  }
0xac: {  	[dreg:$0x4] =	wrdreg $0xC0  }
0xad: {  	_ =	task [dreg:s9], $0x5FFFF  }
0xae: {  	[dreg:$0x1] =	wrdreg $0xFFFFFFFF  }
0xaf: {  	[dreg:$0x0] =	wrdreg $0x60  }
0xb0: {  	[dreg:$0x2] =	wrdreg s2  }
0xb1: {  	[dreg:$0x3] =	wrdreg s18  }
0xb2: {  	[dreg:$0x4] =	wrdreg s4  }
0xb3: {  	[dreg:$0x5] =	wrdreg s24  }
0xb4: {  	[dreg:$0x6] =	wrdreg $0x17D800  }
0xb5: {  	[dreg:$0x7] =	wrdreg $0x17E000  }
0xb6: {  	[dreg:$0x8] =	wrdreg $0x12B000  }
0xb7: {  	[dreg:$0x9] =	wrdreg $0x153000  }
0xb8: {  	[dreg:$0xa] =	wrdreg $0x17B000  }
0xb9: {  	[dreg:$0xb] =	wrdreg $0x9  }
0xba: {  	_ =	task.clear_ibuf [dreg:s9], $0xCFFFF;
	_ =	strace $0x90000046  }
0xbb: {  	s29 =	simm.s32 $0x9;
	_ =	strace $0x80000048  }
0xbc: {  	_ =	swait.ge [sflag:s29], $0x1  }
0xbd: {  	[sflag:s29] =	ssyncadd.s32 $0xFFFFFFFF  }
0xbe: {  	_ =	strace $0x90000048  }
0xbf: {  	_ =	sfence  }
0xc0: {  	s30 =	sld [smem:$0x0];
	_ =	sdelay $0x2  }
0xc1: {  	s31 =	sshll.u32 s1, $0xD;
	s1 =	sshrl.u32 s1, $0x2  }
0xc2: {  	s3 =	sand.u32 $0x4000, s31;
	s1 =	sadd.s32 s1, s30  }
0xc3: {  	s0 =	sor.u32 s3, s0;
	s1 =	sshll.u32 s1, $0x11  }
0xc4: {  	s0 =	sor.u32 s1, s0  }
0xc5: {  	s0 =	sadd.s32 $0x8F2B, s0  }
0xc6: {  	[sflag:s0] =	ssyncadd.remote.s32 $0x1  }
0xc7: {  	_ =	sfence.sel $0xFFFF  }
0xc8: {  	[dreg:$0x0] =	wrdreg $0xFFFFFFFF;
	(pc) =	sbr.abs _section_cstart, $3  }
0xc9: {  	[dreg:$0x1] =	wrdreg $0xFFFFFFFF  }
0xca: {  	_ =	task.clear_ibuf [dreg:s9], $0x2FFFF;
	_ =	strace $0x9FFFFFFF  }
0xcb: {  	(tm) =	ssettm $0x7FFFFFFF  }
tec
execute0_lowered:
.L_overlay_start_1:
0x0: {  	(tag) =	ssettag $0x1  }
0x1: {  	s0 =	rddreg [dreg:$0x0]  }
0x2: {  	s1 =	rddreg [dreg:$0x1]  }
0x3: {  	s2 =	rddreg [dreg:$0x3]  }
0x4: {  	s11 =	rddreg [dreg:$0x4]  }
0x5: {  	s12 =	rddreg [dreg:$0x5]  }
0x6: {  	s3 =	rddreg [dreg:$0x6]  }
0x7: {  	s4 =	rddreg [dreg:$0x7]  }
0x8: {  	s13 =	rddreg [dreg:$0x8];
	s5 =	simm.s32 $0x0;
	s18 =	srdreg.scid  }
0x9: {  	s14 =	stileid.u32;
	[smem:$0x7FF] =	sst s5  }
0xa: {  	s5 =	sand.u32 $0x1, s18;
	s2 =	sadd.s32 $0xE00, s2;
	s6 =	smul.u32 $0x280, s14  }
0xb: {  	s8 =	smul.u32 $0xA00, s14;
	s9 =	sshrl.u32 s14, $0x3;
	s21 =	sshll.u32 s14, $0x7  }
0xc: {  	s23 =	smul.u32 $0x1400, s14;
	s24 =	sadd.s32 $0x4B0, s1;
	p0 =	seq.s32 s14, $0xF  }
0xd: {  	s18 =	simm.s32 $0x80;
	_ =	strace $0x80000047;
	[dreg:$0xc] =	wrdreg s2  }
0xe: {  	s19 =	ssub.s32 $0x2, s5;
	s20 =	smul.u32 $0x14000, s9;
	s10 =	sand.u32 $0x380, s21  }
0xf: {  	[dreg:$0x10] =	wrdreg s24;
	s28 =	sadd.s32 s21, s11;
	s29 =	sadd.s32 s21, s12  }
0x10: {  	s30 =	sor.u32 s5, s14;
	s14 =	simm.s32 $0x5280;
	s21 =	simm.s32 $0x1400  }
0x11: {  	s24 =	simm.s32 $0x3;
	s7 =	sshrl.u32 s19, $0x1;
	[dreg:$0x16] =	wrdreg s28  }
0x12: {  	s8 =	sadd.s32 s0, s8;
	s22 =	sshrl.u32 s6, $0x3;
	[dreg:$0x17] =	wrdreg s29  }
0x13: {  	s0 =	sadd.s32 $0x9600, s0;
	s16 =	sadd.s32 s23, s3;
	[dreg:$0xd] =	wrdreg s8  }
0x14: {  	s26 =	sadd.s32 s23, s4;
	s17 =	sadd.s32 s6, s13;
	[dreg:$0xf] =	wrdreg s0  }
0x15: {  	p1 =	sne.s32 s30, $0x0;
	s23 =	simm.s32 $0xCA80;
	[dreg:$0x14] =	wrdreg s26  }
0x16: {  	s2 =	ssub.s32 s19, s7;
	s8 =	sadd.s32 s1, s22;
	[dreg:$0x13] =	wrdreg s16  }
.Ltmp0:
0x17: {  	s7 =	sor.u32 s10, s20;
	[dreg:$0x15] =	wrdreg s17;
	(pc) =	sbr.rel .LBB2_1-.Ltmp0, $4  }
0x18: {  	s19 =	simm.s32 $0x400;
	[dreg:$0xe] =	wrdreg s8;
	s25 =	sadd.s32 s7, s4  }
0x19: {  	s20 =	simm.s32 $0x4;
	s31 =	smax.u32 s2, $0x1;
	[dreg:$0x12] =	wrdreg s25  }
0x1a: {  	s22 =	simm.s32 $0x14000;
	s15 =	sadd.s32 s7, s3;
	[dreg:$0x18] =	wrdreg s31  }
0x1b: {  	v0 =	vimm.f32 $0.0e+00;
	v1 =	vimm.f32 $1.000000000e+00;
	s1 =	simm.s32 $0x0;
	s3 =	simm.s32 $0x7A80;
	[dreg:$0x11] =	wrdreg s15  }
.LBB2_40:
0x1c: {  	v3 =	vadd.f32 v3, v8  }
0x1d: {  	v2 =	vadd.f32 v2, v7  }
0x1e: {  	v3 =	vadd.f32 v6, v3  }
0x1f: {  	v2 =	vadd.f32 v4, v2  }
0x20: {  	s0 =	sadd.s32 $0x20, s0;
	v3 =	vadd.f32 v5, v3  }
0x21: {  	[tilespmem:s0+$0x0] =	vst v2  }
0x22: {  	s30 =	rddreg [dreg:$0x2];
	s1 =	simm.s32 $0x0;
	[tilespmem:s0+$0xFFFFFFF0] =	vst v3  }
0x23: {  	[hbm4b:s30+s1] =	stream.linear.scatter [tilespmem:s4], [sflag:$0x4], $0x40, $0x38;
	[tilespmem:$0x17E80] =	vst v63  }
0x24: {  	_ =	swait.ge [sflag:s20], $0x40  }
0x25: {  	[sflag:s20] =	ssyncset.done $0x0  }
0x26: {  	s31 =	rddreg [dreg:$0xc];
	[sflag:s20] =	ssyncadd.s32 $0xFFFFFFC0  }
0x27: {  	[hbm4b:s31+s1] =	stream.linear.scatter [tilespmem:s5], [sflag:$0x4], $0x40, $0x38;
	[tilespmem:$0x17E80] =	vst v63  }
0x28: {  	_ =	swait.ge [sflag:s20], $0x40  }
0x29: {  	[sflag:s20] =	ssyncset.done $0x0  }
0x2a: {  	s1 =	rddreg [dreg:$0x19];
	[sflag:s20] =	ssyncadd.s32 $0xFFFFFFC0  }
.LBB2_41:
0x2b: {  	s1 =	sadd.s32 $0x1, s1;
	s0 =	rddreg [dreg:$0x18]  }
0x2c: {  	p2 =	sne.s32 s1, s0  }
.Ltmp1:
0x2d: {  	_ = 	snop;
	(pc) =	sbr.rel @!p2 .LBB2_42-.Ltmp1, $1  }
0x2e: {  	_ =	sdelay $0x3  }
.LBB2_1:
0x2f: {  	[dreg:$0x19] =	wrdreg s1  }
0x30: {  	s0 =	simm.s32 @p0 $0x0;
	s1 =	rddreg [dreg:$0xf]  }
0x31: {  	[tilespmem:s0], [sflag:$0x1] =	stream.linear.gather @p0 [hbm4b:s1+s0], $0x3200, $0x38;
	[tilespmem:$0x17E80] =	vst v63  }
0x32: {  	s2 =	rddreg [dreg:$0x10];
	s1 =	simm.s32 @p0 $0x5000  }
0x33: {  	v2 =	vimm.s32 @p0 $0x40;
	[tilespmem:s1], [sflag:$0x2] =	stream.linear.gather @p0 [hbm4b:s2+s0], $0x190, $0x38;
	[tilespmem:$0x17E80] =	vst v63  }
0x34: {  	[tilespmem:$0x5190] =	vst @p0 v2  }
0x35: {  	[tilespmem:$0x51A0] =	vst @p0 v2  }
0x36: {  	[tilespmem:$0x51B0] =	vst @p0 v2  }
0x37: {  	[tilespmem:$0x51C0] =	vst @p0 v2  }
0x38: {  	[tilespmem:$0x51D0] =	vst @p0 v2  }
0x39: {  	[tilespmem:$0x51E0] =	vst @p0 v2  }
0x3a: {  	[tilespmem:$0x51F0] =	vst @p0 v2  }
0x3b: {  	[tilespmem:$0x5200] =	vst @p0 v2  }
0x3c: {  	[tilespmem:$0x5210] =	vst @p0 v2  }
0x3d: {  	[tilespmem:$0x5220] =	vst @p0 v2  }
0x3e: {  	[tilespmem:$0x5230] =	vst @p0 v2  }
0x3f: {  	[tilespmem:$0x5240] =	vst @p0 v2  }
0x40: {  	[tilespmem:$0x5250] =	vst @p0 v2  }
0x41: {  	[tilespmem:$0x5260] =	vst @p0 v2  }
0x42: {  	s0 =	simm.s32 @!p0 $0x0;
	s1 =	rddreg [dreg:$0xd];
	[tilespmem:$0x5270] =	vst @p0 v2  }
0x43: {  	[tilespmem:s0], [sflag:$0x1] =	stream.linear.gather @!p0 [hbm4b:s1+s0], $0x5000, $0x38;
	[tilespmem:$0x17E80] =	vst v63  }
0x44: {  	s2 =	rddreg [dreg:$0xe];
	s1 =	simm.s32 @!p0 $0x5000  }
0x45: {  	[tilespmem:s1], [sflag:$0x2] =	stream.linear.gather @!p0 [hbm4b:s2+s0], $0x280, $0x38;
	[tilespmem:$0x17E80] =	vst v63  }
0x46: {  	s1 =	simm.s32 $0x52C0  }
0x47: {  	[tilespmem:s1+$0xFFFFFFC0] =	vst v0  }
0x48: {  	[tilespmem:s1+$0x30] =	vst v0  }
0x49: {  	[tilespmem:s1+$0x20] =	vst v0  }
0x4a: {  	[tilespmem:s1+$0x10] =	vst v0  }
0x4b: {  	[tilespmem:s1+$0x0] =	vst v0  }
0x4c: {  	[tilespmem:s1+$0xFFFFFFF0] =	vst v0  }
0x4d: {  	s2 =	simm.s32 $0x0;
	[tilespmem:s1+$0xFFFFFFE0] =	vst v0  }
.LBB2_2:
0x4e: {  	s2 =	sadd.s32 $0x8, s2;
	[tilespmem:s1+$0xFFFFFFD0] =	vst v0;
	s1 =	sadd.s32 $0x80, s1;
	s0 =	simm.s32 $0x7AC0  }
0x4f: {  	[tilespmem:s1+$0xFFFFFFC0] =	vst v0;
	p2 =	slt.u32 s2, $0x278  }
0x50: {  	[tilespmem:s1+$0x30] =	vst v0  }
.Ltmp2:
0x51: {  	[tilespmem:s1+$0x20] =	vst v0;
	(pc) =	sbr.rel @p2 .LBB2_2-.Ltmp2, $4  }
0x52: {  	[tilespmem:s1+$0x10] =	vst v0  }
0x53: {  	[tilespmem:s1+$0x0] =	vst v0  }
0x54: {  	[tilespmem:s1+$0xFFFFFFF0] =	vst v0  }
0x55: {  	[tilespmem:s1+$0xFFFFFFE0] =	vst v0  }
0x56: {  	[tilespmem:s1+$0xFFFFFFD0] =	vst v0  }
0x57: {  	[tilespmem:s0+$0xFFFFFFC0] =	vst v0  }
0x58: {  	[tilespmem:s0+$0x30] =	vst v0  }
0x59: {  	[tilespmem:s0+$0x20] =	vst v0  }
0x5a: {  	[tilespmem:s0+$0x10] =	vst v0  }
0x5b: {  	[tilespmem:s0+$0x0] =	vst v0  }
0x5c: {  	[tilespmem:s0+$0xFFFFFFF0] =	vst v0  }
0x5d: {  	s1 =	simm.s32 $0x0;
	[tilespmem:s0+$0xFFFFFFE0] =	vst v0  }
.LBB2_4:
0x5e: {  	s1 =	sadd.s32 $0x8, s1;
	[tilespmem:s0+$0xFFFFFFD0] =	vst v0;
	s0 =	sadd.s32 $0x80, s0  }
0x5f: {  	[tilespmem:s0+$0xFFFFFFC0] =	vst v0;
	p2 =	slt.u32 s1, $0x278  }
0x60: {  	[tilespmem:s0+$0x30] =	vst v0  }
.Ltmp3:
0x61: {  	[tilespmem:s0+$0x20] =	vst v0;
	(pc) =	sbr.rel @p2 .LBB2_4-.Ltmp3, $4  }
0x62: {  	[tilespmem:s0+$0x10] =	vst v0  }
0x63: {  	[tilespmem:s0+$0x0] =	vst v0  }
0x64: {  	[tilespmem:s0+$0xFFFFFFF0] =	vst v0  }
0x65: {  	[tilespmem:s0+$0xFFFFFFE0] =	vst v0  }
0x66: {  	[tilespmem:s0+$0xFFFFFFD0] =	vst v0;
	s0 =	simm.s32 @p0 $0x1  }
0x67: {  	_ =	swait.ge @p0 [sflag:s0], $0x3200  }
0x68: {  	[sflag:s0] =	ssyncset.done @p0 $0x0  }
0x69: {  	[sflag:s0] =	ssyncadd.s32 @p0 $0xFFFFCE00;
	s0 =	simm.s32 @p0 $0x2  }
0x6a: {  	_ =	swait.ge @p0 [sflag:s0], $0x190  }
0x6b: {  	[sflag:s0] =	ssyncset.done @p0 $0x0  }
0x6c: {  	[sflag:s0] =	ssyncadd.s32 @p0 $0xFFFFFE70;
	s0 =	simm.s32 @!p0 $0x1  }
0x6d: {  	_ =	swait.ge @!p0 [sflag:s0], $0x5000  }
0x6e: {  	[sflag:s0] =	ssyncset.done @!p0 $0x0  }
0x6f: {  	[sflag:s0] =	ssyncadd.s32 @!p0 $0xFFFFB000;
	s0 =	simm.s32 @!p0 $0x2  }
0x70: {  	_ =	swait.ge @!p0 [sflag:s0], $0x280  }
0x71: {  	[sflag:s0] =	ssyncset.done @!p0 $0x0  }
0x72: {  	s1 =	simm.s32 $0x100;
	[sflag:s0] =	ssyncadd.s32 @!p0 $0xFFFFFD80  }
0x73: {  	v9 =	vld [tilespmem:s1+$0xFFFFFF70]  }
0x74: {  	v11 =	vld [tilespmem:s1+$0xFFFFFF50]  }
0x75: {  	v2 =	vld [tilespmem:s1+$0xFFFFFF40]  }
0x76: {  	v5 =	vld [tilespmem:s1+$0xFFFFFF30]  }
0x77: {  	v3 =	vld [tilespmem:s1+$0xFFFFFF20]  }
0x78: {  	v4 =	vld [tilespmem:s1+$0xFFFFFF10]  }
0x79: {  	v12 =	vld [tilespmem:s1+$0xFFFFFF60]  }
0x7a: {  	v13 =	vld [tilespmem:s1+$0x0]  }
0x7b: {  	v6 =	vld [tilespmem:s1+$0xFFFFFF00]  }
0x7c: {  	v7 =	vld [tilespmem:s1+$0x70]  }
0x7d: {  	v8 =	vld [tilespmem:s1+$0x60]  }
0x7e: {  	v10 =	vld [tilespmem:s1+$0x50]  }
0x7f: {  	v14 =	vld [tilespmem:s1+$0x40]  }
0x80: {  	v15 =	vld [tilespmem:s1+$0x30]  }
0x81: {  	v16 =	vld [tilespmem:s1+$0x20]  }
0x82: {  	v17 =	vld [tilespmem:s1+$0x10]  }
0x83: {  	[tilespmem:v6+s14+$0x0] =	vst.idx.add.f32.msk $0xffff, v1  }
0x84: {  	[tilespmem:v7+s14+$0x0] =	vst.idx.add.f32.msk $0xffff, v1  }
0x85: {  	[tilespmem:v8+s14+$0x0] =	vst.idx.add.f32.msk $0xffff, v1  }
0x86: {  	[tilespmem:v10+s14+$0x0] =	vst.idx.add.f32.msk $0xffff, v1  }
0x87: {  	[tilespmem:v14+s14+$0x0] =	vst.idx.add.f32.msk $0xffff, v1  }
0x88: {  	[tilespmem:v15+s14+$0x0] =	vst.idx.add.f32.msk $0xffff, v1  }
0x89: {  	[tilespmem:v16+s14+$0x0] =	vst.idx.add.f32.msk $0xffff, v1  }
0x8a: {  	[tilespmem:v17+s14+$0x0] =	vst.idx.add.f32.msk $0xffff, v1  }
0x8b: {  	[tilespmem:v9+s14+$0x0] =	vst.idx.add.f32.msk $0xffff, v1  }
0x8c: {  	[tilespmem:v13+s14+$0x0] =	vst.idx.add.f32.msk $0xffff, v1  }
0x8d: {  	[tilespmem:v11+s14+$0x0] =	vst.idx.add.f32.msk $0xffff, v1  }
0x8e: {  	[tilespmem:v12+s14+$0x0] =	vst.idx.add.f32.msk $0xffff, v1  }
0x8f: {  	v6 =	vld [tilespmem:s1+$0xFFFFFF80]  }
0x90: {  	v18 =	vld [tilespmem:s1+$0xF0]  }
0x91: {  	v7 =	vld [tilespmem:s1+$0xE0]  }
0x92: {  	v14 =	vld [tilespmem:s1+$0xC0]  }
0x93: {  	v8 =	vld [tilespmem:s1+$0xD0]  }
0x94: {  	v10 =	vld [tilespmem:s1+$0xA0]  }
0x95: {  	v9 =	vld [tilespmem:s1+$0xFFFFFFF0]  }
0x96: {  	v11 =	vld [tilespmem:s1+$0x80]  }
0x97: {  	[tilespmem:v6+s3+$0x0] =	vst.idx.add.f32.msk $0xffff, v1  }
0x98: {  	[tilespmem:v18+s3+$0x0] =	vst.idx.add.f32.msk $0xffff, v1  }
0x99: {  	v6 =	vld [tilespmem:s1+$0xB0]  }
0x9a: {  	s4 =	simm.s32 $0x100;
	s0 =	simm.s32 $0x0;
	[tilespmem:v14+s3+$0x0] =	vst.idx.add.f32.msk $0xffff, v1  }
.LBB2_6:
0x9b: {  	s0 =	sadd.s32 $0x10, s0;
	[tilespmem:v5+s14+$0x0] =	vst.idx.add.f32.msk $0xffff, v1;
	s1 =	sadd.s32 $0x200, s1  }
0x9c: {  	p2 =	slt.u32 s0, $0x180;
	v5 =	vld [tilespmem:s4+$0xFFFFFFD0]  }
0x9d: {  	[tilespmem:v4+s14+$0x0] =	vst.idx.add.f32.msk $0xffff, v1  }
0x9e: {  	[tilespmem:v3+s14+$0x0] =	vst.idx.add.f32.msk $0xffff, v1  }
0x9f: {  	[tilespmem:v2+s14+$0x0] =	vst.idx.add.f32.msk $0xffff, v1  }
0xa0: {  	[tilespmem:v10+s3+$0x0] =	vst.idx.add.f32.msk $0xffff, v1  }
0xa1: {  	v2 =	vld [tilespmem:s4+$0xFFFFFFC0]  }
0xa2: {  	v3 =	vld [tilespmem:s4+$0xFFFFFFA0]  }
0xa3: {  	[tilespmem:v8+s3+$0x0] =	vst.idx.add.f32.msk $0xffff, v1  }
0xa4: {  	[tilespmem:v11+s3+$0x0] =	vst.idx.add.f32.msk $0xffff, v1  }
0xa5: {  	v4 =	vld [tilespmem:s4+$0x90]  }
0xa6: {  	[tilespmem:v7+s3+$0x0] =	vst.idx.add.f32.msk $0xffff, v1  }
0xa7: {  	[tilespmem:v5+s3+$0x0] =	vst.idx.add.f32.msk $0xffff, v1  }
0xa8: {  	v5 =	vld [tilespmem:s4+$0xFFFFFFB0]  }
0xa9: {  	v7 =	vld [tilespmem:s4+$0xFFFFFFE0]  }
0xaa: {  	v8 =	vld [tilespmem:s4+$0xFFFFFF90];
	s4 =	smov.u32 s1  }
0xab: {  	[tilespmem:v3+s3+$0x0] =	vst.idx.add.f32.msk $0xffff, v1  }
0xac: {  	[tilespmem:v9+s3+$0x0] =	vst.idx.add.f32.msk $0xffff, v1  }
0xad: {  	[tilespmem:v4+s3+$0x0] =	vst.idx.add.f32.msk $0xffff, v1  }
0xae: {  	[tilespmem:v6+s3+$0x0] =	vst.idx.add.f32.msk $0xffff, v1  }
0xaf: {  	[tilespmem:v2+s3+$0x0] =	vst.idx.add.f32.msk $0xffff, v1  }
0xb0: {  	[tilespmem:v5+s3+$0x0] =	vst.idx.add.f32.msk $0xffff, v1  }
0xb1: {  	[tilespmem:v7+s3+$0x0] =	vst.idx.add.f32.msk $0xffff, v1  }
0xb2: {  	[tilespmem:v8+s3+$0x0] =	vst.idx.add.f32.msk $0xffff, v1  }
0xb3: {  	v9 =	vld [tilespmem:s1+$0xFFFFFF70]  }
0xb4: {  	v11 =	vld [tilespmem:s1+$0xFFFFFF50]  }
0xb5: {  	v2 =	vld [tilespmem:s1+$0xFFFFFF40]  }
0xb6: {  	v5 =	vld [tilespmem:s1+$0xFFFFFF30]  }
0xb7: {  	v3 =	vld [tilespmem:s1+$0xFFFFFF20]  }
0xb8: {  	v4 =	vld [tilespmem:s1+$0xFFFFFF10]  }
0xb9: {  	v12 =	vld [tilespmem:s1+$0xFFFFFF60]  }
0xba: {  	v13 =	vld [tilespmem:s1+$0x0]  }
0xbb: {  	v6 =	vld [tilespmem:s1+$0xFFFFFF00]  }
0xbc: {  	v7 =	vld [tilespmem:s1+$0x70]  }
0xbd: {  	v8 =	vld [tilespmem:s1+$0x60]  }
0xbe: {  	v10 =	vld [tilespmem:s1+$0x50]  }
0xbf: {  	v14 =	vld [tilespmem:s1+$0x40]  }
0xc0: {  	v15 =	vld [tilespmem:s1+$0x30]  }
0xc1: {  	v16 =	vld [tilespmem:s1+$0x20]  }
0xc2: {  	v17 =	vld [tilespmem:s1+$0x10]  }
0xc3: {  	[tilespmem:v6+s14+$0x0] =	vst.idx.add.f32.msk $0xffff, v1  }
0xc4: {  	v6 =	vld [tilespmem:s1+$0xFFFFFF80]  }
0xc5: {  	[tilespmem:v7+s14+$0x0] =	vst.idx.add.f32.msk $0xffff, v1  }
0xc6: {  	v18 =	vld [tilespmem:s1+$0xF0]  }
0xc7: {  	[tilespmem:v8+s14+$0x0] =	vst.idx.add.f32.msk $0xffff, v1  }
0xc8: {  	v7 =	vld [tilespmem:s1+$0xE0]  }
0xc9: {  	[tilespmem:v10+s14+$0x0] =	vst.idx.add.f32.msk $0xffff, v1  }
0xca: {  	v8 =	vld [tilespmem:s1+$0xD0]  }
0xcb: {  	[tilespmem:v14+s14+$0x0] =	vst.idx.add.f32.msk $0xffff, v1  }
0xcc: {  	v14 =	vld [tilespmem:s1+$0xC0]  }
0xcd: {  	[tilespmem:v6+s3+$0x0] =	vst.idx.add.f32.msk $0xffff, v1  }
0xce: {  	[tilespmem:v18+s3+$0x0] =	vst.idx.add.f32.msk $0xffff, v1  }
0xcf: {  	[tilespmem:v15+s14+$0x0] =	vst.idx.add.f32.msk $0xffff, v1  }
0xd0: {  	v6 =	vld [tilespmem:s1+$0xB0]  }
0xd1: {  	[tilespmem:v16+s14+$0x0] =	vst.idx.add.f32.msk $0xffff, v1  }
0xd2: {  	[tilespmem:v17+s14+$0x0] =	vst.idx.add.f32.msk $0xffff, v1  }
0xd3: {  	v10 =	vld [tilespmem:s1+$0xA0]  }
0xd4: {  	[tilespmem:v9+s14+$0x0] =	vst.idx.add.f32.msk $0xffff, v1  }
0xd5: {  	[tilespmem:v13+s14+$0x0] =	vst.idx.add.f32.msk $0xffff, v1  }
.Ltmp4:
0xd6: {  	[tilespmem:v14+s3+$0x0] =	vst.idx.add.f32.msk $0xffff, v1;
	(pc) =	sbr.rel @p2 .LBB2_6-.Ltmp4, $4  }
0xd7: {  	[tilespmem:v11+s14+$0x0] =	vst.idx.add.f32.msk $0xffff, v1  }
0xd8: {  	v9 =	vld [tilespmem:s1+$0xFFFFFFF0]  }
0xd9: {  	[tilespmem:v12+s14+$0x0] =	vst.idx.add.f32.msk $0xffff, v1  }
0xda: {  	v11 =	vld [tilespmem:s1+$0x80]  }
0xdb: {  	_ =	sdelay $0x3  }
0xdc: {  	[tilespmem:v5+s14+$0x0] =	vst.idx.add.f32.msk $0xffff, v1  }
0xdd: {  	v59 =	vld [tilespmem:s4+$0xFFFFFFD0]  }
0xde: {  	[tilespmem:v4+s14+$0x0] =	vst.idx.add.f32.msk $0xffff, v1  }
0xdf: {  	[tilespmem:v3+s14+$0x0] =	vst.idx.add.f32.msk $0xffff, v1  }
0xe0: {  	[tilespmem:v2+s14+$0x0] =	vst.idx.add.f32.msk $0xffff, v1  }
0xe1: {  	[tilespmem:v10+s3+$0x0] =	vst.idx.add.f32.msk $0xffff, v1  }
0xe2: {  	[tilespmem:v8+s3+$0x0] =	vst.idx.add.f32.msk $0xffff, v1  }
0xe3: {  	v60 =	vld [tilespmem:s4+$0x90]  }
0xe4: {  	[tilespmem:v7+s3+$0x0] =	vst.idx.add.f32.msk $0xffff, v1  }
0xe5: {  	v62 =	vld [tilespmem:s4+$0xFFFFFFE0]  }
0xe6: {  	[tilespmem:v6+s3+$0x0] =	vst.idx.add.f32.msk $0xffff, v1  }
0xe7: {  	v2 =	vld [tilespmem:s4+$0xFFFFFFC0]  }
0xe8: {  	v3 =	vld [tilespmem:s4+$0xFFFFFFA0]  }
0xe9: {  	v61 =	vld [tilespmem:s4+$0xFFFFFFB0]  }
0xea: {  	v63 =	vld [tilespmem:s4+$0xFFFFFF90]  }
0xeb: {  	[tilespmem:v9+s3+$0x0] =	vst.idx.add.f32.msk $0xffff, v1  }
0xec: {  	[tilespmem:v11+s3+$0x0] =	vst.idx.add.f32.msk $0xffff, v1  }
0xed: {  	[tilespmem:v59+s3+$0x0] =	vst.idx.add.f32.msk $0xffff, v1  }
0xee: {  	[tilespmem:v60+s3+$0x0] =	vst.idx.add.f32.msk $0xffff, v1  }
.Ltmp5:
0xef: {  	[tilespmem:v62+s3+$0x0] =	vst.idx.add.f32.msk $0xffff, v1;
	(pc) =	sbr.rel @p0 .LBB2_11-.Ltmp5, $4  }
0xf0: {  	[tilespmem:v3+s3+$0x0] =	vst.idx.add.f32.msk $0xffff, v1  }
0xf1: {  	[tilespmem:v2+s3+$0x0] =	vst.idx.add.f32.msk $0xffff, v1  }
0xf2: {  	[tilespmem:v61+s3+$0x0] =	vst.idx.add.f32.msk $0xffff, v1  }
0xf3: {  	[tilespmem:v63+s3+$0x0] =	vst.idx.add.f32.msk $0xffff, v1  }
0xf4: {  	s1 =	simm.s32 $0x33F0  }
0xf5: {  	v9 =	vld [tilespmem:s1+$0xFFFFFE80]  }
0xf6: {  	v11 =	vld [tilespmem:s1+$0xFFFFFE60]  }
0xf7: {  	v2 =	vld [tilespmem:s1+$0xFFFFFE50]  }
0xf8: {  	v5 =	vld [tilespmem:s1+$0xFFFFFE40]  }
0xf9: {  	v3 =	vld [tilespmem:s1+$0xFFFFFE30]  }
0xfa: {  	v4 =	vld [tilespmem:s1+$0xFFFFFE20]  }
0xfb: {  	v12 =	vld [tilespmem:s1+$0xFFFFFE70]  }
0xfc: {  	v13 =	vld [tilespmem:s1+$0xFFFFFF10]  }
0xfd: {  	v6 =	vld [tilespmem:s1+$0xFFFFFE10]  }
0xfe: {  	v7 =	vld [tilespmem:s1+$0xFFFFFF80]  }
0xff: {  	v8 =	vld [tilespmem:s1+$0xFFFFFF70]  }
0x100: {  	v10 =	vld [tilespmem:s1+$0xFFFFFF60]  }
0x101: {  	v14 =	vld [tilespmem:s1+$0xFFFFFF50]  }
0x102: {  	v15 =	vld [tilespmem:s1+$0xFFFFFF40]  }
0x103: {  	v16 =	vld [tilespmem:s1+$0xFFFFFF30]  }
0x104: {  	v17 =	vld [tilespmem:s1+$0xFFFFFF20]  }
0x105: {  	[tilespmem:v6+s14+$0x0] =	vst.idx.add.f32.msk $0xffff, v1  }
0x106: {  	[tilespmem:v7+s14+$0x0] =	vst.idx.add.f32.msk $0xffff, v1  }
0x107: {  	[tilespmem:v8+s14+$0x0] =	vst.idx.add.f32.msk $0xffff, v1  }
0x108: {  	[tilespmem:v10+s14+$0x0] =	vst.idx.add.f32.msk $0xffff, v1  }
0x109: {  	[tilespmem:v14+s14+$0x0] =	vst.idx.add.f32.msk $0xffff, v1  }
0x10a: {  	[tilespmem:v15+s14+$0x0] =	vst.idx.add.f32.msk $0xffff, v1  }
0x10b: {  	[tilespmem:v16+s14+$0x0] =	vst.idx.add.f32.msk $0xffff, v1  }
0x10c: {  	[tilespmem:v17+s14+$0x0] =	vst.idx.add.f32.msk $0xffff, v1  }
0x10d: {  	[tilespmem:v9+s14+$0x0] =	vst.idx.add.f32.msk $0xffff, v1  }
0x10e: {  	[tilespmem:v13+s14+$0x0] =	vst.idx.add.f32.msk $0xffff, v1  }
0x10f: {  	[tilespmem:v11+s14+$0x0] =	vst.idx.add.f32.msk $0xffff, v1  }
0x110: {  	[tilespmem:v12+s14+$0x0] =	vst.idx.add.f32.msk $0xffff, v1  }
0x111: {  	v6 =	vld [tilespmem:s1+$0xFFFFFE90]  }
0x112: {  	v18 =	vld [tilespmem:s1+$0x0]  }
0x113: {  	v7 =	vld [tilespmem:s1+$0xFFFFFFF0]  }
0x114: {  	v14 =	vld [tilespmem:s1+$0xFFFFFFD0]  }
0x115: {  	v8 =	vld [tilespmem:s1+$0xFFFFFFE0]  }
0x116: {  	v10 =	vld [tilespmem:s1+$0xFFFFFFB0]  }
0x117: {  	v9 =	vld [tilespmem:s1+$0xFFFFFF00]  }
0x118: {  	v11 =	vld [tilespmem:s1+$0xFFFFFF90]  }
0x119: {  	[tilespmem:v6+s3+$0x0] =	vst.idx.add.f32.msk $0xffff, v1  }
0x11a: {  	[tilespmem:v18+s3+$0x0] =	vst.idx.add.f32.msk $0xffff, v1  }
0x11b: {  	v6 =	vld [tilespmem:s1+$0xFFFFFFC0]  }
0x11c: {  	s0 =	simm.s32 $0x190;
	s4 =	simm.s32 $0x33F0;
	[tilespmem:v14+s3+$0x0] =	vst.idx.add.f32.msk $0xffff, v1  }
.LBB2_9:
0x11d: {  	s0 =	sadd.s32 $0x10, s0;
	[tilespmem:v5+s14+$0x0] =	vst.idx.add.f32.msk $0xffff, v1;
	s1 =	sadd.s32 $0x200, s1  }
0x11e: {  	p2 =	slt.u32 s0, $0x270;
	v5 =	vld [tilespmem:s4+$0xFFFFFEE0]  }
0x11f: {  	[tilespmem:v4+s14+$0x0] =	vst.idx.add.f32.msk $0xffff, v1  }
0x120: {  	[tilespmem:v3+s14+$0x0] =	vst.idx.add.f32.msk $0xffff, v1  }
0x121: {  	[tilespmem:v2+s14+$0x0] =	vst.idx.add.f32.msk $0xffff, v1  }
0x122: {  	[tilespmem:v10+s3+$0x0] =	vst.idx.add.f32.msk $0xffff, v1  }
0x123: {  	v2 =	vld [tilespmem:s4+$0xFFFFFED0]  }
0x124: {  	v3 =	vld [tilespmem:s4+$0xFFFFFEB0]  }
0x125: {  	[tilespmem:v8+s3+$0x0] =	vst.idx.add.f32.msk $0xffff, v1  }
0x126: {  	[tilespmem:v11+s3+$0x0] =	vst.idx.add.f32.msk $0xffff, v1  }
0x127: {  	v4 =	vld [tilespmem:s4+$0xFFFFFFA0]  }
0x128: {  	[tilespmem:v7+s3+$0x0] =	vst.idx.add.f32.msk $0xffff, v1  }
0x129: {  	[tilespmem:v5+s3+$0x0] =	vst.idx.add.f32.msk $0xffff, v1  }
0x12a: {  	v5 =	vld [tilespmem:s4+$0xFFFFFEC0]  }
0x12b: {  	v7 =	vld [tilespmem:s4+$0xFFFFFEF0]  }
0x12c: {  	v8 =	vld [tilespmem:s4+$0xFFFFFEA0];
	s4 =	smov.u32 s1  }
0x12d: {  	[tilespmem:v3+s3+$0x0] =	vst.idx.add.f32.msk $0xffff, v1  }
0x12e: {  	[tilespmem:v9+s3+$0x0] =	vst.idx.add.f32.msk $0xffff, v1  }
0x12f: {  	[tilespmem:v4+s3+$0x0] =	vst.idx.add.f32.msk $0xffff, v1  }
0x130: {  	[tilespmem:v6+s3+$0x0] =	vst.idx.add.f32.msk $0xffff, v1  }
0x131: {  	[tilespmem:v2+s3+$0x0] =	vst.idx.add.f32.msk $0xffff, v1  }
0x132: {  	[tilespmem:v5+s3+$0x0] =	vst.idx.add.f32.msk $0xffff, v1  }
0x133: {  	[tilespmem:v7+s3+$0x0] =	vst.idx.add.f32.msk $0xffff, v1  }
0x134: {  	[tilespmem:v8+s3+$0x0] =	vst.idx.add.f32.msk $0xffff, v1  }
0x135: {  	v9 =	vld [tilespmem:s1+$0xFFFFFE80]  }
0x136: {  	v11 =	vld [tilespmem:s1+$0xFFFFFE60]  }
0x137: {  	v2 =	vld [tilespmem:s1+$0xFFFFFE50]  }
0x138: {  	v5 =	vld [tilespmem:s1+$0xFFFFFE40]  }
0x139: {  	v3 =	vld [tilespmem:s1+$0xFFFFFE30]  }
0x13a: {  	v4 =	vld [tilespmem:s1+$0xFFFFFE20]  }
0x13b: {  	v12 =	vld [tilespmem:s1+$0xFFFFFE70]  }
0x13c: {  	v13 =	vld [tilespmem:s1+$0xFFFFFF10]  }
0x13d: {  	v6 =	vld [tilespmem:s1+$0xFFFFFE10]  }
0x13e: {  	v7 =	vld [tilespmem:s1+$0xFFFFFF80]  }
0x13f: {  	v8 =	vld [tilespmem:s1+$0xFFFFFF70]  }
0x140: {  	v10 =	vld [tilespmem:s1+$0xFFFFFF60]  }
0x141: {  	v14 =	vld [tilespmem:s1+$0xFFFFFF50]  }
0x142: {  	v15 =	vld [tilespmem:s1+$0xFFFFFF40]  }
0x143: {  	v16 =	vld [tilespmem:s1+$0xFFFFFF30]  }
0x144: {  	v17 =	vld [tilespmem:s1+$0xFFFFFF20]  }
0x145: {  	[tilespmem:v6+s14+$0x0] =	vst.idx.add.f32.msk $0xffff, v1  }
0x146: {  	v6 =	vld [tilespmem:s1+$0xFFFFFE90]  }
0x147: {  	[tilespmem:v7+s14+$0x0] =	vst.idx.add.f32.msk $0xffff, v1  }
0x148: {  	v18 =	vld [tilespmem:s1+$0x0]  }
0x149: {  	[tilespmem:v8+s14+$0x0] =	vst.idx.add.f32.msk $0xffff, v1  }
0x14a: {  	v7 =	vld [tilespmem:s1+$0xFFFFFFF0]  }
0x14b: {  	[tilespmem:v10+s14+$0x0] =	vst.idx.add.f32.msk $0xffff, v1  }
0x14c: {  	v8 =	vld [tilespmem:s1+$0xFFFFFFE0]  }
0x14d: {  	[tilespmem:v14+s14+$0x0] =	vst.idx.add.f32.msk $0xffff, v1  }
0x14e: {  	v14 =	vld [tilespmem:s1+$0xFFFFFFD0]  }
0x14f: {  	[tilespmem:v6+s3+$0x0] =	vst.idx.add.f32.msk $0xffff, v1  }
0x150: {  	[tilespmem:v18+s3+$0x0] =	vst.idx.add.f32.msk $0xffff, v1  }
0x151: {  	[tilespmem:v15+s14+$0x0] =	vst.idx.add.f32.msk $0xffff, v1  }
0x152: {  	v6 =	vld [tilespmem:s1+$0xFFFFFFC0]  }
0x153: {  	[tilespmem:v16+s14+$0x0] =	vst.idx.add.f32.msk $0xffff, v1  }
0x154: {  	[tilespmem:v17+s14+$0x0] =	vst.idx.add.f32.msk $0xffff, v1  }
0x155: {  	v10 =	vld [tilespmem:s1+$0xFFFFFFB0]  }
0x156: {  	[tilespmem:v9+s14+$0x0] =	vst.idx.add.f32.msk $0xffff, v1  }
0x157: {  	[tilespmem:v13+s14+$0x0] =	vst.idx.add.f32.msk $0xffff, v1  }
.Ltmp6:
0x158: {  	[tilespmem:v14+s3+$0x0] =	vst.idx.add.f32.msk $0xffff, v1;
	(pc) =	sbr.rel @p2 .LBB2_9-.Ltmp6, $4  }
0x159: {  	[tilespmem:v11+s14+$0x0] =	vst.idx.add.f32.msk $0xffff, v1  }
0x15a: {  	v9 =	vld [tilespmem:s1+$0xFFFFFF00]  }
0x15b: {  	[tilespmem:v12+s14+$0x0] =	vst.idx.add.f32.msk $0xffff, v1  }
0x15c: {  	v11 =	vld [tilespmem:s1+$0xFFFFFF90]  }
0x15d: {  	_ =	sdelay $0x3  }
0x15e: {  	[tilespmem:v5+s14+$0x0] =	vst.idx.add.f32.msk $0xffff, v1  }
0x15f: {  	v59 =	vld [tilespmem:s4+$0xFFFFFEE0]  }
0x160: {  	[tilespmem:v4+s14+$0x0] =	vst.idx.add.f32.msk $0xffff, v1  }
0x161: {  	[tilespmem:v3+s14+$0x0] =	vst.idx.add.f32.msk $0xffff, v1  }
0x162: {  	[tilespmem:v2+s14+$0x0] =	vst.idx.add.f32.msk $0xffff, v1  }
0x163: {  	[tilespmem:v10+s3+$0x0] =	vst.idx.add.f32.msk $0xffff, v1  }
0x164: {  	[tilespmem:v8+s3+$0x0] =	vst.idx.add.f32.msk $0xffff, v1  }
0x165: {  	v60 =	vld [tilespmem:s4+$0xFFFFFFA0]  }
0x166: {  	[tilespmem:v7+s3+$0x0] =	vst.idx.add.f32.msk $0xffff, v1  }
0x167: {  	v62 =	vld [tilespmem:s4+$0xFFFFFEF0]  }
0x168: {  	[tilespmem:v6+s3+$0x0] =	vst.idx.add.f32.msk $0xffff, v1  }
0x169: {  	v2 =	vld [tilespmem:s4+$0xFFFFFED0]  }
0x16a: {  	v3 =	vld [tilespmem:s4+$0xFFFFFEB0]  }
0x16b: {  	v61 =	vld [tilespmem:s4+$0xFFFFFEC0]  }
0x16c: {  	v63 =	vld [tilespmem:s4+$0xFFFFFEA0]  }
0x16d: {  	[tilespmem:v9+s3+$0x0] =	vst.idx.add.f32.msk $0xffff, v1  }
0x16e: {  	[tilespmem:v11+s3+$0x0] =	vst.idx.add.f32.msk $0xffff, v1  }
0x16f: {  	[tilespmem:v59+s3+$0x0] =	vst.idx.add.f32.msk $0xffff, v1  }
0x170: {  	[tilespmem:v60+s3+$0x0] =	vst.idx.add.f32.msk $0xffff, v1  }
0x171: {  	[tilespmem:v62+s3+$0x0] =	vst.idx.add.f32.msk $0xffff, v1  }
0x172: {  	[tilespmem:v3+s3+$0x0] =	vst.idx.add.f32.msk $0xffff, v1  }
0x173: {  	[tilespmem:v2+s3+$0x0] =	vst.idx.add.f32.msk $0xffff, v1  }
0x174: {  	[tilespmem:v61+s3+$0x0] =	vst.idx.add.f32.msk $0xffff, v1  }
0x175: {  	[tilespmem:v63+s3+$0x0] =	vst.idx.add.f32.msk $0xffff, v1  }
.LBB2_11:
0x176: {  	[spmem:s15] =	stream.strided.scatter [tilespmem:s14], [sflag:$0x4], $0x2800, s19, s18, $0x38;
	[tilespmem:$0x17E80] =	vst v63  }
0x177: {  	_ =	swait.ge [sflag:s20], $0x2800  }
0x178: {  	[sflag:s20] =	ssyncset.done $0x0  }
0x179: {  	s0 =	rddreg [dreg:$0x12];
	[sflag:s20] =	ssyncadd.s32 $0xFFFFD800  }
0x17a: {  	[spmem:s0] =	stream.strided.scatter [tilespmem:s3], [sflag:$0x4], $0x2800, s19, s18, $0x38;
	[tilespmem:$0x17E80] =	vst v63  }
0x17b: {  	_ =	swait.ge [sflag:s20], $0x2800  }
0x17c: {  	[sflag:s20] =	ssyncset.done $0x0  }
0x17d: {  	[sflag:s20] =	ssyncadd.s32 $0xFFFFD800  }
0x17e: {  	[bflag:$0x0] =	sbarrier.arrive $0xFFFF  }
0x17f: {  	[tilespmem:s23], [sflag:$0x3] =	stream.strided.gather [spmem:s16], $0x2800, s22, s21, $0x38;
	[tilespmem:$0x17E80] =	vst v63  }
0x180: {  	s1 =	simm.s32 $0xF280;
	s30 =	rddreg [dreg:$0x14]  }
0x181: {  	[tilespmem:s1], [sflag:$0x2] =	stream.strided.gather [spmem:s30], $0x2800, s22, s21, $0x38;
	[tilespmem:$0x17E80] =	vst v63  }
0x182: {  	_ =	swait.ge [sflag:s24], $0x2800  }
0x183: {  	[sflag:s24] =	ssyncset.done $0x0  }
0x184: {  	s4 =	simm.s32 $0x0;
	s2 =	simm.s32 $0x2;
	[sflag:s24] =	ssyncadd.s32 $0xFFFFD800  }
0x185: {  	s0 =	sand.u32 $0x60, s4;
	_ =	swait.ge [sflag:s2], $0x2800  }
0x186: {  	s31 =	sand.u32 $0x1C00, s4;
	s8 =	sor.u32 $0x10, s0;
	[sflag:s2] =	ssyncset.done $0x0  }
0x187: {  	s14 =	sor.u32 s31, s8;
	[sflag:s2] =	ssyncadd.s32 $0xFFFFD800  }
0x188: {  	v2 =	vld [tilespmem:s14+$0xCA80]  }
0x189: {  	s5 =	sor.u32 s0, s31;
	v3 =	vld [tilespmem:s14+$0xCB00]  }
0x18a: {  	v4 =	vld [tilespmem:s5+$0xCA80]  }
0x18b: {  	v5 =	vld [tilespmem:s14+$0xCB80]  }
0x18c: {  	v6 =	vld [tilespmem:s5+$0xCB00]  }
0x18d: {  	v7 =	vld [tilespmem:s14+$0xCC00]  }
0x18e: {  	s15 =	sand.u32 $0x3, s4;
	v8 =	vld [tilespmem:s5+$0xF280]  }
0x18f: {  	s3 =	sshll.u32 s15, $0x5;
	v9 =	vld [tilespmem:s14+$0xCC80]  }
0x190: {  	s3 =	sadd.s32 $0x0, s3;
	v10 =	vld [tilespmem:s5+$0xF300]  }
0x191: {  	s6 =	sadd.s32 $0x10, s3;
	v11 =	vld [tilespmem:s14+$0xCD00]  }
0x192: {  	s7 =	sor.u32 $0x300, s6;
	v12 =	vld [tilespmem:s5+$0xCB80]  }
0x193: {  	v13 =	vld [tilespmem:s7+$0xCA80]  }
0x194: {  	s6 =	sor.u32 $0x380, s6;
	v14 =	vld [tilespmem:s5+$0xF380]  }
0x195: {  	s9 =	sadd.s32 $0x1400, s31;
	v15 =	vld [tilespmem:s6+$0xCA80]  }
0x196: {  	s10 =	sor.u32 s8, s9;
	v16 =	vld [tilespmem:s5+$0xCC00]  }
0x197: {  	s11 =	sadd.s32 $0x1480, s31;
	v17 =	vld [tilespmem:s10+$0xCA80]  }
0x198: {  	s12 =	sor.u32 s8, s11;
	v18 =	vld [tilespmem:s5+$0xF400]  }
0x199: {  	s13 =	sadd.s32 $0x1500, s31;
	v19 =	vld [tilespmem:s12+$0xCA80]  }
0x19a: {  	s16 =	sor.u32 s8, s13;
	v20 =	vld [tilespmem:s5+$0xCC80]  }
0x19b: {  	s15 =	sadd.s32 $0x1580, s31;
	v21 =	vld [tilespmem:s16+$0xCA80]  }
0x19c: {  	s18 =	sor.u32 s8, s15;
	v22 =	vld [tilespmem:s5+$0xF480]  }
0x19d: {  	s17 =	sadd.s32 $0x1600, s31;
	v23 =	vld [tilespmem:s18+$0xCA80]  }
0x19e: {  	s21 =	sor.u32 s8, s17;
	v24 =	vld [tilespmem:s5+$0xCD00]  }
0x19f: {  	s20 =	sadd.s32 $0x1680, s31;
	s22 =	sor.u32 $0x300, s3;
	v25 =	vld [tilespmem:s21+$0xCA80]  }
0x1a0: {  	s23 =	sor.u32 s8, s20;
	s3 =	sadd.s32 $0x1700, s31;
	v26 =	vld [tilespmem:s22+$0xCA80]  }
0x1a1: {  	s24 =	sor.u32 s8, s3;
	v27 =	vld [tilespmem:s23+$0xCA80]  }
0x1a2: {  	v28 =	vld [tilespmem:s24+$0xCA80]  }
0x1a3: {  	s1 =	sadd.s32 $0x1780, s31;
	v29 =	vld [tilespmem:s14+$0xF280]  }
0x1a4: {  	s25 =	sor.u32 s8, s1;
	v30 =	vld [tilespmem:s14+$0xF300]  }
0x1a5: {  	v31 =	vld [tilespmem:s25+$0xCA80]  }
0x1a6: {  	v32 =	vld [tilespmem:s14+$0xF380]  }
0x1a7: {  	v33 =	vld [tilespmem:s5+$0xF500]  }
0x1a8: {  	v34 =	vld [tilespmem:s14+$0xF400]  }
0x1a9: {  	v35 =	vld [tilespmem:s22+$0xF280]  }
0x1aa: {  	v36 =	vld [tilespmem:s14+$0xF480]  }
0x1ab: {  	s9 =	sor.u32 s0, s9;
	v38 =	vld [tilespmem:s14+$0xF500]  }
0x1ac: {  	v39 =	vld [tilespmem:s9+$0xCA80]  }
0x1ad: {  	v40 =	vld [tilespmem:s7+$0xF280]  }
0x1ae: {  	v41 =	vld [tilespmem:s6+$0xF280]  }
0x1af: {  	v42 =	vld [tilespmem:s10+$0xF280]  }
0x1b0: {  	v43 =	vld [tilespmem:s12+$0xF280]  }
0x1b1: {  	v44 =	vld [tilespmem:s16+$0xF280]  }
0x1b2: {  	v45 =	vld [tilespmem:s18+$0xF280];
	v2 =	vadd.f32 v3, v2  }
0x1b3: {  	s26 =	sor.u32 s4, s4;
	v46 =	vld [tilespmem:s21+$0xF280]  }
0x1b4: {  	s5 =	sor.u32 $0x380, s26;
	v63 =	vld [tilespmem:s23+$0xF280];
	v2 =	vadd.f32 v5, v2  }
0x1b5: {  	v37 =	vld [tilespmem:s5+$0xCA80]  }
0x1b6: {  	s6 =	sor.u32 s0, s17;
	v3 =	vld [tilespmem:s5+$0xF280];
	v2 =	vadd.f32 v7, v2  }
0x1b7: {  	v29 =	vadd.f32 v30, v29;
	v4 =	vadd.f32 v6, v4;
	v6 =	vld [tilespmem:s6+$0xF280]  }
0x1b8: {  	v5 =	vld [tilespmem:s9+$0xF280];
	v2 =	vadd.f32 v9, v2  }
0x1b9: {  	s7 =	sor.u32 s0, s20;
	v29 =	vadd.f32 v32, v29;
	v32 =	vld [tilespmem:s24+$0xF280]  }
0x1ba: {  	v4 =	vadd.f32 v12, v4;
	s9 =	sor.u32 s0, s3;
	v12 =	vld [tilespmem:s7+$0xF280];
	v2 =	vadd.f32 v11, v2  }
0x1bb: {  	s30 =	sor.u32 s0, s11;
	v47 =	vld [tilespmem:s9+$0xCA80]  }
0x1bc: {  	s31 =	sor.u32 s0, s13;
	s5 =	sor.u32 s0, s15;
	s0 =	sor.u32 s0, s1;
	v48 =	vld [tilespmem:s9+$0xF280];
	v2 =	vadd.f32 v13, v2  }
0x1bd: {  	v49 =	vld [tilespmem:s0+$0xCA80]  }
0x1be: {  	v50 =	vld [tilespmem:s0+$0xF280];
	v2 =	vadd.f32 v15, v2  }
0x1bf: {  	v8 =	vadd.f32 v10, v8;
	v7 =	vld [tilespmem:s30+$0xCA80]  }
0x1c0: {  	v29 =	vadd.f32 v34, v29;
	v34 =	vld [tilespmem:s25+$0xF280];
	v2 =	vadd.f32 v17, v2  }
0x1c1: {  	v8 =	vadd.f32 v14, v8;
	v4 =	vadd.f32 v16, v4;
	v9 =	vld [tilespmem:s30+$0xF280]  }
0x1c2: {  	s29 =	simm.s32 $0x100;
	s24 =	simm.s32 $0x20;
	v10 =	vadd.f32 v36, v29;
	v36 =	vld [tilespmem:s7+$0xCA80];
	v2 =	vadd.f32 v19, v2  }
0x1c3: {  	s10 =	sand.u32 $0x1C00, s29;
	s11 =	sand.u32 $0x60, s24;
	v8 =	vadd.f32 v18, v8;
	v4 =	vadd.f32 v20, v4;
	v11 =	vld [tilespmem:s31+$0xCA80]  }
0x1c4: {  	v13 =	vld [tilespmem:s31+$0xF280];
	s31 =	sor.u32 s11, s10;
	v2 =	vadd.f32 v21, v2  }
0x1c5: {  	v8 =	vadd.f32 v22, v8;
	v4 =	vadd.f32 v24, v4;
	v24 =	vld [tilespmem:s31+$0xCA80]  }
0x1c6: {  	v10 =	vadd.f32 v38, v10;
	v54 =	vld [tilespmem:s31+$0xCB00];
	v2 =	vadd.f32 v23, v2  }
0x1c7: {  	s25 =	simm.s32 $0x1;
	v8 =	vadd.f32 v33, v8;
	v60 =	vld [tilespmem:s31+$0xF300]  }
0x1c8: {  	s15 =	sand.u32 $0x3, s25;
	v10 =	vadd.f32 v40, v10;
	v15 =	vld [tilespmem:s5+$0xCA80];
	v2 =	vadd.f32 v25, v2  }
0x1c9: {  	s0 =	sshll.u32 s15, $0x5;
	v4 =	vadd.f32 v26, v4;
	v8 =	vadd.f32 v35, v8;
	v19 =	vld [tilespmem:s6+$0xCA80];
	s6 =	sor.u32 $0x10, s11  }
0x1ca: {  	s17 =	sadd.s32 $0x100, s0;
	v10 =	vadd.f32 v41, v10;
	v17 =	vld [tilespmem:s5+$0xF280];
	s22 =	sor.u32 s10, s6;
	v2 =	vadd.f32 v27, v2  }
0x1cb: {  	s0 =	sadd.s32 $0x10, s17;
	v4 =	vadd.f32 v37, v4;
	v3 =	vadd.f32 v3, v8;
	v51 =	vld [tilespmem:s22+$0xCA80]  }
0x1cc: {  	v10 =	vadd.f32 v42, v10;
	s5 =	sor.u32 $0x380, s0;
	v52 =	vld [tilespmem:s22+$0xCB00];
	v2 =	vadd.f32 v28, v2  }
0x1cd: {  	v4 =	vadd.f32 v39, v4;
	v3 =	vadd.f32 v5, v3;
	v62 =	vld [tilespmem:s5+$0xCA80]  }
0x1ce: {  	s21 =	sor.u32 $0x300, s0;
	v10 =	vadd.f32 v43, v10;
	v53 =	vld [tilespmem:s22+$0xCB80];
	v2 =	vadd.f32 v31, v2  }
0x1cf: {  	v3 =	vadd.f32 v9, v3;
	v9 =	vld [tilespmem:s21+$0xCA80]  }
0x1d0: {  	v4 =	vadd.f32 v7, v4;
	v55 =	vld [tilespmem:s22+$0xCC00];
	v8 =	vadd.f32 v44, v10;
	v2 =	vmax.f32 v2, $1.000000000e+00  }
0x1d1: {  	v10 =	vld [tilespmem:s31+$0xF280];
	v56 =	vshrl.u32 v2, $0x1;
	v57 =	vmul.f32 $5.000000000e-01, v2;
	v2 =	vadd.f32 v52, v51  }
0x1d2: {  	v24 =	vadd.f32 v54, v24;
	v58 =	vld [tilespmem:s22+$0xCC80];
	v4 =	vadd.f32 v11, v4  }
0x1d3: {  	s7 =	sadd.s32 $0x1400, s10;
	v61 =	vld [tilespmem:s22+$0xCD00];
	v3 =	vadd.f32 v13, v3;
	v2 =	vadd.f32 v53, v2  }
0x1d4: {  	s3 =	sadd.s32 $0x1580, s10;
	s18 =	sor.u32 s6, s7;
	v11 =	vld [tilespmem:s31+$0xF380];
	v8 =	vadd.f32 v45, v8;
	v4 =	vadd.f32 v15, v4  }
0x1d5: {  	s15 =	sadd.s32 $0x1600, s10;
	s19 =	sor.u32 s6, s3;
	v33 =	vld [tilespmem:s18+$0xCA80];
	v17 =	vadd.f32 v17, v3;
	v2 =	vadd.f32 v55, v2  }
0x1d6: {  	s20 =	sor.u32 s6, s15;
	v40 =	vld [tilespmem:s19+$0xCA80];
	v7 =	vadd.f32 v46, v8;
	v4 =	vadd.f32 v19, v4  }
0x1d7: {  	v43 =	vld [tilespmem:s20+$0xCA80];
	v6 =	vadd.f32 v6, v17;
	v2 =	vadd.f32 v58, v2  }
0x1d8: {  	v8 =	vld [tilespmem:s31+$0xCB80];
	v10 =	vadd.f32 v60, v10;
	v7 =	vadd.f32 v63, v7  }
0x1d9: {  	v19 =	vld [tilespmem:s31+$0xF400];
	v4 =	vadd.f32 v36, v4;
	v2 =	vadd.f32 v61, v2  }
0x1da: {  	s1 =	sadd.s32 $0x1480, s10;
	v63 =	vld [tilespmem:s31+$0xCC00];
	v6 =	vadd.f32 v12, v6;
	v7 =	vadd.f32 v32, v7;
	v59 =	vsub.s32 $0x5F3759DF, v56  }
0x1db: {  	s0 =	sadd.s32 $0x1500, s10;
	s12 =	sor.u32 s6, s1;
	v12 =	vld [tilespmem:s31+$0xF480];
	v10 =	vadd.f32 v11, v10;
	v5 =	vmul.f32 v59, v57;
	v2 =	vadd.f32 v9, v2  }
0x1dc: {  	s14 =	sor.u32 s6, s0;
	v4 =	vadd.f32 v47, v4;
	v3 =	vadd.f32 v34, v7;
	v7 =	vld [tilespmem:s12+$0xCA80]  }
0x1dd: {  	v36 =	vld [tilespmem:s14+$0xCA80];
	v6 =	vadd.f32 v48, v6;
	v5 =	vmul.f32 v59, v5;
	v2 =	vadd.f32 v62, v2  }
0x1de: {  	v48 =	vld [tilespmem:s31+$0xF500];
	v8 =	vadd.f32 v8, v24;
	v10 =	vadd.f32 v19, v10  }
0x1df: {  	s23 =	sor.u32 $0x300, s17;
	v46 =	vld [tilespmem:s22+$0xF280];
	v37 =	vmax.f32 v3, $1.000000000e+00;
	v5 =	vsub.f32 $1.500000000e+00, v5;
	v2 =	vadd.f32 v33, v2  }
0x1e0: {  	v60 =	vld [tilespmem:s23+$0xF280];
	v10 =	vadd.f32 v12, v10;
	v39 =	vshrl.u32 v37, $0x1;
	v22 =	vmul.f32 $5.000000000e-01, v37  }
0x1e1: {  	v51 =	vld [tilespmem:s22+$0xF300];
	v42 =	vsub.s32 $0x5F3759DF, v39;
	v5 =	vmul.f32 v59, v5;
	v7 =	vadd.f32 v7, v2  }
0x1e2: {  	s9 =	sadd.s32 $0x1680, s10;
	v54 =	vld [tilespmem:s22+$0xF380];
	v4 =	vadd.f32 v49, v4;
	v8 =	vadd.f32 v63, v8;
	v44 =	vmul.f32 v42, v22  }
0x1e3: {  	s26 =	sor.u32 s6, s9;
	v10 =	vadd.f32 v48, v10;
	v23 =	vmul.f32 v5, v57;
	v9 =	vld [tilespmem:s31+$0xCC80];
	v7 =	vadd.f32 v36, v7  }
0x1e4: {  	s13 =	sadd.s32 $0x1700, s10;
	v4 =	vmax.f32 v4, $1.000000000e+00;
	v18 =	vmul.f32 v42, v44;
	v2 =	vadd.f32 v50, v6;
	v6 =	vld [tilespmem:s26+$0xCA80]  }
0x1e5: {  	v41 =	vld [tilespmem:s31+$0xCD00];
	s30 =	sor.u32 s6, s13;
	v10 =	vadd.f32 v60, v10;
	v35 =	vmul.f32 v23, v5;
	v7 =	vadd.f32 v40, v7  }
0x1e6: {  	s16 =	sadd.s32 $0x1780, s10;
	v45 =	vshrl.u32 v4, $0x1;
	v53 =	vld [tilespmem:s30+$0xCA80];
	v15 =	vadd.f32 v51, v46;
	v18 =	vsub.f32 $1.500000000e+00, v18  }
0x1e7: {  	s2 =	sor.u32 s6, s16;
	v4 =	vmul.f32 $5.000000000e-01, v4;
	v38 =	vsub.f32 $1.500000000e+00, v35;
	v7 =	vadd.f32 v43, v7  }
0x1e8: {  	v20 =	vsub.s32 $0x5F3759DF, v45;
	v55 =	vld [tilespmem:s2+$0xCA80];
	v15 =	vadd.f32 v54, v15;
	v8 =	vadd.f32 v9, v8  }
0x1e9: {  	v58 =	vld [tilespmem:s23+$0xCA80];
	v14 =	vmul.f32 v42, v18;
	v5 =	vmul.f32 v38, v5;
	v6 =	vadd.f32 v6, v7  }
0x1ea: {  	v50 =	vmul.f32 v20, v4;
	v8 =	vadd.f32 v41, v8;
	v49 =	vmax.f32 v2, $1.000000000e+00;
	v7 =	vld [tilespmem:s22+$0xF400]  }
0x1eb: {  	v59 =	vld [tilespmem:s22+$0xF480];
	s31 =	sor.u32 s29, s24;
	v52 =	vshrl.u32 v49, $0x1;
	v27 =	vmul.f32 $5.000000000e-01, v49;
	v6 =	vadd.f32 v53, v6  }
0x1ec: {  	s10 =	sor.u32 $0x380, s31;
	v62 =	vld [tilespmem:s22+$0xF500];
	v47 =	vmul.f32 v5, v57;
	v29 =	vmul.f32 v20, v50;
	v30 =	vsub.s32 $0x5F3759DF, v52  }
0x1ed: {  	v34 =	vld [tilespmem:s10+$0xF280];
	v57 =	vmul.f32 v14, v22;
	v56 =	vmul.f32 v30, v27;
	v6 =	vadd.f32 v55, v6  }
0x1ee: {  	v9 =	vld [tilespmem:s10+$0xCA80];
	v8 =	vadd.f32 v58, v8;
	v29 =	vsub.f32 $1.500000000e+00, v29;
	v61 =	vmul.f32 v47, v5  }
0x1ef: {  	v28 =	vmul.f32 v30, v56;
	v7 =	vadd.f32 v7, v15;
	v6 =	vmax.f32 v6, $1.000000000e+00  }
0x1f0: {  	s0 =	sor.u32 s11, s0;
	v32 =	vld [tilespmem:s21+$0xF280];
	v63 =	vmul.f32 v57, v14;
	v35 =	vshrl.u32 v6, $0x1;
	v6 =	vmul.f32 $5.000000000e-01, v6  }
0x1f1: {  	v48 =	vld [tilespmem:s0+$0xCA80];
	v31 =	vsub.f32 $1.500000000e+00, v28;
	v7 =	vadd.f32 v59, v7;
	v37 =	vsub.s32 $0x5F3759DF, v35  }
0x1f2: {  	s21 =	sor.u32 s11, s7;
	v10 =	vadd.f32 v34, v10;
	v36 =	vld [tilespmem:s5+$0xF280];
	v20 =	vmul.f32 v20, v29;
	v28 =	vmul.f32 v37, v6  }
0x1f3: {  	v39 =	vld [tilespmem:s21+$0xF280];
	v8 =	vadd.f32 v9, v8;
	v33 =	vmul.f32 v30, v31;
	v7 =	vadd.f32 v62, v7  }
0x1f4: {  	v41 =	vld [tilespmem:s18+$0xF280];
	v13 =	vsub.f32 $1.500000000e+00, v61;
	v11 =	vmul.f32 v20, v4;
	v28 =	vmul.f32 v37, v28  }
0x1f5: {  	v38 =	vld [tilespmem:s21+$0xCA80];
	v23 =	vsub.f32 $1.500000000e+00, v63;
	v40 =	vmul.f32 v33, v27;
	v7 =	vadd.f32 v32, v7  }
0x1f6: {  	v42 =	vld [tilespmem:s12+$0xF280];
	v5 =	vmul.f32 v13, v5;
	v11 =	vmul.f32 v11, v20;
	v44 =	vsub.f32 $1.500000000e+00, v28  }
0x1f7: {  	v46 =	vld [tilespmem:s14+$0xF280];
	s22 =	sor.u32 s11, s1;
	v14 =	vmul.f32 v23, v14;
	v12 =	vmul.f32 v40, v33;
	v7 =	vadd.f32 v36, v7  }
0x1f8: {  	v43 =	vld [tilespmem:s22+$0xCA80];
	v51 =	vmul.f32 v5, v3;
	v11 =	vsub.f32 $1.500000000e+00, v11;
	v9 =	vmul.f32 v37, v44  }
0x1f9: {  	v47 =	vld [tilespmem:s19+$0xF280];
	v3 =	vmul.f32 v14, v22;
	v12 =	vsub.f32 $1.500000000e+00, v12;
	v7 =	vadd.f32 v41, v7  }
0x1fa: {  	v8 =	vadd.f32 v38, v8;
	v45 =	vld [tilespmem:s22+$0xF280];
	v11 =	vmul.f32 v11, v20;
	v49 =	vmul.f32 v9, v6  }
0x1fb: {  	v54 =	vld [tilespmem:s26+$0xF280];
	v3 =	vmul.f32 v3, v14;
	v12 =	vmul.f32 v12, v33;
	v7 =	vadd.f32 v42, v7  }
0x1fc: {  	v10 =	vadd.f32 v39, v10;
	v52 =	vld [tilespmem:s20+$0xF280];
	v4 =	vmul.f32 v11, v4;
	v53 =	vmul.f32 v49, v9  }
0x1fd: {  	s23 =	sor.u32 s11, s3;
	v50 =	vld [tilespmem:s0+$0xF280];
	v8 =	vadd.f32 v43, v8;
	v55 =	vmul.f32 v12, v27;
	v7 =	vadd.f32 v46, v7  }
0x1fe: {  	v56 =	vld [tilespmem:s23+$0xCA80];
	v58 =	vsub.f32 $1.500000000e+00, v3;
	v4 =	vmul.f32 v4, v11;
	v17 =	vsub.f32 $1.500000000e+00, v53  }
0x1ff: {  	s26 =	sand.u32 $0x380, s4;
	v57 =	vld [tilespmem:s23+$0xF280];
	v10 =	vadd.f32 v45, v10;
	v22 =	vmul.f32 v55, v12;
	v7 =	vadd.f32 v47, v7  }
0x200: {  	s0 =	sor.u32 s26, s8;
	v59 =	vld [tilespmem:s30+$0xF280];
	s30 =	sor.u32 s11, s15;
	v8 =	vadd.f32 v48, v8;
	v4 =	vsub.f32 $1.500000000e+00, v4;
	v3 =	vmul.f32 v17, v9  }
0x201: {  	[tilespmem:s0+$0x11A80] =	vst v5;
	v61 =	vld [tilespmem:s30+$0xCA80];
	v60 =	vsub.f32 $1.500000000e+00, v22;
	v9 =	vmul.f32 v58, v14;
	v7 =	vadd.f32 v52, v7  }
0x202: {  	s31 =	sor.u32 s11, s9;
	[tilespmem:s0+$0x11F80] =	vst v51;
	v10 =	vadd.f32 v50, v10;
	v5 =	vld [tilespmem:s30+$0xF280];
	v11 =	vmul.f32 v4, v11;
	v6 =	vmul.f32 v3, v6  }
0x203: {  	s4 =	simm.s32 $0x11A80;
	v62 =	vadd.f32 v56, v8;
	v8 =	vld [tilespmem:s31+$0xCA80];
	[tilespmem:s0+$0x11D00] =	vst v9;
	v9 =	vmul.f32 v60, v12;
	v7 =	vadd.f32 v54, v7  }
0x204: {  	s8 =	simm.s32 $0x11D00;
	v4 =	vld [tilespmem:s2+$0xF280];
	[tilespmem:s4+$0x0] =	vst v11;
	v2 =	vmul.f32 v11, v2;
	v63 =	vmul.f32 v6, v3  }
0x205: {  	s28 =	sor.u32 s11, s13;
	s9 =	simm.s32 $0x11F80;
	[tilespmem:s8+$0x0] =	vst v9;
	v9 =	vadd.f32 v57, v10;
	v6 =	vld [tilespmem:s31+$0xF280];
	v11 =	vadd.f32 v59, v7  }
0x206: {  	s10 =	simm.s32 $0x2;
	s22 =	sor.u32 s11, s16;
	s11 =	simm.s32 $0x40;
	v10 =	vadd.f32 v61, v62;
	v7 =	vld [tilespmem:s28+$0xCA80];
	[tilespmem:s9+$0x0] =	vst v2;
	v2 =	vsub.f32 $1.500000000e+00, v63  }
.LBB2_12:
0x207: {  	s17 =	sand.u32 $0x60, s11;
	s29 =	sadd.s32 $0x100, s29  }
0x208: {  	v12 =	vld [tilespmem:s28+$0xF280];
	s19 =	sand.u32 $0x1C00, s29;
	s0 =	sor.u32 $0x10, s17  }
0x209: {  	v2 =	vmul.f32 v2, v3;
	s13 =	sor.u32 s19, s0;
	v4 =	vadd.f32 v4, v11;
	v3 =	vadd.f32 v5, v9;
	v5 =	vld [tilespmem:s22+$0xCA80]  }
0x20a: {  	s1 =	sand.u32 $0x380, s24;
	v13 =	vld [tilespmem:s13+$0xCB00];
	v8 =	vadd.f32 v8, v10  }
0x20b: {  	s31 =	sor.u32 s1, s6;
	v9 =	vld [tilespmem:s22+$0xF280];
	v10 =	vmax.f32 v4, $1.000000000e+00;
	v4 =	vmul.f32 v2, v4;
	v3 =	vadd.f32 v6, v3  }
0x20c: {  	s18 =	sor.u32 s17, s19;
	v11 =	vld [tilespmem:s13+$0xCA80];
	[tilespmem:s31+$0x11A80] =	vst v2;
	v7 =	vadd.f32 v7, v8;
	v6 =	vshrl.u32 v10, $0x1;
	v10 =	vmul.f32 $5.000000000e-01, v10  }
0x20d: {  	v6 =	vsub.s32 $0x5F3759DF, v6;
	[tilespmem:s31+$0x11F80] =	vst v4;
	v4 =	vld [tilespmem:s18+$0xCA80]  }
0x20e: {  	v3 =	vadd.f32 v12, v3;
	v8 =	vmul.f32 v6, v10;
	v36 =	vld [tilespmem:s13+$0xCB80];
	v5 =	vadd.f32 v5, v7  }
0x20f: {  	v7 =	vld [tilespmem:s18+$0xCB00]  }
0x210: {  	s25 =	sadd.s32 $0x1, s25;
	v2 =	vadd.f32 v9, v3;
	v3 =	vmul.f32 v6, v8;
	v8 =	vld [tilespmem:s13+$0xCC00];
	v5 =	vmax.f32 v5, $1.000000000e+00  }
0x211: {  	s26 =	sand.u32 $0x3, s25;
	v16 =	vld [tilespmem:s18+$0xF300];
	v11 =	vadd.f32 v13, v11;
	v37 =	vshrl.u32 v5, $0x1;
	v5 =	vmul.f32 $5.000000000e-01, v5  }
0x212: {  	s6 =	smov.u32 s0;
	s0 =	sshll.u32 s26, $0x5;
	v14 =	vld [tilespmem:s13+$0xCC80];
	v15 =	vmax.f32 v2, $1.000000000e+00;
	v13 =	vsub.s32 $0x5F3759DF, v37;
	v3 =	vsub.f32 $1.500000000e+00, v3  }
0x213: {  	s2 =	sor.u32 s29, s11;
	s0 =	sadd.s32 s0, s29;
	v18 =	vld [tilespmem:s18+$0xCB80];
	v17 =	vshrl.u32 v15, $0x1;
	v11 =	vadd.f32 v36, v11;
	v38 =	vmul.f32 v13, v5  }
0x214: {  	s15 =	sor.u32 $0x380, s2;
	s2 =	sor.u32 $0x300, s0;
	s0 =	sadd.s32 $0x10, s0;
	v15 =	vmul.f32 $5.000000000e-01, v15;
	v4 =	vadd.f32 v7, v4;
	v7 =	vld [tilespmem:s13+$0xCD00];
	v17 =	vsub.s32 $0x5F3759DF, v17  }
0x215: {  	v19 =	vld [tilespmem:s18+$0xF380];
	s23 =	sor.u32 $0x300, s0;
	v3 =	vmul.f32 v6, v3;
	v8 =	vadd.f32 v8, v11;
	v11 =	vmul.f32 v13, v38  }
0x216: {  	v6 =	vld [tilespmem:s23+$0xCA80];
	v39 =	vmul.f32 v17, v15  }
0x217: {  	v20 =	vld [tilespmem:s18+$0xCC00];
	s26 =	sor.u32 $0x380, s0;
	v40 =	vmul.f32 v3, v10;
	v8 =	vadd.f32 v14, v8;
	v11 =	vsub.f32 $1.500000000e+00, v11  }
0x218: {  	s24 =	smov.u32 s11;
	s30 =	sadd.s32 $0x1400, s19;
	v41 =	vld [tilespmem:s26+$0xCA80];
	v12 =	vmul.f32 v17, v39  }
0x219: {  	[dreg:$0xb] =	wrdreg s24;
	s24 =	sor.u32 s17, s30;
	s30 =	sor.u32 s6, s30;
	v43 =	vld [tilespmem:s18+$0xF400];
	v7 =	vadd.f32 v7, v8;
	v8 =	vmul.f32 v13, v11;
	v11 =	vmul.f32 v40, v3  }
0x21a: {  	s1 =	sadd.s32 $0x1480, s19;
	v42 =	vld [tilespmem:s30+$0xCA80];
	v12 =	vsub.f32 $1.500000000e+00, v12  }
0x21b: {  	v45 =	vld [tilespmem:s18+$0xCC80];
	s0 =	sor.u32 s6, s1;
	v6 =	vadd.f32 v6, v7;
	v7 =	vmul.f32 v8, v5;
	v11 =	vsub.f32 $1.500000000e+00, v11  }
0x21c: {  	s5 =	sadd.s32 $0x1500, s19;
	v44 =	vld [tilespmem:s0+$0xCA80];
	v12 =	vmul.f32 v17, v12  }
0x21d: {  	s21 =	sor.u32 s6, s5;
	v47 =	vld [tilespmem:s18+$0xF480];
	v6 =	vadd.f32 v41, v6;
	v7 =	vmul.f32 v7, v8;
	v3 =	vmul.f32 v11, v3  }
0x21e: {  	s7 =	sadd.s32 $0x1580, s19;
	v46 =	vmul.f32 v12, v15;
	v11 =	vld [tilespmem:s21+$0xCA80]  }
0x21f: {  	s16 =	sor.u32 s17, s7;
	s7 =	sor.u32 s6, s7;
	v50 =	vld [tilespmem:s18+$0xCD00];
	v6 =	vadd.f32 v42, v6;
	v7 =	vsub.f32 $1.500000000e+00, v7;
	v10 =	vmul.f32 v3, v10  }
0x220: {  	s14 =	sadd.s32 $0x1600, s19;
	v48 =	vld [tilespmem:s7+$0xCA80];
	v4 =	vadd.f32 v18, v4;
	v49 =	vmul.f32 v46, v12  }
0x221: {  	s12 =	sor.u32 s17, s5;
	s5 =	sor.u32 s6, s14;
	v9 =	vld [tilespmem:s18+$0xF280];
	v6 =	vadd.f32 v44, v6;
	v7 =	vmul.f32 v7, v8;
	v8 =	vmul.f32 v10, v3  }
0x222: {  	[dreg:$0xa] =	wrdreg s25;
	s22 =	sadd.s32 $0x1700, s19;
	v4 =	vadd.f32 v20, v4;
	v14 =	vsub.f32 $1.500000000e+00, v49;
	v10 =	vld [tilespmem:s5+$0xCA80]  }
0x223: {  	s20 =	sadd.s32 $0x1680, s19;
	s3 =	sor.u32 s17, s1;
	v51 =	vld [tilespmem:s2+$0xCA80];
	s1 =	sor.u32 s6, s22;
	v6 =	vadd.f32 v11, v6;
	v8 =	vsub.f32 $1.500000000e+00, v8  }
0x224: {  	s25 =	sor.u32 s17, s14;
	s14 =	sor.u32 s17, s20;
	s20 =	sor.u32 s6, s20;
	v52 =	vld [tilespmem:s1+$0xCA80];
	v4 =	vadd.f32 v45, v4;
	v5 =	vmul.f32 v7, v5  }
0x225: {  	v12 =	vmul.f32 v14, v12;
	v11 =	vld [tilespmem:s20+$0xCA80];
	v6 =	vadd.f32 v48, v6;
	v3 =	vmul.f32 v8, v3  }
0x226: {  	s19 =	sadd.s32 $0x1780, s19;
	v53 =	vld [tilespmem:s13+$0xF300];
	v4 =	vadd.f32 v50, v4;
	v5 =	vmul.f32 v5, v7  }
0x227: {  	s28 =	sor.u32 s17, s22;
	s22 =	sor.u32 s17, s19;
	s19 =	sor.u32 s6, s19;
	v9 =	vadd.f32 v16, v9;
	v14 =	vmul.f32 v12, v15;
	v8 =	vld [tilespmem:s13+$0xF280];
	v6 =	vadd.f32 v10, v6;
	[tilespmem:s31+$0x11D00] =	vst v3  }
0x228: {  	v5 =	vsub.f32 $1.500000000e+00, v5;
	v3 =	vadd.f32 v51, v4;
	v4 =	vld [tilespmem:s19+$0xCA80]  }
0x229: {  	v10 =	vmul.f32 v14, v12;
	v54 =	vld [tilespmem:s13+$0xF380]  }
0x22a: {  	v9 =	vadd.f32 v19, v9;
	v55 =	vld [tilespmem:s13+$0xF480];
	v6 =	vadd.f32 v11, v6;
	v5 =	vmul.f32 v5, v7  }
0x22b: {  	s4 =	sadd.s32 $0x20, s4;
	v7 =	vld [tilespmem:s18+$0xF500];
	v10 =	vsub.f32 $1.500000000e+00, v10  }
0x22c: {  	v9 =	vadd.f32 v43, v9;
	v11 =	vld [tilespmem:s13+$0xF400];
	v6 =	vadd.f32 v52, v6;
	[tilespmem:s4+$0x0] =	vst v5  }
0x22d: {  	v8 =	vadd.f32 v53, v8;
	v2 =	vmul.f32 v5, v2;
	v10 =	vmul.f32 v10, v12;
	v5 =	vld [tilespmem:s2+$0xF280]  }
0x22e: {  	s8 =	sadd.s32 $0x20, s8;
	v9 =	vadd.f32 v47, v9;
	v59 =	vld [tilespmem:s7+$0xF280];
	v4 =	vadd.f32 v4, v6  }
0x22f: {  	s9 =	sadd.s32 $0x20, s9;
	v6 =	vld [tilespmem:s15+$0xCA80];
	v8 =	vadd.f32 v54, v8;
	[tilespmem:s8+$0x0] =	vst v10  }
0x230: {  	v7 =	vadd.f32 v7, v9;
	v9 =	vld [tilespmem:s13+$0xF500];
	[tilespmem:s9+$0x0] =	vst v2;
	v4 =	vmax.f32 v4, $1.000000000e+00  }
0x231: {  	v2 =	vld [tilespmem:s24+$0xCA80];
	v8 =	vadd.f32 v11, v8;
	v10 =	vshrl.u32 v4, $0x1;
	v4 =	vmul.f32 $5.000000000e-01, v4  }
0x232: {  	v5 =	vadd.f32 v5, v7;
	v7 =	vld [tilespmem:s23+$0xF280];
	v10 =	vsub.s32 $0x5F3759DF, v10  }
0x233: {  	v11 =	vld [tilespmem:s15+$0xF280];
	v8 =	vadd.f32 v55, v8;
	v56 =	vmul.f32 v10, v4  }
0x234: {  	v3 =	vadd.f32 v6, v3;
	v6 =	vld [tilespmem:s26+$0xF280]  }
0x235: {  	v57 =	vld [tilespmem:s24+$0xF280];
	v8 =	vadd.f32 v9, v8;
	v9 =	vmul.f32 v10, v56  }
0x236: {  	v2 =	vadd.f32 v2, v3;
	v3 =	vld [tilespmem:s30+$0xF280]  }
0x237: {  	v58 =	vld [tilespmem:s3+$0xCA80];
	v7 =	vadd.f32 v7, v8;
	v8 =	vsub.f32 $1.500000000e+00, v9  }
0x238: {  	v9 =	vld [tilespmem:s0+$0xF280]  }
0x239: {  	v5 =	vadd.f32 v11, v5;
	v11 =	vld [tilespmem:s3+$0xF280];
	v6 =	vadd.f32 v6, v7;
	v7 =	vmul.f32 v10, v8  }
0x23a: {  	v8 =	vld [tilespmem:s21+$0xF280]  }
0x23b: {  	v60 =	vld [tilespmem:s12+$0xF280];
	v3 =	vadd.f32 v3, v6;
	v6 =	vmul.f32 v7, v4  }
0x23c: {  	v5 =	vadd.f32 v57, v5;
	v10 =	vld [tilespmem:s12+$0xCA80]  }
0x23d: {  	v61 =	vld [tilespmem:s25+$0xCA80];
	v3 =	vadd.f32 v9, v3;
	v6 =	vmul.f32 v6, v7  }
0x23e: {  	v2 =	vadd.f32 v58, v2;
	v5 =	vadd.f32 v11, v5;
	v9 =	vld [tilespmem:s5+$0xF280]  }
0x23f: {  	v11 =	vld [tilespmem:s16+$0xCA80];
	v3 =	vadd.f32 v8, v3;
	v6 =	vsub.f32 $1.500000000e+00, v6  }
0x240: {  	v8 =	vld [tilespmem:s20+$0xF280]  }
0x241: {  	s10 =	sadd.s32 $0x2, s10;
	v2 =	vadd.f32 v10, v2;
	v10 =	vld [tilespmem:s16+$0xF280];
	v12 =	vadd.f32 v59, v3;
	v3 =	vmul.f32 v6, v7  }
0x242: {  	p2 =	slt.u32 s10, $0x26;
	v7 =	vld [tilespmem:s1+$0xF280]  }
.Ltmp7:
0x243: {  	v6 =	vadd.f32 v60, v5;
	v5 =	vld [tilespmem:s25+$0xF280];
	v9 =	vadd.f32 v9, v12;
	v62 =	vmul.f32 v3, v4;
	(pc) =	sbr.rel @p2 .LBB2_12-.Ltmp7, $4  }
0x244: {  	v63 =	vadd.f32 v11, v2;
	v4 =	vld [tilespmem:s19+$0xF280]  }
0x245: {  	v2 =	vadd.f32 v8, v9;
	v12 =	vmul.f32 v62, v3;
	v8 =	vld [tilespmem:s14+$0xCA80]  }
0x246: {  	s24 =	rddreg [dreg:$0xb];
	v9 =	vadd.f32 v10, v6;
	v6 =	vld [tilespmem:s14+$0xF280];
	v10 =	vadd.f32 v61, v63  }
0x247: {  	s11 =	sadd.s32 $0x20, s11;
	s25 =	rddreg [dreg:$0xa];
	v11 =	vadd.f32 v7, v2;
	v2 =	vsub.f32 $1.500000000e+00, v12;
	v7 =	vld [tilespmem:s28+$0xCA80]  }
0x248: {  	v12 =	vld [tilespmem:s28+$0xF280]  }
0x249: {  	v5 =	vadd.f32 v5, v9;
	v46 =	vld [tilespmem:s22+$0xCA80]  }
0x24a: {  	v47 =	vld [tilespmem:s22+$0xF280];
	v8 =	vadd.f32 v8, v10  }
0x24b: {  	v4 =	vadd.f32 v4, v11;
	v5 =	vadd.f32 v6, v5  }
0x24c: {  	v48 =	vadd.f32 v7, v8  }
0x24d: {  	v49 =	vmax.f32 v4, $1.000000000e+00;
	v5 =	vadd.f32 v12, v5  }
0x24e: {  	v50 =	vshrl.u32 v49, $0x1;
	v7 =	vmul.f32 $5.000000000e-01, v49;
	v6 =	vadd.f32 v46, v48  }
0x24f: {  	v8 =	vsub.s32 $0x5F3759DF, v50;
	v5 =	vadd.f32 v47, v5  }
0x250: {  	v51 =	vmul.f32 v8, v7;
	v6 =	vmax.f32 v6, $1.000000000e+00  }
0x251: {  	v52 =	vshrl.u32 v6, $0x1;
	v6 =	vmul.f32 $5.000000000e-01, v6;
	v53 =	vmax.f32 v5, $1.000000000e+00  }
0x252: {  	v10 =	vsub.s32 $0x5F3759DF, v52;
	v54 =	vshrl.u32 v53, $0x1;
	v11 =	vmul.f32 $5.000000000e-01, v53  }
0x253: {  	v13 =	vmul.f32 v10, v6;
	v12 =	vsub.s32 $0x5F3759DF, v54  }
0x254: {  	v9 =	vmul.f32 v8, v51;
	v14 =	vmul.f32 v12, v11  }
0x255: {  	v13 =	vmul.f32 v10, v13  }
0x256: {  	v9 =	vsub.f32 $1.500000000e+00, v9;
	v14 =	vmul.f32 v12, v14  }
0x257: {  	v13 =	vsub.f32 $1.500000000e+00, v13  }
0x258: {  	v8 =	vmul.f32 v8, v9;
	v55 =	vsub.f32 $1.500000000e+00, v14  }
0x259: {  	v10 =	vmul.f32 v10, v13  }
0x25a: {  	v56 =	vmul.f32 v8, v7;
	v9 =	vmul.f32 v12, v55  }
0x25b: {  	v57 =	vmul.f32 v10, v6  }
0x25c: {  	v13 =	vmul.f32 v56, v8;
	v58 =	vmul.f32 v9, v11  }
0x25d: {  	v12 =	vmul.f32 v57, v10  }
0x25e: {  	v13 =	vsub.f32 $1.500000000e+00, v13;
	v14 =	vmul.f32 v58, v9  }
0x25f: {  	v12 =	vsub.f32 $1.500000000e+00, v12  }
0x260: {  	v8 =	vmul.f32 v13, v8;
	v59 =	vsub.f32 $1.500000000e+00, v14  }
0x261: {  	v10 =	vmul.f32 v12, v10  }
0x262: {  	v7 =	vmul.f32 v8, v7;
	v9 =	vmul.f32 v59, v9  }
0x263: {  	v2 =	vmul.f32 v2, v3;
	v3 =	vmul.f32 v10, v6  }
0x264: {  	v60 =	vmul.f32 v7, v8;
	v61 =	vmul.f32 v9, v11  }
0x265: {  	v3 =	vmul.f32 v3, v10  }
0x266: {  	s0 =	sand.u32 $0x380, s24;
	v6 =	vsub.f32 $1.500000000e+00, v60;
	v7 =	vmul.f32 v61, v9  }
0x267: {  	s0 =	sor.u32 s0, s6;
	v4 =	vmul.f32 v2, v4;
	v3 =	vsub.f32 $1.500000000e+00, v3  }
0x268: {  	[tilespmem:s0+$0x11A80] =	vst v2;
	v62 =	vmul.f32 v6, v8;
	v63 =	vsub.f32 $1.500000000e+00, v7  }
0x269: {  	[tilespmem:s0+$0x11F80] =	vst v4;
	v2 =	vmul.f32 v3, v10  }
0x26a: {  	s29 =	sadd.s32 $0x20, s4;
	[tilespmem:s0+$0x11D00] =	vst v62;
	v3 =	vmul.f32 v63, v9  }
0x26b: {  	s30 =	sadd.s32 $0x20, s8;
	[tilespmem:s29+$0x0] =	vst v2;
	v2 =	vmul.f32 v2, v5  }
0x26c: {  	s31 =	sadd.s32 $0x20, s9;
	[tilespmem:s30+$0x0] =	vst v3  }
0x26d: {  	[tilespmem:s31+$0x0] =	vst v2  }
0x26e: {  	s25 =	simm.s32 $0x11F80;
	s20 =	simm.s32 $0x4;
	s17 =	rddreg [dreg:$0x15]  }
0x26f: {  	[spmem:s17] =	stream.linear.scatter [tilespmem:s25], [sflag:$0x4], $0x280, $0x38;
	[tilespmem:$0x17E80] =	vst v63  }
0x270: {  	_ =	swait.ge [sflag:s20], $0x280  }
0x271: {  	[sflag:s20] =	ssyncset.done $0x0  }
0x272: {  	[sflag:s20] =	ssyncadd.s32 $0xFFFFFD80  }
0x273: {  	[bflag:$0x0] =	sbarrier.arrive $0xFFFF  }
0x274: {  	s26 =	simm.s32 $0xA280;
	s0 =	simm.s32 $0x52C0;
	s13 =	rddreg [dreg:$0x8]  }
0x275: {  	[tilespmem:s26], [sflag:$0x3] =	stream.linear.gather [spmem:s13], $0x2800, $0x38;
	[tilespmem:$0x17E80] =	vst v63  }
0x276: {  	[tilespmem:s0+$0xFFFFFFC0] =	vst v0  }
0x277: {  	[tilespmem:s0+$0x30] =	vst v0  }
0x278: {  	[tilespmem:s0+$0x20] =	vst v0  }
0x279: {  	[tilespmem:s0+$0x10] =	vst v0  }
0x27a: {  	[tilespmem:s0+$0x0] =	vst v0  }
0x27b: {  	[tilespmem:s0+$0xFFFFFFF0] =	vst v0  }
0x27c: {  	s1 =	simm.s32 $0x0;
	[tilespmem:s0+$0xFFFFFFE0] =	vst v0  }
.LBB2_14:
0x27d: {  	s1 =	sadd.s32 $0x8, s1;
	[tilespmem:s0+$0xFFFFFFD0] =	vst v0;
	s0 =	sadd.s32 $0x80, s0  }
0x27e: {  	[tilespmem:s0+$0xFFFFFFC0] =	vst v0;
	p2 =	slt.u32 s1, $0x278  }
0x27f: {  	[tilespmem:s0+$0x30] =	vst v0  }
.Ltmp8:
0x280: {  	[tilespmem:s0+$0x20] =	vst v0;
	(pc) =	sbr.rel @p2 .LBB2_14-.Ltmp8, $4  }
0x281: {  	[tilespmem:s0+$0x10] =	vst v0  }
0x282: {  	[tilespmem:s0+$0x0] =	vst v0  }
0x283: {  	[tilespmem:s0+$0xFFFFFFF0] =	vst v0  }
0x284: {  	[tilespmem:s0+$0xFFFFFFE0] =	vst v0  }
0x285: {  	[tilespmem:s0+$0xFFFFFFD0] =	vst v0;
	s24 =	simm.s32 $0x3  }
0x286: {  	_ =	swait.ge [sflag:s24], $0x2800  }
0x287: {  	[sflag:s24] =	ssyncset.done $0x0  }
0x288: {  	s1 =	simm.s32 $0x100;
	[sflag:s24] =	ssyncadd.s32 $0xFFFFD800  }
0x289: {  	v2 =	vld [tilespmem:s1+$0xFFFFFFC0]  }
0x28a: {  	v3 =	vld [tilespmem:s1+$0xFFFFFF90]  }
0x28b: {  	v4 =	vld [tilespmem:s1+$0xFFFFFFA0]  }
0x28c: {  	v5 =	vld [tilespmem:s1+$0xFFFFFFB0]  }
0x28d: {  	v6 =	vld [tilespmem:s1+$0xFFFFFFE0]  }
0x28e: {  	v12 =	vld [tilespmem:s1+$0xFFFFFFF0]  }
0x28f: {  	v13 =	vld [tilespmem:s1+$0xFFFFFFD0]  }
0x290: {  	v9 =	vld [tilespmem:s1+$0xD0]  }
0x291: {  	v7 =	vld [tilespmem:s1+$0xFFFFFF50]  }
0x292: {  	v10 =	vld [tilespmem:s1+$0x40]  }
0x293: {  	v8 =	vld [tilespmem:s1+$0xFFFFFF40]  }
0x294: {  	v11 =	vld [tilespmem:s1+$0xB0]  }
0x295: {  	v14 =	vld [tilespmem:s1+$0xA0]  }
0x296: {  	v15 =	vld [tilespmem:s1+$0xFFFFFF60]  }
0x297: {  	v16 =	vld [tilespmem:s1+$0xC0]  }
0x298: {  	v17 =	vld [tilespmem:s1+$0xFFFFFF70]  }
0x299: {  	v19 =	vld [tilespmem:s1+$0x0]  }
0x29a: {  	v20 =	vld [tilespmem:s1+$0x50]  }
0x29b: {  	v21 =	vld [tilespmem:s1+$0xE0]  }
0x29c: {  	v22 =	vld [tilespmem:s1+$0xF0]  }
0x29d: {  	v23 =	vld [tilespmem:s1+$0xFFFFFF80]  }
0x29e: {  	v24 =	vld [tilespmem:s1+$0xFFFFFF00]  }
0x29f: {  	v25 =	vld [tilespmem:s1+$0x70]  }
0x2a0: {  	v26 =	vld [tilespmem:s1+$0x60]  }
0x2a1: {  	v27 =	vld [tilespmem:s1+$0x80]  }
0x2a2: {  	v28 =	vld [tilespmem:s1+$0xFFFFFF10]  }
0x2a3: {  	v29 =	vld [tilespmem:s1+$0xFFFFFF30]  }
0x2a4: {  	v30 =	vld [tilespmem:s1+$0x90]  }
0x2a5: {  	v31 =	vld [tilespmem:s1+$0x30]  }
0x2a6: {  	v32 =	vld [tilespmem:s1+$0x20]  }
0x2a7: {  	v33 =	vld [tilespmem:s1+$0x10]  }
0x2a8: {  	v18 =	vld.idx.msk [tilespmem:v7+s26+$0x0], $0xffff  }
0x2a9: {  	v7 =	vld.idx.msk [tilespmem:v8+s26+$0x0], $0xffff  }
0x2aa: {  	v8 =	vld [tilespmem:s1+$0xFFFFFF20]  }
0x2ab: {  	v24 =	vld.idx.msk [tilespmem:v24+s26+$0x0], $0xffff  }
0x2ac: {  	v25 =	vld.idx.msk [tilespmem:v25+s26+$0x0], $0xffff  }
0x2ad: {  	v26 =	vld.idx.msk [tilespmem:v26+s26+$0x0], $0xffff  }
0x2ae: {  	v20 =	vld.idx.msk [tilespmem:v20+s26+$0x0], $0xffff  }
0x2af: {  	v10 =	vld.idx.msk [tilespmem:v10+s26+$0x0], $0xffff  }
0x2b0: {  	v61 =	vld.idx.msk [tilespmem:v31+s26+$0x0], $0xffff  }
0x2b1: {  	v62 =	vld.idx.msk [tilespmem:v32+s26+$0x0], $0xffff  }
0x2b2: {  	v63 =	vld.idx.msk [tilespmem:v33+s26+$0x0], $0xffff  }
0x2b3: {  	v19 =	vld.idx.msk [tilespmem:v19+s26+$0x0], $0xffff  }
0x2b4: {  	s14 =	simm.s32 $0x5280;
	v17 =	vld.idx.msk [tilespmem:v17+s26+$0x0], $0xffff  }
0x2b5: {  	[tilespmem:v23+s14+$0x0] =	vst.idx.add.f32.msk $0xffff, v24  }
0x2b6: {  	[tilespmem:v22+s14+$0x0] =	vst.idx.add.f32.msk $0xffff, v25  }
0x2b7: {  	[tilespmem:v21+s14+$0x0] =	vst.idx.add.f32.msk $0xffff, v26  }
0x2b8: {  	[tilespmem:v9+s14+$0x0] =	vst.idx.add.f32.msk $0xffff, v20  }
0x2b9: {  	[tilespmem:v16+s14+$0x0] =	vst.idx.add.f32.msk $0xffff, v10  }
0x2ba: {  	[tilespmem:v14+s14+$0x0] =	vst.idx.add.f32.msk $0xffff, v62  }
0x2bb: {  	[tilespmem:v11+s14+$0x0] =	vst.idx.add.f32.msk $0xffff, v61  }
0x2bc: {  	[tilespmem:v30+s14+$0x0] =	vst.idx.add.f32.msk $0xffff, v63  }
0x2bd: {  	v11 =	vld.idx.msk [tilespmem:v15+s26+$0x0], $0xffff  }
0x2be: {  	v10 =	vld.idx.msk [tilespmem:v29+s26+$0x0], $0xffff  }
0x2bf: {  	[tilespmem:v13+s14+$0x0] =	vst.idx.add.f32.msk $0xffff, v18  }
0x2c0: {  	[tilespmem:v27+s14+$0x0] =	vst.idx.add.f32.msk $0xffff, v19  }
0x2c1: {  	[tilespmem:v12+s14+$0x0] =	vst.idx.add.f32.msk $0xffff, v17  }
0x2c2: {  	s0 =	simm.s32 $0x0;
	s18 =	simm.s32 $0x80;
	v8 =	vld.idx.msk [tilespmem:v8+s26+$0x0], $0xffff  }
0x2c3: {  	s19 =	simm.s32 $0x400;
	s21 =	simm.s32 $0x1400;
	s15 =	rddreg [dreg:$0x11]  }
0x2c4: {  	s22 =	simm.s32 $0x14000;
	s23 =	simm.s32 $0xCA80;
	v9 =	vld.idx.msk [tilespmem:v28+s26+$0x0], $0xffff;
	s16 =	rddreg [dreg:$0x13]  }
.LBB2_16:
0x2c5: {  	s0 =	sadd.s32 $0x10, s0;
	[tilespmem:v6+s14+$0x0] =	vst.idx.add.f32.msk $0xffff, v11;
	s1 =	sadd.s32 $0x200, s1  }
0x2c6: {  	p2 =	slt.u32 s0, $0x180;
	[tilespmem:v5+s14+$0x0] =	vst.idx.add.f32.msk $0xffff, v10  }
0x2c7: {  	[tilespmem:v4+s14+$0x0] =	vst.idx.add.f32.msk $0xffff, v8  }
0x2c8: {  	[tilespmem:v2+s14+$0x0] =	vst.idx.add.f32.msk $0xffff, v7  }
0x2c9: {  	[tilespmem:v3+s14+$0x0] =	vst.idx.add.f32.msk $0xffff, v9  }
0x2ca: {  	v2 =	vld [tilespmem:s1+$0xFFFFFFC0]  }
0x2cb: {  	v3 =	vld [tilespmem:s1+$0xFFFFFF90]  }
0x2cc: {  	v4 =	vld [tilespmem:s1+$0xFFFFFFA0]  }
0x2cd: {  	v5 =	vld [tilespmem:s1+$0xFFFFFFB0]  }
0x2ce: {  	v6 =	vld [tilespmem:s1+$0xFFFFFFE0]  }
0x2cf: {  	v12 =	vld [tilespmem:s1+$0xFFFFFFF0]  }
0x2d0: {  	v13 =	vld [tilespmem:s1+$0xFFFFFFD0]  }
0x2d1: {  	v9 =	vld [tilespmem:s1+$0xD0]  }
0x2d2: {  	v7 =	vld [tilespmem:s1+$0xFFFFFF50]  }
0x2d3: {  	v10 =	vld [tilespmem:s1+$0x40]  }
0x2d4: {  	v8 =	vld [tilespmem:s1+$0xFFFFFF40]  }
0x2d5: {  	v11 =	vld [tilespmem:s1+$0xB0]  }
0x2d6: {  	v14 =	vld [tilespmem:s1+$0xA0]  }
0x2d7: {  	v15 =	vld [tilespmem:s1+$0xFFFFFF60]  }
0x2d8: {  	v16 =	vld [tilespmem:s1+$0xC0]  }
0x2d9: {  	v17 =	vld [tilespmem:s1+$0xFFFFFF70]  }
0x2da: {  	v18 =	vld.idx.msk [tilespmem:v7+s26+$0x0], $0xffff  }
0x2db: {  	v19 =	vld [tilespmem:s1+$0x0]  }
0x2dc: {  	v7 =	vld.idx.msk [tilespmem:v8+s26+$0x0], $0xffff  }
0x2dd: {  	v20 =	vld [tilespmem:s1+$0x50]  }
0x2de: {  	v21 =	vld [tilespmem:s1+$0xE0]  }
0x2df: {  	v22 =	vld [tilespmem:s1+$0xF0]  }
0x2e0: {  	v23 =	vld [tilespmem:s1+$0xFFFFFF80]  }
0x2e1: {  	v8 =	vld [tilespmem:s1+$0xFFFFFF20]  }
0x2e2: {  	v24 =	vld [tilespmem:s1+$0xFFFFFF00]  }
0x2e3: {  	v25 =	vld [tilespmem:s1+$0x70]  }
0x2e4: {  	v26 =	vld [tilespmem:s1+$0x60]  }
0x2e5: {  	v27 =	vld [tilespmem:s1+$0x80]  }
0x2e6: {  	v28 =	vld [tilespmem:s1+$0xFFFFFF10]  }
0x2e7: {  	v29 =	vld [tilespmem:s1+$0xFFFFFF30]  }
0x2e8: {  	v30 =	vld [tilespmem:s1+$0x90]  }
0x2e9: {  	v8 =	vld.idx.msk [tilespmem:v8+s26+$0x0], $0xffff  }
0x2ea: {  	v24 =	vld.idx.msk [tilespmem:v24+s26+$0x0], $0xffff  }
0x2eb: {  	v25 =	vld.idx.msk [tilespmem:v25+s26+$0x0], $0xffff  }
0x2ec: {  	v26 =	vld.idx.msk [tilespmem:v26+s26+$0x0], $0xffff  }
0x2ed: {  	v31 =	vld [tilespmem:s1+$0x30]  }
0x2ee: {  	v32 =	vld [tilespmem:s1+$0x20]  }
0x2ef: {  	v33 =	vld [tilespmem:s1+$0x10]  }
0x2f0: {  	[tilespmem:v23+s14+$0x0] =	vst.idx.add.f32.msk $0xffff, v24  }
0x2f1: {  	[tilespmem:v22+s14+$0x0] =	vst.idx.add.f32.msk $0xffff, v25  }
0x2f2: {  	[tilespmem:v21+s14+$0x0] =	vst.idx.add.f32.msk $0xffff, v26  }
0x2f3: {  	v20 =	vld.idx.msk [tilespmem:v20+s26+$0x0], $0xffff  }
0x2f4: {  	v10 =	vld.idx.msk [tilespmem:v10+s26+$0x0], $0xffff  }
0x2f5: {  	v21 =	vld.idx.msk [tilespmem:v31+s26+$0x0], $0xffff  }
0x2f6: {  	v22 =	vld.idx.msk [tilespmem:v32+s26+$0x0], $0xffff  }
0x2f7: {  	v23 =	vld.idx.msk [tilespmem:v33+s26+$0x0], $0xffff  }
0x2f8: {  	v19 =	vld.idx.msk [tilespmem:v19+s26+$0x0], $0xffff  }
0x2f9: {  	[tilespmem:v9+s14+$0x0] =	vst.idx.add.f32.msk $0xffff, v20  }
0x2fa: {  	v17 =	vld.idx.msk [tilespmem:v17+s26+$0x0], $0xffff  }
0x2fb: {  	[tilespmem:v16+s14+$0x0] =	vst.idx.add.f32.msk $0xffff, v10  }
0x2fc: {  	[tilespmem:v14+s14+$0x0] =	vst.idx.add.f32.msk $0xffff, v22  }
0x2fd: {  	[tilespmem:v11+s14+$0x0] =	vst.idx.add.f32.msk $0xffff, v21  }
0x2fe: {  	[tilespmem:v30+s14+$0x0] =	vst.idx.add.f32.msk $0xffff, v23  }
0x2ff: {  	v11 =	vld.idx.msk [tilespmem:v15+s26+$0x0], $0xffff  }
.Ltmp9:
0x300: {  	v10 =	vld.idx.msk [tilespmem:v29+s26+$0x0], $0xffff;
	(pc) =	sbr.rel @p2 .LBB2_16-.Ltmp9, $4  }
0x301: {  	v9 =	vld.idx.msk [tilespmem:v28+s26+$0x0], $0xffff  }
0x302: {  	[tilespmem:v13+s14+$0x0] =	vst.idx.add.f32.msk $0xffff, v18  }
0x303: {  	[tilespmem:v27+s14+$0x0] =	vst.idx.add.f32.msk $0xffff, v19  }
0x304: {  	[tilespmem:v12+s14+$0x0] =	vst.idx.add.f32.msk $0xffff, v17  }
0x305: {  	_ =	sdelay $0x3  }
.Ltmp10:
0x306: {  	[tilespmem:v6+s14+$0x0] =	vst.idx.add.f32.msk $0xffff, v11;
	(pc) =	sbr.rel @p0 .LBB2_21-.Ltmp10, $4  }
0x307: {  	[tilespmem:v5+s14+$0x0] =	vst.idx.add.f32.msk $0xffff, v10  }
0x308: {  	[tilespmem:v4+s14+$0x0] =	vst.idx.add.f32.msk $0xffff, v8  }
0x309: {  	[tilespmem:v2+s14+$0x0] =	vst.idx.add.f32.msk $0xffff, v7  }
0x30a: {  	[tilespmem:v3+s14+$0x0] =	vst.idx.add.f32.msk $0xffff, v9  }
0x30b: {  	s1 =	simm.s32 $0x33F0  }
0x30c: {  	v2 =	vld [tilespmem:s1+$0xFFFFFED0]  }
0x30d: {  	v3 =	vld [tilespmem:s1+$0xFFFFFEA0]  }
0x30e: {  	v4 =	vld [tilespmem:s1+$0xFFFFFEB0]  }
0x30f: {  	v5 =	vld [tilespmem:s1+$0xFFFFFEC0]  }
0x310: {  	v6 =	vld [tilespmem:s1+$0xFFFFFEF0]  }
0x311: {  	v12 =	vld [tilespmem:s1+$0xFFFFFF00]  }
0x312: {  	v13 =	vld [tilespmem:s1+$0xFFFFFEE0]  }
0x313: {  	v9 =	vld [tilespmem:s1+$0xFFFFFFE0]  }
0x314: {  	v7 =	vld [tilespmem:s1+$0xFFFFFE60]  }
0x315: {  	v10 =	vld [tilespmem:s1+$0xFFFFFF50]  }
0x316: {  	v8 =	vld [tilespmem:s1+$0xFFFFFE50]  }
0x317: {  	v11 =	vld [tilespmem:s1+$0xFFFFFFC0]  }
0x318: {  	v14 =	vld [tilespmem:s1+$0xFFFFFFB0]  }
0x319: {  	v15 =	vld [tilespmem:s1+$0xFFFFFE70]  }
0x31a: {  	v16 =	vld [tilespmem:s1+$0xFFFFFFD0]  }
0x31b: {  	v17 =	vld [tilespmem:s1+$0xFFFFFE80]  }
0x31c: {  	v19 =	vld [tilespmem:s1+$0xFFFFFF10]  }
0x31d: {  	v20 =	vld [tilespmem:s1+$0xFFFFFF60]  }
0x31e: {  	v21 =	vld [tilespmem:s1+$0xFFFFFFF0]  }
0x31f: {  	v22 =	vld [tilespmem:s1+$0x0]  }
0x320: {  	v23 =	vld [tilespmem:s1+$0xFFFFFE90]  }
0x321: {  	v24 =	vld [tilespmem:s1+$0xFFFFFE10]  }
0x322: {  	v25 =	vld [tilespmem:s1+$0xFFFFFF80]  }
0x323: {  	v26 =	vld [tilespmem:s1+$0xFFFFFF70]  }
0x324: {  	v27 =	vld [tilespmem:s1+$0xFFFFFF90]  }
0x325: {  	v28 =	vld [tilespmem:s1+$0xFFFFFE20]  }
0x326: {  	v29 =	vld [tilespmem:s1+$0xFFFFFE40]  }
0x327: {  	v30 =	vld [tilespmem:s1+$0xFFFFFFA0]  }
0x328: {  	v31 =	vld [tilespmem:s1+$0xFFFFFF40]  }
0x329: {  	v32 =	vld [tilespmem:s1+$0xFFFFFF30]  }
0x32a: {  	v33 =	vld [tilespmem:s1+$0xFFFFFF20]  }
0x32b: {  	v18 =	vld.idx.msk [tilespmem:v7+s26+$0x0], $0xffff  }
0x32c: {  	v7 =	vld.idx.msk [tilespmem:v8+s26+$0x0], $0xffff  }
0x32d: {  	v8 =	vld [tilespmem:s1+$0xFFFFFE30]  }
0x32e: {  	v24 =	vld.idx.msk [tilespmem:v24+s26+$0x0], $0xffff  }
0x32f: {  	v25 =	vld.idx.msk [tilespmem:v25+s26+$0x0], $0xffff  }
0x330: {  	v26 =	vld.idx.msk [tilespmem:v26+s26+$0x0], $0xffff  }
0x331: {  	v20 =	vld.idx.msk [tilespmem:v20+s26+$0x0], $0xffff  }
0x332: {  	v10 =	vld.idx.msk [tilespmem:v10+s26+$0x0], $0xffff  }
0x333: {  	v61 =	vld.idx.msk [tilespmem:v31+s26+$0x0], $0xffff  }
0x334: {  	v62 =	vld.idx.msk [tilespmem:v32+s26+$0x0], $0xffff  }
0x335: {  	v63 =	vld.idx.msk [tilespmem:v33+s26+$0x0], $0xffff  }
0x336: {  	v19 =	vld.idx.msk [tilespmem:v19+s26+$0x0], $0xffff  }
0x337: {  	v17 =	vld.idx.msk [tilespmem:v17+s26+$0x0], $0xffff  }
0x338: {  	[tilespmem:v23+s14+$0x0] =	vst.idx.add.f32.msk $0xffff, v24  }
0x339: {  	[tilespmem:v22+s14+$0x0] =	vst.idx.add.f32.msk $0xffff, v25  }
0x33a: {  	[tilespmem:v21+s14+$0x0] =	vst.idx.add.f32.msk $0xffff, v26  }
0x33b: {  	[tilespmem:v9+s14+$0x0] =	vst.idx.add.f32.msk $0xffff, v20  }
0x33c: {  	[tilespmem:v16+s14+$0x0] =	vst.idx.add.f32.msk $0xffff, v10  }
0x33d: {  	[tilespmem:v14+s14+$0x0] =	vst.idx.add.f32.msk $0xffff, v62  }
0x33e: {  	[tilespmem:v11+s14+$0x0] =	vst.idx.add.f32.msk $0xffff, v61  }
0x33f: {  	[tilespmem:v30+s14+$0x0] =	vst.idx.add.f32.msk $0xffff, v63  }
0x340: {  	v11 =	vld.idx.msk [tilespmem:v15+s26+$0x0], $0xffff  }
0x341: {  	v10 =	vld.idx.msk [tilespmem:v29+s26+$0x0], $0xffff  }
0x342: {  	v9 =	vld.idx.msk [tilespmem:v28+s26+$0x0], $0xffff  }
0x343: {  	[tilespmem:v13+s14+$0x0] =	vst.idx.add.f32.msk $0xffff, v18  }
0x344: {  	v8 =	vld.idx.msk [tilespmem:v8+s26+$0x0], $0xffff  }
0x345: {  	[tilespmem:v27+s14+$0x0] =	vst.idx.add.f32.msk $0xffff, v19  }
0x346: {  	s0 =	simm.s32 $0x190;
	[tilespmem:v12+s14+$0x0] =	vst.idx.add.f32.msk $0xffff, v17  }
.LBB2_19:
0x347: {  	s0 =	sadd.s32 $0x10, s0;
	[tilespmem:v6+s14+$0x0] =	vst.idx.add.f32.msk $0xffff, v11;
	s1 =	sadd.s32 $0x200, s1  }
0x348: {  	p2 =	slt.u32 s0, $0x270;
	[tilespmem:v5+s14+$0x0] =	vst.idx.add.f32.msk $0xffff, v10  }
0x349: {  	[tilespmem:v4+s14+$0x0] =	vst.idx.add.f32.msk $0xffff, v8  }
0x34a: {  	[tilespmem:v2+s14+$0x0] =	vst.idx.add.f32.msk $0xffff, v7  }
0x34b: {  	[tilespmem:v3+s14+$0x0] =	vst.idx.add.f32.msk $0xffff, v9  }
0x34c: {  	v2 =	vld [tilespmem:s1+$0xFFFFFED0]  }
0x34d: {  	v3 =	vld [tilespmem:s1+$0xFFFFFEA0]  }
0x34e: {  	v4 =	vld [tilespmem:s1+$0xFFFFFEB0]  }
0x34f: {  	v5 =	vld [tilespmem:s1+$0xFFFFFEC0]  }
0x350: {  	v6 =	vld [tilespmem:s1+$0xFFFFFEF0]  }
0x351: {  	v12 =	vld [tilespmem:s1+$0xFFFFFF00]  }
0x352: {  	v13 =	vld [tilespmem:s1+$0xFFFFFEE0]  }
0x353: {  	v9 =	vld [tilespmem:s1+$0xFFFFFFE0]  }
0x354: {  	v7 =	vld [tilespmem:s1+$0xFFFFFE60]  }
0x355: {  	v10 =	vld [tilespmem:s1+$0xFFFFFF50]  }
0x356: {  	v8 =	vld [tilespmem:s1+$0xFFFFFE50]  }
0x357: {  	v11 =	vld [tilespmem:s1+$0xFFFFFFC0]  }
0x358: {  	v14 =	vld [tilespmem:s1+$0xFFFFFFB0]  }
0x359: {  	v15 =	vld [tilespmem:s1+$0xFFFFFE70]  }
0x35a: {  	v16 =	vld [tilespmem:s1+$0xFFFFFFD0]  }
0x35b: {  	v17 =	vld [tilespmem:s1+$0xFFFFFE80]  }
0x35c: {  	v18 =	vld.idx.msk [tilespmem:v7+s26+$0x0], $0xffff  }
0x35d: {  	v19 =	vld [tilespmem:s1+$0xFFFFFF10]  }
0x35e: {  	v7 =	vld.idx.msk [tilespmem:v8+s26+$0x0], $0xffff  }
0x35f: {  	v20 =	vld [tilespmem:s1+$0xFFFFFF60]  }
0x360: {  	v21 =	vld [tilespmem:s1+$0xFFFFFFF0]  }
0x361: {  	v22 =	vld [tilespmem:s1+$0x0]  }
0x362: {  	v23 =	vld [tilespmem:s1+$0xFFFFFE90]  }
0x363: {  	v8 =	vld [tilespmem:s1+$0xFFFFFE30]  }
0x364: {  	v24 =	vld [tilespmem:s1+$0xFFFFFE10]  }
0x365: {  	v25 =	vld [tilespmem:s1+$0xFFFFFF80]  }
0x366: {  	v26 =	vld [tilespmem:s1+$0xFFFFFF70]  }
0x367: {  	v27 =	vld [tilespmem:s1+$0xFFFFFF90]  }
0x368: {  	v28 =	vld [tilespmem:s1+$0xFFFFFE20]  }
0x369: {  	v29 =	vld [tilespmem:s1+$0xFFFFFE40]  }
0x36a: {  	v30 =	vld [tilespmem:s1+$0xFFFFFFA0]  }
0x36b: {  	v8 =	vld.idx.msk [tilespmem:v8+s26+$0x0], $0xffff  }
0x36c: {  	v24 =	vld.idx.msk [tilespmem:v24+s26+$0x0], $0xffff  }
0x36d: {  	v25 =	vld.idx.msk [tilespmem:v25+s26+$0x0], $0xffff  }
0x36e: {  	v26 =	vld.idx.msk [tilespmem:v26+s26+$0x0], $0xffff  }
0x36f: {  	v31 =	vld [tilespmem:s1+$0xFFFFFF40]  }
0x370: {  	v32 =	vld [tilespmem:s1+$0xFFFFFF30]  }
0x371: {  	v33 =	vld [tilespmem:s1+$0xFFFFFF20]  }
0x372: {  	[tilespmem:v23+s14+$0x0] =	vst.idx.add.f32.msk $0xffff, v24  }
0x373: {  	[tilespmem:v22+s14+$0x0] =	vst.idx.add.f32.msk $0xffff, v25  }
0x374: {  	[tilespmem:v21+s14+$0x0] =	vst.idx.add.f32.msk $0xffff, v26  }
0x375: {  	v20 =	vld.idx.msk [tilespmem:v20+s26+$0x0], $0xffff  }
0x376: {  	v10 =	vld.idx.msk [tilespmem:v10+s26+$0x0], $0xffff  }
0x377: {  	v21 =	vld.idx.msk [tilespmem:v31+s26+$0x0], $0xffff  }
0x378: {  	v22 =	vld.idx.msk [tilespmem:v32+s26+$0x0], $0xffff  }
0x379: {  	v23 =	vld.idx.msk [tilespmem:v33+s26+$0x0], $0xffff  }
0x37a: {  	v19 =	vld.idx.msk [tilespmem:v19+s26+$0x0], $0xffff  }
0x37b: {  	[tilespmem:v9+s14+$0x0] =	vst.idx.add.f32.msk $0xffff, v20  }
0x37c: {  	v17 =	vld.idx.msk [tilespmem:v17+s26+$0x0], $0xffff  }
0x37d: {  	[tilespmem:v16+s14+$0x0] =	vst.idx.add.f32.msk $0xffff, v10  }
0x37e: {  	[tilespmem:v14+s14+$0x0] =	vst.idx.add.f32.msk $0xffff, v22  }
0x37f: {  	[tilespmem:v11+s14+$0x0] =	vst.idx.add.f32.msk $0xffff, v21  }
0x380: {  	[tilespmem:v30+s14+$0x0] =	vst.idx.add.f32.msk $0xffff, v23  }
0x381: {  	v11 =	vld.idx.msk [tilespmem:v15+s26+$0x0], $0xffff  }
.Ltmp11:
0x382: {  	v10 =	vld.idx.msk [tilespmem:v29+s26+$0x0], $0xffff;
	(pc) =	sbr.rel @p2 .LBB2_19-.Ltmp11, $4  }
0x383: {  	v9 =	vld.idx.msk [tilespmem:v28+s26+$0x0], $0xffff  }
0x384: {  	[tilespmem:v13+s14+$0x0] =	vst.idx.add.f32.msk $0xffff, v18  }
0x385: {  	[tilespmem:v27+s14+$0x0] =	vst.idx.add.f32.msk $0xffff, v19  }
0x386: {  	[tilespmem:v12+s14+$0x0] =	vst.idx.add.f32.msk $0xffff, v17  }
0x387: {  	_ =	sdelay $0x3  }
0x388: {  	[tilespmem:v6+s14+$0x0] =	vst.idx.add.f32.msk $0xffff, v11  }
0x389: {  	[tilespmem:v5+s14+$0x0] =	vst.idx.add.f32.msk $0xffff, v10  }
0x38a: {  	[tilespmem:v4+s14+$0x0] =	vst.idx.add.f32.msk $0xffff, v8  }
0x38b: {  	[tilespmem:v2+s14+$0x0] =	vst.idx.add.f32.msk $0xffff, v7  }
0x38c: {  	[tilespmem:v3+s14+$0x0] =	vst.idx.add.f32.msk $0xffff, v9  }
.LBB2_21:
0x38d: {  	[spmem:s15] =	stream.strided.scatter [tilespmem:s14], [sflag:$0x4], $0x2800, s19, s18, $0x38;
	[tilespmem:$0x17E80] =	vst v63  }
0x38e: {  	_ =	swait.ge [sflag:s20], $0x2800  }
0x38f: {  	[sflag:s20] =	ssyncset.done $0x0  }
0x390: {  	[sflag:s20] =	ssyncadd.s32 $0xFFFFD800  }
0x391: {  	s0 =	simm.s32 $0x0;
	[bflag:$0x0] =	sbarrier.arrive $0xFFFF  }
0x392: {  	[tilespmem:s23], [sflag:$0x4] =	stream.strided.gather [spmem:s16], $0x2800, s22, s21, $0x38;
	[tilespmem:$0x17E80] =	vst v63  }
0x393: {  	s1 =	sand.u32 $0x60, s0;
	s2 =	sand.u32 $0x1C00, s0;
	_ =	swait.ge [sflag:s20], $0x2800  }
0x394: {  	s3 =	sadd.s32 $0xCA80, s2;
	s4 =	sor.u32 $0x10, s1;
	[sflag:s20] =	ssyncset.done $0x0  }
0x395: {  	s5 =	sor.u32 s4, s3;
	[sflag:s20] =	ssyncadd.s32 $0xFFFFD800  }
0x396: {  	v2 =	vld [tilespmem:s5+$0x0]  }
0x397: {  	s3 =	sor.u32 s1, s3;
	v3 =	vld [tilespmem:s5+$0x80]  }
0x398: {  	v4 =	vld [tilespmem:s3+$0x0]  }
0x399: {  	v5 =	vld [tilespmem:s5+$0x100]  }
0x39a: {  	v6 =	vld [tilespmem:s3+$0x80]  }
0x39b: {  	v7 =	vld [tilespmem:s5+$0x180]  }
0x39c: {  	v8 =	vld [tilespmem:s3+$0x100]  }
0x39d: {  	v9 =	vld [tilespmem:s5+$0x200]  }
0x39e: {  	v10 =	vld [tilespmem:s3+$0x180]  }
0x39f: {  	v11 =	vld [tilespmem:s5+$0x280]  }
0x3a0: {  	v12 =	vld [tilespmem:s3+$0x200]  }
0x3a1: {  	v13 =	vld [tilespmem:s5+$0x300]  }
0x3a2: {  	v14 =	vld [tilespmem:s3+$0x280]  }
0x3a3: {  	s6 =	sadd.s32 $0xDE80, s2;
	v15 =	vld [tilespmem:s5+$0x380]  }
0x3a4: {  	s10 =	sor.u32 s4, s6;
	v16 =	vld [tilespmem:s3+$0x300]  }
0x3a5: {  	s7 =	sadd.s32 $0xDF00, s2;
	v17 =	vld [tilespmem:s10+$0x0]  }
0x3a6: {  	s11 =	sor.u32 s4, s7;
	v18 =	vld [tilespmem:s3+$0x380]  }
0x3a7: {  	s28 =	sadd.s32 $0xDF80, s2;
	s12 =	sor.u32 s1, s6;
	v19 =	vld [tilespmem:s11+$0x0]  }
0x3a8: {  	s29 =	sor.u32 s4, s28;
	v20 =	vld [tilespmem:s12+$0x0]  }
0x3a9: {  	s30 =	sor.u32 s1, s7;
	v21 =	vld [tilespmem:s29+$0x0]  }
0x3aa: {  	s8 =	sor.u32 $0xE080, s2;
	s6 =	sor.u32 s1, s28;
	v22 =	vld [tilespmem:s30+$0x0]  }
0x3ab: {  	s9 =	sor.u32 s4, s8;
	v24 =	vld [tilespmem:s6+$0x0]  }
0x3ac: {  	s0 =	sand.u32 $0x380, s0;
	s28 =	sor.u32 s1, s8;
	v25 =	vld [tilespmem:s9+$0x0]  }
0x3ad: {  	s31 =	sor.u32 $0xE000, s2;
	s0 =	sor.u32 s0, s4;
	v28 =	vld [tilespmem:s28+$0x0]  }
0x3ae: {  	s5 =	sor.u32 s4, s31;
	v33 =	vld [tilespmem:s0+$0x11D00]  }
0x3af: {  	s10 =	sor.u32 s1, s31;
	s11 =	sor.u32 $0xE100, s2;
	v23 =	vld [tilespmem:s5+$0x0]  }
0x3b0: {  	s29 =	sor.u32 $0xE180, s2;
	v26 =	vld [tilespmem:s10+$0x0];
	s12 =	sor.u32 s4, s11  }
0x3b1: {  	s30 =	sor.u32 s4, s29;
	v27 =	vld [tilespmem:s12+$0x0]  }
0x3b2: {  	s2 =	sor.u32 $0xE200, s2;
	s31 =	sor.u32 s1, s11;
	v29 =	vld [tilespmem:s30+$0x0]  }
0x3b3: {  	s9 =	simm.s32 $0x100;
	s7 =	sor.u32 s4, s2;
	v30 =	vld [tilespmem:s31+$0x0]  }
0x3b4: {  	s3 =	simm.s32 $0x20;
	s8 =	sor.u32 s1, s29;
	s5 =	sand.u32 $0x1C00, s9;
	v31 =	vld [tilespmem:s7+$0x0]  }
0x3b5: {  	s1 =	sor.u32 s1, s2;
	s2 =	sand.u32 $0x60, s3;
	v32 =	vld [tilespmem:s8+$0x0];
	s11 =	sadd.s32 $0xCA80, s5  }
0x3b6: {  	v34 =	vld [tilespmem:s1+$0x0];
	s4 =	sor.u32 $0x10, s2;
	s7 =	sor.u32 s2, s11  }
0x3b7: {  	s12 =	sor.u32 s4, s11;
	v52 =	vld [tilespmem:s7+$0x80];
	v2 =	vadd.f32 v3, v2  }
0x3b8: {  	v53 =	vld [tilespmem:s12+$0x200];
	v3 =	vadd.f32 v6, v4  }
0x3b9: {  	v54 =	vld [tilespmem:s12+$0x280];
	v2 =	vadd.f32 v5, v2  }
0x3ba: {  	v3 =	vadd.f32 v8, v3;
	v8 =	vld [tilespmem:s12+$0x0]  }
0x3bb: {  	v2 =	vadd.f32 v7, v2;
	v7 =	vld [tilespmem:s12+$0x80]  }
0x3bc: {  	v55 =	vld [tilespmem:s12+$0x300];
	v3 =	vadd.f32 v10, v3  }
0x3bd: {  	v2 =	vadd.f32 v9, v2;
	v9 =	vld [tilespmem:s12+$0x100]  }
0x3be: {  	v10 =	vld [tilespmem:s7+$0x0];
	v3 =	vadd.f32 v12, v3  }
0x3bf: {  	v2 =	vadd.f32 v11, v2;
	v11 =	vld [tilespmem:s12+$0x180]  }
0x3c0: {  	v3 =	vadd.f32 v14, v3;
	v7 =	vadd.f32 v7, v8;
	v8 =	vld [tilespmem:s7+$0x100]  }
0x3c1: {  	s8 =	sadd.s32 $0xDE80, s5;
	v56 =	vld [tilespmem:s12+$0x380];
	v2 =	vadd.f32 v13, v2  }
0x3c2: {  	s28 =	sor.u32 s4, s8;
	v3 =	vadd.f32 v16, v3;
	v7 =	vadd.f32 v9, v7;
	v9 =	vld [tilespmem:s7+$0x180]  }
0x3c3: {  	s9 =	sadd.s32 $0xDF00, s5;
	v57 =	vld [tilespmem:s28+$0x0];
	v10 =	vadd.f32 v52, v10;
	v2 =	vadd.f32 v15, v2  }
0x3c4: {  	s29 =	sor.u32 s4, s9;
	v3 =	vadd.f32 v18, v3;
	v7 =	vadd.f32 v11, v7;
	v11 =	vld [tilespmem:s7+$0x200]  }
0x3c5: {  	v58 =	vld [tilespmem:s29+$0x0];
	v2 =	vadd.f32 v17, v2;
	v8 =	vadd.f32 v8, v10  }
0x3c6: {  	v3 =	vadd.f32 v20, v3;
	v10 =	vld [tilespmem:s7+$0x280];
	v7 =	vadd.f32 v53, v7  }
0x3c7: {  	v4 =	vld [tilespmem:s0+$0x11A80];
	v2 =	vadd.f32 v19, v2;
	v8 =	vadd.f32 v9, v8  }
0x3c8: {  	s10 =	simm.s32 $0x11D00;
	v3 =	vadd.f32 v22, v3;
	v9 =	vld [tilespmem:s7+$0x300];
	v7 =	vadd.f32 v54, v7  }
0x3c9: {  	s28 =	sor.u32 $0xE080, s5;
	v6 =	vld [tilespmem:s10+$0x0];
	v2 =	vadd.f32 v21, v2;
	v8 =	vadd.f32 v11, v8  }
0x3ca: {  	s29 =	sor.u32 s4, s28;
	v3 =	vadd.f32 v24, v3;
	v11 =	vld [tilespmem:s7+$0x380];
	v7 =	vadd.f32 v55, v7  }
0x3cb: {  	s31 =	sadd.s32 $0xDF80, s5;
	s30 =	sor.u32 s2, s8;
	v61 =	vld [tilespmem:s29+$0x0];
	v2 =	vadd.f32 v23, v2;
	v8 =	vadd.f32 v10, v8  }
0x3cc: {  	s7 =	sor.u32 s4, s31;
	v3 =	vadd.f32 v26, v3;
	v10 =	vld [tilespmem:s30+$0x0];
	v7 =	vadd.f32 v56, v7  }
0x3cd: {  	s9 =	sor.u32 s2, s9;
	s10 =	sor.u32 $0xE000, s5;
	v59 =	vld [tilespmem:s7+$0x0];
	v2 =	vadd.f32 v25, v2;
	v8 =	vadd.f32 v9, v8  }
0x3ce: {  	s11 =	sor.u32 s4, s10;
	v3 =	vadd.f32 v28, v3;
	v9 =	vld [tilespmem:s9+$0x0];
	v7 =	vadd.f32 v57, v7  }
0x3cf: {  	v60 =	vld [tilespmem:s11+$0x0];
	s12 =	sor.u32 s2, s31;
	v2 =	vadd.f32 v27, v2;
	v8 =	vadd.f32 v11, v8  }
0x3d0: {  	s1 =	simm.s32 $0x11A80;
	v3 =	vadd.f32 v30, v3;
	v11 =	vld [tilespmem:s12+$0x0];
	v7 =	vadd.f32 v58, v7  }
0x3d1: {  	v5 =	vld [tilespmem:s1+$0x0];
	s31 =	sor.u32 $0xE100, s5;
	s30 =	sor.u32 s2, s10;
	v2 =	vadd.f32 v29, v2;
	v8 =	vadd.f32 v10, v8  }
0x3d2: {  	s7 =	sor.u32 s4, s31;
	v3 =	vadd.f32 v32, v3;
	v10 =	vld [tilespmem:s30+$0x0];
	v7 =	vadd.f32 v59, v7  }
0x3d3: {  	s11 =	sor.u32 $0xE180, s5;
	s10 =	sor.u32 s2, s28;
	v62 =	vld [tilespmem:s7+$0x0];
	v2 =	vadd.f32 v31, v2;
	v8 =	vadd.f32 v9, v8  }
0x3d4: {  	s12 =	sor.u32 s4, s11;
	v3 =	vadd.f32 v34, v3;
	v9 =	vld [tilespmem:s10+$0x0];
	v7 =	vadd.f32 v60, v7  }
0x3d5: {  	s29 =	sor.u32 $0xE200, s5;
	s28 =	sor.u32 s2, s31;
	v63 =	vld [tilespmem:s12+$0x0];
	v2 =	vmul.f32 v33, v2;
	v8 =	vadd.f32 v11, v8  }
0x3d6: {  	s5 =	sor.u32 s4, s29;
	v6 =	vmul.f32 v6, v3;
	v3 =	vld [tilespmem:s28+$0x0];
	v7 =	vadd.f32 v61, v7  }
0x3d7: {  	s3 =	sand.u32 $0x380, s3;
	s30 =	sor.u32 s2, s11;
	v11 =	vmul.f32 v4, v2;
	v2 =	vld [tilespmem:s5+$0x0];
	v8 =	vadd.f32 v10, v8  }
0x3d8: {  	v6 =	vmul.f32 v5, v6;
	v4 =	vld [tilespmem:s30+$0x0];
	s5 =	sor.u32 s3, s4;
	v7 =	vadd.f32 v62, v7  }
0x3d9: {  	s6 =	simm.s32 $0x2;
	s31 =	sor.u32 s2, s29;
	s4 =	simm.s32 $0x11F80;
	v5 =	vld [tilespmem:s5+$0x11D00];
	[tilespmem:s0+$0x11F80] =	vst v11;
	v8 =	vadd.f32 v9, v8  }
0x3da: {  	s8 =	simm.s32 $0x200;
	s7 =	simm.s32 $0x11D20;
	s9 =	simm.s32 $0x40;
	[tilespmem:s4+$0x0] =	vst v6;
	v6 =	vld [tilespmem:s31+$0x0];
	v7 =	vadd.f32 v63, v7  }
.LBB2_22:
0x3db: {  	s2 =	sand.u32 $0x60, s9;
	s3 =	sand.u32 $0x1C00, s8;
	v3 =	vadd.f32 v3, v8;
	v8 =	vld [tilespmem:s5+$0x11A80];
	s1 =	sadd.s32 $0x20, s1  }
0x3dc: {  	s6 =	sadd.s32 $0x2, s6;
	s10 =	sadd.s32 $0xCA80, s3;
	s0 =	sor.u32 $0x10, s2;
	v9 =	vld [tilespmem:s7+$0x0];
	v2 =	vadd.f32 v2, v7  }
0x3dd: {  	p2 =	slt.u32 s6, $0x26;
	s11 =	sor.u32 s2, s10;
	s10 =	sor.u32 s0, s10;
	v3 =	vadd.f32 v4, v3;
	v4 =	vld [tilespmem:s1+$0x0]  }
0x3de: {  	v7 =	vld [tilespmem:s10+$0x0];
	v2 =	vmul.f32 v5, v2  }
0x3df: {  	v5 =	vld [tilespmem:s10+$0x80];
	v3 =	vadd.f32 v6, v3  }
0x3e0: {  	v6 =	vld [tilespmem:s11+$0x0];
	v2 =	vmul.f32 v8, v2  }
0x3e1: {  	v8 =	vld [tilespmem:s10+$0x100];
	v3 =	vmul.f32 v9, v3  }
0x3e2: {  	v9 =	vld [tilespmem:s11+$0x80];
	[tilespmem:s5+$0x11F80] =	vst v2  }
0x3e3: {  	v2 =	vld [tilespmem:s10+$0x180];
	v3 =	vmul.f32 v4, v3  }
0x3e4: {  	s4 =	sadd.s32 $0x20, s4;
	v4 =	vld [tilespmem:s11+$0x100];
	v5 =	vadd.f32 v5, v7  }
0x3e5: {  	v7 =	vld [tilespmem:s10+$0x200];
	[tilespmem:s4+$0x0] =	vst v3  }
0x3e6: {  	v3 =	vld [tilespmem:s11+$0x180];
	v5 =	vadd.f32 v8, v5  }
0x3e7: {  	v6 =	vadd.f32 v9, v6;
	v8 =	vld [tilespmem:s10+$0x280]  }
0x3e8: {  	v9 =	vld [tilespmem:s11+$0x200];
	v2 =	vadd.f32 v2, v5  }
0x3e9: {  	v4 =	vadd.f32 v4, v6;
	v5 =	vld [tilespmem:s10+$0x300]  }
0x3ea: {  	v6 =	vld [tilespmem:s11+$0x280];
	v2 =	vadd.f32 v7, v2  }
0x3eb: {  	s5 =	sadd.s32 $0xDE80, s3;
	v3 =	vadd.f32 v3, v4;
	v4 =	vld [tilespmem:s10+$0x380]  }
0x3ec: {  	s10 =	sor.u32 s2, s5;
	s5 =	sor.u32 s0, s5;
	v7 =	vld [tilespmem:s11+$0x300];
	v2 =	vadd.f32 v8, v2  }
0x3ed: {  	s12 =	sadd.s32 $0xDF00, s3;
	v3 =	vadd.f32 v9, v3;
	v8 =	vld [tilespmem:s5+$0x0]  }
0x3ee: {  	s5 =	sor.u32 s2, s12;
	v9 =	vld [tilespmem:s11+$0x380];
	v2 =	vadd.f32 v5, v2;
	s11 =	sor.u32 s0, s12  }
0x3ef: {  	s12 =	sadd.s32 $0xDF80, s3;
	v3 =	vadd.f32 v6, v3;
	v5 =	vld [tilespmem:s11+$0x0]  }
0x3f0: {  	s11 =	sor.u32 s0, s12;
	v6 =	vld [tilespmem:s10+$0x0];
	s10 =	sor.u32 s2, s12;
	v2 =	vadd.f32 v4, v2  }
0x3f1: {  	s12 =	sor.u32 $0xE000, s3;
	v3 =	vadd.f32 v7, v3;
	v4 =	vld [tilespmem:s11+$0x0]  }
0x3f2: {  	s11 =	sor.u32 s0, s12;
	v7 =	vld [tilespmem:s5+$0x0];
	s5 =	sor.u32 s2, s12;
	v2 =	vadd.f32 v8, v2  }
0x3f3: {  	s12 =	sor.u32 $0xE080, s3;
	v3 =	vadd.f32 v9, v3;
	v8 =	vld [tilespmem:s11+$0x0]  }
0x3f4: {  	s11 =	sor.u32 s0, s12;
	v9 =	vld [tilespmem:s10+$0x0];
	s10 =	sor.u32 s2, s12;
	v2 =	vadd.f32 v5, v2  }
0x3f5: {  	s12 =	sor.u32 $0xE100, s3;
	v3 =	vadd.f32 v6, v3;
	v5 =	vld [tilespmem:s11+$0x0]  }
0x3f6: {  	s11 =	sor.u32 s0, s12;
	v6 =	vld [tilespmem:s5+$0x0];
	s5 =	sor.u32 s2, s12;
	v2 =	vadd.f32 v4, v2  }
0x3f7: {  	s12 =	sor.u32 $0xE180, s3;
	v3 =	vadd.f32 v7, v3;
	v7 =	vld [tilespmem:s11+$0x0]  }
0x3f8: {  	s11 =	sor.u32 s0, s12;
	v10 =	vld [tilespmem:s10+$0x0];
	s10 =	sor.u32 s2, s12;
	v2 =	vadd.f32 v8, v2  }
0x3f9: {  	s3 =	sor.u32 $0xE200, s3;
	v4 =	vadd.f32 v9, v3;
	v9 =	vld [tilespmem:s11+$0x0]  }
.Ltmp12:
0x3fa: {  	s2 =	sor.u32 s2, s3;
	s3 =	sor.u32 s0, s3;
	v3 =	vld [tilespmem:s5+$0x0];
	v5 =	vadd.f32 v5, v2;
	(pc) =	sbr.rel @p2 .LBB2_22-.Ltmp12, $4  }
0x3fb: {  	v6 =	vadd.f32 v6, v4;
	v2 =	vld [tilespmem:s3+$0x0];
	s3 =	sand.u32 $0x380, s9  }
0x3fc: {  	v4 =	vld [tilespmem:s10+$0x0];
	v7 =	vadd.f32 v7, v5;
	s5 =	sor.u32 s3, s0  }
0x3fd: {  	v8 =	vadd.f32 v10, v6;
	v5 =	vld [tilespmem:s5+$0x11D00]  }
0x3fe: {  	s8 =	sadd.s32 $0x100, s8;
	s7 =	sadd.s32 $0x20, s7;
	s9 =	sadd.s32 $0x20, s9;
	v6 =	vld [tilespmem:s2+$0x0];
	v7 =	vadd.f32 v9, v7  }
0x3ff: {  	v3 =	vadd.f32 v3, v8  }
0x400: {  	v62 =	vld [tilespmem:s7+$0x0]  }
0x401: {  	v9 =	vld [tilespmem:s5+$0x11A80];
	s0 =	sadd.s32 $0x20, s1;
	v3 =	vadd.f32 v4, v3  }
0x402: {  	v2 =	vadd.f32 v2, v7;
	v63 =	vld [tilespmem:s0+$0x0]  }
0x403: {  	v3 =	vadd.f32 v6, v3  }
0x404: {  	v2 =	vmul.f32 v5, v2  }
0x405: {  	v3 =	vmul.f32 v62, v3  }
0x406: {  	v2 =	vmul.f32 v9, v2  }
0x407: {  	v3 =	vmul.f32 v63, v3  }
0x408: {  	s31 =	sadd.s32 $0x20, s4;
	[tilespmem:s5+$0x11F80] =	vst v2  }
0x409: {  	[tilespmem:s31+$0x0] =	vst v3  }
0x40a: {  	[spmem:s17] =	stream.linear.scatter [tilespmem:s25], [sflag:$0x4], $0x280, $0x38;
	[tilespmem:$0x17E80] =	vst v63  }
0x40b: {  	_ =	swait.ge [sflag:s20], $0x280  }
0x40c: {  	[sflag:s20] =	ssyncset.done $0x0  }
0x40d: {  	[sflag:s20] =	ssyncadd.s32 $0xFFFFFD80  }
0x40e: {  	s0 =	simm.s32 $0x52C0;
	[bflag:$0x0] =	sbarrier.arrive $0xFFFF  }
0x40f: {  	[tilespmem:s26], [sflag:$0x3] =	stream.linear.gather [spmem:s13], $0x2800, $0x38;
	[tilespmem:$0x17E80] =	vst v63  }
0x410: {  	[tilespmem:s0+$0xFFFFFFC0] =	vst v0  }
0x411: {  	[tilespmem:s0+$0x30] =	vst v0  }
0x412: {  	[tilespmem:s0+$0x20] =	vst v0  }
0x413: {  	[tilespmem:s0+$0x10] =	vst v0  }
0x414: {  	[tilespmem:s0+$0x0] =	vst v0  }
0x415: {  	[tilespmem:s0+$0xFFFFFFF0] =	vst v0  }
0x416: {  	s1 =	simm.s32 $0x0;
	[tilespmem:s0+$0xFFFFFFE0] =	vst v0  }
.LBB2_24:
0x417: {  	s1 =	sadd.s32 $0x8, s1;
	[tilespmem:s0+$0xFFFFFFD0] =	vst v0;
	s0 =	sadd.s32 $0x80, s0  }
0x418: {  	[tilespmem:s0+$0xFFFFFFC0] =	vst v0;
	p2 =	slt.u32 s1, $0x278  }
0x419: {  	[tilespmem:s0+$0x30] =	vst v0  }
.Ltmp13:
0x41a: {  	[tilespmem:s0+$0x20] =	vst v0;
	(pc) =	sbr.rel @p2 .LBB2_24-.Ltmp13, $4  }
0x41b: {  	[tilespmem:s0+$0x10] =	vst v0  }
0x41c: {  	[tilespmem:s0+$0x0] =	vst v0  }
0x41d: {  	[tilespmem:s0+$0xFFFFFFF0] =	vst v0  }
0x41e: {  	[tilespmem:s0+$0xFFFFFFE0] =	vst v0  }
0x41f: {  	[tilespmem:s0+$0xFFFFFFD0] =	vst v0  }
0x420: {  	_ =	swait.ge [sflag:s24], $0x2800  }
0x421: {  	[sflag:s24] =	ssyncset.done $0x0  }
0x422: {  	s1 =	simm.s32 $0x100;
	[sflag:s24] =	ssyncadd.s32 $0xFFFFD800  }
0x423: {  	v2 =	vld [tilespmem:s1+$0xFFFFFFC0]  }
0x424: {  	v3 =	vld [tilespmem:s1+$0xFFFFFF90]  }
0x425: {  	v4 =	vld [tilespmem:s1+$0xFFFFFFA0]  }
0x426: {  	v5 =	vld [tilespmem:s1+$0xFFFFFFB0]  }
0x427: {  	v6 =	vld [tilespmem:s1+$0xFFFFFFE0]  }
0x428: {  	v12 =	vld [tilespmem:s1+$0xFFFFFFF0]  }
0x429: {  	v13 =	vld [tilespmem:s1+$0xFFFFFFD0]  }
0x42a: {  	v9 =	vld [tilespmem:s1+$0xD0]  }
0x42b: {  	v7 =	vld [tilespmem:s1+$0xFFFFFF50]  }
0x42c: {  	v10 =	vld [tilespmem:s1+$0x40]  }
0x42d: {  	v8 =	vld [tilespmem:s1+$0xFFFFFF40]  }
0x42e: {  	v11 =	vld [tilespmem:s1+$0xB0]  }
0x42f: {  	v14 =	vld [tilespmem:s1+$0xA0]  }
0x430: {  	v15 =	vld [tilespmem:s1+$0xFFFFFF60]  }
0x431: {  	v16 =	vld [tilespmem:s1+$0xC0]  }
0x432: {  	v17 =	vld [tilespmem:s1+$0xFFFFFF70]  }
0x433: {  	v19 =	vld [tilespmem:s1+$0x0]  }
0x434: {  	v20 =	vld [tilespmem:s1+$0x50]  }
0x435: {  	v21 =	vld [tilespmem:s1+$0xE0]  }
0x436: {  	v22 =	vld [tilespmem:s1+$0xF0]  }
0x437: {  	v23 =	vld [tilespmem:s1+$0xFFFFFF80]  }
0x438: {  	v24 =	vld [tilespmem:s1+$0xFFFFFF00]  }
0x439: {  	v25 =	vld [tilespmem:s1+$0x70]  }
0x43a: {  	v26 =	vld [tilespmem:s1+$0x60]  }
0x43b: {  	v27 =	vld [tilespmem:s1+$0x80]  }
0x43c: {  	v28 =	vld [tilespmem:s1+$0xFFFFFF10]  }
0x43d: {  	v29 =	vld [tilespmem:s1+$0xFFFFFF30]  }
0x43e: {  	v30 =	vld [tilespmem:s1+$0x90]  }
0x43f: {  	v31 =	vld [tilespmem:s1+$0x30]  }
0x440: {  	v32 =	vld [tilespmem:s1+$0x20]  }
0x441: {  	v33 =	vld [tilespmem:s1+$0x10]  }
0x442: {  	v18 =	vld.idx.msk [tilespmem:v7+s26+$0x0], $0xffff  }
0x443: {  	v7 =	vld.idx.msk [tilespmem:v8+s26+$0x0], $0xffff  }
0x444: {  	v8 =	vld [tilespmem:s1+$0xFFFFFF20]  }
0x445: {  	v24 =	vld.idx.msk [tilespmem:v24+s26+$0x0], $0xffff  }
0x446: {  	v25 =	vld.idx.msk [tilespmem:v25+s26+$0x0], $0xffff  }
0x447: {  	v26 =	vld.idx.msk [tilespmem:v26+s26+$0x0], $0xffff  }
0x448: {  	v20 =	vld.idx.msk [tilespmem:v20+s26+$0x0], $0xffff  }
0x449: {  	v10 =	vld.idx.msk [tilespmem:v10+s26+$0x0], $0xffff  }
0x44a: {  	v61 =	vld.idx.msk [tilespmem:v31+s26+$0x0], $0xffff  }
0x44b: {  	v62 =	vld.idx.msk [tilespmem:v32+s26+$0x0], $0xffff  }
0x44c: {  	v63 =	vld.idx.msk [tilespmem:v33+s26+$0x0], $0xffff  }
0x44d: {  	v19 =	vld.idx.msk [tilespmem:v19+s26+$0x0], $0xffff  }
0x44e: {  	v17 =	vld.idx.msk [tilespmem:v17+s26+$0x0], $0xffff  }
0x44f: {  	[tilespmem:v23+s14+$0x0] =	vst.idx.add.f32.msk $0xffff, v24  }
0x450: {  	[tilespmem:v22+s14+$0x0] =	vst.idx.add.f32.msk $0xffff, v25  }
0x451: {  	[tilespmem:v21+s14+$0x0] =	vst.idx.add.f32.msk $0xffff, v26  }
0x452: {  	[tilespmem:v9+s14+$0x0] =	vst.idx.add.f32.msk $0xffff, v20  }
0x453: {  	[tilespmem:v16+s14+$0x0] =	vst.idx.add.f32.msk $0xffff, v10  }
0x454: {  	[tilespmem:v14+s14+$0x0] =	vst.idx.add.f32.msk $0xffff, v62  }
0x455: {  	[tilespmem:v11+s14+$0x0] =	vst.idx.add.f32.msk $0xffff, v61  }
0x456: {  	[tilespmem:v30+s14+$0x0] =	vst.idx.add.f32.msk $0xffff, v63  }
0x457: {  	v11 =	vld.idx.msk [tilespmem:v15+s26+$0x0], $0xffff  }
0x458: {  	v10 =	vld.idx.msk [tilespmem:v29+s26+$0x0], $0xffff  }
0x459: {  	v9 =	vld.idx.msk [tilespmem:v28+s26+$0x0], $0xffff  }
0x45a: {  	[tilespmem:v13+s14+$0x0] =	vst.idx.add.f32.msk $0xffff, v18  }
0x45b: {  	v8 =	vld.idx.msk [tilespmem:v8+s26+$0x0], $0xffff  }
0x45c: {  	[tilespmem:v27+s14+$0x0] =	vst.idx.add.f32.msk $0xffff, v19  }
0x45d: {  	s0 =	simm.s32 $0x0;
	[tilespmem:v12+s14+$0x0] =	vst.idx.add.f32.msk $0xffff, v17  }
.LBB2_26:
0x45e: {  	s0 =	sadd.s32 $0x10, s0;
	[tilespmem:v6+s14+$0x0] =	vst.idx.add.f32.msk $0xffff, v11;
	s1 =	sadd.s32 $0x200, s1  }
0x45f: {  	p2 =	slt.u32 s0, $0x180;
	[tilespmem:v5+s14+$0x0] =	vst.idx.add.f32.msk $0xffff, v10  }
0x460: {  	[tilespmem:v4+s14+$0x0] =	vst.idx.add.f32.msk $0xffff, v8  }
0x461: {  	[tilespmem:v2+s14+$0x0] =	vst.idx.add.f32.msk $0xffff, v7  }
0x462: {  	[tilespmem:v3+s14+$0x0] =	vst.idx.add.f32.msk $0xffff, v9  }
0x463: {  	v2 =	vld [tilespmem:s1+$0xFFFFFFC0]  }
0x464: {  	v3 =	vld [tilespmem:s1+$0xFFFFFF90]  }
0x465: {  	v4 =	vld [tilespmem:s1+$0xFFFFFFA0]  }
0x466: {  	v5 =	vld [tilespmem:s1+$0xFFFFFFB0]  }
0x467: {  	v6 =	vld [tilespmem:s1+$0xFFFFFFE0]  }
0x468: {  	v12 =	vld [tilespmem:s1+$0xFFFFFFF0]  }
0x469: {  	v13 =	vld [tilespmem:s1+$0xFFFFFFD0]  }
0x46a: {  	v9 =	vld [tilespmem:s1+$0xD0]  }
0x46b: {  	v7 =	vld [tilespmem:s1+$0xFFFFFF50]  }
0x46c: {  	v10 =	vld [tilespmem:s1+$0x40]  }
0x46d: {  	v8 =	vld [tilespmem:s1+$0xFFFFFF40]  }
0x46e: {  	v11 =	vld [tilespmem:s1+$0xB0]  }
0x46f: {  	v14 =	vld [tilespmem:s1+$0xA0]  }
0x470: {  	v15 =	vld [tilespmem:s1+$0xFFFFFF60]  }
0x471: {  	v16 =	vld [tilespmem:s1+$0xC0]  }
0x472: {  	v17 =	vld [tilespmem:s1+$0xFFFFFF70]  }
0x473: {  	v18 =	vld.idx.msk [tilespmem:v7+s26+$0x0], $0xffff  }
0x474: {  	v19 =	vld [tilespmem:s1+$0x0]  }
0x475: {  	v7 =	vld.idx.msk [tilespmem:v8+s26+$0x0], $0xffff  }
0x476: {  	v20 =	vld [tilespmem:s1+$0x50]  }
0x477: {  	v21 =	vld [tilespmem:s1+$0xE0]  }
0x478: {  	v22 =	vld [tilespmem:s1+$0xF0]  }
0x479: {  	v23 =	vld [tilespmem:s1+$0xFFFFFF80]  }
0x47a: {  	v8 =	vld [tilespmem:s1+$0xFFFFFF20]  }
0x47b: {  	v24 =	vld [tilespmem:s1+$0xFFFFFF00]  }
0x47c: {  	v25 =	vld [tilespmem:s1+$0x70]  }
0x47d: {  	v26 =	vld [tilespmem:s1+$0x60]  }
0x47e: {  	v27 =	vld [tilespmem:s1+$0x80]  }
0x47f: {  	v28 =	vld [tilespmem:s1+$0xFFFFFF10]  }
0x480: {  	v29 =	vld [tilespmem:s1+$0xFFFFFF30]  }
0x481: {  	v30 =	vld [tilespmem:s1+$0x90]  }
0x482: {  	v8 =	vld.idx.msk [tilespmem:v8+s26+$0x0], $0xffff  }
0x483: {  	v24 =	vld.idx.msk [tilespmem:v24+s26+$0x0], $0xffff  }
0x484: {  	v25 =	vld.idx.msk [tilespmem:v25+s26+$0x0], $0xffff  }
0x485: {  	v26 =	vld.idx.msk [tilespmem:v26+s26+$0x0], $0xffff  }
0x486: {  	v31 =	vld [tilespmem:s1+$0x30]  }
0x487: {  	v32 =	vld [tilespmem:s1+$0x20]  }
0x488: {  	v33 =	vld [tilespmem:s1+$0x10]  }
0x489: {  	[tilespmem:v23+s14+$0x0] =	vst.idx.add.f32.msk $0xffff, v24  }
0x48a: {  	[tilespmem:v22+s14+$0x0] =	vst.idx.add.f32.msk $0xffff, v25  }
0x48b: {  	[tilespmem:v21+s14+$0x0] =	vst.idx.add.f32.msk $0xffff, v26  }
0x48c: {  	v20 =	vld.idx.msk [tilespmem:v20+s26+$0x0], $0xffff  }
0x48d: {  	v10 =	vld.idx.msk [tilespmem:v10+s26+$0x0], $0xffff  }
0x48e: {  	v21 =	vld.idx.msk [tilespmem:v31+s26+$0x0], $0xffff  }
0x48f: {  	v22 =	vld.idx.msk [tilespmem:v32+s26+$0x0], $0xffff  }
0x490: {  	v23 =	vld.idx.msk [tilespmem:v33+s26+$0x0], $0xffff  }
0x491: {  	v19 =	vld.idx.msk [tilespmem:v19+s26+$0x0], $0xffff  }
0x492: {  	[tilespmem:v9+s14+$0x0] =	vst.idx.add.f32.msk $0xffff, v20  }
0x493: {  	v17 =	vld.idx.msk [tilespmem:v17+s26+$0x0], $0xffff  }
0x494: {  	[tilespmem:v16+s14+$0x0] =	vst.idx.add.f32.msk $0xffff, v10  }
0x495: {  	[tilespmem:v14+s14+$0x0] =	vst.idx.add.f32.msk $0xffff, v22  }
0x496: {  	[tilespmem:v11+s14+$0x0] =	vst.idx.add.f32.msk $0xffff, v21  }
0x497: {  	[tilespmem:v30+s14+$0x0] =	vst.idx.add.f32.msk $0xffff, v23  }
0x498: {  	v11 =	vld.idx.msk [tilespmem:v15+s26+$0x0], $0xffff  }
.Ltmp14:
0x499: {  	v10 =	vld.idx.msk [tilespmem:v29+s26+$0x0], $0xffff;
	(pc) =	sbr.rel @p2 .LBB2_26-.Ltmp14, $4  }
0x49a: {  	v9 =	vld.idx.msk [tilespmem:v28+s26+$0x0], $0xffff  }
0x49b: {  	[tilespmem:v13+s14+$0x0] =	vst.idx.add.f32.msk $0xffff, v18  }
0x49c: {  	[tilespmem:v27+s14+$0x0] =	vst.idx.add.f32.msk $0xffff, v19  }
0x49d: {  	[tilespmem:v12+s14+$0x0] =	vst.idx.add.f32.msk $0xffff, v17  }
0x49e: {  	_ =	sdelay $0x3  }
.Ltmp15:
0x49f: {  	[tilespmem:v6+s14+$0x0] =	vst.idx.add.f32.msk $0xffff, v11;
	(pc) =	sbr.rel @p0 .LBB2_31-.Ltmp15, $4  }
0x4a0: {  	[tilespmem:v5+s14+$0x0] =	vst.idx.add.f32.msk $0xffff, v10  }
0x4a1: {  	[tilespmem:v4+s14+$0x0] =	vst.idx.add.f32.msk $0xffff, v8  }
0x4a2: {  	[tilespmem:v2+s14+$0x0] =	vst.idx.add.f32.msk $0xffff, v7  }
0x4a3: {  	[tilespmem:v3+s14+$0x0] =	vst.idx.add.f32.msk $0xffff, v9  }
0x4a4: {  	s1 =	simm.s32 $0x33F0  }
0x4a5: {  	v2 =	vld [tilespmem:s1+$0xFFFFFED0]  }
0x4a6: {  	v3 =	vld [tilespmem:s1+$0xFFFFFEA0]  }
0x4a7: {  	v4 =	vld [tilespmem:s1+$0xFFFFFEB0]  }
0x4a8: {  	v5 =	vld [tilespmem:s1+$0xFFFFFEC0]  }
0x4a9: {  	v6 =	vld [tilespmem:s1+$0xFFFFFEF0]  }
0x4aa: {  	v12 =	vld [tilespmem:s1+$0xFFFFFF00]  }
0x4ab: {  	v13 =	vld [tilespmem:s1+$0xFFFFFEE0]  }
0x4ac: {  	v9 =	vld [tilespmem:s1+$0xFFFFFFE0]  }
0x4ad: {  	v7 =	vld [tilespmem:s1+$0xFFFFFE60]  }
0x4ae: {  	v10 =	vld [tilespmem:s1+$0xFFFFFF50]  }
0x4af: {  	v8 =	vld [tilespmem:s1+$0xFFFFFE50]  }
0x4b0: {  	v11 =	vld [tilespmem:s1+$0xFFFFFFC0]  }
0x4b1: {  	v14 =	vld [tilespmem:s1+$0xFFFFFFB0]  }
0x4b2: {  	v15 =	vld [tilespmem:s1+$0xFFFFFE70]  }
0x4b3: {  	v16 =	vld [tilespmem:s1+$0xFFFFFFD0]  }
0x4b4: {  	v17 =	vld [tilespmem:s1+$0xFFFFFE80]  }
0x4b5: {  	v19 =	vld [tilespmem:s1+$0xFFFFFF10]  }
0x4b6: {  	v20 =	vld [tilespmem:s1+$0xFFFFFF60]  }
0x4b7: {  	v21 =	vld [tilespmem:s1+$0xFFFFFFF0]  }
0x4b8: {  	v22 =	vld [tilespmem:s1+$0x0]  }
0x4b9: {  	v23 =	vld [tilespmem:s1+$0xFFFFFE90]  }
0x4ba: {  	v24 =	vld [tilespmem:s1+$0xFFFFFE10]  }
0x4bb: {  	v25 =	vld [tilespmem:s1+$0xFFFFFF80]  }
0x4bc: {  	v26 =	vld [tilespmem:s1+$0xFFFFFF70]  }
0x4bd: {  	v27 =	vld [tilespmem:s1+$0xFFFFFF90]  }
0x4be: {  	v28 =	vld [tilespmem:s1+$0xFFFFFE20]  }
0x4bf: {  	v29 =	vld [tilespmem:s1+$0xFFFFFE40]  }
0x4c0: {  	v30 =	vld [tilespmem:s1+$0xFFFFFFA0]  }
0x4c1: {  	v31 =	vld [tilespmem:s1+$0xFFFFFF40]  }
0x4c2: {  	v32 =	vld [tilespmem:s1+$0xFFFFFF30]  }
0x4c3: {  	v33 =	vld [tilespmem:s1+$0xFFFFFF20]  }
0x4c4: {  	v18 =	vld.idx.msk [tilespmem:v7+s26+$0x0], $0xffff  }
0x4c5: {  	v7 =	vld.idx.msk [tilespmem:v8+s26+$0x0], $0xffff  }
0x4c6: {  	v8 =	vld [tilespmem:s1+$0xFFFFFE30]  }
0x4c7: {  	v24 =	vld.idx.msk [tilespmem:v24+s26+$0x0], $0xffff  }
0x4c8: {  	v25 =	vld.idx.msk [tilespmem:v25+s26+$0x0], $0xffff  }
0x4c9: {  	v26 =	vld.idx.msk [tilespmem:v26+s26+$0x0], $0xffff  }
0x4ca: {  	v20 =	vld.idx.msk [tilespmem:v20+s26+$0x0], $0xffff  }
0x4cb: {  	v10 =	vld.idx.msk [tilespmem:v10+s26+$0x0], $0xffff  }
0x4cc: {  	v61 =	vld.idx.msk [tilespmem:v31+s26+$0x0], $0xffff  }
0x4cd: {  	v62 =	vld.idx.msk [tilespmem:v32+s26+$0x0], $0xffff  }
0x4ce: {  	v63 =	vld.idx.msk [tilespmem:v33+s26+$0x0], $0xffff  }
0x4cf: {  	v19 =	vld.idx.msk [tilespmem:v19+s26+$0x0], $0xffff  }
0x4d0: {  	v17 =	vld.idx.msk [tilespmem:v17+s26+$0x0], $0xffff  }
0x4d1: {  	[tilespmem:v23+s14+$0x0] =	vst.idx.add.f32.msk $0xffff, v24  }
0x4d2: {  	[tilespmem:v22+s14+$0x0] =	vst.idx.add.f32.msk $0xffff, v25  }
0x4d3: {  	[tilespmem:v21+s14+$0x0] =	vst.idx.add.f32.msk $0xffff, v26  }
0x4d4: {  	[tilespmem:v9+s14+$0x0] =	vst.idx.add.f32.msk $0xffff, v20  }
0x4d5: {  	[tilespmem:v16+s14+$0x0] =	vst.idx.add.f32.msk $0xffff, v10  }
0x4d6: {  	[tilespmem:v14+s14+$0x0] =	vst.idx.add.f32.msk $0xffff, v62  }
0x4d7: {  	[tilespmem:v11+s14+$0x0] =	vst.idx.add.f32.msk $0xffff, v61  }
0x4d8: {  	[tilespmem:v30+s14+$0x0] =	vst.idx.add.f32.msk $0xffff, v63  }
0x4d9: {  	v11 =	vld.idx.msk [tilespmem:v15+s26+$0x0], $0xffff  }
0x4da: {  	v10 =	vld.idx.msk [tilespmem:v29+s26+$0x0], $0xffff  }
0x4db: {  	v9 =	vld.idx.msk [tilespmem:v28+s26+$0x0], $0xffff  }
0x4dc: {  	[tilespmem:v13+s14+$0x0] =	vst.idx.add.f32.msk $0xffff, v18  }
0x4dd: {  	v8 =	vld.idx.msk [tilespmem:v8+s26+$0x0], $0xffff  }
0x4de: {  	[tilespmem:v27+s14+$0x0] =	vst.idx.add.f32.msk $0xffff, v19  }
0x4df: {  	s0 =	simm.s32 $0x190;
	[tilespmem:v12+s14+$0x0] =	vst.idx.add.f32.msk $0xffff, v17  }
.LBB2_29:
0x4e0: {  	s0 =	sadd.s32 $0x10, s0;
	[tilespmem:v6+s14+$0x0] =	vst.idx.add.f32.msk $0xffff, v11;
	s1 =	sadd.s32 $0x200, s1  }
0x4e1: {  	p2 =	slt.u32 s0, $0x270;
	[tilespmem:v5+s14+$0x0] =	vst.idx.add.f32.msk $0xffff, v10  }
0x4e2: {  	[tilespmem:v4+s14+$0x0] =	vst.idx.add.f32.msk $0xffff, v8  }
0x4e3: {  	[tilespmem:v2+s14+$0x0] =	vst.idx.add.f32.msk $0xffff, v7  }
0x4e4: {  	[tilespmem:v3+s14+$0x0] =	vst.idx.add.f32.msk $0xffff, v9  }
0x4e5: {  	v2 =	vld [tilespmem:s1+$0xFFFFFED0]  }
0x4e6: {  	v3 =	vld [tilespmem:s1+$0xFFFFFEA0]  }
0x4e7: {  	v4 =	vld [tilespmem:s1+$0xFFFFFEB0]  }
0x4e8: {  	v5 =	vld [tilespmem:s1+$0xFFFFFEC0]  }
0x4e9: {  	v6 =	vld [tilespmem:s1+$0xFFFFFEF0]  }
0x4ea: {  	v12 =	vld [tilespmem:s1+$0xFFFFFF00]  }
0x4eb: {  	v13 =	vld [tilespmem:s1+$0xFFFFFEE0]  }
0x4ec: {  	v9 =	vld [tilespmem:s1+$0xFFFFFFE0]  }
0x4ed: {  	v7 =	vld [tilespmem:s1+$0xFFFFFE60]  }
0x4ee: {  	v10 =	vld [tilespmem:s1+$0xFFFFFF50]  }
0x4ef: {  	v8 =	vld [tilespmem:s1+$0xFFFFFE50]  }
0x4f0: {  	v11 =	vld [tilespmem:s1+$0xFFFFFFC0]  }
0x4f1: {  	v14 =	vld [tilespmem:s1+$0xFFFFFFB0]  }
0x4f2: {  	v15 =	vld [tilespmem:s1+$0xFFFFFE70]  }
0x4f3: {  	v16 =	vld [tilespmem:s1+$0xFFFFFFD0]  }
0x4f4: {  	v17 =	vld [tilespmem:s1+$0xFFFFFE80]  }
0x4f5: {  	v18 =	vld.idx.msk [tilespmem:v7+s26+$0x0], $0xffff  }
0x4f6: {  	v19 =	vld [tilespmem:s1+$0xFFFFFF10]  }
0x4f7: {  	v7 =	vld.idx.msk [tilespmem:v8+s26+$0x0], $0xffff  }
0x4f8: {  	v20 =	vld [tilespmem:s1+$0xFFFFFF60]  }
0x4f9: {  	v21 =	vld [tilespmem:s1+$0xFFFFFFF0]  }
0x4fa: {  	v22 =	vld [tilespmem:s1+$0x0]  }
0x4fb: {  	v23 =	vld [tilespmem:s1+$0xFFFFFE90]  }
0x4fc: {  	v8 =	vld [tilespmem:s1+$0xFFFFFE30]  }
0x4fd: {  	v24 =	vld [tilespmem:s1+$0xFFFFFE10]  }
0x4fe: {  	v25 =	vld [tilespmem:s1+$0xFFFFFF80]  }
0x4ff: {  	v26 =	vld [tilespmem:s1+$0xFFFFFF70]  }
0x500: {  	v27 =	vld [tilespmem:s1+$0xFFFFFF90]  }
0x501: {  	v28 =	vld [tilespmem:s1+$0xFFFFFE20]  }
0x502: {  	v29 =	vld [tilespmem:s1+$0xFFFFFE40]  }
0x503: {  	v30 =	vld [tilespmem:s1+$0xFFFFFFA0]  }
0x504: {  	v8 =	vld.idx.msk [tilespmem:v8+s26+$0x0], $0xffff  }
0x505: {  	v24 =	vld.idx.msk [tilespmem:v24+s26+$0x0], $0xffff  }
0x506: {  	v25 =	vld.idx.msk [tilespmem:v25+s26+$0x0], $0xffff  }
0x507: {  	v26 =	vld.idx.msk [tilespmem:v26+s26+$0x0], $0xffff  }
0x508: {  	v31 =	vld [tilespmem:s1+$0xFFFFFF40]  }
0x509: {  	v32 =	vld [tilespmem:s1+$0xFFFFFF30]  }
0x50a: {  	v33 =	vld [tilespmem:s1+$0xFFFFFF20]  }
0x50b: {  	[tilespmem:v23+s14+$0x0] =	vst.idx.add.f32.msk $0xffff, v24  }
0x50c: {  	[tilespmem:v22+s14+$0x0] =	vst.idx.add.f32.msk $0xffff, v25  }
0x50d: {  	[tilespmem:v21+s14+$0x0] =	vst.idx.add.f32.msk $0xffff, v26  }
0x50e: {  	v20 =	vld.idx.msk [tilespmem:v20+s26+$0x0], $0xffff  }
0x50f: {  	v10 =	vld.idx.msk [tilespmem:v10+s26+$0x0], $0xffff  }
0x510: {  	v21 =	vld.idx.msk [tilespmem:v31+s26+$0x0], $0xffff  }
0x511: {  	v22 =	vld.idx.msk [tilespmem:v32+s26+$0x0], $0xffff  }
0x512: {  	v23 =	vld.idx.msk [tilespmem:v33+s26+$0x0], $0xffff  }
0x513: {  	v19 =	vld.idx.msk [tilespmem:v19+s26+$0x0], $0xffff  }
0x514: {  	[tilespmem:v9+s14+$0x0] =	vst.idx.add.f32.msk $0xffff, v20  }
0x515: {  	v17 =	vld.idx.msk [tilespmem:v17+s26+$0x0], $0xffff  }
0x516: {  	[tilespmem:v16+s14+$0x0] =	vst.idx.add.f32.msk $0xffff, v10  }
0x517: {  	[tilespmem:v14+s14+$0x0] =	vst.idx.add.f32.msk $0xffff, v22  }
0x518: {  	[tilespmem:v11+s14+$0x0] =	vst.idx.add.f32.msk $0xffff, v21  }
0x519: {  	[tilespmem:v30+s14+$0x0] =	vst.idx.add.f32.msk $0xffff, v23  }
0x51a: {  	v11 =	vld.idx.msk [tilespmem:v15+s26+$0x0], $0xffff  }
.Ltmp16:
0x51b: {  	v10 =	vld.idx.msk [tilespmem:v29+s26+$0x0], $0xffff;
	(pc) =	sbr.rel @p2 .LBB2_29-.Ltmp16, $4  }
0x51c: {  	v9 =	vld.idx.msk [tilespmem:v28+s26+$0x0], $0xffff  }
0x51d: {  	[tilespmem:v13+s14+$0x0] =	vst.idx.add.f32.msk $0xffff, v18  }
0x51e: {  	[tilespmem:v27+s14+$0x0] =	vst.idx.add.f32.msk $0xffff, v19  }
0x51f: {  	[tilespmem:v12+s14+$0x0] =	vst.idx.add.f32.msk $0xffff, v17  }
0x520: {  	_ =	sdelay $0x3  }
0x521: {  	[tilespmem:v6+s14+$0x0] =	vst.idx.add.f32.msk $0xffff, v11  }
0x522: {  	[tilespmem:v5+s14+$0x0] =	vst.idx.add.f32.msk $0xffff, v10  }
0x523: {  	[tilespmem:v4+s14+$0x0] =	vst.idx.add.f32.msk $0xffff, v8  }
0x524: {  	[tilespmem:v2+s14+$0x0] =	vst.idx.add.f32.msk $0xffff, v7  }
0x525: {  	[tilespmem:v3+s14+$0x0] =	vst.idx.add.f32.msk $0xffff, v9  }
.LBB2_31:
0x526: {  	[spmem:s15] =	stream.strided.scatter [tilespmem:s14], [sflag:$0x4], $0x2800, s19, s18, $0x38;
	[tilespmem:$0x17E80] =	vst v63  }
0x527: {  	_ =	swait.ge [sflag:s20], $0x2800  }
0x528: {  	[sflag:s20] =	ssyncset.done $0x0  }
0x529: {  	[sflag:s20] =	ssyncadd.s32 $0xFFFFD800  }
0x52a: {  	s0 =	simm.s32 $0x0;
	[bflag:$0x0] =	sbarrier.arrive $0xFFFF  }
0x52b: {  	[tilespmem:s23], [sflag:$0x4] =	stream.strided.gather [spmem:s16], $0x2800, s22, s21, $0x38;
	[tilespmem:$0x17E80] =	vst v63  }
0x52c: {  	s1 =	sand.u32 $0x60, s0;
	s2 =	sand.u32 $0x1C00, s0;
	_ =	swait.ge [sflag:s20], $0x2800  }
0x52d: {  	s3 =	sadd.s32 $0xCA80, s2;
	s4 =	sor.u32 $0x10, s1;
	[sflag:s20] =	ssyncset.done $0x0  }
0x52e: {  	s5 =	sor.u32 s4, s3;
	[sflag:s20] =	ssyncadd.s32 $0xFFFFD800  }
0x52f: {  	v2 =	vld [tilespmem:s5+$0x0]  }
0x530: {  	s3 =	sor.u32 s1, s3;
	v3 =	vld [tilespmem:s5+$0x80]  }
0x531: {  	v4 =	vld [tilespmem:s3+$0x0]  }
0x532: {  	v5 =	vld [tilespmem:s5+$0x100]  }
0x533: {  	v6 =	vld [tilespmem:s3+$0x80]  }
0x534: {  	v7 =	vld [tilespmem:s5+$0x180]  }
0x535: {  	v8 =	vld [tilespmem:s3+$0x100]  }
0x536: {  	v9 =	vld [tilespmem:s5+$0x200]  }
0x537: {  	v10 =	vld [tilespmem:s3+$0x180]  }
0x538: {  	v11 =	vld [tilespmem:s5+$0x280]  }
0x539: {  	v12 =	vld [tilespmem:s3+$0x200]  }
0x53a: {  	v13 =	vld [tilespmem:s5+$0x300]  }
0x53b: {  	v14 =	vld [tilespmem:s3+$0x280]  }
0x53c: {  	s6 =	sadd.s32 $0xDE80, s2;
	v15 =	vld [tilespmem:s5+$0x380]  }
0x53d: {  	s28 =	sor.u32 s4, s6;
	v16 =	vld [tilespmem:s3+$0x300]  }
0x53e: {  	s7 =	sadd.s32 $0xDF00, s2;
	v17 =	vld [tilespmem:s28+$0x0]  }
0x53f: {  	s29 =	sor.u32 s4, s7;
	v18 =	vld [tilespmem:s3+$0x380]  }
0x540: {  	s30 =	sor.u32 s1, s6;
	v19 =	vld [tilespmem:s29+$0x0]  }
0x541: {  	s8 =	sor.u32 $0xE000, s2;
	s7 =	sor.u32 s1, s7;
	v20 =	vld [tilespmem:s30+$0x0]  }
0x542: {  	s31 =	sadd.s32 $0xDF80, s2;
	s9 =	sor.u32 s4, s8;
	v22 =	vld [tilespmem:s7+$0x0]  }
0x543: {  	s11 =	sor.u32 $0xE080, s2;
	s10 =	sor.u32 s1, s31;
	v23 =	vld [tilespmem:s9+$0x0]  }
0x544: {  	s12 =	sor.u32 s4, s11;
	v24 =	vld [tilespmem:s10+$0x0]  }
0x545: {  	s17 =	sor.u32 $0xE100, s2;
	s13 =	sor.u32 s1, s8;
	v25 =	vld [tilespmem:s12+$0x0]  }
0x546: {  	s25 =	sor.u32 s4, s17;
	v26 =	vld [tilespmem:s13+$0x0]  }
0x547: {  	s26 =	sor.u32 s1, s11;
	v27 =	vld [tilespmem:s25+$0x0]  }
0x548: {  	s5 =	sor.u32 s4, s31;
	v28 =	vld [tilespmem:s26+$0x0]  }
0x549: {  	s28 =	sor.u32 $0xE180, s2;
	s30 =	sor.u32 s1, s17;
	v21 =	vld [tilespmem:s5+$0x0]  }
0x54a: {  	s31 =	sor.u32 $0xE200, s2;
	s29 =	sor.u32 s4, s28;
	v30 =	vld [tilespmem:s30+$0x0]  }
0x54b: {  	s2 =	sor.u32 s4, s31;
	v29 =	vld [tilespmem:s29+$0x0]  }
0x54c: {  	s0 =	sand.u32 $0x380, s0;
	s6 =	simm.s32 $0x100;
	s5 =	sor.u32 s1, s28;
	v31 =	vld [tilespmem:s2+$0x0]  }
0x54d: {  	v32 =	vld [tilespmem:s5+$0x0];
	s2 =	sor.u32 s0, s4;
	s0 =	simm.s32 $0x20;
	s4 =	sand.u32 $0x1C00, s6  }
0x54e: {  	s8 =	sor.u32 s1, s31;
	s5 =	sand.u32 $0x60, s0;
	s9 =	sadd.s32 $0xCA80, s4;
	v2 =	vadd.f32 v3, v2;
	v3 =	vadd.f32 v6, v4;
	v4 =	vld [tilespmem:s2+$0x11D00]  }
0x54f: {  	s3 =	sor.u32 $0x10, s5;
	s7 =	sor.u32 s5, s9;
	v6 =	vld [tilespmem:s8+$0x0]  }
0x550: {  	s10 =	sor.u32 s3, s9;
	v53 =	vld [tilespmem:s7+$0x80];
	v2 =	vadd.f32 v5, v2  }
0x551: {  	v3 =	vadd.f32 v8, v3;
	v8 =	vld [tilespmem:s10+$0x0]  }
0x552: {  	v2 =	vadd.f32 v7, v2;
	v7 =	vld [tilespmem:s10+$0x80]  }
0x553: {  	v54 =	vld [tilespmem:s10+$0x200];
	v3 =	vadd.f32 v10, v3  }
0x554: {  	v2 =	vadd.f32 v9, v2;
	v9 =	vld [tilespmem:s10+$0x100]  }
0x555: {  	v10 =	vld [tilespmem:s7+$0x0];
	v3 =	vadd.f32 v12, v3  }
0x556: {  	v2 =	vadd.f32 v11, v2;
	v11 =	vld [tilespmem:s10+$0x180]  }
0x557: {  	v3 =	vadd.f32 v14, v3;
	v7 =	vadd.f32 v7, v8;
	v8 =	vld [tilespmem:s7+$0x100]  }
0x558: {  	v55 =	vld [tilespmem:s10+$0x280];
	v2 =	vadd.f32 v13, v2  }
0x559: {  	v3 =	vadd.f32 v16, v3;
	v7 =	vadd.f32 v9, v7;
	v9 =	vld [tilespmem:s7+$0x180]  }
0x55a: {  	v56 =	vld [tilespmem:s10+$0x300];
	v10 =	vadd.f32 v53, v10;
	v2 =	vadd.f32 v15, v2  }
0x55b: {  	v3 =	vadd.f32 v18, v3;
	v7 =	vadd.f32 v11, v7;
	v11 =	vld [tilespmem:s7+$0x200]  }
0x55c: {  	s17 =	sadd.s32 $0xDF80, s4;
	v57 =	vld [tilespmem:s10+$0x380];
	v2 =	vadd.f32 v17, v2;
	v8 =	vadd.f32 v8, v10  }
0x55d: {  	s25 =	sor.u32 s3, s17;
	v3 =	vadd.f32 v20, v3;
	v10 =	vld [tilespmem:s7+$0x280];
	v7 =	vadd.f32 v54, v7  }
0x55e: {  	s8 =	sadd.s32 $0xDE80, s4;
	v60 =	vld [tilespmem:s25+$0x0];
	v2 =	vadd.f32 v19, v2;
	v8 =	vadd.f32 v9, v8  }
0x55f: {  	s11 =	sor.u32 s3, s8;
	v3 =	vadd.f32 v22, v3;
	v9 =	vld [tilespmem:s7+$0x300];
	v7 =	vadd.f32 v55, v7  }
0x560: {  	s9 =	sadd.s32 $0xDF00, s4;
	v58 =	vld [tilespmem:s11+$0x0];
	v2 =	vadd.f32 v21, v2;
	v8 =	vadd.f32 v11, v8  }
0x561: {  	s12 =	sor.u32 s3, s9;
	v3 =	vadd.f32 v24, v3;
	v11 =	vld [tilespmem:s7+$0x380];
	v7 =	vadd.f32 v56, v7  }
0x562: {  	s28 =	sor.u32 $0xE000, s4;
	s13 =	sor.u32 s5, s8;
	v59 =	vld [tilespmem:s12+$0x0];
	v2 =	vadd.f32 v23, v2;
	v8 =	vadd.f32 v10, v8  }
0x563: {  	s29 =	sor.u32 s3, s28;
	v3 =	vadd.f32 v26, v3;
	v10 =	vld [tilespmem:s13+$0x0];
	v7 =	vadd.f32 v57, v7  }
0x564: {  	s26 =	sor.u32 s5, s9;
	v61 =	vld [tilespmem:s29+$0x0];
	v2 =	vadd.f32 v25, v2;
	v8 =	vadd.f32 v9, v8  }
0x565: {  	s1 =	simm.s32 $0x11D00;
	v3 =	vadd.f32 v28, v3;
	v9 =	vld [tilespmem:s26+$0x0];
	v7 =	vadd.f32 v58, v7  }
0x566: {  	s31 =	sor.u32 $0xE080, s4;
	s30 =	sor.u32 s5, s17;
	v5 =	vld [tilespmem:s1+$0x0];
	v2 =	vadd.f32 v27, v2;
	v8 =	vadd.f32 v11, v8  }
0x567: {  	s10 =	sor.u32 s3, s31;
	v3 =	vadd.f32 v30, v3;
	v11 =	vld [tilespmem:s30+$0x0];
	v7 =	vadd.f32 v59, v7  }
0x568: {  	s11 =	sor.u32 s5, s28;
	s12 =	sor.u32 $0xE100, s4;
	v62 =	vld [tilespmem:s10+$0x0];
	v2 =	vadd.f32 v29, v2;
	v8 =	vadd.f32 v10, v8  }
0x569: {  	s13 =	sor.u32 s3, s12;
	v3 =	vadd.f32 v32, v3;
	v10 =	vld [tilespmem:s11+$0x0];
	v7 =	vadd.f32 v60, v7  }
0x56a: {  	s17 =	sor.u32 s5, s31;
	s25 =	sor.u32 $0xE180, s4;
	v63 =	vld [tilespmem:s13+$0x0];
	v2 =	vadd.f32 v31, v2;
	v8 =	vadd.f32 v9, v8  }
0x56b: {  	s26 =	sor.u32 s3, s25;
	v6 =	vadd.f32 v6, v3;
	v3 =	vld [tilespmem:s17+$0x0];
	v7 =	vadd.f32 v61, v7  }
0x56c: {  	s29 =	sor.u32 $0xE200, s4;
	s28 =	sor.u32 s5, s12;
	v9 =	vmul.f32 v4, v2;
	v2 =	vld [tilespmem:s26+$0x0];
	v8 =	vadd.f32 v11, v8  }
0x56d: {  	s6 =	simm.s32 $0x2;
	s0 =	sand.u32 $0x380, s0;
	s30 =	sor.u32 s3, s29;
	v6 =	vmul.f32 v5, v6;
	v4 =	vld [tilespmem:s28+$0x0];
	v7 =	vadd.f32 v62, v7  }
0x56e: {  	s8 =	simm.s32 $0x40;
	s4 =	simm.s32 $0x11F80;
	s31 =	sor.u32 s5, s25;
	v5 =	vld [tilespmem:s30+$0x0];
	[tilespmem:s2+$0x11F80] =	vst v9;
	v8 =	vadd.f32 v10, v8  }
0x56f: {  	s9 =	sor.u32 s5, s29;
	s5 =	sor.u32 s0, s3;
	s7 =	simm.s32 $0x200;
	[tilespmem:s4+$0x0] =	vst v6;
	v6 =	vld [tilespmem:s31+$0x0];
	v7 =	vadd.f32 v63, v7  }
.LBB2_32:
0x570: {  	s2 =	sand.u32 $0x60, s8;
	s3 =	sand.u32 $0x1C00, s7;
	v3 =	vadd.f32 v3, v8;
	v8 =	vld [tilespmem:s5+$0x11D00];
	s1 =	sadd.s32 $0x20, s1  }
0x571: {  	s6 =	sadd.s32 $0x2, s6;
	s10 =	sadd.s32 $0xCA80, s3;
	s0 =	sor.u32 $0x10, s2;
	v9 =	vld [tilespmem:s9+$0x0];
	v2 =	vadd.f32 v2, v7  }
0x572: {  	p2 =	slt.u32 s6, $0x26;
	s9 =	sor.u32 s2, s10;
	s10 =	sor.u32 s0, s10;
	v3 =	vadd.f32 v4, v3;
	v4 =	vld [tilespmem:s1+$0x0]  }
0x573: {  	v7 =	vld [tilespmem:s10+$0x0];
	v2 =	vadd.f32 v5, v2  }
0x574: {  	v5 =	vld [tilespmem:s10+$0x80];
	v3 =	vadd.f32 v6, v3  }
0x575: {  	v6 =	vld [tilespmem:s9+$0x0];
	v2 =	vmul.f32 v8, v2  }
0x576: {  	v8 =	vld [tilespmem:s10+$0x100];
	v3 =	vadd.f32 v9, v3  }
0x577: {  	v9 =	vld [tilespmem:s9+$0x80];
	[tilespmem:s5+$0x11F80] =	vst v2  }
0x578: {  	v2 =	vld [tilespmem:s10+$0x180];
	v3 =	vmul.f32 v4, v3  }
0x579: {  	s4 =	sadd.s32 $0x20, s4;
	v4 =	vld [tilespmem:s9+$0x100];
	v5 =	vadd.f32 v5, v7  }
0x57a: {  	v7 =	vld [tilespmem:s10+$0x200];
	[tilespmem:s4+$0x0] =	vst v3  }
0x57b: {  	v3 =	vld [tilespmem:s9+$0x180];
	v5 =	vadd.f32 v8, v5  }
0x57c: {  	v6 =	vadd.f32 v9, v6;
	v8 =	vld [tilespmem:s10+$0x280]  }
0x57d: {  	v9 =	vld [tilespmem:s9+$0x200];
	v2 =	vadd.f32 v2, v5  }
0x57e: {  	v4 =	vadd.f32 v4, v6;
	v5 =	vld [tilespmem:s10+$0x300]  }
0x57f: {  	v6 =	vld [tilespmem:s9+$0x280];
	v2 =	vadd.f32 v7, v2  }
0x580: {  	s5 =	sadd.s32 $0xDE80, s3;
	v3 =	vadd.f32 v3, v4;
	v4 =	vld [tilespmem:s10+$0x380]  }
0x581: {  	s10 =	sor.u32 s2, s5;
	s5 =	sor.u32 s0, s5;
	v7 =	vld [tilespmem:s9+$0x300];
	v2 =	vadd.f32 v8, v2  }
0x582: {  	s11 =	sadd.s32 $0xDF00, s3;
	v3 =	vadd.f32 v9, v3;
	v8 =	vld [tilespmem:s5+$0x0]  }
0x583: {  	s5 =	sor.u32 s2, s11;
	v9 =	vld [tilespmem:s9+$0x380];
	v2 =	vadd.f32 v5, v2;
	s9 =	sor.u32 s0, s11  }
0x584: {  	s11 =	sadd.s32 $0xDF80, s3;
	v3 =	vadd.f32 v6, v3;
	v5 =	vld [tilespmem:s9+$0x0]  }
0x585: {  	s9 =	sor.u32 s2, s11;
	v6 =	vld [tilespmem:s10+$0x0];
	v2 =	vadd.f32 v4, v2;
	s10 =	sor.u32 s0, s11  }
0x586: {  	s11 =	sor.u32 $0xE000, s3;
	v3 =	vadd.f32 v7, v3;
	v4 =	vld [tilespmem:s10+$0x0]  }
0x587: {  	s10 =	sor.u32 s0, s11;
	v7 =	vld [tilespmem:s5+$0x0];
	s5 =	sor.u32 s2, s11;
	v2 =	vadd.f32 v8, v2  }
0x588: {  	s11 =	sor.u32 $0xE080, s3;
	v3 =	vadd.f32 v9, v3;
	v8 =	vld [tilespmem:s10+$0x0]  }
0x589: {  	s10 =	sor.u32 s0, s11;
	v9 =	vld [tilespmem:s9+$0x0];
	s9 =	sor.u32 s2, s11;
	v2 =	vadd.f32 v5, v2  }
0x58a: {  	s11 =	sor.u32 $0xE100, s3;
	v3 =	vadd.f32 v6, v3;
	v5 =	vld [tilespmem:s10+$0x0]  }
0x58b: {  	s10 =	sor.u32 s0, s11;
	v6 =	vld [tilespmem:s5+$0x0];
	s5 =	sor.u32 s2, s11;
	v2 =	vadd.f32 v4, v2  }
0x58c: {  	s11 =	sor.u32 $0xE180, s3;
	v4 =	vadd.f32 v7, v3;
	v7 =	vld [tilespmem:s10+$0x0]  }
.Ltmp17:
0x58d: {  	s10 =	sor.u32 s2, s11;
	v3 =	vld [tilespmem:s9+$0x0];
	v8 =	vadd.f32 v8, v2;
	s9 =	sor.u32 s0, s11;
	(pc) =	sbr.rel @p2 .LBB2_32-.Ltmp17, $4  }
0x58e: {  	s3 =	sor.u32 $0xE200, s3;
	v9 =	vadd.f32 v9, v4;
	v2 =	vld [tilespmem:s9+$0x0]  }
0x58f: {  	s9 =	sor.u32 s2, s3;
	s2 =	sor.u32 s0, s3;
	v4 =	vld [tilespmem:s5+$0x0];
	v10 =	vadd.f32 v5, v8  }
0x590: {  	v8 =	vadd.f32 v6, v9;
	v5 =	vld [tilespmem:s2+$0x0];
	s2 =	sand.u32 $0x380, s8  }
0x591: {  	s7 =	sadd.s32 $0x100, s7;
	s8 =	sadd.s32 $0x20, s8;
	v6 =	vld [tilespmem:s10+$0x0];
	v7 =	vadd.f32 v7, v10;
	s5 =	sor.u32 s2, s0  }
0x592: {  	v3 =	vadd.f32 v3, v8  }
0x593: {  	v56 =	vld [tilespmem:s9+$0x0]  }
0x594: {  	v9 =	vld [tilespmem:s5+$0x11D00];
	s0 =	sadd.s32 $0x20, s1;
	v3 =	vadd.f32 v4, v3  }
0x595: {  	v2 =	vadd.f32 v2, v7;
	v57 =	vld [tilespmem:s0+$0x0]  }
0x596: {  	v3 =	vadd.f32 v6, v3  }
0x597: {  	v2 =	vadd.f32 v5, v2  }
0x598: {  	v3 =	vadd.f32 v56, v3  }
0x599: {  	v2 =	vmul.f32 v9, v2  }
0x59a: {  	v3 =	vmul.f32 v57, v3  }
0x59b: {  	s30 =	sadd.s32 $0x20, s4;
	[tilespmem:s5+$0x11F80] =	vst v2  }
0x59c: {  	[tilespmem:s30+$0x0] =	vst v3  }
0x59d: {  	[tilespmem:$0x12200] =	vst v0  }
0x59e: {  	[tilespmem:$0x12210] =	vst v0  }
0x59f: {  	[tilespmem:$0x12220] =	vst v0  }
0x5a0: {  	[tilespmem:$0x12230] =	vst v0  }
0x5a1: {  	[tilespmem:$0x12240] =	vst v0  }
0x5a2: {  	[tilespmem:$0x12250] =	vst v0  }
0x5a3: {  	[tilespmem:$0x12260] =	vst v0  }
0x5a4: {  	[tilespmem:$0x12270] =	vst v0  }
0x5a5: {  	[tilespmem:$0x12280] =	vst v0  }
0x5a6: {  	[tilespmem:$0x12290] =	vst v0  }
0x5a7: {  	[tilespmem:$0x122A0] =	vst v0  }
0x5a8: {  	[tilespmem:$0x122B0] =	vst v0  }
0x5a9: {  	[tilespmem:$0x122C0] =	vst v0  }
0x5aa: {  	[tilespmem:$0x122D0] =	vst v0  }
0x5ab: {  	[tilespmem:$0x122E0] =	vst v0  }
0x5ac: {  	s31 =	simm.s32 $0x5020;
	[tilespmem:$0x122F0] =	vst v0  }
0x5ad: {  	v3 =	vld [tilespmem:s31+$0x10]  }
0x5ae: {  	s0 =	simm.s32 $0x11FA0;
	v58 =	vld [tilespmem:s31+$0xFFFFFFF0]  }
0x5af: {  	v59 =	vld [tilespmem:s0+$0x10]  }
0x5b0: {  	v60 =	vld [tilespmem:s31+$0xFFFFFFE0]  }
0x5b1: {  	v2 =	vld [tilespmem:s31+$0x0]  }
0x5b2: {  	v61 =	vld [tilespmem:s0+$0xFFFFFFF0]  }
0x5b3: {  	v62 =	vld [tilespmem:s0+$0xFFFFFFE0]  }
0x5b4: {  	v63 =	vld [tilespmem:s0+$0x0]  }
0x5b5: {  	s4 =	simm.s32 $0x12200  }
0x5b6: {  	[tilespmem:v3+s4+$0x0] =	vst.idx.add.f32.msk $0xffff, v59  }
0x5b7: {  	[tilespmem:v58+s4+$0x0] =	vst.idx.add.f32.msk $0xffff, v61  }
0x5b8: {  	[tilespmem:v60+s4+$0x0] =	vst.idx.add.f32.msk $0xffff, v62  }
0x5b9: {  	s5 =	simm.s32 $0x12280;
	[tilespmem:v2+s4+$0x0] =	vst.idx.add.f32.msk $0xffff, v63  }
0x5ba: {  	[tilespmem:v3+s5+$0x0] =	vst.idx.add.f32.msk $0xffff, v1  }
0x5bb: {  	[tilespmem:v60+s5+$0x0] =	vst.idx.add.f32.msk $0xffff, v1  }
0x5bc: {  	s1 =	simm.s32 $0x0;
	s2 =	simm.s32 $0x5060;
	[tilespmem:v58+s5+$0x0] =	vst.idx.add.f32.msk $0xffff, v1  }
.LBB2_34:
0x5bd: {  	v3 =	vld [tilespmem:s2+$0x10]  }
0x5be: {  	s1 =	sadd.s32 $0x4, s1;
	v4 =	vld [tilespmem:s2+$0xFFFFFFF0]  }
0x5bf: {  	s0 =	sadd.s32 $0x40, s0;
	p2 =	slt.u32 s1, $0x24;
	v5 =	vld [tilespmem:s2+$0x0]  }
0x5c0: {  	v6 =	vld [tilespmem:s0+$0x10]  }
0x5c1: {  	v7 =	vld [tilespmem:s2+$0xFFFFFFE0]  }
0x5c2: {  	v8 =	vld [tilespmem:s0+$0xFFFFFFE0]  }
0x5c3: {  	v9 =	vld [tilespmem:s0+$0xFFFFFFF0]  }
0x5c4: {  	v10 =	vld [tilespmem:s0+$0x0]  }
0x5c5: {  	[tilespmem:v3+s4+$0x0] =	vst.idx.add.f32.msk $0xffff, v6  }
0x5c6: {  	[tilespmem:v3+s5+$0x0] =	vst.idx.add.f32.msk $0xffff, v1  }
0x5c7: {  	[tilespmem:v2+s5+$0x0] =	vst.idx.add.f32.msk $0xffff, v1;
	v2 =	vmov v5  }
.Ltmp18:
0x5c8: {  	[tilespmem:v4+s4+$0x0] =	vst.idx.add.f32.msk $0xffff, v9;
	(pc) =	sbr.rel @p2 .LBB2_34-.Ltmp18, $4  }
0x5c9: {  	[tilespmem:v7+s4+$0x0] =	vst.idx.add.f32.msk $0xffff, v8  }
0x5ca: {  	[tilespmem:v7+s5+$0x0] =	vst.idx.add.f32.msk $0xffff, v1  }
0x5cb: {  	[tilespmem:v4+s5+$0x0] =	vst.idx.add.f32.msk $0xffff, v1  }
0x5cc: {  	s2 =	sadd.s32 $0x40, s2;
	[tilespmem:v5+s4+$0x0] =	vst.idx.add.f32.msk $0xffff, v10  }
0x5cd: {  	_ =	sdelay $0x3  }
0x5ce: {  	[tilespmem:v2+s5+$0x0] =	vst.idx.add.f32.msk $0xffff, v1  }
0x5cf: {  	s0 =	rddreg [dreg:$0x16]  }
0x5d0: {  	[spmem:s0] =	stream.linear.scatter [tilespmem:s4], [sflag:$0x4], $0x80, $0x38;
	[tilespmem:$0x17E80] =	vst v63  }
0x5d1: {  	_ =	swait.ge [sflag:s20], $0x80  }
0x5d2: {  	[sflag:s20] =	ssyncset.done $0x0  }
0x5d3: {  	s31 =	rddreg [dreg:$0x17];
	[sflag:s20] =	ssyncadd.s32 $0xFFFFFF80  }
0x5d4: {  	[spmem:s31] =	stream.linear.scatter [tilespmem:s5], [sflag:$0x4], $0x80, $0x38;
	[tilespmem:$0x17E80] =	vst v63  }
.Ltmp19:
0x5d5: {  	_ =	swait.ge [sflag:s20], $0x80;
	(pc) =	sbr.rel @p1 .LBB2_41-.Ltmp19, $4  }
0x5d6: {  	[sflag:s20] =	ssyncset.done $0x0  }
0x5d7: {  	[sflag:s20] =	ssyncadd.s32 $0xFFFFFF80  }
0x5d8: {  	[bflag:$0x0] =	sbarrier.arrive $0xFFFF  }
0x5d9: {  	s3 =	simm.s32 $0x7A80;
	s1 =	rddreg [dreg:$0x19]  }
0x5da: {  	s0 =	rddreg [dreg:$0x4];
	s1 =	simm.s32 $0x12300  }
0x5db: {  	[tilespmem:s1], [sflag:$0x4] =	stream.linear.gather [spmem:s0], $0x800, $0x38;
	[tilespmem:$0x17E80] =	vst v63  }
0x5dc: {  	_ =	swait.ge [sflag:s20], $0x800  }
0x5dd: {  	[sflag:s20] =	ssyncset.done $0x0  }
0x5de: {  	s31 =	simm.s32 $0x12700;
	[sflag:s20] =	ssyncadd.s32 $0xFFFFF800  }
0x5df: {  	v2 =	vld [tilespmem:s31+$0xFFFFFC10]  }
0x5e0: {  	v3 =	vld [tilespmem:s31+$0xFFFFFC90]  }
0x5e1: {  	v4 =	vld [tilespmem:s31+$0xFFFFFC80]  }
0x5e2: {  	v5 =	vld [tilespmem:s31+$0xFFFFFD10]  }
0x5e3: {  	v6 =	vld [tilespmem:s31+$0xFFFFFC00]  }
0x5e4: {  	v7 =	vld [tilespmem:s31+$0xFFFFFD90]  }
0x5e5: {  	v8 =	vld [tilespmem:s31+$0xFFFFFD00]  }
0x5e6: {  	v9 =	vld [tilespmem:s31+$0xFFFFFE10]  }
0x5e7: {  	v10 =	vld [tilespmem:s31+$0xFFFFFD80]  }
0x5e8: {  	v11 =	vld [tilespmem:s31+$0xFFFFFE90]  }
0x5e9: {  	v12 =	vld [tilespmem:s31+$0xFFFFFE00]  }
0x5ea: {  	v13 =	vld [tilespmem:s31+$0xFFFFFF10]  }
0x5eb: {  	v14 =	vld [tilespmem:s31+$0xFFFFFE80]  }
0x5ec: {  	v15 =	vld [tilespmem:s31+$0xFFFFFF90]  }
0x5ed: {  	v16 =	vld [tilespmem:s31+$0xFFFFFF00]  }
0x5ee: {  	v17 =	vld [tilespmem:s31+$0x10]  }
0x5ef: {  	v18 =	vld [tilespmem:s31+$0xFFFFFF80]  }
0x5f0: {  	v19 =	vld [tilespmem:s31+$0x90]  }
0x5f1: {  	v20 =	vld [tilespmem:s31+$0x0]  }
0x5f2: {  	v21 =	vld [tilespmem:s31+$0x110]  }
0x5f3: {  	v22 =	vld [tilespmem:s31+$0x80]  }
0x5f4: {  	v23 =	vld [tilespmem:s31+$0x190]  }
0x5f5: {  	v24 =	vld [tilespmem:s31+$0x100]  }
0x5f6: {  	v25 =	vld [tilespmem:s31+$0x210]  }
0x5f7: {  	v26 =	vld [tilespmem:s31+$0x180]  }
0x5f8: {  	v27 =	vld [tilespmem:s31+$0x290]  }
0x5f9: {  	v28 =	vld [tilespmem:s31+$0x200]  }
0x5fa: {  	v29 =	vld [tilespmem:s31+$0x310]  }
0x5fb: {  	v30 =	vld [tilespmem:s31+$0x280]  }
0x5fc: {  	v31 =	vld [tilespmem:s31+$0x390]  }
0x5fd: {  	v32 =	vld [tilespmem:s31+$0x300]  }
0x5fe: {  	s2 =	simm.s32 $0x12720;
	v33 =	vld [tilespmem:s31+$0x380];
	v2 =	vadd.f32 v3, v2  }
0x5ff: {  	v3 =	vadd.f32 v4, v6;
	v4 =	vld [tilespmem:s2+$0xFFFFFC10]  }
0x600: {  	v6 =	vld [tilespmem:s2+$0xFFFFFC90];
	v2 =	vadd.f32 v5, v2  }
0x601: {  	v3 =	vadd.f32 v8, v3;
	v5 =	vld [tilespmem:s2+$0xFFFFFC80]  }
0x602: {  	v8 =	vld [tilespmem:s2+$0xFFFFFD10];
	v2 =	vadd.f32 v7, v2  }
0x603: {  	v3 =	vadd.f32 v10, v3;
	v7 =	vld [tilespmem:s2+$0xFFFFFC00]  }
0x604: {  	v10 =	vld [tilespmem:s2+$0xFFFFFD90];
	v2 =	vadd.f32 v9, v2  }
0x605: {  	v4 =	vadd.f32 v6, v4;
	v3 =	vadd.f32 v12, v3;
	v9 =	vld [tilespmem:s2+$0xFFFFFD00]  }
0x606: {  	v6 =	vld [tilespmem:s2+$0xFFFFFE10];
	v2 =	vadd.f32 v11, v2  }
0x607: {  	v4 =	vadd.f32 v8, v4;
	v3 =	vadd.f32 v14, v3;
	v11 =	vld [tilespmem:s2+$0xFFFFFD80]  }
0x608: {  	v5 =	vadd.f32 v5, v7;
	v7 =	vld [tilespmem:s2+$0xFFFFFE90];
	v2 =	vadd.f32 v13, v2  }
0x609: {  	v8 =	vld [tilespmem:s2+$0xFFFFFE00];
	v4 =	vadd.f32 v10, v4;
	v3 =	vadd.f32 v16, v3  }
0x60a: {  	v5 =	vadd.f32 v9, v5;
	v9 =	vld [tilespmem:s2+$0xFFFFFF10];
	v2 =	vadd.f32 v15, v2  }
0x60b: {  	v10 =	vld [tilespmem:s2+$0xFFFFFE80];
	v4 =	vadd.f32 v6, v4;
	v3 =	vadd.f32 v18, v3  }
0x60c: {  	v6 =	vld [tilespmem:s2+$0xFFFFFF90];
	v5 =	vadd.f32 v11, v5;
	v2 =	vadd.f32 v17, v2  }
0x60d: {  	v11 =	vld [tilespmem:s2+$0xFFFFFF00];
	v3 =	vadd.f32 v20, v3;
	v4 =	vadd.f32 v7, v4  }
0x60e: {  	v7 =	vld [tilespmem:s2+$0x10];
	v5 =	vadd.f32 v8, v5;
	v2 =	vadd.f32 v19, v2  }
0x60f: {  	v8 =	vld [tilespmem:s2+$0xFFFFFF80];
	v3 =	vadd.f32 v22, v3;
	v4 =	vadd.f32 v9, v4  }
0x610: {  	v9 =	vld [tilespmem:s2+$0x90];
	v5 =	vadd.f32 v10, v5;
	v2 =	vadd.f32 v21, v2  }
0x611: {  	v10 =	vld [tilespmem:s2+$0x0];
	v3 =	vadd.f32 v24, v3;
	v4 =	vadd.f32 v6, v4  }
0x612: {  	v6 =	vld [tilespmem:s2+$0x110];
	v5 =	vadd.f32 v11, v5;
	v2 =	vadd.f32 v23, v2  }
0x613: {  	v11 =	vld [tilespmem:s2+$0x80];
	v3 =	vadd.f32 v26, v3;
	v4 =	vadd.f32 v7, v4  }
0x614: {  	v7 =	vld [tilespmem:s2+$0x190];
	v5 =	vadd.f32 v8, v5;
	v2 =	vadd.f32 v25, v2  }
0x615: {  	v8 =	vld [tilespmem:s2+$0x100];
	v3 =	vadd.f32 v28, v3;
	v4 =	vadd.f32 v9, v4  }
0x616: {  	v9 =	vld [tilespmem:s2+$0x210];
	v5 =	vadd.f32 v10, v5;
	v2 =	vadd.f32 v27, v2  }
0x617: {  	v10 =	vld [tilespmem:s2+$0x180];
	v3 =	vadd.f32 v30, v3;
	v4 =	vadd.f32 v6, v4  }
0x618: {  	v5 =	vadd.f32 v11, v5;
	v11 =	vld [tilespmem:s2+$0x290];
	v6 =	vadd.f32 v29, v2  }
0x619: {  	v63 =	vld [tilespmem:s2+$0x200];
	v3 =	vadd.f32 v32, v3;
	v4 =	vadd.f32 v7, v4  }
0x61a: {  	v2 =	vld [tilespmem:s2+$0x310];
	v5 =	vadd.f32 v8, v5;
	v6 =	vadd.f32 v31, v6  }
0x61b: {  	s0 =	simm.s32 $0x12210;
	v7 =	vadd.f32 v33, v3;
	v3 =	vld [tilespmem:s2+$0x280];
	v8 =	vadd.f32 v9, v4  }
0x61c: {  	v4 =	vld [tilespmem:s2+$0x390];
	v5 =	vadd.f32 v10, v5;
	[tilespmem:s0+$0x0] =	vst v6  }
0x61d: {  	v6 =	vld [tilespmem:s2+$0x300];
	[tilespmem:s0+$0xFFFFFFF0] =	vst v7;
	v7 =	vadd.f32 v11, v8  }
0x61e: {  	s1 =	simm.s32 $0x2;
	v8 =	vadd.f32 v63, v5;
	v5 =	vld [tilespmem:s2+$0x380];
	s2 =	simm.s32 $0x12740  }
.LBB2_37:
0x61f: {  	v9 =	vld [tilespmem:s2+$0xFFFFFC10];
	v2 =	vadd.f32 v2, v7  }
0x620: {  	s1 =	sadd.s32 $0x2, s1;
	v7 =	vld [tilespmem:s2+$0xFFFFFC90];
	v3 =	vadd.f32 v3, v8  }
0x621: {  	p2 =	slt.u32 s1, $0x6;
	v8 =	vld [tilespmem:s2+$0xFFFFFC80];
	v2 =	vadd.f32 v4, v2  }
0x622: {  	s0 =	sadd.s32 $0x20, s0;
	v4 =	vld [tilespmem:s2+$0xFFFFFD10];
	v3 =	vadd.f32 v6, v3  }
0x623: {  	v6 =	vld [tilespmem:s2+$0xFFFFFC00];
	[tilespmem:s0+$0x0] =	vst v2  }
0x624: {  	v2 =	vld [tilespmem:s2+$0xFFFFFD90];
	v3 =	vadd.f32 v5, v3  }
0x625: {  	v5 =	vld [tilespmem:s2+$0xFFFFFD00];
	v7 =	vadd.f32 v7, v9  }
0x626: {  	v9 =	vld [tilespmem:s2+$0xFFFFFE10];
	[tilespmem:s0+$0xFFFFFFF0] =	vst v3  }
0x627: {  	v3 =	vld [tilespmem:s2+$0xFFFFFD80];
	v4 =	vadd.f32 v4, v7  }
0x628: {  	v6 =	vadd.f32 v8, v6;
	v7 =	vld [tilespmem:s2+$0xFFFFFE90]  }
0x629: {  	v8 =	vld [tilespmem:s2+$0xFFFFFE00];
	v2 =	vadd.f32 v2, v4  }
0x62a: {  	v4 =	vadd.f32 v5, v6;
	v5 =	vld [tilespmem:s2+$0xFFFFFF10]  }
0x62b: {  	v6 =	vld [tilespmem:s2+$0xFFFFFE80];
	v2 =	vadd.f32 v9, v2  }
0x62c: {  	v3 =	vadd.f32 v3, v4;
	v4 =	vld [tilespmem:s2+$0xFFFFFF90]  }
0x62d: {  	v9 =	vld [tilespmem:s2+$0xFFFFFF00];
	v2 =	vadd.f32 v7, v2  }
0x62e: {  	v3 =	vadd.f32 v8, v3;
	v7 =	vld [tilespmem:s2+$0x10]  }
0x62f: {  	v8 =	vld [tilespmem:s2+$0xFFFFFF80];
	v2 =	vadd.f32 v5, v2  }
0x630: {  	v3 =	vadd.f32 v6, v3;
	v5 =	vld [tilespmem:s2+$0x90]  }
0x631: {  	v6 =	vld [tilespmem:s2+$0x0];
	v2 =	vadd.f32 v4, v2  }
0x632: {  	v3 =	vadd.f32 v9, v3;
	v4 =	vld [tilespmem:s2+$0x110]  }
0x633: {  	v9 =	vld [tilespmem:s2+$0x80];
	v2 =	vadd.f32 v7, v2  }
0x634: {  	v3 =	vadd.f32 v8, v3;
	v7 =	vld [tilespmem:s2+$0x190]  }
0x635: {  	v8 =	vld [tilespmem:s2+$0x100];
	v2 =	vadd.f32 v5, v2  }
0x636: {  	v3 =	vadd.f32 v6, v3;
	v5 =	vld [tilespmem:s2+$0x210]  }
0x637: {  	v6 =	vld [tilespmem:s2+$0x180];
	v2 =	vadd.f32 v4, v2  }
0x638: {  	v3 =	vadd.f32 v9, v3;
	v9 =	vld [tilespmem:s2+$0x290]  }
0x639: {  	v10 =	vld [tilespmem:s2+$0x200];
	v4 =	vadd.f32 v7, v2  }
.Ltmp20:
0x63a: {  	v7 =	vadd.f32 v8, v3;
	v2 =	vld [tilespmem:s2+$0x310];
	(pc) =	sbr.rel @p2 .LBB2_37-.Ltmp20, $4  }
0x63b: {  	v3 =	vld [tilespmem:s2+$0x280];
	v5 =	vadd.f32 v5, v4  }
0x63c: {  	v8 =	vadd.f32 v6, v7;
	v4 =	vld [tilespmem:s2+$0x390]  }
0x63d: {  	v6 =	vld [tilespmem:s2+$0x300];
	v7 =	vadd.f32 v9, v5  }
0x63e: {  	v8 =	vadd.f32 v10, v8;
	v5 =	vld [tilespmem:s2+$0x380];
	s2 =	sadd.s32 $0x20, s2  }
0x63f: {  	_ = 	snop  }
0x640: {  	v3 =	vadd.f32 v3, v8  }
0x641: {  	v2 =	vadd.f32 v2, v7  }
0x642: {  	v3 =	vadd.f32 v6, v3  }
0x643: {  	v2 =	vadd.f32 v4, v2  }
0x644: {  	s0 =	sadd.s32 $0x20, s0;
	v3 =	vadd.f32 v5, v3  }
0x645: {  	[tilespmem:s0+$0x0] =	vst v2  }
0x646: {  	s30 =	rddreg [dreg:$0x5];
	s1 =	simm.s32 $0x12300;
	[tilespmem:s0+$0xFFFFFFF0] =	vst v3  }
0x647: {  	[tilespmem:s1], [sflag:$0x4] =	stream.linear.gather [spmem:s30], $0x800, $0x38;
	[tilespmem:$0x17E80] =	vst v63  }
0x648: {  	_ =	swait.ge [sflag:s20], $0x800  }
0x649: {  	[sflag:s20] =	ssyncset.done $0x0  }
0x64a: {  	s31 =	simm.s32 $0x12700;
	[sflag:s20] =	ssyncadd.s32 $0xFFFFF800  }
0x64b: {  	v2 =	vld [tilespmem:s31+$0xFFFFFC10]  }
0x64c: {  	v3 =	vld [tilespmem:s31+$0xFFFFFC90]  }
0x64d: {  	v4 =	vld [tilespmem:s31+$0xFFFFFC80]  }
0x64e: {  	v5 =	vld [tilespmem:s31+$0xFFFFFD10]  }
0x64f: {  	v6 =	vld [tilespmem:s31+$0xFFFFFC00]  }
0x650: {  	v7 =	vld [tilespmem:s31+$0xFFFFFD90]  }
0x651: {  	v8 =	vld [tilespmem:s31+$0xFFFFFD00]  }
0x652: {  	v9 =	vld [tilespmem:s31+$0xFFFFFE10]  }
0x653: {  	v10 =	vld [tilespmem:s31+$0xFFFFFD80]  }
0x654: {  	v11 =	vld [tilespmem:s31+$0xFFFFFE90]  }
0x655: {  	v12 =	vld [tilespmem:s31+$0xFFFFFE00]  }
0x656: {  	v13 =	vld [tilespmem:s31+$0xFFFFFF10]  }
0x657: {  	v14 =	vld [tilespmem:s31+$0xFFFFFE80]  }
0x658: {  	v15 =	vld [tilespmem:s31+$0xFFFFFF90]  }
0x659: {  	v16 =	vld [tilespmem:s31+$0xFFFFFF00]  }
0x65a: {  	v17 =	vld [tilespmem:s31+$0x10]  }
0x65b: {  	v18 =	vld [tilespmem:s31+$0xFFFFFF80]  }
0x65c: {  	v19 =	vld [tilespmem:s31+$0x90]  }
0x65d: {  	v20 =	vld [tilespmem:s31+$0x0]  }
0x65e: {  	v21 =	vld [tilespmem:s31+$0x110]  }
0x65f: {  	v22 =	vld [tilespmem:s31+$0x80]  }
0x660: {  	v23 =	vld [tilespmem:s31+$0x190]  }
0x661: {  	v24 =	vld [tilespmem:s31+$0x100]  }
0x662: {  	v25 =	vld [tilespmem:s31+$0x210]  }
0x663: {  	v26 =	vld [tilespmem:s31+$0x180]  }
0x664: {  	v27 =	vld [tilespmem:s31+$0x290]  }
0x665: {  	v28 =	vld [tilespmem:s31+$0x200]  }
0x666: {  	v29 =	vld [tilespmem:s31+$0x310]  }
0x667: {  	v30 =	vld [tilespmem:s31+$0x280]  }
0x668: {  	v31 =	vld [tilespmem:s31+$0x390]  }
0x669: {  	v32 =	vld [tilespmem:s31+$0x300]  }
0x66a: {  	s2 =	simm.s32 $0x12720;
	v33 =	vld [tilespmem:s31+$0x380];
	v2 =	vadd.f32 v3, v2  }
0x66b: {  	v3 =	vadd.f32 v4, v6;
	v4 =	vld [tilespmem:s2+$0xFFFFFC10]  }
0x66c: {  	v6 =	vld [tilespmem:s2+$0xFFFFFC90];
	v2 =	vadd.f32 v5, v2  }
0x66d: {  	v3 =	vadd.f32 v8, v3;
	v5 =	vld [tilespmem:s2+$0xFFFFFC80]  }
0x66e: {  	v8 =	vld [tilespmem:s2+$0xFFFFFD10];
	v2 =	vadd.f32 v7, v2  }
0x66f: {  	v3 =	vadd.f32 v10, v3;
	v7 =	vld [tilespmem:s2+$0xFFFFFC00]  }
0x670: {  	v10 =	vld [tilespmem:s2+$0xFFFFFD90];
	v2 =	vadd.f32 v9, v2  }
0x671: {  	v4 =	vadd.f32 v6, v4;
	v3 =	vadd.f32 v12, v3;
	v9 =	vld [tilespmem:s2+$0xFFFFFD00]  }
0x672: {  	v6 =	vld [tilespmem:s2+$0xFFFFFE10];
	v2 =	vadd.f32 v11, v2  }
0x673: {  	v4 =	vadd.f32 v8, v4;
	v3 =	vadd.f32 v14, v3;
	v11 =	vld [tilespmem:s2+$0xFFFFFD80]  }
0x674: {  	v5 =	vadd.f32 v5, v7;
	v7 =	vld [tilespmem:s2+$0xFFFFFE90];
	v2 =	vadd.f32 v13, v2  }
0x675: {  	v8 =	vld [tilespmem:s2+$0xFFFFFE00];
	v4 =	vadd.f32 v10, v4;
	v3 =	vadd.f32 v16, v3  }
0x676: {  	v5 =	vadd.f32 v9, v5;
	v9 =	vld [tilespmem:s2+$0xFFFFFF10];
	v2 =	vadd.f32 v15, v2  }
0x677: {  	v10 =	vld [tilespmem:s2+$0xFFFFFE80];
	v4 =	vadd.f32 v6, v4;
	v3 =	vadd.f32 v18, v3  }
0x678: {  	v6 =	vld [tilespmem:s2+$0xFFFFFF90];
	v5 =	vadd.f32 v11, v5;
	v2 =	vadd.f32 v17, v2  }
0x679: {  	v11 =	vld [tilespmem:s2+$0xFFFFFF00];
	v3 =	vadd.f32 v20, v3;
	v4 =	vadd.f32 v7, v4  }
0x67a: {  	v7 =	vld [tilespmem:s2+$0x10];
	v5 =	vadd.f32 v8, v5;
	v2 =	vadd.f32 v19, v2  }
0x67b: {  	v8 =	vld [tilespmem:s2+$0xFFFFFF80];
	v3 =	vadd.f32 v22, v3;
	v4 =	vadd.f32 v9, v4  }
0x67c: {  	v9 =	vld [tilespmem:s2+$0x90];
	v5 =	vadd.f32 v10, v5;
	v2 =	vadd.f32 v21, v2  }
0x67d: {  	v10 =	vld [tilespmem:s2+$0x0];
	v3 =	vadd.f32 v24, v3;
	v4 =	vadd.f32 v6, v4  }
0x67e: {  	v6 =	vld [tilespmem:s2+$0x110];
	v5 =	vadd.f32 v11, v5;
	v2 =	vadd.f32 v23, v2  }
0x67f: {  	v11 =	vld [tilespmem:s2+$0x80];
	v3 =	vadd.f32 v26, v3;
	v4 =	vadd.f32 v7, v4  }
0x680: {  	v7 =	vld [tilespmem:s2+$0x190];
	v5 =	vadd.f32 v8, v5;
	v2 =	vadd.f32 v25, v2  }
0x681: {  	v8 =	vld [tilespmem:s2+$0x100];
	v3 =	vadd.f32 v28, v3;
	v4 =	vadd.f32 v9, v4  }
0x682: {  	v9 =	vld [tilespmem:s2+$0x210];
	v5 =	vadd.f32 v10, v5;
	v2 =	vadd.f32 v27, v2  }
0x683: {  	v10 =	vld [tilespmem:s2+$0x180];
	v3 =	vadd.f32 v30, v3;
	v4 =	vadd.f32 v6, v4  }
0x684: {  	v5 =	vadd.f32 v11, v5;
	v11 =	vld [tilespmem:s2+$0x290];
	v6 =	vadd.f32 v29, v2  }
0x685: {  	v63 =	vld [tilespmem:s2+$0x200];
	v3 =	vadd.f32 v32, v3;
	v4 =	vadd.f32 v7, v4  }
0x686: {  	v2 =	vld [tilespmem:s2+$0x310];
	v5 =	vadd.f32 v8, v5;
	v6 =	vadd.f32 v31, v6  }
0x687: {  	s0 =	simm.s32 $0x12290;
	v7 =	vadd.f32 v33, v3;
	v3 =	vld [tilespmem:s2+$0x280];
	v8 =	vadd.f32 v9, v4  }
0x688: {  	v4 =	vld [tilespmem:s2+$0x390];
	v5 =	vadd.f32 v10, v5;
	[tilespmem:s0+$0x0] =	vst v6  }
0x689: {  	v6 =	vld [tilespmem:s2+$0x300];
	[tilespmem:s0+$0xFFFFFFF0] =	vst v7;
	v7 =	vadd.f32 v11, v8  }
0x68a: {  	s1 =	simm.s32 $0x2;
	v8 =	vadd.f32 v63, v5;
	v5 =	vld [tilespmem:s2+$0x380];
	s2 =	simm.s32 $0x12740  }
.LBB2_39:
0x68b: {  	v9 =	vld [tilespmem:s2+$0xFFFFFC10];
	v2 =	vadd.f32 v2, v7  }
0x68c: {  	s1 =	sadd.s32 $0x2, s1;
	v3 =	vadd.f32 v3, v8;
	v7 =	vld [tilespmem:s2+$0xFFFFFC90]  }
0x68d: {  	p2 =	slt.u32 s1, $0x6;
	v8 =	vld [tilespmem:s2+$0xFFFFFC80];
	v2 =	vadd.f32 v4, v2  }
0x68e: {  	s0 =	sadd.s32 $0x20, s0;
	v3 =	vadd.f32 v6, v3;
	v4 =	vld [tilespmem:s2+$0xFFFFFD10]  }
0x68f: {  	v6 =	vld [tilespmem:s2+$0xFFFFFC00];
	[tilespmem:s0+$0x0] =	vst v2  }
0x690: {  	v3 =	vadd.f32 v5, v3;
	v2 =	vld [tilespmem:s2+$0xFFFFFD90]  }
0x691: {  	v5 =	vld [tilespmem:s2+$0xFFFFFD00];
	v7 =	vadd.f32 v7, v9  }
0x692: {  	v9 =	vld [tilespmem:s2+$0xFFFFFE10];
	[tilespmem:s0+$0xFFFFFFF0] =	vst v3  }
0x693: {  	v3 =	vld [tilespmem:s2+$0xFFFFFD80];
	v4 =	vadd.f32 v4, v7  }
0x694: {  	v6 =	vadd.f32 v8, v6;
	v7 =	vld [tilespmem:s2+$0xFFFFFE90]  }
0x695: {  	v8 =	vld [tilespmem:s2+$0xFFFFFE00];
	v2 =	vadd.f32 v2, v4  }
0x696: {  	v4 =	vadd.f32 v5, v6;
	v5 =	vld [tilespmem:s2+$0xFFFFFF10]  }
0x697: {  	v6 =	vld [tilespmem:s2+$0xFFFFFE80];
	v2 =	vadd.f32 v9, v2  }
0x698: {  	v3 =	vadd.f32 v3, v4;
	v4 =	vld [tilespmem:s2+$0xFFFFFF90]  }
0x699: {  	v9 =	vld [tilespmem:s2+$0xFFFFFF00];
	v2 =	vadd.f32 v7, v2  }
0x69a: {  	v3 =	vadd.f32 v8, v3;
	v7 =	vld [tilespmem:s2+$0x10]  }
0x69b: {  	v8 =	vld [tilespmem:s2+$0xFFFFFF80];
	v2 =	vadd.f32 v5, v2  }
0x69c: {  	v3 =	vadd.f32 v6, v3;
	v5 =	vld [tilespmem:s2+$0x90]  }
0x69d: {  	v6 =	vld [tilespmem:s2+$0x0];
	v2 =	vadd.f32 v4, v2  }
0x69e: {  	v3 =	vadd.f32 v9, v3;
	v4 =	vld [tilespmem:s2+$0x110]  }
0x69f: {  	v9 =	vld [tilespmem:s2+$0x80];
	v2 =	vadd.f32 v7, v2  }
0x6a0: {  	v3 =	vadd.f32 v8, v3;
	v7 =	vld [tilespmem:s2+$0x190]  }
0x6a1: {  	v8 =	vld [tilespmem:s2+$0x100];
	v2 =	vadd.f32 v5, v2  }
0x6a2: {  	v3 =	vadd.f32 v6, v3;
	v5 =	vld [tilespmem:s2+$0x210]  }
0x6a3: {  	v6 =	vld [tilespmem:s2+$0x180];
	v2 =	vadd.f32 v4, v2  }
0x6a4: {  	v3 =	vadd.f32 v9, v3;
	v9 =	vld [tilespmem:s2+$0x290]  }
0x6a5: {  	v10 =	vld [tilespmem:s2+$0x200];
	v4 =	vadd.f32 v7, v2  }
.Ltmp21:
0x6a6: {  	v7 =	vadd.f32 v8, v3;
	v2 =	vld [tilespmem:s2+$0x310];
	(pc) =	sbr.rel @p2 .LBB2_39-.Ltmp21, $4  }
0x6a7: {  	v3 =	vld [tilespmem:s2+$0x280];
	v5 =	vadd.f32 v5, v4  }
0x6a8: {  	v8 =	vadd.f32 v6, v7;
	v4 =	vld [tilespmem:s2+$0x390]  }
0x6a9: {  	v6 =	vld [tilespmem:s2+$0x300];
	v7 =	vadd.f32 v9, v5  }
0x6aa: {  	v8 =	vadd.f32 v10, v8;
	v5 =	vld [tilespmem:s2+$0x380];
	s2 =	sadd.s32 $0x20, s2  }
.Ltmp22:
0x6ab: {  	_ = 	snop;
	(pc) =	sbr.rel .LBB2_40-.Ltmp22, $1  }
0x6ac: {  	_ =	sdelay $0x3  }
.LBB2_42:
0x6ad: {  	_ =	sfence.sel $0x180000  }
0x6ae: {  	[bflag:$0x0] =	sbarrier.arrive $0xFFFF  }
0x6af: {  	_ =	strace $0x90000047  }
0x6b0: {  	s0 =	stileid.u32;
	[bflag:$0x2] =	sbarrier.arrive $0xFFFF  }
0x6b1: {  	p0 =	sne.s32 s0, $0x0;
	s0 =	rddreg [dreg:$0x9]  }
0x6b2: {  	s0 =	sadd.s32 @!p0 $0x100000, s0  }
0x6b3: {  	[sflag:s0] =	ssyncadd.tile.s32 @!p0 $0x1;
	_ =	shalt  }
.Lfunc_end2:
_tile_overlayer_lowered:
.L_overlay_start_2:
0x6b4: {  	(tag) =	ssettag $0x2  }
0x6b5: {  	s0 =	rddreg [dreg:$0x0];
	s2 =	stileid.u32  }
0x6b6: {  	s1 =	rddreg [dreg:$0x1];
	p0 =	sne.s32 s2, $0x0  }
0x6b7: {  	s3 =	rddreg [dreg:$0x2];
	[bflag:$0x3] =	sbarrier.arrive $0xFFFF;
	s2 =	simm.s32 @!p0 $0x1C04  }
0x6b8: {  	[timem:s3], [sflag:s2] =	dma.local @!p0 [hbm:s0], s1  }
0x6b9: {  	s0 =	simm.s32 @!p0 $0x4  }
0x6ba: {  	_ =	swait.ge @!p0 [sflag:s0], s1  }
0x6bb: {  	s1 =	ssub.s32 @!p0 $0x0, s1;
	[sflag:s0] =	ssyncset.done @!p0 $0x0  }
0x6bc: {  	[sflag:s0] =	ssyncadd.s32 @!p0 s1  }
0x6bd: {  	[bflag:$0x3] =	sbarrier.arrive $0xFFFF  }
0x6be: {  	_ =	shalt  }

</sc_bundles>
